<compile_context>
chip_gen: v7x
topology: tpu7x:2x2x1
jax: 0.10.2.dev20260603
libtpu: 0.0.44.dev20260713+nightly
codegen_flags: <defaults>
</compile_context>

<pallas_src>
import functools

import jax
import jax.numpy as jnp
from jax import lax
from jax.experimental import pallas as pl
from jax.experimental.pallas import tpu as pltpu
from jax.experimental.pallas import tpu_sc as plsc

N = 10000
D = 128
E = 320000

NC = 2
NS = 16
NW = NC * NS

CHUNK = 128
CH = 80
EPT = CH * CHUNK
EPAD = NW * EPT
ACC_ROWS = 10112
DUMMY = N
RPT = ACC_ROWS // NS

_MESH = plsc.VectorSubcoreMesh(
    core_axis_name="c", subcore_axis_name="s", num_cores=NC, num_subcores=NS
)


CHT = NW * CH // NS


_TILE_SLICES = [(0, 128), (128, 128), (256, 128), (384, 128), (512, 120)]


def _zero_tile_rows(z128, ref, base):
    for off, ln in _TILE_SLICES:
        pltpu.sync_copy(z128.at[pl.ds(0, ln)], ref.at[pl.ds(base + off, ln)])


def _copyout_tile_rows(ref, out, cid, base):
    for off, ln in _TILE_SLICES:
        pltpu.sync_copy(ref.at[pl.ds(base + off, ln)],
                        out.at[cid, pl.ds(base + off, ln)])


def _deg_body(idxall, e1_hbm, z128, out, cnt, idx_v, e1_v, wsem):
    cid = lax.axis_index("c")
    sid = lax.axis_index("s")
    _zero_tile_rows(z128, cnt, sid * RPT)
    pltpu.sync_copy(e1_hbm, e1_v)
    pltpu.sync_copy(idxall.at[pl.ds(cid * (NW * CH) + sid * CHT, CHT)], idx_v)
    plsc.subcore_barrier()

    def body(g, carry):
        for q in range(32):
            pltpu.async_copy(e1_v, cnt.at[idx_v.at[g * 32 + q]], wsem,
                             add=True)
        for q in range(32):
            pltpu.make_async_copy(e1_v, cnt.at[idx_v.at[0]], wsem).wait()
        return carry

    lax.fori_loop(0, CHT // 32, body, 0)
    plsc.subcore_barrier()
    _copyout_tile_rows(cnt, out, cid, sid * RPT)


def _make_deg_kernel(interpret=False):
    return pl.kernel(
        _deg_body,
        out_type=jax.ShapeDtypeStruct((NC, ACC_ROWS, D), jnp.float32),
        mesh=_MESH,
        scratch_types=[
            pltpu.VMEM_SHARED((ACC_ROWS, D), jnp.float32),
            pltpu.VMEM((CHT, CHUNK), jnp.int32),
            pltpu.VMEM((CHUNK, D), jnp.float32),
            pltpu.SemaphoreType.DMA,
        ],
        interpret=interpret,
    )


_deg_kernel = _make_deg_kernel()


NBUF = 2
PH = 40
SLOW_CID = 0
FAST_PH = 3
SLOW_PH = 2 * CH // PH - FAST_PH


def _edge_body(table, srcp, dstp, z128, out, acc, src_v, dst_v, rows_v,
               gsem, ssem):
    cid = lax.axis_index("c")
    sid = lax.axis_index("s")
    _zero_tile_rows(z128, acc, sid * RPT)

    def gather(j, b):
        pltpu.async_copy(table.at[src_v.at[j]], rows_v.at[b], gsem.at[b])

    def wait_gather(b):
        pltpu.make_async_copy(table.at[src_v.at[0]], rows_v.at[b],
                              gsem.at[b]).wait()

    def scatter(j, b):
        pltpu.async_copy(rows_v.at[b], acc.at[dst_v.at[j]], ssem.at[b],
                         add=True)

    def wait_scatter(b):
        pltpu.make_async_copy(rows_v.at[b], acc.at[dst_v.at[0]],
                              ssem.at[b]).wait()

    nph = jnp.where(cid == SLOW_CID, SLOW_PH, FAST_PH)
    cb = jnp.where(cid == SLOW_CID,
                   NS * FAST_PH * PH + sid * (SLOW_PH * PH),
                   sid * (FAST_PH * PH))

    plsc.subcore_barrier()

    def phase(p, carry):
        base = cb + p * PH
        pltpu.sync_copy(srcp.at[pl.ds(base, PH)], src_v)
        pltpu.sync_copy(dstp.at[pl.ds(base, PH)], dst_v)
        for b in range(NBUF):
            gather(b, b)

        def body(g, c2):
            for b in range(NBUF):
                wait_gather(b)
                scatter(g * NBUF + b, b)
            for b in range(NBUF):
                wait_scatter(b)
                gather((g + 1) * NBUF + b, b)
            return c2

        lax.fori_loop(0, PH // NBUF - 1, body, 0)
        for b in range(NBUF):
            wait_gather(b)
            scatter(PH - NBUF + b, b)
        for b in range(NBUF):
            wait_scatter(b)
        return carry

    lax.fori_loop(0, nph, phase, 0)
    plsc.subcore_barrier()
    _copyout_tile_rows(acc, out, cid, sid * RPT)


def _make_edge_kernel(interpret=False):
    return pl.kernel(
        _edge_body,
        out_type=jax.ShapeDtypeStruct((NC, ACC_ROWS, D), jnp.float32),
        mesh=_MESH,
        scratch_types=[
            pltpu.VMEM_SHARED((ACC_ROWS, D), jnp.float32),
            pltpu.VMEM((PH, CHUNK), jnp.int32),
            pltpu.VMEM((PH, CHUNK), jnp.int32),
            pltpu.VMEM((NBUF, CHUNK, D), jnp.float32),
            pltpu.SemaphoreType.DMA((NBUF,)),
            pltpu.SemaphoreType.DMA((NBUF,)),
        ],
        interpret=interpret,
    )


_edge_kernel = _make_edge_kernel()


_BLK = 2000
_GRID = N // _BLK


def _rsqrt_col0(cnt):
    return lax.rsqrt(jnp.maximum(cnt[:, 0:1], 1.0))


def _tc0_body(x_ref, w_ref, oc_ref, o_ref):
    t = jnp.dot(x_ref[...], w_ref[...], preferred_element_type=jnp.float32,
                precision=lax.Precision.HIGHEST)
    o_ref[...] = t * _rsqrt_col0(oc_ref[...])


_tc0 = pl.pallas_call(
    _tc0_body,
    grid=(_GRID,),
    in_specs=[
        pl.BlockSpec((_BLK, D), lambda i: (i, 0)),
        pl.BlockSpec((D, D), lambda i: (0, 0)),
        pl.BlockSpec((_BLK, D), lambda i: (i, 0)),
    ],
    out_specs=pl.BlockSpec((_BLK, D), lambda i: (i, 0)),
    out_shape=jax.ShapeDtypeStruct((N, D), jnp.float32),
)


def _tcmid_body(p0_ref, p1_ref, ic_ref, b_ref, oc_ref, w_ref, o_ref):
    x = (p0_ref[...] + p1_ref[...]) * _rsqrt_col0(ic_ref[...]) + b_ref[...]
    x = jnp.maximum(x, 0.0)
    t = jnp.dot(x, w_ref[...], preferred_element_type=jnp.float32,
                precision=lax.Precision.HIGHEST)
    o_ref[...] = t * _rsqrt_col0(oc_ref[...])


_tcmid = pl.pallas_call(
    _tcmid_body,
    grid=(_GRID,),
    in_specs=[
        pl.BlockSpec((_BLK, D), lambda i: (i, 0)),
        pl.BlockSpec((_BLK, D), lambda i: (i, 0)),
        pl.BlockSpec((_BLK, D), lambda i: (i, 0)),
        pl.BlockSpec((1, D), lambda i: (0, 0)),
        pl.BlockSpec((_BLK, D), lambda i: (i, 0)),
        pl.BlockSpec((D, D), lambda i: (0, 0)),
    ],
    out_specs=pl.BlockSpec((_BLK, D), lambda i: (i, 0)),
    out_shape=jax.ShapeDtypeStruct((N, D), jnp.float32),
)


def _tcfin_body(p0_ref, p1_ref, ic_ref, b_ref, o_ref):
    o_ref[...] = ((p0_ref[...] + p1_ref[...]) * _rsqrt_col0(ic_ref[...])
                  + b_ref[...])


_tcfin = pl.pallas_call(
    _tcfin_body,
    grid=(_GRID,),
    in_specs=[
        pl.BlockSpec((_BLK, D), lambda i: (i, 0)),
        pl.BlockSpec((_BLK, D), lambda i: (i, 0)),
        pl.BlockSpec((_BLK, D), lambda i: (i, 0)),
        pl.BlockSpec((1, D), lambda i: (0, 0)),
    ],
    out_specs=pl.BlockSpec((_BLK, D), lambda i: (i, 0)),
    out_shape=jax.ShapeDtypeStruct((N, D), jnp.float32),
)


def kernel(features, edge_index, W0, b0, W1, b1, W2, b2):
    src = edge_index[0]
    dst = edge_index[1]
    pad = EPAD - E
    srcg = jnp.concatenate([src, jnp.zeros((pad,), jnp.int32)]).reshape(NW * CH, CHUNK)
    srcc = jnp.concatenate([src, jnp.full((pad,), DUMMY, jnp.int32)]).reshape(NW * CH, CHUNK)
    dstp = jnp.concatenate([dst, jnp.full((pad,), DUMMY, jnp.int32)]).reshape(NW * CH, CHUNK)
    e1 = jnp.zeros((CHUNK, D), jnp.float32).at[:, 0].set(1.0)
    z128 = jnp.zeros((CHUNK, D), jnp.float32)

    cnts = _deg_kernel(jnp.concatenate([srcc, dstp]), e1, z128)
    oc = cnts[0]
    ic = cnts[1]

    t = _tc0(features, W0, oc)
    p = _edge_kernel(t, srcg, dstp, z128)
    t = _tcmid(p[0], p[1], ic, b0.reshape(1, D), oc, W1)
    p = _edge_kernel(t, srcg, dstp, z128)
    t = _tcmid(p[0], p[1], ic, b1.reshape(1, D), oc, W2)
    p = _edge_kernel(t, srcg, dstp, z128)
    return _tcfin(p[0], p[1], ic, b2.reshape(1, D))

# --- scband reference (transcript-rebuilt; emitter-appended) ---
"""Pipeline reference for scband-gcn-66623532696257 (READ-ONLY COPY).

The authoritative reference and input builder live on the scoring server;
editing this copy changes nothing except your own understanding.
"""

import jax, jax.numpy as jnp
import numpy as np

N = 10000
E = 320000
D = 128


def setup_inputs(seed: int = 0) -> dict:
    key = jax.random.key(seed)
    ks = jax.random.split(key, 9)
    features = jax.random.normal(ks[0], (N, D), dtype=jnp.float32)
    edge_index = jax.random.randint(ks[1], (2, E), 0, N, dtype=jnp.int32)
    s = 1.0 / np.sqrt(D)
    W0 = jax.random.uniform(ks[2], (D, D), dtype=jnp.float32, minval=-s, maxval=s)
    b0 = jnp.zeros((D,), dtype=jnp.float32)
    W1 = jax.random.uniform(ks[3], (D, D), dtype=jnp.float32, minval=-s, maxval=s)
    b1 = jnp.zeros((D,), dtype=jnp.float32)
    W2 = jax.random.uniform(ks[4], (D, D), dtype=jnp.float32, minval=-s, maxval=s)
    b2 = jnp.zeros((D,), dtype=jnp.float32)
    return {"features": features, "edge_index": edge_index,
            "W0": W0, "b0": b0, "W1": W1, "b1": b1, "W2": W2, "b2": b2}


def _graph_conv(h, src, dst, W, b, n):
    # DGL GraphConv with norm='both': D_out^{-1/2} then message sum then D_in^{-1/2}
    out_deg = jnp.clip(jnp.bincount(src, length=n), 1).astype(h.dtype)
    in_deg = jnp.clip(jnp.bincount(dst, length=n), 1).astype(h.dtype)
    h = h * (out_deg ** -0.5)[:, None]
    h = h @ W
    agg = jnp.zeros_like(h).at[dst].add(h[src])
    agg = agg * (in_deg ** -0.5)[:, None]
    return agg + b


def reference(features, edge_index, W0, b0, W1, b1, W2, b2):
    src = edge_index[0]
    dst = edge_index[1]
    h = features
    # layer 0 (relu activation); dropout is identity in eval mode
    h = jax.nn.relu(_graph_conv(h, src, dst, W0, b0, N))
    # layer 1 (relu activation)
    h = jax.nn.relu(_graph_conv(h, src, dst, W1, b1, N))
    # output layer (no activation)
    h = _graph_conv(h, src, dst, W2, b2, N)
    return h

if __name__ == "__main__":
    import jax
    _d = setup_inputs()
    print(jax.jit(kernel)(*tuple(_d.values())))

</pallas_src>

<mosaic_0001>
#map = affine_map<(d0, d1) -> (0, 0)>
#map1 = affine_map<(d0, d1) -> (0, 0, 0)>
module attributes {stable_mosaic.version = 14 : i64} {
  func.func @_edge_body(%arg0: i32, %arg1: i32, %arg2: memref<10000x128xf32, #tpu.memory_space<hbm>>, %arg3: memref<2560x128xi32, #tpu.memory_space<hbm>>, %arg4: memref<2560x128xi32, #tpu.memory_space<hbm>>, %arg5: memref<128x128xf32, #tpu.memory_space<hbm>>, %arg6: memref<2x10112x128xf32, #tpu.memory_space<hbm>>, %arg7: memref<10112x128xf32, #tpu.memory_space<vmem_shared>>, %arg8: memref<40x128xi32, #tpu.memory_space<vmem>>, %arg9: memref<40x128xi32, #tpu.memory_space<vmem>>, %arg10: memref<2x128x128xf32, #tpu.memory_space<vmem>>, %arg11: memref<2x!tpu.dma_semaphore, #tpu.memory_space<semaphore_mem>>, %arg12: memref<2x!tpu.dma_semaphore, #tpu.memory_space<semaphore_mem>>) attributes {dimension_semantics = [#tpu.dimension_semantics<core_parallel>, #tpu.dimension_semantics<subcore_parallel>], iteration_bounds = array<i64: 2, 16>, scalar_prefetch = 0 : i64, scratch_operands = 6 : i64, tpu.core_type = #tpu.core_type<sc_vector_subcore>, window_params = [{transform_indices = #map}, {transform_indices = #map}, {transform_indices = #map}, {transform_indices = #map}, {transform_indices = #map1}]} {
    %mul3A = arith.constant 632 : i32
    %mul3A_0 = arith.muli %arg1, %mul3A : i32
    %add3A = arith.constant 0 : i32
    %add3A_1 = arith.addi %mul3A_0, %add3A : i32
    "tpu.region"() ({
      %run_scoped3A = tpu.sem_alloc : memref<!tpu.dma_semaphore, #tpu.memory_space<semaphore_mem>>
      %dma_start3A = arith.constant 0 : i32
      %dma_start3A_53 = tpu.memref_slice %arg7[%add3A_1, %dma_start3A] : memref<10112x128xf32, #tpu.memory_space<vmem_shared>> -> memref<128x128xf32, #tpu.memory_space<vmem_shared>>
      %dma_start3A_54 = arith.constant 0 : i32
      %dma_start3A_55 = arith.constant 0 : i32
      %dma_start3A_56 = tpu.memref_slice %arg5[%dma_start3A_54, %dma_start3A_55] : memref<128x128xf32, #tpu.memory_space<hbm>> -> memref<128x128xf32, #tpu.memory_space<hbm>>
      tpu.enqueue_dma source(%dma_start3A_56 : memref<128x128xf32, #tpu.memory_space<hbm>>) target(%dma_start3A_53 : memref<128x128xf32, #tpu.memory_space<vmem_shared>>) target_semaphore(%run_scoped3A : memref<!tpu.dma_semaphore, #tpu.memory_space<semaphore_mem>>)
      %dma_wait3A = arith.constant 0 : i32
      %dma_wait3A_57 = tpu.memref_slice %arg7[%add3A_1, %dma_wait3A] : memref<10112x128xf32, #tpu.memory_space<vmem_shared>> -> memref<128x128xf32, #tpu.memory_space<vmem_shared>>
      %dma_wait3A_58 = arith.constant 0 : i32
      %dma_wait3A_59 = arith.constant 0 : i32
      %dma_wait3A_60 = tpu.memref_slice %arg5[%dma_wait3A_58, %dma_wait3A_59] : memref<128x128xf32, #tpu.memory_space<hbm>> -> memref<128x128xf32, #tpu.memory_space<hbm>>
      tpu.wait_dma2 semaphore(%run_scoped3A : memref<!tpu.dma_semaphore, #tpu.memory_space<semaphore_mem>>) src(%dma_wait3A_60 : memref<128x128xf32, #tpu.memory_space<hbm>>) dst(%dma_wait3A_57 : memref<128x128xf32, #tpu.memory_space<vmem_shared>>)
      tpu.yield
    }) : () -> ()
    %add3A_2 = arith.constant 128 : i32
    %add3A_3 = arith.addi %mul3A_0, %add3A_2 : i32
    "tpu.region"() ({
      %run_scoped3A = tpu.sem_alloc : memref<!tpu.dma_semaphore, #tpu.memory_space<semaphore_mem>>
      %dma_start3A = arith.constant 0 : i32
      %dma_start3A_53 = tpu.memref_slice %arg7[%add3A_3, %dma_start3A] : memref<10112x128xf32, #tpu.memory_space<vmem_shared>> -> memref<128x128xf32, #tpu.memory_space<vmem_shared>>
      %dma_start3A_54 = arith.constant 0 : i32
      %dma_start3A_55 = arith.constant 0 : i32
      %dma_start3A_56 = tpu.memref_slice %arg5[%dma_start3A_54, %dma_start3A_55] : memref<128x128xf32, #tpu.memory_space<hbm>> -> memref<128x128xf32, #tpu.memory_space<hbm>>
      tpu.enqueue_dma source(%dma_start3A_56 : memref<128x128xf32, #tpu.memory_space<hbm>>) target(%dma_start3A_53 : memref<128x128xf32, #tpu.memory_space<vmem_shared>>) target_semaphore(%run_scoped3A : memref<!tpu.dma_semaphore, #tpu.memory_space<semaphore_mem>>)
      %dma_wait3A = arith.constant 0 : i32
      %dma_wait3A_57 = tpu.memref_slice %arg7[%add3A_3, %dma_wait3A] : memref<10112x128xf32, #tpu.memory_space<vmem_shared>> -> memref<128x128xf32, #tpu.memory_space<vmem_shared>>
      %dma_wait3A_58 = arith.constant 0 : i32
      %dma_wait3A_59 = arith.constant 0 : i32
      %dma_wait3A_60 = tpu.memref_slice %arg5[%dma_wait3A_58, %dma_wait3A_59] : memref<128x128xf32, #tpu.memory_space<hbm>> -> memref<128x128xf32, #tpu.memory_space<hbm>>
      tpu.wait_dma2 semaphore(%run_scoped3A : memref<!tpu.dma_semaphore, #tpu.memory_space<semaphore_mem>>) src(%dma_wait3A_60 : memref<128x128xf32, #tpu.memory_space<hbm>>) dst(%dma_wait3A_57 : memref<128x128xf32, #tpu.memory_space<vmem_shared>>)
      tpu.yield
    }) : () -> ()
    %add3A_4 = arith.constant 256 : i32
    %add3A_5 = arith.addi %mul3A_0, %add3A_4 : i32
    "tpu.region"() ({
      %run_scoped3A = tpu.sem_alloc : memref<!tpu.dma_semaphore, #tpu.memory_space<semaphore_mem>>
      %dma_start3A = arith.constant 0 : i32
      %dma_start3A_53 = tpu.memref_slice %arg7[%add3A_5, %dma_start3A] : memref<10112x128xf32, #tpu.memory_space<vmem_shared>> -> memref<128x128xf32, #tpu.memory_space<vmem_shared>>
      %dma_start3A_54 = arith.constant 0 : i32
      %dma_start3A_55 = arith.constant 0 : i32
      %dma_start3A_56 = tpu.memref_slice %arg5[%dma_start3A_54, %dma_start3A_55] : memref<128x128xf32, #tpu.memory_space<hbm>> -> memref<128x128xf32, #tpu.memory_space<hbm>>
      tpu.enqueue_dma source(%dma_start3A_56 : memref<128x128xf32, #tpu.memory_space<hbm>>) target(%dma_start3A_53 : memref<128x128xf32, #tpu.memory_space<vmem_shared>>) target_semaphore(%run_scoped3A : memref<!tpu.dma_semaphore, #tpu.memory_space<semaphore_mem>>)
      %dma_wait3A = arith.constant 0 : i32
      %dma_wait3A_57 = tpu.memref_slice %arg7[%add3A_5, %dma_wait3A] : memref<10112x128xf32, #tpu.memory_space<vmem_shared>> -> memref<128x128xf32, #tpu.memory_space<vmem_shared>>
      %dma_wait3A_58 = arith.constant 0 : i32
      %dma_wait3A_59 = arith.constant 0 : i32
      %dma_wait3A_60 = tpu.memref_slice %arg5[%dma_wait3A_58, %dma_wait3A_59] : memref<128x128xf32, #tpu.memory_space<hbm>> -> memref<128x128xf32, #tpu.memory_space<hbm>>
      tpu.wait_dma2 semaphore(%run_scoped3A : memref<!tpu.dma_semaphore, #tpu.memory_space<semaphore_mem>>) src(%dma_wait3A_60 : memref<128x128xf32, #tpu.memory_space<hbm>>) dst(%dma_wait3A_57 : memref<128x128xf32, #tpu.memory_space<vmem_shared>>)
      tpu.yield
    }) : () -> ()
    %add3A_6 = arith.constant 384 : i32
    %add3A_7 = arith.addi %mul3A_0, %add3A_6 : i32
    "tpu.region"() ({
      %run_scoped3A = tpu.sem_alloc : memref<!tpu.dma_semaphore, #tpu.memory_space<semaphore_mem>>
      %dma_start3A = arith.constant 0 : i32
      %dma_start3A_53 = tpu.memref_slice %arg7[%add3A_7, %dma_start3A] : memref<10112x128xf32, #tpu.memory_space<vmem_shared>> -> memref<128x128xf32, #tpu.memory_space<vmem_shared>>
      %dma_start3A_54 = arith.constant 0 : i32
      %dma_start3A_55 = arith.constant 0 : i32
      %dma_start3A_56 = tpu.memref_slice %arg5[%dma_start3A_54, %dma_start3A_55] : memref<128x128xf32, #tpu.memory_space<hbm>> -> memref<128x128xf32, #tpu.memory_space<hbm>>
      tpu.enqueue_dma source(%dma_start3A_56 : memref<128x128xf32, #tpu.memory_space<hbm>>) target(%dma_start3A_53 : memref<128x128xf32, #tpu.memory_space<vmem_shared>>) target_semaphore(%run_scoped3A : memref<!tpu.dma_semaphore, #tpu.memory_space<semaphore_mem>>)
      %dma_wait3A = arith.constant 0 : i32
      %dma_wait3A_57 = tpu.memref_slice %arg7[%add3A_7, %dma_wait3A] : memref<10112x128xf32, #tpu.memory_space<vmem_shared>> -> memref<128x128xf32, #tpu.memory_space<vmem_shared>>
      %dma_wait3A_58 = arith.constant 0 : i32
      %dma_wait3A_59 = arith.constant 0 : i32
      %dma_wait3A_60 = tpu.memref_slice %arg5[%dma_wait3A_58, %dma_wait3A_59] : memref<128x128xf32, #tpu.memory_space<hbm>> -> memref<128x128xf32, #tpu.memory_space<hbm>>
      tpu.wait_dma2 semaphore(%run_scoped3A : memref<!tpu.dma_semaphore, #tpu.memory_space<semaphore_mem>>) src(%dma_wait3A_60 : memref<128x128xf32, #tpu.memory_space<hbm>>) dst(%dma_wait3A_57 : memref<128x128xf32, #tpu.memory_space<vmem_shared>>)
      tpu.yield
    }) : () -> ()
    %add3A_8 = arith.constant 512 : i32
    %add3A_9 = arith.addi %mul3A_0, %add3A_8 : i32
    "tpu.region"() ({
      %run_scoped3A = tpu.sem_alloc : memref<!tpu.dma_semaphore, #tpu.memory_space<semaphore_mem>>
      %dma_start3A = arith.constant 0 : i32
      %dma_start3A_53 = tpu.memref_slice %arg7[%add3A_9, %dma_start3A] : memref<10112x128xf32, #tpu.memory_space<vmem_shared>> -> memref<120x128xf32, #tpu.memory_space<vmem_shared>>
      %dma_start3A_54 = arith.constant 0 : i32
      %dma_start3A_55 = arith.constant 0 : i32
      %dma_start3A_56 = tpu.memref_slice %arg5[%dma_start3A_54, %dma_start3A_55] : memref<128x128xf32, #tpu.memory_space<hbm>> -> memref<120x128xf32, #tpu.memory_space<hbm>>
      tpu.enqueue_dma source(%dma_start3A_56 : memref<120x128xf32, #tpu.memory_space<hbm>>) target(%dma_start3A_53 : memref<120x128xf32, #tpu.memory_space<vmem_shared>>) target_semaphore(%run_scoped3A : memref<!tpu.dma_semaphore, #tpu.memory_space<semaphore_mem>>)
      %dma_wait3A = arith.constant 0 : i32
      %dma_wait3A_57 = tpu.memref_slice %arg7[%add3A_9, %dma_wait3A] : memref<10112x128xf32, #tpu.memory_space<vmem_shared>> -> memref<120x128xf32, #tpu.memory_space<vmem_shared>>
      %dma_wait3A_58 = arith.constant 0 : i32
      %dma_wait3A_59 = arith.constant 0 : i32
      %dma_wait3A_60 = tpu.memref_slice %arg5[%dma_wait3A_58, %dma_wait3A_59] : memref<128x128xf32, #tpu.memory_space<hbm>> -> memref<120x128xf32, #tpu.memory_space<hbm>>
      tpu.wait_dma2 semaphore(%run_scoped3A : memref<!tpu.dma_semaphore, #tpu.memory_space<semaphore_mem>>) src(%dma_wait3A_60 : memref<120x128xf32, #tpu.memory_space<hbm>>) dst(%dma_wait3A_57 : memref<120x128xf32, #tpu.memory_space<vmem_shared>>)
      tpu.yield
    }) : () -> ()
    %eq3A = arith.constant 0 : i32
    %eq3A_10 = arith.cmpi eq, %arg0, %eq3A : i32
    %jit3A = arith.constant 1 : i32
    %jit3A_11 = arith.constant 3 : i32
    %select_n3A = arith.select %eq3A_10, %jit3A, %jit3A_11 : i32
    %eq3A_12 = arith.constant 0 : i32
    %eq3A_13 = arith.cmpi eq, %arg0, %eq3A_12 : i32
    %mul3A_14 = arith.constant 40 : i32
    %mul3A_15 = arith.muli %arg1, %mul3A_14 : i32
    %add3A_16 = arith.constant 1920 : i32
    %add3A_17 = arith.addi %add3A_16, %mul3A_15 : i32
    %mul3A_18 = arith.constant 120 : i32
    %mul3A_19 = arith.muli %arg1, %mul3A_18 : i32
    %select_n3A_20 = arith.select %eq3A_13, %add3A_17, %mul3A_19 : i32
    %barrier3A = arith.constant 0 : index
    tpu.barrier barrier_id(%barrier3A)
    %while3A = arith.constant 0 : i32
    %while3A_21 = arith.constant 0 : i32
    %while3A_22 = arith.subi %select_n3A, %while3A_21 : i32
    %while3A_23 = arith.addi %while3A_21, %while3A_22 : i32
    %while3A_24 = arith.constant 1 : i32
    %while3A_25 = arith.divsi %while3A_22, %while3A_24 : i32
    %while3A_26 = arith.muli %while3A_25, %while3A_24 : i32
    %while3A_27 = arith.addi %while3A_21, %while3A_26 : i32
    %while3A_28 = arith.constant 1 : i32
    scf.for %while3A_53 = %while3A_21 to %while3A_27 step %while3A_28  : i32 {
      %mul3A_54 = arith.constant 40 : i32
      %mul3A_55 = arith.muli %while3A_53, %mul3A_54 : i32
      %add3A_56 = arith.addi %select_n3A_20, %mul3A_55 : i32
      "tpu.region"() ({
        %run_scoped3A = tpu.sem_alloc : memref<!tpu.dma_semaphore, #tpu.memory_space<semaphore_mem>>
        %dma_start3A_180 = arith.constant 0 : i32
        %dma_start3A_181 = tpu.memref_slice %arg3[%add3A_56, %dma_start3A_180] : memref<2560x128xi32, #tpu.memory_space<hbm>> -> memref<40x128xi32, #tpu.memory_space<hbm>>
        %dma_start3A_182 = arith.constant 0 : i32
        %dma_start3A_183 = tpu.memref_slice %arg3[%add3A_56, %dma_start3A_182] : memref<2560x128xi32, #tpu.memory_space<hbm>> -> memref<40x128xi32, #tpu.memory_space<hbm>>
        tpu.enqueue_dma source(%dma_start3A_183 : memref<40x128xi32, #tpu.memory_space<hbm>>) target(%arg8 : memref<40x128xi32, #tpu.memory_space<vmem>>) target_semaphore(%run_scoped3A : memref<!tpu.dma_semaphore, #tpu.memory_space<semaphore_mem>>)
        %dma_wait3A_184 = arith.constant 0 : i32
        %dma_wait3A_185 = tpu.memref_slice %arg3[%add3A_56, %dma_wait3A_184] : memref<2560x128xi32, #tpu.memory_space<hbm>> -> memref<40x128xi32, #tpu.memory_space<hbm>>
        %dma_wait3A_186 = arith.constant 0 : i32
        %dma_wait3A_187 = tpu.memref_slice %arg3[%add3A_56, %dma_wait3A_186] : memref<2560x128xi32, #tpu.memory_space<hbm>> -> memref<40x128xi32, #tpu.memory_space<hbm>>
        tpu.wait_dma2 semaphore(%run_scoped3A : memref<!tpu.dma_semaphore, #tpu.memory_space<semaphore_mem>>) src(%dma_wait3A_187 : memref<40x128xi32, #tpu.memory_space<hbm>>) dst(%arg8 : memref<40x128xi32, #tpu.memory_space<vmem>>)
        tpu.yield
      }) : () -> ()
      "tpu.region"() ({
        %run_scoped3A = tpu.sem_alloc : memref<!tpu.dma_semaphore, #tpu.memory_space<semaphore_mem>>
        %dma_start3A_180 = arith.constant 0 : i32
        %dma_start3A_181 = tpu.memref_slice %arg4[%add3A_56, %dma_start3A_180] : memref<2560x128xi32, #tpu.memory_space<hbm>> -> memref<40x128xi32, #tpu.memory_space<hbm>>
        %dma_start3A_182 = arith.constant 0 : i32
        %dma_start3A_183 = tpu.memref_slice %arg4[%add3A_56, %dma_start3A_182] : memref<2560x128xi32, #tpu.memory_space<hbm>> -> memref<40x128xi32, #tpu.memory_space<hbm>>
        tpu.enqueue_dma source(%dma_start3A_183 : memref<40x128xi32, #tpu.memory_space<hbm>>) target(%arg9 : memref<40x128xi32, #tpu.memory_space<vmem>>) target_semaphore(%run_scoped3A : memref<!tpu.dma_semaphore, #tpu.memory_space<semaphore_mem>>)
        %dma_wait3A_184 = arith.constant 0 : i32
        %dma_wait3A_185 = tpu.memref_slice %arg4[%add3A_56, %dma_wait3A_184] : memref<2560x128xi32, #tpu.memory_space<hbm>> -> memref<40x128xi32, #tpu.memory_space<hbm>>
        %dma_wait3A_186 = arith.constant 0 : i32
        %dma_wait3A_187 = tpu.memref_slice %arg4[%add3A_56, %dma_wait3A_186] : memref<2560x128xi32, #tpu.memory_space<hbm>> -> memref<40x128xi32, #tpu.memory_space<hbm>>
        tpu.wait_dma2 semaphore(%run_scoped3A : memref<!tpu.dma_semaphore, #tpu.memory_space<semaphore_mem>>) src(%dma_wait3A_187 : memref<40x128xi32, #tpu.memory_space<hbm>>) dst(%arg9 : memref<40x128xi32, #tpu.memory_space<vmem>>)
        tpu.yield
      }) : () -> ()
      %dma_start3A = arith.constant 0 : i32
      %dma_start3A_57 = arith.constant 0 : i32
      %dma_start3A_58 = arith.constant 0 : i32
      %dma_start3A_59 = arith.constant 0 : i32
      %dma_start3A_60 = arith.constant 0 : i32
      %dma_start3A_61 = tpu.memref_slice %arg10[%dma_start3A_57, %dma_start3A_59, %dma_start3A_60] : memref<2x128x128xf32, #tpu.memory_space<vmem>> -> memref<1x128x128xf32, #tpu.memory_space<vmem>>
      %dma_start3A_62 = tpu.memref_squeeze %dma_start3A_61 : memref<1x128x128xf32, #tpu.memory_space<vmem>> -> memref<128x128xf32, #tpu.memory_space<vmem>>
      %dma_start3A_63 = arith.constant 0 : i32
      %dma_start3A_64 = tpu.memref_slice %arg8[%dma_start3A, %dma_start3A_63] : memref<40x128xi32, #tpu.memory_space<vmem>> -> memref<1x128xi32, #tpu.memory_space<vmem>>
      %dma_start3A_65 = tpu.memref_squeeze %dma_start3A_64 : memref<1x128xi32, #tpu.memory_space<vmem>> -> memref<128xi32, #tpu.memory_space<vmem>>
      %dma_start3A_66 = arith.constant 0 : i32
      %dma_start3A_67 = arith.constant 0 : i32
      %dma_start3A_68 = tpu.memref_slice %arg2[%dma_start3A_66, %dma_start3A_67] : memref<10000x128xf32, #tpu.memory_space<hbm>> -> memref<10000x128xf32, #tpu.memory_space<hbm>>
      %dma_start3A_69 = tpu.memref_slice %arg11[%dma_start3A_58] : memref<2x!tpu.dma_semaphore, #tpu.memory_space<semaphore_mem>> -> memref<1x!tpu.dma_semaphore, #tpu.memory_space<semaphore_mem>>
      %dma_start3A_70 = tpu.memref_squeeze %dma_start3A_69 : memref<1x!tpu.dma_semaphore, #tpu.memory_space<semaphore_mem>> -> memref<!tpu.dma_semaphore, #tpu.memory_space<semaphore_mem>>
      tpu.enqueue_indirect_dma source(%dma_start3A_68 : memref<10000x128xf32, #tpu.memory_space<hbm>>) target(%dma_start3A_62 : memref<128x128xf32, #tpu.memory_space<vmem>>) offsets(%dma_start3A_65 : memref<128xi32, #tpu.memory_space<vmem>>) semaphore(%dma_start3A_70 : memref<!tpu.dma_semaphore, #tpu.memory_space<semaphore_mem>>)
      %dma_start3A_71 = arith.constant 1 : i32
      %dma_start3A_72 = arith.constant 1 : i32
      %dma_start3A_73 = arith.constant 1 : i32
      %dma_start3A_74 = arith.constant 0 : i32
      %dma_start3A_75 = arith.constant 0 : i32
      %dma_start3A_76 = tpu.memref_slice %arg10[%dma_start3A_72, %dma_start3A_74, %dma_start3A_75] : memref<2x128x128xf32, #tpu.memory_space<vmem>> -> memref<1x128x128xf32, #tpu.memory_space<vmem>>
      %dma_start3A_77 = tpu.memref_squeeze %dma_start3A_76 : memref<1x128x128xf32, #tpu.memory_space<vmem>> -> memref<128x128xf32, #tpu.memory_space<vmem>>
      %dma_start3A_78 = arith.constant 0 : i32
      %dma_start3A_79 = tpu.memref_slice %arg8[%dma_start3A_71, %dma_start3A_78] : memref<40x128xi32, #tpu.memory_space<vmem>> -> memref<1x128xi32, #tpu.memory_space<vmem>>
      %dma_start3A_80 = tpu.memref_squeeze %dma_start3A_79 : memref<1x128xi32, #tpu.memory_space<vmem>> -> memref<128xi32, #tpu.memory_space<vmem>>
      %dma_start3A_81 = arith.constant 0 : i32
      %dma_start3A_82 = arith.constant 0 : i32
      %dma_start3A_83 = tpu.memref_slice %arg2[%dma_start3A_81, %dma_start3A_82] : memref<10000x128xf32, #tpu.memory_space<hbm>> -> memref<10000x128xf32, #tpu.memory_space<hbm>>
      %dma_start3A_84 = tpu.memref_slice %arg11[%dma_start3A_73] : memref<2x!tpu.dma_semaphore, #tpu.memory_space<semaphore_mem>> -> memref<1x!tpu.dma_semaphore, #tpu.memory_space<semaphore_mem>>
      %dma_start3A_85 = tpu.memref_squeeze %dma_start3A_84 : memref<1x!tpu.dma_semaphore, #tpu.memory_space<semaphore_mem>> -> memref<!tpu.dma_semaphore, #tpu.memory_space<semaphore_mem>>
      tpu.enqueue_indirect_dma source(%dma_start3A_83 : memref<10000x128xf32, #tpu.memory_space<hbm>>) target(%dma_start3A_77 : memref<128x128xf32, #tpu.memory_space<vmem>>) offsets(%dma_start3A_80 : memref<128xi32, #tpu.memory_space<vmem>>) semaphore(%dma_start3A_85 : memref<!tpu.dma_semaphore, #tpu.memory_space<semaphore_mem>>)
      %scan3A = arith.constant 0 : i32
      %scan3A_86 = arith.constant 0 : i32
      %scan3A_87 = arith.constant 19 : i32
      %scan3A_88 = arith.addi %scan3A_86, %scan3A_87 : i32
      %scan3A_89 = arith.constant 1 : i32
      scf.for %scan3A_180 = %scan3A_86 to %scan3A_88 step %scan3A_89  : i32 {
        %dma_wait3A_181 = arith.constant 0 : i32
        %dma_wait3A_182 = arith.constant 0 : i32
        %dma_wait3A_183 = arith.constant 0 : i32
        %dma_wait3A_184 = arith.constant 0 : i32
        %dma_wait3A_185 = arith.constant 0 : i32
        %dma_wait3A_186 = tpu.memref_slice %arg10[%dma_wait3A_182, %dma_wait3A_184, %dma_wait3A_185] : memref<2x128x128xf32, #tpu.memory_space<vmem>> -> memref<1x128x128xf32, #tpu.memory_space<vmem>>
        %dma_wait3A_187 = tpu.memref_squeeze %dma_wait3A_186 : memref<1x128x128xf32, #tpu.memory_space<vmem>> -> memref<128x128xf32, #tpu.memory_space<vmem>>
        %dma_wait3A_188 = arith.constant 0 : i32
        %dma_wait3A_189 = tpu.memref_slice %arg8[%dma_wait3A_181, %dma_wait3A_188] : memref<40x128xi32, #tpu.memory_space<vmem>> -> memref<1x128xi32, #tpu.memory_space<vmem>>
        %dma_wait3A_190 = tpu.memref_squeeze %dma_wait3A_189 : memref<1x128xi32, #tpu.memory_space<vmem>> -> memref<128xi32, #tpu.memory_space<vmem>>
        %dma_wait3A_191 = arith.constant 0 : i32
        %dma_wait3A_192 = arith.constant 0 : i32
        %dma_wait3A_193 = tpu.memref_slice %arg2[%dma_wait3A_191, %dma_wait3A_192] : memref<10000x128xf32, #tpu.memory_space<hbm>> -> memref<10000x128xf32, #tpu.memory_space<hbm>>
        %dma_wait3A_194 = tpu.memref_slice %arg11[%dma_wait3A_183] : memref<2x!tpu.dma_semaphore, #tpu.memory_space<semaphore_mem>> -> memref<1x!tpu.dma_semaphore, #tpu.memory_space<semaphore_mem>>
        %dma_wait3A_195 = tpu.memref_squeeze %dma_wait3A_194 : memref<1x!tpu.dma_semaphore, #tpu.memory_space<semaphore_mem>> -> memref<!tpu.dma_semaphore, #tpu.memory_space<semaphore_mem>>
        tpu.wait_indirect_dma semaphore(%dma_wait3A_195 : memref<!tpu.dma_semaphore, #tpu.memory_space<semaphore_mem>>) src(%dma_wait3A_193 : memref<10000x128xf32, #tpu.memory_space<hbm>>) dst(%dma_wait3A_187 : memref<128x128xf32, #tpu.memory_space<vmem>>)
        %mul3A_196 = arith.constant 2 : i32
        %mul3A_197 = arith.muli %scan3A_180, %mul3A_196 : i32
        %add3A_198 = arith.constant 0 : i32
        %add3A_199 = arith.addi %mul3A_197, %add3A_198 : i32
        %dma_start3A_200 = arith.constant 0 : i32
        %dma_start3A_201 = arith.constant 0 : i32
        %dma_start3A_202 = arith.constant 0 : i32
        %dma_start3A_203 = arith.constant 0 : i32
        %dma_start3A_204 = tpu.memref_slice %arg10[%dma_start3A_200, %dma_start3A_202, %dma_start3A_203] : memref<2x128x128xf32, #tpu.memory_space<vmem>> -> memref<1x128x128xf32, #tpu.memory_space<vmem>>
        %dma_start3A_205 = tpu.memref_squeeze %dma_start3A_204 : memref<1x128x128xf32, #tpu.memory_space<vmem>> -> memref<128x128xf32, #tpu.memory_space<vmem>>
        %dma_start3A_206 = arith.constant 0 : i32
        %dma_start3A_207 = tpu.memref_slice %arg9[%add3A_199, %dma_start3A_206] : memref<40x128xi32, #tpu.memory_space<vmem>> -> memref<1x128xi32, #tpu.memory_space<vmem>>
        %dma_start3A_208 = tpu.memref_squeeze %dma_start3A_207 : memref<1x128xi32, #tpu.memory_space<vmem>> -> memref<128xi32, #tpu.memory_space<vmem>>
        %dma_start3A_209 = arith.constant 0 : i32
        %dma_start3A_210 = arith.constant 0 : i32
        %dma_start3A_211 = tpu.memref_slice %arg7[%dma_start3A_209, %dma_start3A_210] : memref<10112x128xf32, #tpu.memory_space<vmem_shared>> -> memref<10112x128xf32, #tpu.memory_space<vmem_shared>>
        %dma_start3A_212 = tpu.memref_slice %arg12[%dma_start3A_201] : memref<2x!tpu.dma_semaphore, #tpu.memory_space<semaphore_mem>> -> memref<1x!tpu.dma_semaphore, #tpu.memory_space<semaphore_mem>>
        %dma_start3A_213 = tpu.memref_squeeze %dma_start3A_212 : memref<1x!tpu.dma_semaphore, #tpu.memory_space<semaphore_mem>> -> memref<!tpu.dma_semaphore, #tpu.memory_space<semaphore_mem>>
        tpu.enqueue_indirect_dma source(%dma_start3A_205 : memref<128x128xf32, #tpu.memory_space<vmem>>) target(%dma_start3A_211 : memref<10112x128xf32, #tpu.memory_space<vmem_shared>>) offsets(%dma_start3A_208 : memref<128xi32, #tpu.memory_space<vmem>>) semaphore(%dma_start3A_213 : memref<!tpu.dma_semaphore, #tpu.memory_space<semaphore_mem>>) {add = true}
        %dma_wait3A_214 = arith.constant 0 : i32
        %dma_wait3A_215 = arith.constant 1 : i32
        %dma_wait3A_216 = arith.constant 1 : i32
        %dma_wait3A_217 = arith.constant 0 : i32
        %dma_wait3A_218 = arith.constant 0 : i32
        %dma_wait3A_219 = tpu.memref_slice %arg10[%dma_wait3A_215, %dma_wait3A_217, %dma_wait3A_218] : memref<2x128x128xf32, #tpu.memory_space<vmem>> -> memref<1x128x128xf32, #tpu.memory_space<vmem>>
        %dma_wait3A_220 = tpu.memref_squeeze %dma_wait3A_219 : memref<1x128x128xf32, #tpu.memory_space<vmem>> -> memref<128x128xf32, #tpu.memory_space<vmem>>
        %dma_wait3A_221 = arith.constant 0 : i32
        %dma_wait3A_222 = tpu.memref_slice %arg8[%dma_wait3A_214, %dma_wait3A_221] : memref<40x128xi32, #tpu.memory_space<vmem>> -> memref<1x128xi32, #tpu.memory_space<vmem>>
        %dma_wait3A_223 = tpu.memref_squeeze %dma_wait3A_222 : memref<1x128xi32, #tpu.memory_space<vmem>> -> memref<128xi32, #tpu.memory_space<vmem>>
        %dma_wait3A_224 = arith.constant 0 : i32
        %dma_wait3A_225 = arith.constant 0 : i32
        %dma_wait3A_226 = tpu.memref_slice %arg2[%dma_wait3A_224, %dma_wait3A_225] : memref<10000x128xf32, #tpu.memory_space<hbm>> -> memref<10000x128xf32, #tpu.memory_space<hbm>>
        %dma_wait3A_227 = tpu.memref_slice %arg11[%dma_wait3A_216] : memref<2x!tpu.dma_semaphore, #tpu.memory_space<semaphore_mem>> -> memref<1x!tpu.dma_semaphore, #tpu.memory_space<semaphore_mem>>
        %dma_wait3A_228 = tpu.memref_squeeze %dma_wait3A_227 : memref<1x!tpu.dma_semaphore, #tpu.memory_space<semaphore_mem>> -> memref<!tpu.dma_semaphore, #tpu.memory_space<semaphore_mem>>
        tpu.wait_indirect_dma semaphore(%dma_wait3A_228 : memref<!tpu.dma_semaphore, #tpu.memory_space<semaphore_mem>>) src(%dma_wait3A_226 : memref<10000x128xf32, #tpu.memory_space<hbm>>) dst(%dma_wait3A_220 : memref<128x128xf32, #tpu.memory_space<vmem>>)
        %mul3A_229 = arith.constant 2 : i32
        %mul3A_230 = arith.muli %scan3A_180, %mul3A_229 : i32
        %add3A_231 = arith.constant 1 : i32
        %add3A_232 = arith.addi %mul3A_230, %add3A_231 : i32
        %dma_start3A_233 = arith.constant 1 : i32
        %dma_start3A_234 = arith.constant 1 : i32
        %dma_start3A_235 = arith.constant 0 : i32
        %dma_start3A_236 = arith.constant 0 : i32
        %dma_start3A_237 = tpu.memref_slice %arg10[%dma_start3A_233, %dma_start3A_235, %dma_start3A_236] : memref<2x128x128xf32, #tpu.memory_space<vmem>> -> memref<1x128x128xf32, #tpu.memory_space<vmem>>
        %dma_start3A_238 = tpu.memref_squeeze %dma_start3A_237 : memref<1x128x128xf32, #tpu.memory_space<vmem>> -> memref<128x128xf32, #tpu.memory_space<vmem>>
        %dma_start3A_239 = arith.constant 0 : i32
        %dma_start3A_240 = tpu.memref_slice %arg9[%add3A_232, %dma_start3A_239] : memref<40x128xi32, #tpu.memory_space<vmem>> -> memref<1x128xi32, #tpu.memory_space<vmem>>
        %dma_start3A_241 = tpu.memref_squeeze %dma_start3A_240 : memref<1x128xi32, #tpu.memory_space<vmem>> -> memref<128xi32, #tpu.memory_space<vmem>>
        %dma_start3A_242 = arith.constant 0 : i32
        %dma_start3A_243 = arith.constant 0 : i32
        %dma_start3A_244 = tpu.memref_slice %arg7[%dma_start3A_242, %dma_start3A_243] : memref<10112x128xf32, #tpu.memory_space<vmem_shared>> -> memref<10112x128xf32, #tpu.memory_space<vmem_shared>>
        %dma_start3A_245 = tpu.memref_slice %arg12[%dma_start3A_234] : memref<2x!tpu.dma_semaphore, #tpu.memory_space<semaphore_mem>> -> memref<1x!tpu.dma_semaphore, #tpu.memory_space<semaphore_mem>>
        %dma_start3A_246 = tpu.memref_squeeze %dma_start3A_245 : memref<1x!tpu.dma_semaphore, #tpu.memory_space<semaphore_mem>> -> memref<!tpu.dma_semaphore, #tpu.memory_space<semaphore_mem>>
        tpu.enqueue_indirect_dma source(%dma_start3A_238 : memref<128x128xf32, #tpu.memory_space<vmem>>) target(%dma_start3A_244 : memref<10112x128xf32, #tpu.memory_space<vmem_shared>>) offsets(%dma_start3A_241 : memref<128xi32, #tpu.memory_space<vmem>>) semaphore(%dma_start3A_246 : memref<!tpu.dma_semaphore, #tpu.memory_space<semaphore_mem>>) {add = true}
        %dma_wait3A_247 = arith.constant 0 : i32
        %dma_wait3A_248 = arith.constant 0 : i32
        %dma_wait3A_249 = arith.constant 0 : i32
        %dma_wait3A_250 = arith.constant 0 : i32
        %dma_wait3A_251 = arith.constant 0 : i32
        %dma_wait3A_252 = tpu.memref_slice %arg10[%dma_wait3A_247, %dma_wait3A_250, %dma_wait3A_251] : memref<2x128x128xf32, #tpu.memory_space<vmem>> -> memref<1x128x128xf32, #tpu.memory_space<vmem>>
        %dma_wait3A_253 = tpu.memref_squeeze %dma_wait3A_252 : memref<1x128x128xf32, #tpu.memory_space<vmem>> -> memref<128x128xf32, #tpu.memory_space<vmem>>
        %dma_wait3A_254 = arith.constant 0 : i32
        %dma_wait3A_255 = tpu.memref_slice %arg9[%dma_wait3A_248, %dma_wait3A_254] : memref<40x128xi32, #tpu.memory_space<vmem>> -> memref<1x128xi32, #tpu.memory_space<vmem>>
        %dma_wait3A_256 = tpu.memref_squeeze %dma_wait3A_255 : memref<1x128xi32, #tpu.memory_space<vmem>> -> memref<128xi32, #tpu.memory_space<vmem>>
        %dma_wait3A_257 = arith.constant 0 : i32
        %dma_wait3A_258 = arith.constant 0 : i32
        %dma_wait3A_259 = tpu.memref_slice %arg7[%dma_wait3A_257, %dma_wait3A_258] : memref<10112x128xf32, #tpu.memory_space<vmem_shared>> -> memref<10112x128xf32, #tpu.memory_space<vmem_shared>>
        %dma_wait3A_260 = tpu.memref_slice %arg12[%dma_wait3A_249] : memref<2x!tpu.dma_semaphore, #tpu.memory_space<semaphore_mem>> -> memref<1x!tpu.dma_semaphore, #tpu.memory_space<semaphore_mem>>
        %dma_wait3A_261 = tpu.memref_squeeze %dma_wait3A_260 : memref<1x!tpu.dma_semaphore, #tpu.memory_space<semaphore_mem>> -> memref<!tpu.dma_semaphore, #tpu.memory_space<semaphore_mem>>
        tpu.wait_indirect_dma semaphore(%dma_wait3A_261 : memref<!tpu.dma_semaphore, #tpu.memory_space<semaphore_mem>>) src(%dma_wait3A_253 : memref<128x128xf32, #tpu.memory_space<vmem>>) dst(%dma_wait3A_259 : memref<10112x128xf32, #tpu.memory_space<vmem_shared>>)
        %add3A_262 = arith.constant 1 : i32
        %add3A_263 = arith.addi %scan3A_180, %add3A_262 : i32
        %mul3A_264 = arith.constant 2 : i32
        %mul3A_265 = arith.muli %add3A_263, %mul3A_264 : i32
        %add3A_266 = arith.constant 0 : i32
        %add3A_267 = arith.addi %mul3A_265, %add3A_266 : i32
        %dma_start3A_268 = arith.constant 0 : i32
        %dma_start3A_269 = arith.constant 0 : i32
        %dma_start3A_270 = arith.constant 0 : i32
        %dma_start3A_271 = arith.constant 0 : i32
        %dma_start3A_272 = tpu.memref_slice %arg10[%dma_start3A_268, %dma_start3A_270, %dma_start3A_271] : memref<2x128x128xf32, #tpu.memory_space<vmem>> -> memref<1x128x128xf32, #tpu.memory_space<vmem>>
        %dma_start3A_273 = tpu.memref_squeeze %dma_start3A_272 : memref<1x128x128xf32, #tpu.memory_space<vmem>> -> memref<128x128xf32, #tpu.memory_space<vmem>>
        %dma_start3A_274 = arith.constant 0 : i32
        %dma_start3A_275 = tpu.memref_slice %arg8[%add3A_267, %dma_start3A_274] : memref<40x128xi32, #tpu.memory_space<vmem>> -> memref<1x128xi32, #tpu.memory_space<vmem>>
        %dma_start3A_276 = tpu.memref_squeeze %dma_start3A_275 : memref<1x128xi32, #tpu.memory_space<vmem>> -> memref<128xi32, #tpu.memory_space<vmem>>
        %dma_start3A_277 = arith.constant 0 : i32
        %dma_start3A_278 = arith.constant 0 : i32
        %dma_start3A_279 = tpu.memref_slice %arg2[%dma_start3A_277, %dma_start3A_278] : memref<10000x128xf32, #tpu.memory_space<hbm>> -> memref<10000x128xf32, #tpu.memory_space<hbm>>
        %dma_start3A_280 = tpu.memref_slice %arg11[%dma_start3A_269] : memref<2x!tpu.dma_semaphore, #tpu.memory_space<semaphore_mem>> -> memref<1x!tpu.dma_semaphore, #tpu.memory_space<semaphore_mem>>
        %dma_start3A_281 = tpu.memref_squeeze %dma_start3A_280 : memref<1x!tpu.dma_semaphore, #tpu.memory_space<semaphore_mem>> -> memref<!tpu.dma_semaphore, #tpu.memory_space<semaphore_mem>>
        tpu.enqueue_indirect_dma source(%dma_start3A_279 : memref<10000x128xf32, #tpu.memory_space<hbm>>) target(%dma_start3A_273 : memref<128x128xf32, #tpu.memory_space<vmem>>) offsets(%dma_start3A_276 : memref<128xi32, #tpu.memory_space<vmem>>) semaphore(%dma_start3A_281 : memref<!tpu.dma_semaphore, #tpu.memory_space<semaphore_mem>>)
        %dma_wait3A_282 = arith.constant 1 : i32
        %dma_wait3A_283 = arith.constant 0 : i32
        %dma_wait3A_284 = arith.constant 1 : i32
        %dma_wait3A_285 = arith.constant 0 : i32
        %dma_wait3A_286 = arith.constant 0 : i32
        %dma_wait3A_287 = tpu.memref_slice %arg10[%dma_wait3A_282, %dma_wait3A_285, %dma_wait3A_286] : memref<2x128x128xf32, #tpu.memory_space<vmem>> -> memref<1x128x128xf32, #tpu.memory_space<vmem>>
        %dma_wait3A_288 = tpu.memref_squeeze %dma_wait3A_287 : memref<1x128x128xf32, #tpu.memory_space<vmem>> -> memref<128x128xf32, #tpu.memory_space<vmem>>
        %dma_wait3A_289 = arith.constant 0 : i32
        %dma_wait3A_290 = tpu.memref_slice %arg9[%dma_wait3A_283, %dma_wait3A_289] : memref<40x128xi32, #tpu.memory_space<vmem>> -> memref<1x128xi32, #tpu.memory_space<vmem>>
        %dma_wait3A_291 = tpu.memref_squeeze %dma_wait3A_290 : memref<1x128xi32, #tpu.memory_space<vmem>> -> memref<128xi32, #tpu.memory_space<vmem>>
        %dma_wait3A_292 = arith.constant 0 : i32
        %dma_wait3A_293 = arith.constant 0 : i32
        %dma_wait3A_294 = tpu.memref_slice %arg7[%dma_wait3A_292, %dma_wait3A_293] : memref<10112x128xf32, #tpu.memory_space<vmem_shared>> -> memref<10112x128xf32, #tpu.memory_space<vmem_shared>>
        %dma_wait3A_295 = tpu.memref_slice %arg12[%dma_wait3A_284] : memref<2x!tpu.dma_semaphore, #tpu.memory_space<semaphore_mem>> -> memref<1x!tpu.dma_semaphore, #tpu.memory_space<semaphore_mem>>
        %dma_wait3A_296 = tpu.memref_squeeze %dma_wait3A_295 : memref<1x!tpu.dma_semaphore, #tpu.memory_space<semaphore_mem>> -> memref<!tpu.dma_semaphore, #tpu.memory_space<semaphore_mem>>
        tpu.wait_indirect_dma semaphore(%dma_wait3A_296 : memref<!tpu.dma_semaphore, #tpu.memory_space<semaphore_mem>>) src(%dma_wait3A_288 : memref<128x128xf32, #tpu.memory_space<vmem>>) dst(%dma_wait3A_294 : memref<10112x128xf32, #tpu.memory_space<vmem_shared>>)
        %add3A_297 = arith.constant 1 : i32
        %add3A_298 = arith.addi %scan3A_180, %add3A_297 : i32
        %mul3A_299 = arith.constant 2 : i32
        %mul3A_300 = arith.muli %add3A_298, %mul3A_299 : i32
        %add3A_301 = arith.constant 1 : i32
        %add3A_302 = arith.addi %mul3A_300, %add3A_301 : i32
        %dma_start3A_303 = arith.constant 1 : i32
        %dma_start3A_304 = arith.constant 1 : i32
        %dma_start3A_305 = arith.constant 0 : i32
        %dma_start3A_306 = arith.constant 0 : i32
        %dma_start3A_307 = tpu.memref_slice %arg10[%dma_start3A_303, %dma_start3A_305, %dma_start3A_306] : memref<2x128x128xf32, #tpu.memory_space<vmem>> -> memref<1x128x128xf32, #tpu.memory_space<vmem>>
        %dma_start3A_308 = tpu.memref_squeeze %dma_start3A_307 : memref<1x128x128xf32, #tpu.memory_space<vmem>> -> memref<128x128xf32, #tpu.memory_space<vmem>>
        %dma_start3A_309 = arith.constant 0 : i32
        %dma_start3A_310 = tpu.memref_slice %arg8[%add3A_302, %dma_start3A_309] : memref<40x128xi32, #tpu.memory_space<vmem>> -> memref<1x128xi32, #tpu.memory_space<vmem>>
        %dma_start3A_311 = tpu.memref_squeeze %dma_start3A_310 : memref<1x128xi32, #tpu.memory_space<vmem>> -> memref<128xi32, #tpu.memory_space<vmem>>
        %dma_start3A_312 = arith.constant 0 : i32
        %dma_start3A_313 = arith.constant 0 : i32
        %dma_start3A_314 = tpu.memref_slice %arg2[%dma_start3A_312, %dma_start3A_313] : memref<10000x128xf32, #tpu.memory_space<hbm>> -> memref<10000x128xf32, #tpu.memory_space<hbm>>
        %dma_start3A_315 = tpu.memref_slice %arg11[%dma_start3A_304] : memref<2x!tpu.dma_semaphore, #tpu.memory_space<semaphore_mem>> -> memref<1x!tpu.dma_semaphore, #tpu.memory_space<semaphore_mem>>
        %dma_start3A_316 = tpu.memref_squeeze %dma_start3A_315 : memref<1x!tpu.dma_semaphore, #tpu.memory_space<semaphore_mem>> -> memref<!tpu.dma_semaphore, #tpu.memory_space<semaphore_mem>>
        tpu.enqueue_indirect_dma source(%dma_start3A_314 : memref<10000x128xf32, #tpu.memory_space<hbm>>) target(%dma_start3A_308 : memref<128x128xf32, #tpu.memory_space<vmem>>) offsets(%dma_start3A_311 : memref<128xi32, #tpu.memory_space<vmem>>) semaphore(%dma_start3A_316 : memref<!tpu.dma_semaphore, #tpu.memory_space<semaphore_mem>>)
      }
      %scan3A_90 = arith.constant 19 : i32
      %dma_wait3A = arith.constant 0 : i32
      %dma_wait3A_91 = arith.constant 0 : i32
      %dma_wait3A_92 = arith.constant 0 : i32
      %dma_wait3A_93 = arith.constant 0 : i32
      %dma_wait3A_94 = arith.constant 0 : i32
      %dma_wait3A_95 = tpu.memref_slice %arg10[%dma_wait3A_91, %dma_wait3A_93, %dma_wait3A_94] : memref<2x128x128xf32, #tpu.memory_space<vmem>> -> memref<1x128x128xf32, #tpu.memory_space<vmem>>
      %dma_wait3A_96 = tpu.memref_squeeze %dma_wait3A_95 : memref<1x128x128xf32, #tpu.memory_space<vmem>> -> memref<128x128xf32, #tpu.memory_space<vmem>>
      %dma_wait3A_97 = arith.constant 0 : i32
      %dma_wait3A_98 = tpu.memref_slice %arg8[%dma_wait3A, %dma_wait3A_97] : memref<40x128xi32, #tpu.memory_space<vmem>> -> memref<1x128xi32, #tpu.memory_space<vmem>>
      %dma_wait3A_99 = tpu.memref_squeeze %dma_wait3A_98 : memref<1x128xi32, #tpu.memory_space<vmem>> -> memref<128xi32, #tpu.memory_space<vmem>>
      %dma_wait3A_100 = arith.constant 0 : i32
      %dma_wait3A_101 = arith.constant 0 : i32
      %dma_wait3A_102 = tpu.memref_slice %arg2[%dma_wait3A_100, %dma_wait3A_101] : memref<10000x128xf32, #tpu.memory_space<hbm>> -> memref<10000x128xf32, #tpu.memory_space<hbm>>
      %dma_wait3A_103 = tpu.memref_slice %arg11[%dma_wait3A_92] : memref<2x!tpu.dma_semaphore, #tpu.memory_space<semaphore_mem>> -> memref<1x!tpu.dma_semaphore, #tpu.memory_space<semaphore_mem>>
      %dma_wait3A_104 = tpu.memref_squeeze %dma_wait3A_103 : memref<1x!tpu.dma_semaphore, #tpu.memory_space<semaphore_mem>> -> memref<!tpu.dma_semaphore, #tpu.memory_space<semaphore_mem>>
      tpu.wait_indirect_dma semaphore(%dma_wait3A_104 : memref<!tpu.dma_semaphore, #tpu.memory_space<semaphore_mem>>) src(%dma_wait3A_102 : memref<10000x128xf32, #tpu.memory_space<hbm>>) dst(%dma_wait3A_96 : memref<128x128xf32, #tpu.memory_space<vmem>>)
      %dma_start3A_105 = arith.constant 0 : i32
      %dma_start3A_106 = arith.constant 38 : i32
      %dma_start3A_107 = arith.constant 0 : i32
      %dma_start3A_108 = arith.constant 0 : i32
      %dma_start3A_109 = arith.constant 0 : i32
      %dma_start3A_110 = tpu.memref_slice %arg10[%dma_start3A_105, %dma_start3A_108, %dma_start3A_109] : memref<2x128x128xf32, #tpu.memory_space<vmem>> -> memref<1x128x128xf32, #tpu.memory_space<vmem>>
      %dma_start3A_111 = tpu.memref_squeeze %dma_start3A_110 : memref<1x128x128xf32, #tpu.memory_space<vmem>> -> memref<128x128xf32, #tpu.memory_space<vmem>>
      %dma_start3A_112 = arith.constant 0 : i32
      %dma_start3A_113 = tpu.memref_slice %arg9[%dma_start3A_106, %dma_start3A_112] : memref<40x128xi32, #tpu.memory_space<vmem>> -> memref<1x128xi32, #tpu.memory_space<vmem>>
      %dma_start3A_114 = tpu.memref_squeeze %dma_start3A_113 : memref<1x128xi32, #tpu.memory_space<vmem>> -> memref<128xi32, #tpu.memory_space<vmem>>
      %dma_start3A_115 = arith.constant 0 : i32
      %dma_start3A_116 = arith.constant 0 : i32
      %dma_start3A_117 = tpu.memref_slice %arg7[%dma_start3A_115, %dma_start3A_116] : memref<10112x128xf32, #tpu.memory_space<vmem_shared>> -> memref<10112x128xf32, #tpu.memory_space<vmem_shared>>
      %dma_start3A_118 = tpu.memref_slice %arg12[%dma_start3A_107] : memref<2x!tpu.dma_semaphore, #tpu.memory_space<semaphore_mem>> -> memref<1x!tpu.dma_semaphore, #tpu.memory_space<semaphore_mem>>
      %dma_start3A_119 = tpu.memref_squeeze %dma_start3A_118 : memref<1x!tpu.dma_semaphore, #tpu.memory_space<semaphore_mem>> -> memref<!tpu.dma_semaphore, #tpu.memory_space<semaphore_mem>>
      tpu.enqueue_indirect_dma source(%dma_start3A_111 : memref<128x128xf32, #tpu.memory_space<vmem>>) target(%dma_start3A_117 : memref<10112x128xf32, #tpu.memory_space<vmem_shared>>) offsets(%dma_start3A_114 : memref<128xi32, #tpu.memory_space<vmem>>) semaphore(%dma_start3A_119 : memref<!tpu.dma_semaphore, #tpu.memory_space<semaphore_mem>>) {add = true}
      %dma_wait3A_120 = arith.constant 0 : i32
      %dma_wait3A_121 = arith.constant 1 : i32
      %dma_wait3A_122 = arith.constant 1 : i32
      %dma_wait3A_123 = arith.constant 0 : i32
      %dma_wait3A_124 = arith.constant 0 : i32
      %dma_wait3A_125 = tpu.memref_slice %arg10[%dma_wait3A_121, %dma_wait3A_123, %dma_wait3A_124] : memref<2x128x128xf32, #tpu.memory_space<vmem>> -> memref<1x128x128xf32, #tpu.memory_space<vmem>>
      %dma_wait3A_126 = tpu.memref_squeeze %dma_wait3A_125 : memref<1x128x128xf32, #tpu.memory_space<vmem>> -> memref<128x128xf32, #tpu.memory_space<vmem>>
      %dma_wait3A_127 = arith.constant 0 : i32
      %dma_wait3A_128 = tpu.memref_slice %arg8[%dma_wait3A_120, %dma_wait3A_127] : memref<40x128xi32, #tpu.memory_space<vmem>> -> memref<1x128xi32, #tpu.memory_space<vmem>>
      %dma_wait3A_129 = tpu.memref_squeeze %dma_wait3A_128 : memref<1x128xi32, #tpu.memory_space<vmem>> -> memref<128xi32, #tpu.memory_space<vmem>>
      %dma_wait3A_130 = arith.constant 0 : i32
      %dma_wait3A_131 = arith.constant 0 : i32
      %dma_wait3A_132 = tpu.memref_slice %arg2[%dma_wait3A_130, %dma_wait3A_131] : memref<10000x128xf32, #tpu.memory_space<hbm>> -> memref<10000x128xf32, #tpu.memory_space<hbm>>
      %dma_wait3A_133 = tpu.memref_slice %arg11[%dma_wait3A_122] : memref<2x!tpu.dma_semaphore, #tpu.memory_space<semaphore_mem>> -> memref<1x!tpu.dma_semaphore, #tpu.memory_space<semaphore_mem>>
      %dma_wait3A_134 = tpu.memref_squeeze %dma_wait3A_133 : memref<1x!tpu.dma_semaphore, #tpu.memory_space<semaphore_mem>> -> memref<!tpu.dma_semaphore, #tpu.memory_space<semaphore_mem>>
      tpu.wait_indirect_dma semaphore(%dma_wait3A_134 : memref<!tpu.dma_semaphore, #tpu.memory_space<semaphore_mem>>) src(%dma_wait3A_132 : memref<10000x128xf32, #tpu.memory_space<hbm>>) dst(%dma_wait3A_126 : memref<128x128xf32, #tpu.memory_space<vmem>>)
      %dma_start3A_135 = arith.constant 1 : i32
      %dma_start3A_136 = arith.constant 39 : i32
      %dma_start3A_137 = arith.constant 1 : i32
      %dma_start3A_138 = arith.constant 0 : i32
      %dma_start3A_139 = arith.constant 0 : i32
      %dma_start3A_140 = tpu.memref_slice %arg10[%dma_start3A_135, %dma_start3A_138, %dma_start3A_139] : memref<2x128x128xf32, #tpu.memory_space<vmem>> -> memref<1x128x128xf32, #tpu.memory_space<vmem>>
      %dma_start3A_141 = tpu.memref_squeeze %dma_start3A_140 : memref<1x128x128xf32, #tpu.memory_space<vmem>> -> memref<128x128xf32, #tpu.memory_space<vmem>>
      %dma_start3A_142 = arith.constant 0 : i32
      %dma_start3A_143 = tpu.memref_slice %arg9[%dma_start3A_136, %dma_start3A_142] : memref<40x128xi32, #tpu.memory_space<vmem>> -> memref<1x128xi32, #tpu.memory_space<vmem>>
      %dma_start3A_144 = tpu.memref_squeeze %dma_start3A_143 : memref<1x128xi32, #tpu.memory_space<vmem>> -> memref<128xi32, #tpu.memory_space<vmem>>
      %dma_start3A_145 = arith.constant 0 : i32
      %dma_start3A_146 = arith.constant 0 : i32
      %dma_start3A_147 = tpu.memref_slice %arg7[%dma_start3A_145, %dma_start3A_146] : memref<10112x128xf32, #tpu.memory_space<vmem_shared>> -> memref<10112x128xf32, #tpu.memory_space<vmem_shared>>
      %dma_start3A_148 = tpu.memref_slice %arg12[%dma_start3A_137] : memref<2x!tpu.dma_semaphore, #tpu.memory_space<semaphore_mem>> -> memref<1x!tpu.dma_semaphore, #tpu.memory_space<semaphore_mem>>
      %dma_start3A_149 = tpu.memref_squeeze %dma_start3A_148 : memref<1x!tpu.dma_semaphore, #tpu.memory_space<semaphore_mem>> -> memref<!tpu.dma_semaphore, #tpu.memory_space<semaphore_mem>>
      tpu.enqueue_indirect_dma source(%dma_start3A_141 : memref<128x128xf32, #tpu.memory_space<vmem>>) target(%dma_start3A_147 : memref<10112x128xf32, #tpu.memory_space<vmem_shared>>) offsets(%dma_start3A_144 : memref<128xi32, #tpu.memory_space<vmem>>) semaphore(%dma_start3A_149 : memref<!tpu.dma_semaphore, #tpu.memory_space<semaphore_mem>>) {add = true}
      %dma_wait3A_150 = arith.constant 0 : i32
      %dma_wait3A_151 = arith.constant 0 : i32
      %dma_wait3A_152 = arith.constant 0 : i32
      %dma_wait3A_153 = arith.constant 0 : i32
      %dma_wait3A_154 = arith.constant 0 : i32
      %dma_wait3A_155 = tpu.memref_slice %arg10[%dma_wait3A_150, %dma_wait3A_153, %dma_wait3A_154] : memref<2x128x128xf32, #tpu.memory_space<vmem>> -> memref<1x128x128xf32, #tpu.memory_space<vmem>>
      %dma_wait3A_156 = tpu.memref_squeeze %dma_wait3A_155 : memref<1x128x128xf32, #tpu.memory_space<vmem>> -> memref<128x128xf32, #tpu.memory_space<vmem>>
      %dma_wait3A_157 = arith.constant 0 : i32
      %dma_wait3A_158 = tpu.memref_slice %arg9[%dma_wait3A_151, %dma_wait3A_157] : memref<40x128xi32, #tpu.memory_space<vmem>> -> memref<1x128xi32, #tpu.memory_space<vmem>>
      %dma_wait3A_159 = tpu.memref_squeeze %dma_wait3A_158 : memref<1x128xi32, #tpu.memory_space<vmem>> -> memref<128xi32, #tpu.memory_space<vmem>>
      %dma_wait3A_160 = arith.constant 0 : i32
      %dma_wait3A_161 = arith.constant 0 : i32
      %dma_wait3A_162 = tpu.memref_slice %arg7[%dma_wait3A_160, %dma_wait3A_161] : memref<10112x128xf32, #tpu.memory_space<vmem_shared>> -> memref<10112x128xf32, #tpu.memory_space<vmem_shared>>
      %dma_wait3A_163 = tpu.memref_slice %arg12[%dma_wait3A_152] : memref<2x!tpu.dma_semaphore, #tpu.memory_space<semaphore_mem>> -> memref<1x!tpu.dma_semaphore, #tpu.memory_space<semaphore_mem>>
      %dma_wait3A_164 = tpu.memref_squeeze %dma_wait3A_163 : memref<1x!tpu.dma_semaphore, #tpu.memory_space<semaphore_mem>> -> memref<!tpu.dma_semaphore, #tpu.memory_space<semaphore_mem>>
      tpu.wait_indirect_dma semaphore(%dma_wait3A_164 : memref<!tpu.dma_semaphore, #tpu.memory_space<semaphore_mem>>) src(%dma_wait3A_156 : memref<128x128xf32, #tpu.memory_space<vmem>>) dst(%dma_wait3A_162 : memref<10112x128xf32, #tpu.memory_space<vmem_shared>>)
      %dma_wait3A_165 = arith.constant 1 : i32
      %dma_wait3A_166 = arith.constant 0 : i32
      %dma_wait3A_167 = arith.constant 1 : i32
      %dma_wait3A_168 = arith.constant 0 : i32
      %dma_wait3A_169 = arith.constant 0 : i32
      %dma_wait3A_170 = tpu.memref_slice %arg10[%dma_wait3A_165, %dma_wait3A_168, %dma_wait3A_169] : memref<2x128x128xf32, #tpu.memory_space<vmem>> -> memref<1x128x128xf32, #tpu.memory_space<vmem>>
      %dma_wait3A_171 = tpu.memref_squeeze %dma_wait3A_170 : memref<1x128x128xf32, #tpu.memory_space<vmem>> -> memref<128x128xf32, #tpu.memory_space<vmem>>
      %dma_wait3A_172 = arith.constant 0 : i32
      %dma_wait3A_173 = tpu.memref_slice %arg9[%dma_wait3A_166, %dma_wait3A_172] : memref<40x128xi32, #tpu.memory_space<vmem>> -> memref<1x128xi32, #tpu.memory_space<vmem>>
      %dma_wait3A_174 = tpu.memref_squeeze %dma_wait3A_173 : memref<1x128xi32, #tpu.memory_space<vmem>> -> memref<128xi32, #tpu.memory_space<vmem>>
      %dma_wait3A_175 = arith.constant 0 : i32
      %dma_wait3A_176 = arith.constant 0 : i32
      %dma_wait3A_177 = tpu.memref_slice %arg7[%dma_wait3A_175, %dma_wait3A_176] : memref<10112x128xf32, #tpu.memory_space<vmem_shared>> -> memref<10112x128xf32, #tpu.memory_space<vmem_shared>>
      %dma_wait3A_178 = tpu.memref_slice %arg12[%dma_wait3A_167] : memref<2x!tpu.dma_semaphore, #tpu.memory_space<semaphore_mem>> -> memref<1x!tpu.dma_semaphore, #tpu.memory_space<semaphore_mem>>
      %dma_wait3A_179 = tpu.memref_squeeze %dma_wait3A_178 : memref<1x!tpu.dma_semaphore, #tpu.memory_space<semaphore_mem>> -> memref<!tpu.dma_semaphore, #tpu.memory_space<semaphore_mem>>
      tpu.wait_indirect_dma semaphore(%dma_wait3A_179 : memref<!tpu.dma_semaphore, #tpu.memory_space<semaphore_mem>>) src(%dma_wait3A_171 : memref<128x128xf32, #tpu.memory_space<vmem>>) dst(%dma_wait3A_177 : memref<10112x128xf32, #tpu.memory_space<vmem_shared>>)
    }
    %while3A_29 = arith.constant 1 : i32
    scf.for %while3A_53 = %while3A_27 to %while3A_23 step %while3A_29  : i32 {
      %mul3A_54 = arith.constant 40 : i32
      %mul3A_55 = arith.muli %while3A_53, %mul3A_54 : i32
      %add3A_56 = arith.addi %select_n3A_20, %mul3A_55 : i32
      "tpu.region"() ({
        %run_scoped3A = tpu.sem_alloc : memref<!tpu.dma_semaphore, #tpu.memory_space<semaphore_mem>>
        %dma_start3A_180 = arith.constant 0 : i32
        %dma_start3A_181 = tpu.memref_slice %arg3[%add3A_56, %dma_start3A_180] : memref<2560x128xi32, #tpu.memory_space<hbm>> -> memref<40x128xi32, #tpu.memory_space<hbm>>
        %dma_start3A_182 = arith.constant 0 : i32
        %dma_start3A_183 = tpu.memref_slice %arg3[%add3A_56, %dma_start3A_182] : memref<2560x128xi32, #tpu.memory_space<hbm>> -> memref<40x128xi32, #tpu.memory_space<hbm>>
        tpu.enqueue_dma source(%dma_start3A_183 : memref<40x128xi32, #tpu.memory_space<hbm>>) target(%arg8 : memref<40x128xi32, #tpu.memory_space<vmem>>) target_semaphore(%run_scoped3A : memref<!tpu.dma_semaphore, #tpu.memory_space<semaphore_mem>>)
        %dma_wait3A_184 = arith.constant 0 : i32
        %dma_wait3A_185 = tpu.memref_slice %arg3[%add3A_56, %dma_wait3A_184] : memref<2560x128xi32, #tpu.memory_space<hbm>> -> memref<40x128xi32, #tpu.memory_space<hbm>>
        %dma_wait3A_186 = arith.constant 0 : i32
        %dma_wait3A_187 = tpu.memref_slice %arg3[%add3A_56, %dma_wait3A_186] : memref<2560x128xi32, #tpu.memory_space<hbm>> -> memref<40x128xi32, #tpu.memory_space<hbm>>
        tpu.wait_dma2 semaphore(%run_scoped3A : memref<!tpu.dma_semaphore, #tpu.memory_space<semaphore_mem>>) src(%dma_wait3A_187 : memref<40x128xi32, #tpu.memory_space<hbm>>) dst(%arg8 : memref<40x128xi32, #tpu.memory_space<vmem>>)
        tpu.yield
      }) : () -> ()
      "tpu.region"() ({
        %run_scoped3A = tpu.sem_alloc : memref<!tpu.dma_semaphore, #tpu.memory_space<semaphore_mem>>
        %dma_start3A_180 = arith.constant 0 : i32
        %dma_start3A_181 = tpu.memref_slice %arg4[%add3A_56, %dma_start3A_180] : memref<2560x128xi32, #tpu.memory_space<hbm>> -> memref<40x128xi32, #tpu.memory_space<hbm>>
        %dma_start3A_182 = arith.constant 0 : i32
        %dma_start3A_183 = tpu.memref_slice %arg4[%add3A_56, %dma_start3A_182] : memref<2560x128xi32, #tpu.memory_space<hbm>> -> memref<40x128xi32, #tpu.memory_space<hbm>>
        tpu.enqueue_dma source(%dma_start3A_183 : memref<40x128xi32, #tpu.memory_space<hbm>>) target(%arg9 : memref<40x128xi32, #tpu.memory_space<vmem>>) target_semaphore(%run_scoped3A : memref<!tpu.dma_semaphore, #tpu.memory_space<semaphore_mem>>)
        %dma_wait3A_184 = arith.constant 0 : i32
        %dma_wait3A_185 = tpu.memref_slice %arg4[%add3A_56, %dma_wait3A_184] : memref<2560x128xi32, #tpu.memory_space<hbm>> -> memref<40x128xi32, #tpu.memory_space<hbm>>
        %dma_wait3A_186 = arith.constant 0 : i32
        %dma_wait3A_187 = tpu.memref_slice %arg4[%add3A_56, %dma_wait3A_186] : memref<2560x128xi32, #tpu.memory_space<hbm>> -> memref<40x128xi32, #tpu.memory_space<hbm>>
        tpu.wait_dma2 semaphore(%run_scoped3A : memref<!tpu.dma_semaphore, #tpu.memory_space<semaphore_mem>>) src(%dma_wait3A_187 : memref<40x128xi32, #tpu.memory_space<hbm>>) dst(%arg9 : memref<40x128xi32, #tpu.memory_space<vmem>>)
        tpu.yield
      }) : () -> ()
      %dma_start3A = arith.constant 0 : i32
      %dma_start3A_57 = arith.constant 0 : i32
      %dma_start3A_58 = arith.constant 0 : i32
      %dma_start3A_59 = arith.constant 0 : i32
      %dma_start3A_60 = arith.constant 0 : i32
      %dma_start3A_61 = tpu.memref_slice %arg10[%dma_start3A_57, %dma_start3A_59, %dma_start3A_60] : memref<2x128x128xf32, #tpu.memory_space<vmem>> -> memref<1x128x128xf32, #tpu.memory_space<vmem>>
      %dma_start3A_62 = tpu.memref_squeeze %dma_start3A_61 : memref<1x128x128xf32, #tpu.memory_space<vmem>> -> memref<128x128xf32, #tpu.memory_space<vmem>>
      %dma_start3A_63 = arith.constant 0 : i32
      %dma_start3A_64 = tpu.memref_slice %arg8[%dma_start3A, %dma_start3A_63] : memref<40x128xi32, #tpu.memory_space<vmem>> -> memref<1x128xi32, #tpu.memory_space<vmem>>
      %dma_start3A_65 = tpu.memref_squeeze %dma_start3A_64 : memref<1x128xi32, #tpu.memory_space<vmem>> -> memref<128xi32, #tpu.memory_space<vmem>>
      %dma_start3A_66 = arith.constant 0 : i32
      %dma_start3A_67 = arith.constant 0 : i32
      %dma_start3A_68 = tpu.memref_slice %arg2[%dma_start3A_66, %dma_start3A_67] : memref<10000x128xf32, #tpu.memory_space<hbm>> -> memref<10000x128xf32, #tpu.memory_space<hbm>>
      %dma_start3A_69 = tpu.memref_slice %arg11[%dma_start3A_58] : memref<2x!tpu.dma_semaphore, #tpu.memory_space<semaphore_mem>> -> memref<1x!tpu.dma_semaphore, #tpu.memory_space<semaphore_mem>>
      %dma_start3A_70 = tpu.memref_squeeze %dma_start3A_69 : memref<1x!tpu.dma_semaphore, #tpu.memory_space<semaphore_mem>> -> memref<!tpu.dma_semaphore, #tpu.memory_space<semaphore_mem>>
      tpu.enqueue_indirect_dma source(%dma_start3A_68 : memref<10000x128xf32, #tpu.memory_space<hbm>>) target(%dma_start3A_62 : memref<128x128xf32, #tpu.memory_space<vmem>>) offsets(%dma_start3A_65 : memref<128xi32, #tpu.memory_space<vmem>>) semaphore(%dma_start3A_70 : memref<!tpu.dma_semaphore, #tpu.memory_space<semaphore_mem>>)
      %dma_start3A_71 = arith.constant 1 : i32
      %dma_start3A_72 = arith.constant 1 : i32
      %dma_start3A_73 = arith.constant 1 : i32
      %dma_start3A_74 = arith.constant 0 : i32
      %dma_start3A_75 = arith.constant 0 : i32
      %dma_start3A_76 = tpu.memref_slice %arg10[%dma_start3A_72, %dma_start3A_74, %dma_start3A_75] : memref<2x128x128xf32, #tpu.memory_space<vmem>> -> memref<1x128x128xf32, #tpu.memory_space<vmem>>
      %dma_start3A_77 = tpu.memref_squeeze %dma_start3A_76 : memref<1x128x128xf32, #tpu.memory_space<vmem>> -> memref<128x128xf32, #tpu.memory_space<vmem>>
      %dma_start3A_78 = arith.constant 0 : i32
      %dma_start3A_79 = tpu.memref_slice %arg8[%dma_start3A_71, %dma_start3A_78] : memref<40x128xi32, #tpu.memory_space<vmem>> -> memref<1x128xi32, #tpu.memory_space<vmem>>
      %dma_start3A_80 = tpu.memref_squeeze %dma_start3A_79 : memref<1x128xi32, #tpu.memory_space<vmem>> -> memref<128xi32, #tpu.memory_space<vmem>>
      %dma_start3A_81 = arith.constant 0 : i32
      %dma_start3A_82 = arith.constant 0 : i32
      %dma_start3A_83 = tpu.memref_slice %arg2[%dma_start3A_81, %dma_start3A_82] : memref<10000x128xf32, #tpu.memory_space<hbm>> -> memref<10000x128xf32, #tpu.memory_space<hbm>>
      %dma_start3A_84 = tpu.memref_slice %arg11[%dma_start3A_73] : memref<2x!tpu.dma_semaphore, #tpu.memory_space<semaphore_mem>> -> memref<1x!tpu.dma_semaphore, #tpu.memory_space<semaphore_mem>>
      %dma_start3A_85 = tpu.memref_squeeze %dma_start3A_84 : memref<1x!tpu.dma_semaphore, #tpu.memory_space<semaphore_mem>> -> memref<!tpu.dma_semaphore, #tpu.memory_space<semaphore_mem>>
      tpu.enqueue_indirect_dma source(%dma_start3A_83 : memref<10000x128xf32, #tpu.memory_space<hbm>>) target(%dma_start3A_77 : memref<128x128xf32, #tpu.memory_space<vmem>>) offsets(%dma_start3A_80 : memref<128xi32, #tpu.memory_space<vmem>>) semaphore(%dma_start3A_85 : memref<!tpu.dma_semaphore, #tpu.memory_space<semaphore_mem>>)
      %scan3A = arith.constant 0 : i32
      %scan3A_86 = arith.constant 0 : i32
      %scan3A_87 = arith.constant 19 : i32
      %scan3A_88 = arith.addi %scan3A_86, %scan3A_87 : i32
      %scan3A_89 = arith.constant 1 : i32
      scf.for %scan3A_180 = %scan3A_86 to %scan3A_88 step %scan3A_89  : i32 {
        %dma_wait3A_181 = arith.constant 0 : i32
        %dma_wait3A_182 = arith.constant 0 : i32
        %dma_wait3A_183 = arith.constant 0 : i32
        %dma_wait3A_184 = arith.constant 0 : i32
        %dma_wait3A_185 = arith.constant 0 : i32
        %dma_wait3A_186 = tpu.memref_slice %arg10[%dma_wait3A_182, %dma_wait3A_184, %dma_wait3A_185] : memref<2x128x128xf32, #tpu.memory_space<vmem>> -> memref<1x128x128xf32, #tpu.memory_space<vmem>>
        %dma_wait3A_187 = tpu.memref_squeeze %dma_wait3A_186 : memref<1x128x128xf32, #tpu.memory_space<vmem>> -> memref<128x128xf32, #tpu.memory_space<vmem>>
        %dma_wait3A_188 = arith.constant 0 : i32
        %dma_wait3A_189 = tpu.memref_slice %arg8[%dma_wait3A_181, %dma_wait3A_188] : memref<40x128xi32, #tpu.memory_space<vmem>> -> memref<1x128xi32, #tpu.memory_space<vmem>>
        %dma_wait3A_190 = tpu.memref_squeeze %dma_wait3A_189 : memref<1x128xi32, #tpu.memory_space<vmem>> -> memref<128xi32, #tpu.memory_space<vmem>>
        %dma_wait3A_191 = arith.constant 0 : i32
        %dma_wait3A_192 = arith.constant 0 : i32
        %dma_wait3A_193 = tpu.memref_slice %arg2[%dma_wait3A_191, %dma_wait3A_192] : memref<10000x128xf32, #tpu.memory_space<hbm>> -> memref<10000x128xf32, #tpu.memory_space<hbm>>
        %dma_wait3A_194 = tpu.memref_slice %arg11[%dma_wait3A_183] : memref<2x!tpu.dma_semaphore, #tpu.memory_space<semaphore_mem>> -> memref<1x!tpu.dma_semaphore, #tpu.memory_space<semaphore_mem>>
        %dma_wait3A_195 = tpu.memref_squeeze %dma_wait3A_194 : memref<1x!tpu.dma_semaphore, #tpu.memory_space<semaphore_mem>> -> memref<!tpu.dma_semaphore, #tpu.memory_space<semaphore_mem>>
        tpu.wait_indirect_dma semaphore(%dma_wait3A_195 : memref<!tpu.dma_semaphore, #tpu.memory_space<semaphore_mem>>) src(%dma_wait3A_193 : memref<10000x128xf32, #tpu.memory_space<hbm>>) dst(%dma_wait3A_187 : memref<128x128xf32, #tpu.memory_space<vmem>>)
        %mul3A_196 = arith.constant 2 : i32
        %mul3A_197 = arith.muli %scan3A_180, %mul3A_196 : i32
        %add3A_198 = arith.constant 0 : i32
        %add3A_199 = arith.addi %mul3A_197, %add3A_198 : i32
        %dma_start3A_200 = arith.constant 0 : i32
        %dma_start3A_201 = arith.constant 0 : i32
        %dma_start3A_202 = arith.constant 0 : i32
        %dma_start3A_203 = arith.constant 0 : i32
        %dma_start3A_204 = tpu.memref_slice %arg10[%dma_start3A_200, %dma_start3A_202, %dma_start3A_203] : memref<2x128x128xf32, #tpu.memory_space<vmem>> -> memref<1x128x128xf32, #tpu.memory_space<vmem>>
        %dma_start3A_205 = tpu.memref_squeeze %dma_start3A_204 : memref<1x128x128xf32, #tpu.memory_space<vmem>> -> memref<128x128xf32, #tpu.memory_space<vmem>>
        %dma_start3A_206 = arith.constant 0 : i32
        %dma_start3A_207 = tpu.memref_slice %arg9[%add3A_199, %dma_start3A_206] : memref<40x128xi32, #tpu.memory_space<vmem>> -> memref<1x128xi32, #tpu.memory_space<vmem>>
        %dma_start3A_208 = tpu.memref_squeeze %dma_start3A_207 : memref<1x128xi32, #tpu.memory_space<vmem>> -> memref<128xi32, #tpu.memory_space<vmem>>
        %dma_start3A_209 = arith.constant 0 : i32
        %dma_start3A_210 = arith.constant 0 : i32
        %dma_start3A_211 = tpu.memref_slice %arg7[%dma_start3A_209, %dma_start3A_210] : memref<10112x128xf32, #tpu.memory_space<vmem_shared>> -> memref<10112x128xf32, #tpu.memory_space<vmem_shared>>
        %dma_start3A_212 = tpu.memref_slice %arg12[%dma_start3A_201] : memref<2x!tpu.dma_semaphore, #tpu.memory_space<semaphore_mem>> -> memref<1x!tpu.dma_semaphore, #tpu.memory_space<semaphore_mem>>
        %dma_start3A_213 = tpu.memref_squeeze %dma_start3A_212 : memref<1x!tpu.dma_semaphore, #tpu.memory_space<semaphore_mem>> -> memref<!tpu.dma_semaphore, #tpu.memory_space<semaphore_mem>>
        tpu.enqueue_indirect_dma source(%dma_start3A_205 : memref<128x128xf32, #tpu.memory_space<vmem>>) target(%dma_start3A_211 : memref<10112x128xf32, #tpu.memory_space<vmem_shared>>) offsets(%dma_start3A_208 : memref<128xi32, #tpu.memory_space<vmem>>) semaphore(%dma_start3A_213 : memref<!tpu.dma_semaphore, #tpu.memory_space<semaphore_mem>>) {add = true}
        %dma_wait3A_214 = arith.constant 0 : i32
        %dma_wait3A_215 = arith.constant 1 : i32
        %dma_wait3A_216 = arith.constant 1 : i32
        %dma_wait3A_217 = arith.constant 0 : i32
        %dma_wait3A_218 = arith.constant 0 : i32
        %dma_wait3A_219 = tpu.memref_slice %arg10[%dma_wait3A_215, %dma_wait3A_217, %dma_wait3A_218] : memref<2x128x128xf32, #tpu.memory_space<vmem>> -> memref<1x128x128xf32, #tpu.memory_space<vmem>>
        %dma_wait3A_220 = tpu.memref_squeeze %dma_wait3A_219 : memref<1x128x128xf32, #tpu.memory_space<vmem>> -> memref<128x128xf32, #tpu.memory_space<vmem>>
        %dma_wait3A_221 = arith.constant 0 : i32
        %dma_wait3A_222 = tpu.memref_slice %arg8[%dma_wait3A_214, %dma_wait3A_221] : memref<40x128xi32, #tpu.memory_space<vmem>> -> memref<1x128xi32, #tpu.memory_space<vmem>>
        %dma_wait3A_223 = tpu.memref_squeeze %dma_wait3A_222 : memref<1x128xi32, #tpu.memory_space<vmem>> -> memref<128xi32, #tpu.memory_space<vmem>>
        %dma_wait3A_224 = arith.constant 0 : i32
        %dma_wait3A_225 = arith.constant 0 : i32
        %dma_wait3A_226 = tpu.memref_slice %arg2[%dma_wait3A_224, %dma_wait3A_225] : memref<10000x128xf32, #tpu.memory_space<hbm>> -> memref<10000x128xf32, #tpu.memory_space<hbm>>
        %dma_wait3A_227 = tpu.memref_slice %arg11[%dma_wait3A_216] : memref<2x!tpu.dma_semaphore, #tpu.memory_space<semaphore_mem>> -> memref<1x!tpu.dma_semaphore, #tpu.memory_space<semaphore_mem>>
        %dma_wait3A_228 = tpu.memref_squeeze %dma_wait3A_227 : memref<1x!tpu.dma_semaphore, #tpu.memory_space<semaphore_mem>> -> memref<!tpu.dma_semaphore, #tpu.memory_space<semaphore_mem>>
        tpu.wait_indirect_dma semaphore(%dma_wait3A_228 : memref<!tpu.dma_semaphore, #tpu.memory_space<semaphore_mem>>) src(%dma_wait3A_226 : memref<10000x128xf32, #tpu.memory_space<hbm>>) dst(%dma_wait3A_220 : memref<128x128xf32, #tpu.memory_space<vmem>>)
        %mul3A_229 = arith.constant 2 : i32
        %mul3A_230 = arith.muli %scan3A_180, %mul3A_229 : i32
        %add3A_231 = arith.constant 1 : i32
        %add3A_232 = arith.addi %mul3A_230, %add3A_231 : i32
        %dma_start3A_233 = arith.constant 1 : i32
        %dma_start3A_234 = arith.constant 1 : i32
        %dma_start3A_235 = arith.constant 0 : i32
        %dma_start3A_236 = arith.constant 0 : i32
        %dma_start3A_237 = tpu.memref_slice %arg10[%dma_start3A_233, %dma_start3A_235, %dma_start3A_236] : memref<2x128x128xf32, #tpu.memory_space<vmem>> -> memref<1x128x128xf32, #tpu.memory_space<vmem>>
        %dma_start3A_238 = tpu.memref_squeeze %dma_start3A_237 : memref<1x128x128xf32, #tpu.memory_space<vmem>> -> memref<128x128xf32, #tpu.memory_space<vmem>>
        %dma_start3A_239 = arith.constant 0 : i32
        %dma_start3A_240 = tpu.memref_slice %arg9[%add3A_232, %dma_start3A_239] : memref<40x128xi32, #tpu.memory_space<vmem>> -> memref<1x128xi32, #tpu.memory_space<vmem>>
        %dma_start3A_241 = tpu.memref_squeeze %dma_start3A_240 : memref<1x128xi32, #tpu.memory_space<vmem>> -> memref<128xi32, #tpu.memory_space<vmem>>
        %dma_start3A_242 = arith.constant 0 : i32
        %dma_start3A_243 = arith.constant 0 : i32
        %dma_start3A_244 = tpu.memref_slice %arg7[%dma_start3A_242, %dma_start3A_243] : memref<10112x128xf32, #tpu.memory_space<vmem_shared>> -> memref<10112x128xf32, #tpu.memory_space<vmem_shared>>
        %dma_start3A_245 = tpu.memref_slice %arg12[%dma_start3A_234] : memref<2x!tpu.dma_semaphore, #tpu.memory_space<semaphore_mem>> -> memref<1x!tpu.dma_semaphore, #tpu.memory_space<semaphore_mem>>
        %dma_start3A_246 = tpu.memref_squeeze %dma_start3A_245 : memref<1x!tpu.dma_semaphore, #tpu.memory_space<semaphore_mem>> -> memref<!tpu.dma_semaphore, #tpu.memory_space<semaphore_mem>>
        tpu.enqueue_indirect_dma source(%dma_start3A_238 : memref<128x128xf32, #tpu.memory_space<vmem>>) target(%dma_start3A_244 : memref<10112x128xf32, #tpu.memory_space<vmem_shared>>) offsets(%dma_start3A_241 : memref<128xi32, #tpu.memory_space<vmem>>) semaphore(%dma_start3A_246 : memref<!tpu.dma_semaphore, #tpu.memory_space<semaphore_mem>>) {add = true}
        %dma_wait3A_247 = arith.constant 0 : i32
        %dma_wait3A_248 = arith.constant 0 : i32
        %dma_wait3A_249 = arith.constant 0 : i32
        %dma_wait3A_250 = arith.constant 0 : i32
        %dma_wait3A_251 = arith.constant 0 : i32
        %dma_wait3A_252 = tpu.memref_slice %arg10[%dma_wait3A_247, %dma_wait3A_250, %dma_wait3A_251] : memref<2x128x128xf32, #tpu.memory_space<vmem>> -> memref<1x128x128xf32, #tpu.memory_space<vmem>>
        %dma_wait3A_253 = tpu.memref_squeeze %dma_wait3A_252 : memref<1x128x128xf32, #tpu.memory_space<vmem>> -> memref<128x128xf32, #tpu.memory_space<vmem>>
        %dma_wait3A_254 = arith.constant 0 : i32
        %dma_wait3A_255 = tpu.memref_slice %arg9[%dma_wait3A_248, %dma_wait3A_254] : memref<40x128xi32, #tpu.memory_space<vmem>> -> memref<1x128xi32, #tpu.memory_space<vmem>>
        %dma_wait3A_256 = tpu.memref_squeeze %dma_wait3A_255 : memref<1x128xi32, #tpu.memory_space<vmem>> -> memref<128xi32, #tpu.memory_space<vmem>>
        %dma_wait3A_257 = arith.constant 0 : i32
        %dma_wait3A_258 = arith.constant 0 : i32
        %dma_wait3A_259 = tpu.memref_slice %arg7[%dma_wait3A_257, %dma_wait3A_258] : memref<10112x128xf32, #tpu.memory_space<vmem_shared>> -> memref<10112x128xf32, #tpu.memory_space<vmem_shared>>
        %dma_wait3A_260 = tpu.memref_slice %arg12[%dma_wait3A_249] : memref<2x!tpu.dma_semaphore, #tpu.memory_space<semaphore_mem>> -> memref<1x!tpu.dma_semaphore, #tpu.memory_space<semaphore_mem>>
        %dma_wait3A_261 = tpu.memref_squeeze %dma_wait3A_260 : memref<1x!tpu.dma_semaphore, #tpu.memory_space<semaphore_mem>> -> memref<!tpu.dma_semaphore, #tpu.memory_space<semaphore_mem>>
        tpu.wait_indirect_dma semaphore(%dma_wait3A_261 : memref<!tpu.dma_semaphore, #tpu.memory_space<semaphore_mem>>) src(%dma_wait3A_253 : memref<128x128xf32, #tpu.memory_space<vmem>>) dst(%dma_wait3A_259 : memref<10112x128xf32, #tpu.memory_space<vmem_shared>>)
        %add3A_262 = arith.constant 1 : i32
        %add3A_263 = arith.addi %scan3A_180, %add3A_262 : i32
        %mul3A_264 = arith.constant 2 : i32
        %mul3A_265 = arith.muli %add3A_263, %mul3A_264 : i32
        %add3A_266 = arith.constant 0 : i32
        %add3A_267 = arith.addi %mul3A_265, %add3A_266 : i32
        %dma_start3A_268 = arith.constant 0 : i32
        %dma_start3A_269 = arith.constant 0 : i32
        %dma_start3A_270 = arith.constant 0 : i32
        %dma_start3A_271 = arith.constant 0 : i32
        %dma_start3A_272 = tpu.memref_slice %arg10[%dma_start3A_268, %dma_start3A_270, %dma_start3A_271] : memref<2x128x128xf32, #tpu.memory_space<vmem>> -> memref<1x128x128xf32, #tpu.memory_space<vmem>>
        %dma_start3A_273 = tpu.memref_squeeze %dma_start3A_272 : memref<1x128x128xf32, #tpu.memory_space<vmem>> -> memref<128x128xf32, #tpu.memory_space<vmem>>
        %dma_start3A_274 = arith.constant 0 : i32
        %dma_start3A_275 = tpu.memref_slice %arg8[%add3A_267, %dma_start3A_274] : memref<40x128xi32, #tpu.memory_space<vmem>> -> memref<1x128xi32, #tpu.memory_space<vmem>>
        %dma_start3A_276 = tpu.memref_squeeze %dma_start3A_275 : memref<1x128xi32, #tpu.memory_space<vmem>> -> memref<128xi32, #tpu.memory_space<vmem>>
        %dma_start3A_277 = arith.constant 0 : i32
        %dma_start3A_278 = arith.constant 0 : i32
        %dma_start3A_279 = tpu.memref_slice %arg2[%dma_start3A_277, %dma_start3A_278] : memref<10000x128xf32, #tpu.memory_space<hbm>> -> memref<10000x128xf32, #tpu.memory_space<hbm>>
        %dma_start3A_280 = tpu.memref_slice %arg11[%dma_start3A_269] : memref<2x!tpu.dma_semaphore, #tpu.memory_space<semaphore_mem>> -> memref<1x!tpu.dma_semaphore, #tpu.memory_space<semaphore_mem>>
        %dma_start3A_281 = tpu.memref_squeeze %dma_start3A_280 : memref<1x!tpu.dma_semaphore, #tpu.memory_space<semaphore_mem>> -> memref<!tpu.dma_semaphore, #tpu.memory_space<semaphore_mem>>
        tpu.enqueue_indirect_dma source(%dma_start3A_279 : memref<10000x128xf32, #tpu.memory_space<hbm>>) target(%dma_start3A_273 : memref<128x128xf32, #tpu.memory_space<vmem>>) offsets(%dma_start3A_276 : memref<128xi32, #tpu.memory_space<vmem>>) semaphore(%dma_start3A_281 : memref<!tpu.dma_semaphore, #tpu.memory_space<semaphore_mem>>)
        %dma_wait3A_282 = arith.constant 1 : i32
        %dma_wait3A_283 = arith.constant 0 : i32
        %dma_wait3A_284 = arith.constant 1 : i32
        %dma_wait3A_285 = arith.constant 0 : i32
        %dma_wait3A_286 = arith.constant 0 : i32
        %dma_wait3A_287 = tpu.memref_slice %arg10[%dma_wait3A_282, %dma_wait3A_285, %dma_wait3A_286] : memref<2x128x128xf32, #tpu.memory_space<vmem>> -> memref<1x128x128xf32, #tpu.memory_space<vmem>>
        %dma_wait3A_288 = tpu.memref_squeeze %dma_wait3A_287 : memref<1x128x128xf32, #tpu.memory_space<vmem>> -> memref<128x128xf32, #tpu.memory_space<vmem>>
        %dma_wait3A_289 = arith.constant 0 : i32
        %dma_wait3A_290 = tpu.memref_slice %arg9[%dma_wait3A_283, %dma_wait3A_289] : memref<40x128xi32, #tpu.memory_space<vmem>> -> memref<1x128xi32, #tpu.memory_space<vmem>>
        %dma_wait3A_291 = tpu.memref_squeeze %dma_wait3A_290 : memref<1x128xi32, #tpu.memory_space<vmem>> -> memref<128xi32, #tpu.memory_space<vmem>>
        %dma_wait3A_292 = arith.constant 0 : i32
        %dma_wait3A_293 = arith.constant 0 : i32
        %dma_wait3A_294 = tpu.memref_slice %arg7[%dma_wait3A_292, %dma_wait3A_293] : memref<10112x128xf32, #tpu.memory_space<vmem_shared>> -> memref<10112x128xf32, #tpu.memory_space<vmem_shared>>
        %dma_wait3A_295 = tpu.memref_slice %arg12[%dma_wait3A_284] : memref<2x!tpu.dma_semaphore, #tpu.memory_space<semaphore_mem>> -> memref<1x!tpu.dma_semaphore, #tpu.memory_space<semaphore_mem>>
        %dma_wait3A_296 = tpu.memref_squeeze %dma_wait3A_295 : memref<1x!tpu.dma_semaphore, #tpu.memory_space<semaphore_mem>> -> memref<!tpu.dma_semaphore, #tpu.memory_space<semaphore_mem>>
        tpu.wait_indirect_dma semaphore(%dma_wait3A_296 : memref<!tpu.dma_semaphore, #tpu.memory_space<semaphore_mem>>) src(%dma_wait3A_288 : memref<128x128xf32, #tpu.memory_space<vmem>>) dst(%dma_wait3A_294 : memref<10112x128xf32, #tpu.memory_space<vmem_shared>>)
        %add3A_297 = arith.constant 1 : i32
        %add3A_298 = arith.addi %scan3A_180, %add3A_297 : i32
        %mul3A_299 = arith.constant 2 : i32
        %mul3A_300 = arith.muli %add3A_298, %mul3A_299 : i32
        %add3A_301 = arith.constant 1 : i32
        %add3A_302 = arith.addi %mul3A_300, %add3A_301 : i32
        %dma_start3A_303 = arith.constant 1 : i32
        %dma_start3A_304 = arith.constant 1 : i32
        %dma_start3A_305 = arith.constant 0 : i32
        %dma_start3A_306 = arith.constant 0 : i32
        %dma_start3A_307 = tpu.memref_slice %arg10[%dma_start3A_303, %dma_start3A_305, %dma_start3A_306] : memref<2x128x128xf32, #tpu.memory_space<vmem>> -> memref<1x128x128xf32, #tpu.memory_space<vmem>>
        %dma_start3A_308 = tpu.memref_squeeze %dma_start3A_307 : memref<1x128x128xf32, #tpu.memory_space<vmem>> -> memref<128x128xf32, #tpu.memory_space<vmem>>
        %dma_start3A_309 = arith.constant 0 : i32
        %dma_start3A_310 = tpu.memref_slice %arg8[%add3A_302, %dma_start3A_309] : memref<40x128xi32, #tpu.memory_space<vmem>> -> memref<1x128xi32, #tpu.memory_space<vmem>>
        %dma_start3A_311 = tpu.memref_squeeze %dma_start3A_310 : memref<1x128xi32, #tpu.memory_space<vmem>> -> memref<128xi32, #tpu.memory_space<vmem>>
        %dma_start3A_312 = arith.constant 0 : i32
        %dma_start3A_313 = arith.constant 0 : i32
        %dma_start3A_314 = tpu.memref_slice %arg2[%dma_start3A_312, %dma_start3A_313] : memref<10000x128xf32, #tpu.memory_space<hbm>> -> memref<10000x128xf32, #tpu.memory_space<hbm>>
        %dma_start3A_315 = tpu.memref_slice %arg11[%dma_start3A_304] : memref<2x!tpu.dma_semaphore, #tpu.memory_space<semaphore_mem>> -> memref<1x!tpu.dma_semaphore, #tpu.memory_space<semaphore_mem>>
        %dma_start3A_316 = tpu.memref_squeeze %dma_start3A_315 : memref<1x!tpu.dma_semaphore, #tpu.memory_space<semaphore_mem>> -> memref<!tpu.dma_semaphore, #tpu.memory_space<semaphore_mem>>
        tpu.enqueue_indirect_dma source(%dma_start3A_314 : memref<10000x128xf32, #tpu.memory_space<hbm>>) target(%dma_start3A_308 : memref<128x128xf32, #tpu.memory_space<vmem>>) offsets(%dma_start3A_311 : memref<128xi32, #tpu.memory_space<vmem>>) semaphore(%dma_start3A_316 : memref<!tpu.dma_semaphore, #tpu.memory_space<semaphore_mem>>)
      }
      %scan3A_90 = arith.constant 19 : i32
      %dma_wait3A = arith.constant 0 : i32
      %dma_wait3A_91 = arith.constant 0 : i32
      %dma_wait3A_92 = arith.constant 0 : i32
      %dma_wait3A_93 = arith.constant 0 : i32
      %dma_wait3A_94 = arith.constant 0 : i32
      %dma_wait3A_95 = tpu.memref_slice %arg10[%dma_wait3A_91, %dma_wait3A_93, %dma_wait3A_94] : memref<2x128x128xf32, #tpu.memory_space<vmem>> -> memref<1x128x128xf32, #tpu.memory_space<vmem>>
      %dma_wait3A_96 = tpu.memref_squeeze %dma_wait3A_95 : memref<1x128x128xf32, #tpu.memory_space<vmem>> -> memref<128x128xf32, #tpu.memory_space<vmem>>
      %dma_wait3A_97 = arith.constant 0 : i32
      %dma_wait3A_98 = tpu.memref_slice %arg8[%dma_wait3A, %dma_wait3A_97] : memref<40x128xi32, #tpu.memory_space<vmem>> -> memref<1x128xi32, #tpu.memory_space<vmem>>
      %dma_wait3A_99 = tpu.memref_squeeze %dma_wait3A_98 : memref<1x128xi32, #tpu.memory_space<vmem>> -> memref<128xi32, #tpu.memory_space<vmem>>
      %dma_wait3A_100 = arith.constant 0 : i32
      %dma_wait3A_101 = arith.constant 0 : i32
      %dma_wait3A_102 = tpu.memref_slice %arg2[%dma_wait3A_100, %dma_wait3A_101] : memref<10000x128xf32, #tpu.memory_space<hbm>> -> memref<10000x128xf32, #tpu.memory_space<hbm>>
      %dma_wait3A_103 = tpu.memref_slice %arg11[%dma_wait3A_92] : memref<2x!tpu.dma_semaphore, #tpu.memory_space<semaphore_mem>> -> memref<1x!tpu.dma_semaphore, #tpu.memory_space<semaphore_mem>>
      %dma_wait3A_104 = tpu.memref_squeeze %dma_wait3A_103 : memref<1x!tpu.dma_semaphore, #tpu.memory_space<semaphore_mem>> -> memref<!tpu.dma_semaphore, #tpu.memory_space<semaphore_mem>>
      tpu.wait_indirect_dma semaphore(%dma_wait3A_104 : memref<!tpu.dma_semaphore, #tpu.memory_space<semaphore_mem>>) src(%dma_wait3A_102 : memref<10000x128xf32, #tpu.memory_space<hbm>>) dst(%dma_wait3A_96 : memref<128x128xf32, #tpu.memory_space<vmem>>)
      %dma_start3A_105 = arith.constant 0 : i32
      %dma_start3A_106 = arith.constant 38 : i32
      %dma_start3A_107 = arith.constant 0 : i32
      %dma_start3A_108 = arith.constant 0 : i32
      %dma_start3A_109 = arith.constant 0 : i32
      %dma_start3A_110 = tpu.memref_slice %arg10[%dma_start3A_105, %dma_start3A_108, %dma_start3A_109] : memref<2x128x128xf32, #tpu.memory_space<vmem>> -> memref<1x128x128xf32, #tpu.memory_space<vmem>>
      %dma_start3A_111 = tpu.memref_squeeze %dma_start3A_110 : memref<1x128x128xf32, #tpu.memory_space<vmem>> -> memref<128x128xf32, #tpu.memory_space<vmem>>
      %dma_start3A_112 = arith.constant 0 : i32
      %dma_start3A_113 = tpu.memref_slice %arg9[%dma_start3A_106, %dma_start3A_112] : memref<40x128xi32, #tpu.memory_space<vmem>> -> memref<1x128xi32, #tpu.memory_space<vmem>>
      %dma_start3A_114 = tpu.memref_squeeze %dma_start3A_113 : memref<1x128xi32, #tpu.memory_space<vmem>> -> memref<128xi32, #tpu.memory_space<vmem>>
      %dma_start3A_115 = arith.constant 0 : i32
      %dma_start3A_116 = arith.constant 0 : i32
      %dma_start3A_117 = tpu.memref_slice %arg7[%dma_start3A_115, %dma_start3A_116] : memref<10112x128xf32, #tpu.memory_space<vmem_shared>> -> memref<10112x128xf32, #tpu.memory_space<vmem_shared>>
      %dma_start3A_118 = tpu.memref_slice %arg12[%dma_start3A_107] : memref<2x!tpu.dma_semaphore, #tpu.memory_space<semaphore_mem>> -> memref<1x!tpu.dma_semaphore, #tpu.memory_space<semaphore_mem>>
      %dma_start3A_119 = tpu.memref_squeeze %dma_start3A_118 : memref<1x!tpu.dma_semaphore, #tpu.memory_space<semaphore_mem>> -> memref<!tpu.dma_semaphore, #tpu.memory_space<semaphore_mem>>
      tpu.enqueue_indirect_dma source(%dma_start3A_111 : memref<128x128xf32, #tpu.memory_space<vmem>>) target(%dma_start3A_117 : memref<10112x128xf32, #tpu.memory_space<vmem_shared>>) offsets(%dma_start3A_114 : memref<128xi32, #tpu.memory_space<vmem>>) semaphore(%dma_start3A_119 : memref<!tpu.dma_semaphore, #tpu.memory_space<semaphore_mem>>) {add = true}
      %dma_wait3A_120 = arith.constant 0 : i32
      %dma_wait3A_121 = arith.constant 1 : i32
      %dma_wait3A_122 = arith.constant 1 : i32
      %dma_wait3A_123 = arith.constant 0 : i32
      %dma_wait3A_124 = arith.constant 0 : i32
      %dma_wait3A_125 = tpu.memref_slice %arg10[%dma_wait3A_121, %dma_wait3A_123, %dma_wait3A_124] : memref<2x128x128xf32, #tpu.memory_space<vmem>> -> memref<1x128x128xf32, #tpu.memory_space<vmem>>
      %dma_wait3A_126 = tpu.memref_squeeze %dma_wait3A_125 : memref<1x128x128xf32, #tpu.memory_space<vmem>> -> memref<128x128xf32, #tpu.memory_space<vmem>>
      %dma_wait3A_127 = arith.constant 0 : i32
      %dma_wait3A_128 = tpu.memref_slice %arg8[%dma_wait3A_120, %dma_wait3A_127] : memref<40x128xi32, #tpu.memory_space<vmem>> -> memref<1x128xi32, #tpu.memory_space<vmem>>
      %dma_wait3A_129 = tpu.memref_squeeze %dma_wait3A_128 : memref<1x128xi32, #tpu.memory_space<vmem>> -> memref<128xi32, #tpu.memory_space<vmem>>
      %dma_wait3A_130 = arith.constant 0 : i32
      %dma_wait3A_131 = arith.constant 0 : i32
      %dma_wait3A_132 = tpu.memref_slice %arg2[%dma_wait3A_130, %dma_wait3A_131] : memref<10000x128xf32, #tpu.memory_space<hbm>> -> memref<10000x128xf32, #tpu.memory_space<hbm>>
      %dma_wait3A_133 = tpu.memref_slice %arg11[%dma_wait3A_122] : memref<2x!tpu.dma_semaphore, #tpu.memory_space<semaphore_mem>> -> memref<1x!tpu.dma_semaphore, #tpu.memory_space<semaphore_mem>>
      %dma_wait3A_134 = tpu.memref_squeeze %dma_wait3A_133 : memref<1x!tpu.dma_semaphore, #tpu.memory_space<semaphore_mem>> -> memref<!tpu.dma_semaphore, #tpu.memory_space<semaphore_mem>>
      tpu.wait_indirect_dma semaphore(%dma_wait3A_134 : memref<!tpu.dma_semaphore, #tpu.memory_space<semaphore_mem>>) src(%dma_wait3A_132 : memref<10000x128xf32, #tpu.memory_space<hbm>>) dst(%dma_wait3A_126 : memref<128x128xf32, #tpu.memory_space<vmem>>)
      %dma_start3A_135 = arith.constant 1 : i32
      %dma_start3A_136 = arith.constant 39 : i32
      %dma_start3A_137 = arith.constant 1 : i32
      %dma_start3A_138 = arith.constant 0 : i32
      %dma_start3A_139 = arith.constant 0 : i32
      %dma_start3A_140 = tpu.memref_slice %arg10[%dma_start3A_135, %dma_start3A_138, %dma_start3A_139] : memref<2x128x128xf32, #tpu.memory_space<vmem>> -> memref<1x128x128xf32, #tpu.memory_space<vmem>>
      %dma_start3A_141 = tpu.memref_squeeze %dma_start3A_140 : memref<1x128x128xf32, #tpu.memory_space<vmem>> -> memref<128x128xf32, #tpu.memory_space<vmem>>
      %dma_start3A_142 = arith.constant 0 : i32
      %dma_start3A_143 = tpu.memref_slice %arg9[%dma_start3A_136, %dma_start3A_142] : memref<40x128xi32, #tpu.memory_space<vmem>> -> memref<1x128xi32, #tpu.memory_space<vmem>>
      %dma_start3A_144 = tpu.memref_squeeze %dma_start3A_143 : memref<1x128xi32, #tpu.memory_space<vmem>> -> memref<128xi32, #tpu.memory_space<vmem>>
      %dma_start3A_145 = arith.constant 0 : i32
      %dma_start3A_146 = arith.constant 0 : i32
      %dma_start3A_147 = tpu.memref_slice %arg7[%dma_start3A_145, %dma_start3A_146] : memref<10112x128xf32, #tpu.memory_space<vmem_shared>> -> memref<10112x128xf32, #tpu.memory_space<vmem_shared>>
      %dma_start3A_148 = tpu.memref_slice %arg12[%dma_start3A_137] : memref<2x!tpu.dma_semaphore, #tpu.memory_space<semaphore_mem>> -> memref<1x!tpu.dma_semaphore, #tpu.memory_space<semaphore_mem>>
      %dma_start3A_149 = tpu.memref_squeeze %dma_start3A_148 : memref<1x!tpu.dma_semaphore, #tpu.memory_space<semaphore_mem>> -> memref<!tpu.dma_semaphore, #tpu.memory_space<semaphore_mem>>
      tpu.enqueue_indirect_dma source(%dma_start3A_141 : memref<128x128xf32, #tpu.memory_space<vmem>>) target(%dma_start3A_147 : memref<10112x128xf32, #tpu.memory_space<vmem_shared>>) offsets(%dma_start3A_144 : memref<128xi32, #tpu.memory_space<vmem>>) semaphore(%dma_start3A_149 : memref<!tpu.dma_semaphore, #tpu.memory_space<semaphore_mem>>) {add = true}
      %dma_wait3A_150 = arith.constant 0 : i32
      %dma_wait3A_151 = arith.constant 0 : i32
      %dma_wait3A_152 = arith.constant 0 : i32
      %dma_wait3A_153 = arith.constant 0 : i32
      %dma_wait3A_154 = arith.constant 0 : i32
      %dma_wait3A_155 = tpu.memref_slice %arg10[%dma_wait3A_150, %dma_wait3A_153, %dma_wait3A_154] : memref<2x128x128xf32, #tpu.memory_space<vmem>> -> memref<1x128x128xf32, #tpu.memory_space<vmem>>
      %dma_wait3A_156 = tpu.memref_squeeze %dma_wait3A_155 : memref<1x128x128xf32, #tpu.memory_space<vmem>> -> memref<128x128xf32, #tpu.memory_space<vmem>>
      %dma_wait3A_157 = arith.constant 0 : i32
      %dma_wait3A_158 = tpu.memref_slice %arg9[%dma_wait3A_151, %dma_wait3A_157] : memref<40x128xi32, #tpu.memory_space<vmem>> -> memref<1x128xi32, #tpu.memory_space<vmem>>
      %dma_wait3A_159 = tpu.memref_squeeze %dma_wait3A_158 : memref<1x128xi32, #tpu.memory_space<vmem>> -> memref<128xi32, #tpu.memory_space<vmem>>
      %dma_wait3A_160 = arith.constant 0 : i32
      %dma_wait3A_161 = arith.constant 0 : i32
      %dma_wait3A_162 = tpu.memref_slice %arg7[%dma_wait3A_160, %dma_wait3A_161] : memref<10112x128xf32, #tpu.memory_space<vmem_shared>> -> memref<10112x128xf32, #tpu.memory_space<vmem_shared>>
      %dma_wait3A_163 = tpu.memref_slice %arg12[%dma_wait3A_152] : memref<2x!tpu.dma_semaphore, #tpu.memory_space<semaphore_mem>> -> memref<1x!tpu.dma_semaphore, #tpu.memory_space<semaphore_mem>>
      %dma_wait3A_164 = tpu.memref_squeeze %dma_wait3A_163 : memref<1x!tpu.dma_semaphore, #tpu.memory_space<semaphore_mem>> -> memref<!tpu.dma_semaphore, #tpu.memory_space<semaphore_mem>>
      tpu.wait_indirect_dma semaphore(%dma_wait3A_164 : memref<!tpu.dma_semaphore, #tpu.memory_space<semaphore_mem>>) src(%dma_wait3A_156 : memref<128x128xf32, #tpu.memory_space<vmem>>) dst(%dma_wait3A_162 : memref<10112x128xf32, #tpu.memory_space<vmem_shared>>)
      %dma_wait3A_165 = arith.constant 1 : i32
      %dma_wait3A_166 = arith.constant 0 : i32
      %dma_wait3A_167 = arith.constant 1 : i32
      %dma_wait3A_168 = arith.constant 0 : i32
      %dma_wait3A_169 = arith.constant 0 : i32
      %dma_wait3A_170 = tpu.memref_slice %arg10[%dma_wait3A_165, %dma_wait3A_168, %dma_wait3A_169] : memref<2x128x128xf32, #tpu.memory_space<vmem>> -> memref<1x128x128xf32, #tpu.memory_space<vmem>>
      %dma_wait3A_171 = tpu.memref_squeeze %dma_wait3A_170 : memref<1x128x128xf32, #tpu.memory_space<vmem>> -> memref<128x128xf32, #tpu.memory_space<vmem>>
      %dma_wait3A_172 = arith.constant 0 : i32
      %dma_wait3A_173 = tpu.memref_slice %arg9[%dma_wait3A_166, %dma_wait3A_172] : memref<40x128xi32, #tpu.memory_space<vmem>> -> memref<1x128xi32, #tpu.memory_space<vmem>>
      %dma_wait3A_174 = tpu.memref_squeeze %dma_wait3A_173 : memref<1x128xi32, #tpu.memory_space<vmem>> -> memref<128xi32, #tpu.memory_space<vmem>>
      %dma_wait3A_175 = arith.constant 0 : i32
      %dma_wait3A_176 = arith.constant 0 : i32
      %dma_wait3A_177 = tpu.memref_slice %arg7[%dma_wait3A_175, %dma_wait3A_176] : memref<10112x128xf32, #tpu.memory_space<vmem_shared>> -> memref<10112x128xf32, #tpu.memory_space<vmem_shared>>
      %dma_wait3A_178 = tpu.memref_slice %arg12[%dma_wait3A_167] : memref<2x!tpu.dma_semaphore, #tpu.memory_space<semaphore_mem>> -> memref<1x!tpu.dma_semaphore, #tpu.memory_space<semaphore_mem>>
      %dma_wait3A_179 = tpu.memref_squeeze %dma_wait3A_178 : memref<1x!tpu.dma_semaphore, #tpu.memory_space<semaphore_mem>> -> memref<!tpu.dma_semaphore, #tpu.memory_space<semaphore_mem>>
      tpu.wait_indirect_dma semaphore(%dma_wait3A_179 : memref<!tpu.dma_semaphore, #tpu.memory_space<semaphore_mem>>) src(%dma_wait3A_171 : memref<128x128xf32, #tpu.memory_space<vmem>>) dst(%dma_wait3A_177 : memref<10112x128xf32, #tpu.memory_space<vmem_shared>>)
    }
    %barrier3A_30 = arith.constant 0 : index
    tpu.barrier barrier_id(%barrier3A_30)
    %mul3A_31 = arith.constant 632 : i32
    %mul3A_32 = arith.muli %arg1, %mul3A_31 : i32
    %add3A_33 = arith.constant 0 : i32
    %add3A_34 = arith.addi %mul3A_32, %add3A_33 : i32
    %add3A_35 = arith.constant 0 : i32
    %add3A_36 = arith.addi %mul3A_32, %add3A_35 : i32
    "tpu.region"() ({
      %run_scoped3A = tpu.sem_alloc : memref<!tpu.dma_semaphore, #tpu.memory_space<semaphore_mem>>
      %dma_start3A = arith.constant 0 : i32
      %dma_start3A_53 = tpu.memref_slice %arg6[%arg0, %add3A_36, %dma_start3A] : memref<2x10112x128xf32, #tpu.memory_space<hbm>> -> memref<1x128x128xf32, #tpu.memory_space<hbm>>
      %dma_start3A_54 = tpu.memref_squeeze %dma_start3A_53 : memref<1x128x128xf32, #tpu.memory_space<hbm>> -> memref<128x128xf32, #tpu.memory_space<hbm>>
      %dma_start3A_55 = arith.constant 0 : i32
      %dma_start3A_56 = tpu.memref_slice %arg7[%add3A_34, %dma_start3A_55] : memref<10112x128xf32, #tpu.memory_space<vmem_shared>> -> memref<128x128xf32, #tpu.memory_space<vmem_shared>>
      tpu.enqueue_dma source(%dma_start3A_56 : memref<128x128xf32, #tpu.memory_space<vmem_shared>>) target(%dma_start3A_54 : memref<128x128xf32, #tpu.memory_space<hbm>>) target_semaphore(%run_scoped3A : memref<!tpu.dma_semaphore, #tpu.memory_space<semaphore_mem>>)
      %dma_wait3A = arith.constant 0 : i32
      %dma_wait3A_57 = tpu.memref_slice %arg6[%arg0, %add3A_36, %dma_wait3A] : memref<2x10112x128xf32, #tpu.memory_space<hbm>> -> memref<1x128x128xf32, #tpu.memory_space<hbm>>
      %dma_wait3A_58 = tpu.memref_squeeze %dma_wait3A_57 : memref<1x128x128xf32, #tpu.memory_space<hbm>> -> memref<128x128xf32, #tpu.memory_space<hbm>>
      %dma_wait3A_59 = arith.constant 0 : i32
      %dma_wait3A_60 = tpu.memref_slice %arg7[%add3A_34, %dma_wait3A_59] : memref<10112x128xf32, #tpu.memory_space<vmem_shared>> -> memref<128x128xf32, #tpu.memory_space<vmem_shared>>
      tpu.wait_dma2 semaphore(%run_scoped3A : memref<!tpu.dma_semaphore, #tpu.memory_space<semaphore_mem>>) src(%dma_wait3A_60 : memref<128x128xf32, #tpu.memory_space<vmem_shared>>) dst(%dma_wait3A_58 : memref<128x128xf32, #tpu.memory_space<hbm>>)
      tpu.yield
    }) : () -> ()
    %add3A_37 = arith.constant 128 : i32
    %add3A_38 = arith.addi %mul3A_32, %add3A_37 : i32
    %add3A_39 = arith.constant 128 : i32
    %add3A_40 = arith.addi %mul3A_32, %add3A_39 : i32
    "tpu.region"() ({
      %run_scoped3A = tpu.sem_alloc : memref<!tpu.dma_semaphore, #tpu.memory_space<semaphore_mem>>
      %dma_start3A = arith.constant 0 : i32
      %dma_start3A_53 = tpu.memref_slice %arg6[%arg0, %add3A_40, %dma_start3A] : memref<2x10112x128xf32, #tpu.memory_space<hbm>> -> memref<1x128x128xf32, #tpu.memory_space<hbm>>
      %dma_start3A_54 = tpu.memref_squeeze %dma_start3A_53 : memref<1x128x128xf32, #tpu.memory_space<hbm>> -> memref<128x128xf32, #tpu.memory_space<hbm>>
      %dma_start3A_55 = arith.constant 0 : i32
      %dma_start3A_56 = tpu.memref_slice %arg7[%add3A_38, %dma_start3A_55] : memref<10112x128xf32, #tpu.memory_space<vmem_shared>> -> memref<128x128xf32, #tpu.memory_space<vmem_shared>>
      tpu.enqueue_dma source(%dma_start3A_56 : memref<128x128xf32, #tpu.memory_space<vmem_shared>>) target(%dma_start3A_54 : memref<128x128xf32, #tpu.memory_space<hbm>>) target_semaphore(%run_scoped3A : memref<!tpu.dma_semaphore, #tpu.memory_space<semaphore_mem>>)
      %dma_wait3A = arith.constant 0 : i32
      %dma_wait3A_57 = tpu.memref_slice %arg6[%arg0, %add3A_40, %dma_wait3A] : memref<2x10112x128xf32, #tpu.memory_space<hbm>> -> memref<1x128x128xf32, #tpu.memory_space<hbm>>
      %dma_wait3A_58 = tpu.memref_squeeze %dma_wait3A_57 : memref<1x128x128xf32, #tpu.memory_space<hbm>> -> memref<128x128xf32, #tpu.memory_space<hbm>>
      %dma_wait3A_59 = arith.constant 0 : i32
      %dma_wait3A_60 = tpu.memref_slice %arg7[%add3A_38, %dma_wait3A_59] : memref<10112x128xf32, #tpu.memory_space<vmem_shared>> -> memref<128x128xf32, #tpu.memory_space<vmem_shared>>
      tpu.wait_dma2 semaphore(%run_scoped3A : memref<!tpu.dma_semaphore, #tpu.memory_space<semaphore_mem>>) src(%dma_wait3A_60 : memref<128x128xf32, #tpu.memory_space<vmem_shared>>) dst(%dma_wait3A_58 : memref<128x128xf32, #tpu.memory_space<hbm>>)
      tpu.yield
    }) : () -> ()
    %add3A_41 = arith.constant 256 : i32
    %add3A_42 = arith.addi %mul3A_32, %add3A_41 : i32
    %add3A_43 = arith.constant 256 : i32
    %add3A_44 = arith.addi %mul3A_32, %add3A_43 : i32
    "tpu.region"() ({
      %run_scoped3A = tpu.sem_alloc : memref<!tpu.dma_semaphore, #tpu.memory_space<semaphore_mem>>
      %dma_start3A = arith.constant 0 : i32
      %dma_start3A_53 = tpu.memref_slice %arg6[%arg0, %add3A_44, %dma_start3A] : memref<2x10112x128xf32, #tpu.memory_space<hbm>> -> memref<1x128x128xf32, #tpu.memory_space<hbm>>
      %dma_start3A_54 = tpu.memref_squeeze %dma_start3A_53 : memref<1x128x128xf32, #tpu.memory_space<hbm>> -> memref<128x128xf32, #tpu.memory_space<hbm>>
      %dma_start3A_55 = arith.constant 0 : i32
      %dma_start3A_56 = tpu.memref_slice %arg7[%add3A_42, %dma_start3A_55] : memref<10112x128xf32, #tpu.memory_space<vmem_shared>> -> memref<128x128xf32, #tpu.memory_space<vmem_shared>>
      tpu.enqueue_dma source(%dma_start3A_56 : memref<128x128xf32, #tpu.memory_space<vmem_shared>>) target(%dma_start3A_54 : memref<128x128xf32, #tpu.memory_space<hbm>>) target_semaphore(%run_scoped3A : memref<!tpu.dma_semaphore, #tpu.memory_space<semaphore_mem>>)
      %dma_wait3A = arith.constant 0 : i32
      %dma_wait3A_57 = tpu.memref_slice %arg6[%arg0, %add3A_44, %dma_wait3A] : memref<2x10112x128xf32, #tpu.memory_space<hbm>> -> memref<1x128x128xf32, #tpu.memory_space<hbm>>
      %dma_wait3A_58 = tpu.memref_squeeze %dma_wait3A_57 : memref<1x128x128xf32, #tpu.memory_space<hbm>> -> memref<128x128xf32, #tpu.memory_space<hbm>>
      %dma_wait3A_59 = arith.constant 0 : i32
      %dma_wait3A_60 = tpu.memref_slice %arg7[%add3A_42, %dma_wait3A_59] : memref<10112x128xf32, #tpu.memory_space<vmem_shared>> -> memref<128x128xf32, #tpu.memory_space<vmem_shared>>
      tpu.wait_dma2 semaphore(%run_scoped3A : memref<!tpu.dma_semaphore, #tpu.memory_space<semaphore_mem>>) src(%dma_wait3A_60 : memref<128x128xf32, #tpu.memory_space<vmem_shared>>) dst(%dma_wait3A_58 : memref<128x128xf32, #tpu.memory_space<hbm>>)
      tpu.yield
    }) : () -> ()
    %add3A_45 = arith.constant 384 : i32
    %add3A_46 = arith.addi %mul3A_32, %add3A_45 : i32
    %add3A_47 = arith.constant 384 : i32
    %add3A_48 = arith.addi %mul3A_32, %add3A_47 : i32
    "tpu.region"() ({
      %run_scoped3A = tpu.sem_alloc : memref<!tpu.dma_semaphore, #tpu.memory_space<semaphore_mem>>
      %dma_start3A = arith.constant 0 : i32
      %dma_start3A_53 = tpu.memref_slice %arg6[%arg0, %add3A_48, %dma_start3A] : memref<2x10112x128xf32, #tpu.memory_space<hbm>> -> memref<1x128x128xf32, #tpu.memory_space<hbm>>
      %dma_start3A_54 = tpu.memref_squeeze %dma_start3A_53 : memref<1x128x128xf32, #tpu.memory_space<hbm>> -> memref<128x128xf32, #tpu.memory_space<hbm>>
      %dma_start3A_55 = arith.constant 0 : i32
      %dma_start3A_56 = tpu.memref_slice %arg7[%add3A_46, %dma_start3A_55] : memref<10112x128xf32, #tpu.memory_space<vmem_shared>> -> memref<128x128xf32, #tpu.memory_space<vmem_shared>>
      tpu.enqueue_dma source(%dma_start3A_56 : memref<128x128xf32, #tpu.memory_space<vmem_shared>>) target(%dma_start3A_54 : memref<128x128xf32, #tpu.memory_space<hbm>>) target_semaphore(%run_scoped3A : memref<!tpu.dma_semaphore, #tpu.memory_space<semaphore_mem>>)
      %dma_wait3A = arith.constant 0 : i32
      %dma_wait3A_57 = tpu.memref_slice %arg6[%arg0, %add3A_48, %dma_wait3A] : memref<2x10112x128xf32, #tpu.memory_space<hbm>> -> memref<1x128x128xf32, #tpu.memory_space<hbm>>
      %dma_wait3A_58 = tpu.memref_squeeze %dma_wait3A_57 : memref<1x128x128xf32, #tpu.memory_space<hbm>> -> memref<128x128xf32, #tpu.memory_space<hbm>>
      %dma_wait3A_59 = arith.constant 0 : i32
      %dma_wait3A_60 = tpu.memref_slice %arg7[%add3A_46, %dma_wait3A_59] : memref<10112x128xf32, #tpu.memory_space<vmem_shared>> -> memref<128x128xf32, #tpu.memory_space<vmem_shared>>
      tpu.wait_dma2 semaphore(%run_scoped3A : memref<!tpu.dma_semaphore, #tpu.memory_space<semaphore_mem>>) src(%dma_wait3A_60 : memref<128x128xf32, #tpu.memory_space<vmem_shared>>) dst(%dma_wait3A_58 : memref<128x128xf32, #tpu.memory_space<hbm>>)
      tpu.yield
    }) : () -> ()
    %add3A_49 = arith.constant 512 : i32
    %add3A_50 = arith.addi %mul3A_32, %add3A_49 : i32
    %add3A_51 = arith.constant 512 : i32
    %add3A_52 = arith.addi %mul3A_32, %add3A_51 : i32
    "tpu.region"() ({
      %run_scoped3A = tpu.sem_alloc : memref<!tpu.dma_semaphore, #tpu.memory_space<semaphore_mem>>
      %dma_start3A = arith.constant 0 : i32
      %dma_start3A_53 = tpu.memref_slice %arg6[%arg0, %add3A_52, %dma_start3A] : memref<2x10112x128xf32, #tpu.memory_space<hbm>> -> memref<1x120x128xf32, #tpu.memory_space<hbm>>
      %dma_start3A_54 = tpu.memref_squeeze %dma_start3A_53 : memref<1x120x128xf32, #tpu.memory_space<hbm>> -> memref<120x128xf32, #tpu.memory_space<hbm>>
      %dma_start3A_55 = arith.constant 0 : i32
      %dma_start3A_56 = tpu.memref_slice %arg7[%add3A_50, %dma_start3A_55] : memref<10112x128xf32, #tpu.memory_space<vmem_shared>> -> memref<120x128xf32, #tpu.memory_space<vmem_shared>>
      tpu.enqueue_dma source(%dma_start3A_56 : memref<120x128xf32, #tpu.memory_space<vmem_shared>>) target(%dma_start3A_54 : memref<120x128xf32, #tpu.memory_space<hbm>>) target_semaphore(%run_scoped3A : memref<!tpu.dma_semaphore, #tpu.memory_space<semaphore_mem>>)
      %dma_wait3A = arith.constant 0 : i32
      %dma_wait3A_57 = tpu.memref_slice %arg6[%arg0, %add3A_52, %dma_wait3A] : memref<2x10112x128xf32, #tpu.memory_space<hbm>> -> memref<1x120x128xf32, #tpu.memory_space<hbm>>
      %dma_wait3A_58 = tpu.memref_squeeze %dma_wait3A_57 : memref<1x120x128xf32, #tpu.memory_space<hbm>> -> memref<120x128xf32, #tpu.memory_space<hbm>>
      %dma_wait3A_59 = arith.constant 0 : i32
      %dma_wait3A_60 = tpu.memref_slice %arg7[%add3A_50, %dma_wait3A_59] : memref<10112x128xf32, #tpu.memory_space<vmem_shared>> -> memref<120x128xf32, #tpu.memory_space<vmem_shared>>
      tpu.wait_dma2 semaphore(%run_scoped3A : memref<!tpu.dma_semaphore, #tpu.memory_space<semaphore_mem>>) src(%dma_wait3A_60 : memref<120x128xf32, #tpu.memory_space<vmem_shared>>) dst(%dma_wait3A_58 : memref<120x128xf32, #tpu.memory_space<hbm>>)
      tpu.yield
    }) : () -> ()
    return
  }
}

#map = affine_map<(d0, d1) -> (0, 0)>
#map1 = affine_map<(d0, d1) -> (0, 0, 0)>
module attributes {stable_mosaic.version = 14 : i64} {
  func.func @_deg_body(%arg0: i32, %arg1: i32, %arg2: memref<5120x128xi32, #tpu.memory_space<hbm>>, %arg3: memref<128x128xf32, #tpu.memory_space<hbm>>, %arg4: memref<128x128xf32, #tpu.memory_space<hbm>>, %arg5: memref<2x10112x128xf32, #tpu.memory_space<hbm>>, %arg6: memref<10112x128xf32, #tpu.memory_space<vmem_shared>>, %arg7: memref<160x128xi32, #tpu.memory_space<vmem>>, %arg8: memref<128x128xf32, #tpu.memory_space<vmem>>, %arg9: memref<!tpu.dma_semaphore, #tpu.memory_space<semaphore_mem>>) attributes {dimension_semantics = [#tpu.dimension_semantics<core_parallel>, #tpu.dimension_semantics<subcore_parallel>], iteration_bounds = array<i64: 2, 16>, scalar_prefetch = 0 : i64, scratch_operands = 4 : i64, tpu.core_type = #tpu.core_type<sc_vector_subcore>, window_params = [{transform_indices = #map}, {transform_indices = #map}, {transform_indices = #map}, {transform_indices = #map1}]} {
    %mul3A = arith.constant 632 : i32
    %mul3A_0 = arith.muli %arg1, %mul3A : i32
    %add3A = arith.constant 0 : i32
    %add3A_1 = arith.addi %mul3A_0, %add3A : i32
    "tpu.region"() ({
      %run_scoped3A = tpu.sem_alloc : memref<!tpu.dma_semaphore, #tpu.memory_space<semaphore_mem>>
      %dma_start3A = arith.constant 0 : i32
      %dma_start3A_43 = tpu.memref_slice %arg6[%add3A_1, %dma_start3A] : memref<10112x128xf32, #tpu.memory_space<vmem_shared>> -> memref<128x128xf32, #tpu.memory_space<vmem_shared>>
      %dma_start3A_44 = arith.constant 0 : i32
      %dma_start3A_45 = arith.constant 0 : i32
      %dma_start3A_46 = tpu.memref_slice %arg4[%dma_start3A_44, %dma_start3A_45] : memref<128x128xf32, #tpu.memory_space<hbm>> -> memref<128x128xf32, #tpu.memory_space<hbm>>
      tpu.enqueue_dma source(%dma_start3A_46 : memref<128x128xf32, #tpu.memory_space<hbm>>) target(%dma_start3A_43 : memref<128x128xf32, #tpu.memory_space<vmem_shared>>) target_semaphore(%run_scoped3A : memref<!tpu.dma_semaphore, #tpu.memory_space<semaphore_mem>>)
      %dma_wait3A = arith.constant 0 : i32
      %dma_wait3A_47 = tpu.memref_slice %arg6[%add3A_1, %dma_wait3A] : memref<10112x128xf32, #tpu.memory_space<vmem_shared>> -> memref<128x128xf32, #tpu.memory_space<vmem_shared>>
      %dma_wait3A_48 = arith.constant 0 : i32
      %dma_wait3A_49 = arith.constant 0 : i32
      %dma_wait3A_50 = tpu.memref_slice %arg4[%dma_wait3A_48, %dma_wait3A_49] : memref<128x128xf32, #tpu.memory_space<hbm>> -> memref<128x128xf32, #tpu.memory_space<hbm>>
      tpu.wait_dma2 semaphore(%run_scoped3A : memref<!tpu.dma_semaphore, #tpu.memory_space<semaphore_mem>>) src(%dma_wait3A_50 : memref<128x128xf32, #tpu.memory_space<hbm>>) dst(%dma_wait3A_47 : memref<128x128xf32, #tpu.memory_space<vmem_shared>>)
      tpu.yield
    }) : () -> ()
    %add3A_2 = arith.constant 128 : i32
    %add3A_3 = arith.addi %mul3A_0, %add3A_2 : i32
    "tpu.region"() ({
      %run_scoped3A = tpu.sem_alloc : memref<!tpu.dma_semaphore, #tpu.memory_space<semaphore_mem>>
      %dma_start3A = arith.constant 0 : i32
      %dma_start3A_43 = tpu.memref_slice %arg6[%add3A_3, %dma_start3A] : memref<10112x128xf32, #tpu.memory_space<vmem_shared>> -> memref<128x128xf32, #tpu.memory_space<vmem_shared>>
      %dma_start3A_44 = arith.constant 0 : i32
      %dma_start3A_45 = arith.constant 0 : i32
      %dma_start3A_46 = tpu.memref_slice %arg4[%dma_start3A_44, %dma_start3A_45] : memref<128x128xf32, #tpu.memory_space<hbm>> -> memref<128x128xf32, #tpu.memory_space<hbm>>
      tpu.enqueue_dma source(%dma_start3A_46 : memref<128x128xf32, #tpu.memory_space<hbm>>) target(%dma_start3A_43 : memref<128x128xf32, #tpu.memory_space<vmem_shared>>) target_semaphore(%run_scoped3A : memref<!tpu.dma_semaphore, #tpu.memory_space<semaphore_mem>>)
      %dma_wait3A = arith.constant 0 : i32
      %dma_wait3A_47 = tpu.memref_slice %arg6[%add3A_3, %dma_wait3A] : memref<10112x128xf32, #tpu.memory_space<vmem_shared>> -> memref<128x128xf32, #tpu.memory_space<vmem_shared>>
      %dma_wait3A_48 = arith.constant 0 : i32
      %dma_wait3A_49 = arith.constant 0 : i32
      %dma_wait3A_50 = tpu.memref_slice %arg4[%dma_wait3A_48, %dma_wait3A_49] : memref<128x128xf32, #tpu.memory_space<hbm>> -> memref<128x128xf32, #tpu.memory_space<hbm>>
      tpu.wait_dma2 semaphore(%run_scoped3A : memref<!tpu.dma_semaphore, #tpu.memory_space<semaphore_mem>>) src(%dma_wait3A_50 : memref<128x128xf32, #tpu.memory_space<hbm>>) dst(%dma_wait3A_47 : memref<128x128xf32, #tpu.memory_space<vmem_shared>>)
      tpu.yield
    }) : () -> ()
    %add3A_4 = arith.constant 256 : i32
    %add3A_5 = arith.addi %mul3A_0, %add3A_4 : i32
    "tpu.region"() ({
      %run_scoped3A = tpu.sem_alloc : memref<!tpu.dma_semaphore, #tpu.memory_space<semaphore_mem>>
      %dma_start3A = arith.constant 0 : i32
      %dma_start3A_43 = tpu.memref_slice %arg6[%add3A_5, %dma_start3A] : memref<10112x128xf32, #tpu.memory_space<vmem_shared>> -> memref<128x128xf32, #tpu.memory_space<vmem_shared>>
      %dma_start3A_44 = arith.constant 0 : i32
      %dma_start3A_45 = arith.constant 0 : i32
      %dma_start3A_46 = tpu.memref_slice %arg4[%dma_start3A_44, %dma_start3A_45] : memref<128x128xf32, #tpu.memory_space<hbm>> -> memref<128x128xf32, #tpu.memory_space<hbm>>
      tpu.enqueue_dma source(%dma_start3A_46 : memref<128x128xf32, #tpu.memory_space<hbm>>) target(%dma_start3A_43 : memref<128x128xf32, #tpu.memory_space<vmem_shared>>) target_semaphore(%run_scoped3A : memref<!tpu.dma_semaphore, #tpu.memory_space<semaphore_mem>>)
      %dma_wait3A = arith.constant 0 : i32
      %dma_wait3A_47 = tpu.memref_slice %arg6[%add3A_5, %dma_wait3A] : memref<10112x128xf32, #tpu.memory_space<vmem_shared>> -> memref<128x128xf32, #tpu.memory_space<vmem_shared>>
      %dma_wait3A_48 = arith.constant 0 : i32
      %dma_wait3A_49 = arith.constant 0 : i32
      %dma_wait3A_50 = tpu.memref_slice %arg4[%dma_wait3A_48, %dma_wait3A_49] : memref<128x128xf32, #tpu.memory_space<hbm>> -> memref<128x128xf32, #tpu.memory_space<hbm>>
      tpu.wait_dma2 semaphore(%run_scoped3A : memref<!tpu.dma_semaphore, #tpu.memory_space<semaphore_mem>>) src(%dma_wait3A_50 : memref<128x128xf32, #tpu.memory_space<hbm>>) dst(%dma_wait3A_47 : memref<128x128xf32, #tpu.memory_space<vmem_shared>>)
      tpu.yield
    }) : () -> ()
    %add3A_6 = arith.constant 384 : i32
    %add3A_7 = arith.addi %mul3A_0, %add3A_6 : i32
    "tpu.region"() ({
      %run_scoped3A = tpu.sem_alloc : memref<!tpu.dma_semaphore, #tpu.memory_space<semaphore_mem>>
      %dma_start3A = arith.constant 0 : i32
      %dma_start3A_43 = tpu.memref_slice %arg6[%add3A_7, %dma_start3A] : memref<10112x128xf32, #tpu.memory_space<vmem_shared>> -> memref<128x128xf32, #tpu.memory_space<vmem_shared>>
      %dma_start3A_44 = arith.constant 0 : i32
      %dma_start3A_45 = arith.constant 0 : i32
      %dma_start3A_46 = tpu.memref_slice %arg4[%dma_start3A_44, %dma_start3A_45] : memref<128x128xf32, #tpu.memory_space<hbm>> -> memref<128x128xf32, #tpu.memory_space<hbm>>
      tpu.enqueue_dma source(%dma_start3A_46 : memref<128x128xf32, #tpu.memory_space<hbm>>) target(%dma_start3A_43 : memref<128x128xf32, #tpu.memory_space<vmem_shared>>) target_semaphore(%run_scoped3A : memref<!tpu.dma_semaphore, #tpu.memory_space<semaphore_mem>>)
      %dma_wait3A = arith.constant 0 : i32
      %dma_wait3A_47 = tpu.memref_slice %arg6[%add3A_7, %dma_wait3A] : memref<10112x128xf32, #tpu.memory_space<vmem_shared>> -> memref<128x128xf32, #tpu.memory_space<vmem_shared>>
      %dma_wait3A_48 = arith.constant 0 : i32
      %dma_wait3A_49 = arith.constant 0 : i32
      %dma_wait3A_50 = tpu.memref_slice %arg4[%dma_wait3A_48, %dma_wait3A_49] : memref<128x128xf32, #tpu.memory_space<hbm>> -> memref<128x128xf32, #tpu.memory_space<hbm>>
      tpu.wait_dma2 semaphore(%run_scoped3A : memref<!tpu.dma_semaphore, #tpu.memory_space<semaphore_mem>>) src(%dma_wait3A_50 : memref<128x128xf32, #tpu.memory_space<hbm>>) dst(%dma_wait3A_47 : memref<128x128xf32, #tpu.memory_space<vmem_shared>>)
      tpu.yield
    }) : () -> ()
    %add3A_8 = arith.constant 512 : i32
    %add3A_9 = arith.addi %mul3A_0, %add3A_8 : i32
    "tpu.region"() ({
      %run_scoped3A = tpu.sem_alloc : memref<!tpu.dma_semaphore, #tpu.memory_space<semaphore_mem>>
      %dma_start3A = arith.constant 0 : i32
      %dma_start3A_43 = tpu.memref_slice %arg6[%add3A_9, %dma_start3A] : memref<10112x128xf32, #tpu.memory_space<vmem_shared>> -> memref<120x128xf32, #tpu.memory_space<vmem_shared>>
      %dma_start3A_44 = arith.constant 0 : i32
      %dma_start3A_45 = arith.constant 0 : i32
      %dma_start3A_46 = tpu.memref_slice %arg4[%dma_start3A_44, %dma_start3A_45] : memref<128x128xf32, #tpu.memory_space<hbm>> -> memref<120x128xf32, #tpu.memory_space<hbm>>
      tpu.enqueue_dma source(%dma_start3A_46 : memref<120x128xf32, #tpu.memory_space<hbm>>) target(%dma_start3A_43 : memref<120x128xf32, #tpu.memory_space<vmem_shared>>) target_semaphore(%run_scoped3A : memref<!tpu.dma_semaphore, #tpu.memory_space<semaphore_mem>>)
      %dma_wait3A = arith.constant 0 : i32
      %dma_wait3A_47 = tpu.memref_slice %arg6[%add3A_9, %dma_wait3A] : memref<10112x128xf32, #tpu.memory_space<vmem_shared>> -> memref<120x128xf32, #tpu.memory_space<vmem_shared>>
      %dma_wait3A_48 = arith.constant 0 : i32
      %dma_wait3A_49 = arith.constant 0 : i32
      %dma_wait3A_50 = tpu.memref_slice %arg4[%dma_wait3A_48, %dma_wait3A_49] : memref<128x128xf32, #tpu.memory_space<hbm>> -> memref<120x128xf32, #tpu.memory_space<hbm>>
      tpu.wait_dma2 semaphore(%run_scoped3A : memref<!tpu.dma_semaphore, #tpu.memory_space<semaphore_mem>>) src(%dma_wait3A_50 : memref<120x128xf32, #tpu.memory_space<hbm>>) dst(%dma_wait3A_47 : memref<120x128xf32, #tpu.memory_space<vmem_shared>>)
      tpu.yield
    }) : () -> ()
    "tpu.region"() ({
      %run_scoped3A = tpu.sem_alloc : memref<!tpu.dma_semaphore, #tpu.memory_space<semaphore_mem>>
      tpu.enqueue_dma source(%arg3 : memref<128x128xf32, #tpu.memory_space<hbm>>) target(%arg8 : memref<128x128xf32, #tpu.memory_space<vmem>>) target_semaphore(%run_scoped3A : memref<!tpu.dma_semaphore, #tpu.memory_space<semaphore_mem>>)
      tpu.wait_dma2 semaphore(%run_scoped3A : memref<!tpu.dma_semaphore, #tpu.memory_space<semaphore_mem>>) src(%arg3 : memref<128x128xf32, #tpu.memory_space<hbm>>) dst(%arg8 : memref<128x128xf32, #tpu.memory_space<vmem>>)
      tpu.yield
    }) : () -> ()
    %mul3A_10 = arith.constant 2560 : i32
    %mul3A_11 = arith.muli %arg0, %mul3A_10 : i32
    %mul3A_12 = arith.constant 160 : i32
    %mul3A_13 = arith.muli %arg1, %mul3A_12 : i32
    %add3A_14 = arith.addi %mul3A_11, %mul3A_13 : i32
    "tpu.region"() ({
      %run_scoped3A = tpu.sem_alloc : memref<!tpu.dma_semaphore, #tpu.memory_space<semaphore_mem>>
      %dma_start3A = arith.constant 0 : i32
      %dma_start3A_43 = tpu.memref_slice %arg2[%add3A_14, %dma_start3A] : memref<5120x128xi32, #tpu.memory_space<hbm>> -> memref<160x128xi32, #tpu.memory_space<hbm>>
      %dma_start3A_44 = arith.constant 0 : i32
      %dma_start3A_45 = tpu.memref_slice %arg2[%add3A_14, %dma_start3A_44] : memref<5120x128xi32, #tpu.memory_space<hbm>> -> memref<160x128xi32, #tpu.memory_space<hbm>>
      tpu.enqueue_dma source(%dma_start3A_45 : memref<160x128xi32, #tpu.memory_space<hbm>>) target(%arg7 : memref<160x128xi32, #tpu.memory_space<vmem>>) target_semaphore(%run_scoped3A : memref<!tpu.dma_semaphore, #tpu.memory_space<semaphore_mem>>)
      %dma_wait3A = arith.constant 0 : i32
      %dma_wait3A_46 = tpu.memref_slice %arg2[%add3A_14, %dma_wait3A] : memref<5120x128xi32, #tpu.memory_space<hbm>> -> memref<160x128xi32, #tpu.memory_space<hbm>>
      %dma_wait3A_47 = arith.constant 0 : i32
      %dma_wait3A_48 = tpu.memref_slice %arg2[%add3A_14, %dma_wait3A_47] : memref<5120x128xi32, #tpu.memory_space<hbm>> -> memref<160x128xi32, #tpu.memory_space<hbm>>
      tpu.wait_dma2 semaphore(%run_scoped3A : memref<!tpu.dma_semaphore, #tpu.memory_space<semaphore_mem>>) src(%dma_wait3A_48 : memref<160x128xi32, #tpu.memory_space<hbm>>) dst(%arg7 : memref<160x128xi32, #tpu.memory_space<vmem>>)
      tpu.yield
    }) : () -> ()
    %barrier3A = arith.constant 0 : index
    tpu.barrier barrier_id(%barrier3A)
    %scan3A = arith.constant 0 : i32
    %scan3A_15 = arith.constant 0 : i32
    %scan3A_16 = arith.constant 5 : i32
    %scan3A_17 = arith.addi %scan3A_15, %scan3A_16 : i32
    %scan3A_18 = arith.constant 1 : i32
    scf.for %scan3A_43 = %scan3A_15 to %scan3A_17 step %scan3A_18  : i32 {
      %mul3A_44 = arith.constant 32 : i32
      %mul3A_45 = arith.muli %scan3A_43, %mul3A_44 : i32
      %add3A_46 = arith.constant 0 : i32
      %add3A_47 = arith.addi %mul3A_45, %add3A_46 : i32
      %dma_start3A = arith.constant 0 : i32
      %dma_start3A_48 = tpu.memref_slice %arg7[%add3A_47, %dma_start3A] : memref<160x128xi32, #tpu.memory_space<vmem>> -> memref<1x128xi32, #tpu.memory_space<vmem>>
      %dma_start3A_49 = tpu.memref_squeeze %dma_start3A_48 : memref<1x128xi32, #tpu.memory_space<vmem>> -> memref<128xi32, #tpu.memory_space<vmem>>
      %dma_start3A_50 = arith.constant 0 : i32
      %dma_start3A_51 = arith.constant 0 : i32
      %dma_start3A_52 = tpu.memref_slice %arg6[%dma_start3A_50, %dma_start3A_51] : memref<10112x128xf32, #tpu.memory_space<vmem_shared>> -> memref<10112x128xf32, #tpu.memory_space<vmem_shared>>
      tpu.enqueue_indirect_dma source(%arg8 : memref<128x128xf32, #tpu.memory_space<vmem>>) target(%dma_start3A_52 : memref<10112x128xf32, #tpu.memory_space<vmem_shared>>) offsets(%dma_start3A_49 : memref<128xi32, #tpu.memory_space<vmem>>) semaphore(%arg9 : memref<!tpu.dma_semaphore, #tpu.memory_space<semaphore_mem>>) {add = true}
      %mul3A_53 = arith.constant 32 : i32
      %mul3A_54 = arith.muli %scan3A_43, %mul3A_53 : i32
      %add3A_55 = arith.constant 1 : i32
      %add3A_56 = arith.addi %mul3A_54, %add3A_55 : i32
      %dma_start3A_57 = arith.constant 0 : i32
      %dma_start3A_58 = tpu.memref_slice %arg7[%add3A_56, %dma_start3A_57] : memref<160x128xi32, #tpu.memory_space<vmem>> -> memref<1x128xi32, #tpu.memory_space<vmem>>
      %dma_start3A_59 = tpu.memref_squeeze %dma_start3A_58 : memref<1x128xi32, #tpu.memory_space<vmem>> -> memref<128xi32, #tpu.memory_space<vmem>>
      %dma_start3A_60 = arith.constant 0 : i32
      %dma_start3A_61 = arith.constant 0 : i32
      %dma_start3A_62 = tpu.memref_slice %arg6[%dma_start3A_60, %dma_start3A_61] : memref<10112x128xf32, #tpu.memory_space<vmem_shared>> -> memref<10112x128xf32, #tpu.memory_space<vmem_shared>>
      tpu.enqueue_indirect_dma source(%arg8 : memref<128x128xf32, #tpu.memory_space<vmem>>) target(%dma_start3A_62 : memref<10112x128xf32, #tpu.memory_space<vmem_shared>>) offsets(%dma_start3A_59 : memref<128xi32, #tpu.memory_space<vmem>>) semaphore(%arg9 : memref<!tpu.dma_semaphore, #tpu.memory_space<semaphore_mem>>) {add = true}
      %mul3A_63 = arith.constant 32 : i32
      %mul3A_64 = arith.muli %scan3A_43, %mul3A_63 : i32
      %add3A_65 = arith.constant 2 : i32
      %add3A_66 = arith.addi %mul3A_64, %add3A_65 : i32
      %dma_start3A_67 = arith.constant 0 : i32
      %dma_start3A_68 = tpu.memref_slice %arg7[%add3A_66, %dma_start3A_67] : memref<160x128xi32, #tpu.memory_space<vmem>> -> memref<1x128xi32, #tpu.memory_space<vmem>>
      %dma_start3A_69 = tpu.memref_squeeze %dma_start3A_68 : memref<1x128xi32, #tpu.memory_space<vmem>> -> memref<128xi32, #tpu.memory_space<vmem>>
      %dma_start3A_70 = arith.constant 0 : i32
      %dma_start3A_71 = arith.constant 0 : i32
      %dma_start3A_72 = tpu.memref_slice %arg6[%dma_start3A_70, %dma_start3A_71] : memref<10112x128xf32, #tpu.memory_space<vmem_shared>> -> memref<10112x128xf32, #tpu.memory_space<vmem_shared>>
      tpu.enqueue_indirect_dma source(%arg8 : memref<128x128xf32, #tpu.memory_space<vmem>>) target(%dma_start3A_72 : memref<10112x128xf32, #tpu.memory_space<vmem_shared>>) offsets(%dma_start3A_69 : memref<128xi32, #tpu.memory_space<vmem>>) semaphore(%arg9 : memref<!tpu.dma_semaphore, #tpu.memory_space<semaphore_mem>>) {add = true}
      %mul3A_73 = arith.constant 32 : i32
      %mul3A_74 = arith.muli %scan3A_43, %mul3A_73 : i32
      %add3A_75 = arith.constant 3 : i32
      %add3A_76 = arith.addi %mul3A_74, %add3A_75 : i32
      %dma_start3A_77 = arith.constant 0 : i32
      %dma_start3A_78 = tpu.memref_slice %arg7[%add3A_76, %dma_start3A_77] : memref<160x128xi32, #tpu.memory_space<vmem>> -> memref<1x128xi32, #tpu.memory_space<vmem>>
      %dma_start3A_79 = tpu.memref_squeeze %dma_start3A_78 : memref<1x128xi32, #tpu.memory_space<vmem>> -> memref<128xi32, #tpu.memory_space<vmem>>
      %dma_start3A_80 = arith.constant 0 : i32
      %dma_start3A_81 = arith.constant 0 : i32
      %dma_start3A_82 = tpu.memref_slice %arg6[%dma_start3A_80, %dma_start3A_81] : memref<10112x128xf32, #tpu.memory_space<vmem_shared>> -> memref<10112x128xf32, #tpu.memory_space<vmem_shared>>
      tpu.enqueue_indirect_dma source(%arg8 : memref<128x128xf32, #tpu.memory_space<vmem>>) target(%dma_start3A_82 : memref<10112x128xf32, #tpu.memory_space<vmem_shared>>) offsets(%dma_start3A_79 : memref<128xi32, #tpu.memory_space<vmem>>) semaphore(%arg9 : memref<!tpu.dma_semaphore, #tpu.memory_space<semaphore_mem>>) {add = true}
      %mul3A_83 = arith.constant 32 : i32
      %mul3A_84 = arith.muli %scan3A_43, %mul3A_83 : i32
      %add3A_85 = arith.constant 4 : i32
      %add3A_86 = arith.addi %mul3A_84, %add3A_85 : i32
      %dma_start3A_87 = arith.constant 0 : i32
      %dma_start3A_88 = tpu.memref_slice %arg7[%add3A_86, %dma_start3A_87] : memref<160x128xi32, #tpu.memory_space<vmem>> -> memref<1x128xi32, #tpu.memory_space<vmem>>
      %dma_start3A_89 = tpu.memref_squeeze %dma_start3A_88 : memref<1x128xi32, #tpu.memory_space<vmem>> -> memref<128xi32, #tpu.memory_space<vmem>>
      %dma_start3A_90 = arith.constant 0 : i32
      %dma_start3A_91 = arith.constant 0 : i32
      %dma_start3A_92 = tpu.memref_slice %arg6[%dma_start3A_90, %dma_start3A_91] : memref<10112x128xf32, #tpu.memory_space<vmem_shared>> -> memref<10112x128xf32, #tpu.memory_space<vmem_shared>>
      tpu.enqueue_indirect_dma source(%arg8 : memref<128x128xf32, #tpu.memory_space<vmem>>) target(%dma_start3A_92 : memref<10112x128xf32, #tpu.memory_space<vmem_shared>>) offsets(%dma_start3A_89 : memref<128xi32, #tpu.memory_space<vmem>>) semaphore(%arg9 : memref<!tpu.dma_semaphore, #tpu.memory_space<semaphore_mem>>) {add = true}
      %mul3A_93 = arith.constant 32 : i32
      %mul3A_94 = arith.muli %scan3A_43, %mul3A_93 : i32
      %add3A_95 = arith.constant 5 : i32
      %add3A_96 = arith.addi %mul3A_94, %add3A_95 : i32
      %dma_start3A_97 = arith.constant 0 : i32
      %dma_start3A_98 = tpu.memref_slice %arg7[%add3A_96, %dma_start3A_97] : memref<160x128xi32, #tpu.memory_space<vmem>> -> memref<1x128xi32, #tpu.memory_space<vmem>>
      %dma_start3A_99 = tpu.memref_squeeze %dma_start3A_98 : memref<1x128xi32, #tpu.memory_space<vmem>> -> memref<128xi32, #tpu.memory_space<vmem>>
      %dma_start3A_100 = arith.constant 0 : i32
      %dma_start3A_101 = arith.constant 0 : i32
      %dma_start3A_102 = tpu.memref_slice %arg6[%dma_start3A_100, %dma_start3A_101] : memref<10112x128xf32, #tpu.memory_space<vmem_shared>> -> memref<10112x128xf32, #tpu.memory_space<vmem_shared>>
      tpu.enqueue_indirect_dma source(%arg8 : memref<128x128xf32, #tpu.memory_space<vmem>>) target(%dma_start3A_102 : memref<10112x128xf32, #tpu.memory_space<vmem_shared>>) offsets(%dma_start3A_99 : memref<128xi32, #tpu.memory_space<vmem>>) semaphore(%arg9 : memref<!tpu.dma_semaphore, #tpu.memory_space<semaphore_mem>>) {add = true}
      %mul3A_103 = arith.constant 32 : i32
      %mul3A_104 = arith.muli %scan3A_43, %mul3A_103 : i32
      %add3A_105 = arith.constant 6 : i32
      %add3A_106 = arith.addi %mul3A_104, %add3A_105 : i32
      %dma_start3A_107 = arith.constant 0 : i32
      %dma_start3A_108 = tpu.memref_slice %arg7[%add3A_106, %dma_start3A_107] : memref<160x128xi32, #tpu.memory_space<vmem>> -> memref<1x128xi32, #tpu.memory_space<vmem>>
      %dma_start3A_109 = tpu.memref_squeeze %dma_start3A_108 : memref<1x128xi32, #tpu.memory_space<vmem>> -> memref<128xi32, #tpu.memory_space<vmem>>
      %dma_start3A_110 = arith.constant 0 : i32
      %dma_start3A_111 = arith.constant 0 : i32
      %dma_start3A_112 = tpu.memref_slice %arg6[%dma_start3A_110, %dma_start3A_111] : memref<10112x128xf32, #tpu.memory_space<vmem_shared>> -> memref<10112x128xf32, #tpu.memory_space<vmem_shared>>
      tpu.enqueue_indirect_dma source(%arg8 : memref<128x128xf32, #tpu.memory_space<vmem>>) target(%dma_start3A_112 : memref<10112x128xf32, #tpu.memory_space<vmem_shared>>) offsets(%dma_start3A_109 : memref<128xi32, #tpu.memory_space<vmem>>) semaphore(%arg9 : memref<!tpu.dma_semaphore, #tpu.memory_space<semaphore_mem>>) {add = true}
      %mul3A_113 = arith.constant 32 : i32
      %mul3A_114 = arith.muli %scan3A_43, %mul3A_113 : i32
      %add3A_115 = arith.constant 7 : i32
      %add3A_116 = arith.addi %mul3A_114, %add3A_115 : i32
      %dma_start3A_117 = arith.constant 0 : i32
      %dma_start3A_118 = tpu.memref_slice %arg7[%add3A_116, %dma_start3A_117] : memref<160x128xi32, #tpu.memory_space<vmem>> -> memref<1x128xi32, #tpu.memory_space<vmem>>
      %dma_start3A_119 = tpu.memref_squeeze %dma_start3A_118 : memref<1x128xi32, #tpu.memory_space<vmem>> -> memref<128xi32, #tpu.memory_space<vmem>>
      %dma_start3A_120 = arith.constant 0 : i32
      %dma_start3A_121 = arith.constant 0 : i32
      %dma_start3A_122 = tpu.memref_slice %arg6[%dma_start3A_120, %dma_start3A_121] : memref<10112x128xf32, #tpu.memory_space<vmem_shared>> -> memref<10112x128xf32, #tpu.memory_space<vmem_shared>>
      tpu.enqueue_indirect_dma source(%arg8 : memref<128x128xf32, #tpu.memory_space<vmem>>) target(%dma_start3A_122 : memref<10112x128xf32, #tpu.memory_space<vmem_shared>>) offsets(%dma_start3A_119 : memref<128xi32, #tpu.memory_space<vmem>>) semaphore(%arg9 : memref<!tpu.dma_semaphore, #tpu.memory_space<semaphore_mem>>) {add = true}
      %mul3A_123 = arith.constant 32 : i32
      %mul3A_124 = arith.muli %scan3A_43, %mul3A_123 : i32
      %add3A_125 = arith.constant 8 : i32
      %add3A_126 = arith.addi %mul3A_124, %add3A_125 : i32
      %dma_start3A_127 = arith.constant 0 : i32
      %dma_start3A_128 = tpu.memref_slice %arg7[%add3A_126, %dma_start3A_127] : memref<160x128xi32, #tpu.memory_space<vmem>> -> memref<1x128xi32, #tpu.memory_space<vmem>>
      %dma_start3A_129 = tpu.memref_squeeze %dma_start3A_128 : memref<1x128xi32, #tpu.memory_space<vmem>> -> memref<128xi32, #tpu.memory_space<vmem>>
      %dma_start3A_130 = arith.constant 0 : i32
      %dma_start3A_131 = arith.constant 0 : i32
      %dma_start3A_132 = tpu.memref_slice %arg6[%dma_start3A_130, %dma_start3A_131] : memref<10112x128xf32, #tpu.memory_space<vmem_shared>> -> memref<10112x128xf32, #tpu.memory_space<vmem_shared>>
      tpu.enqueue_indirect_dma source(%arg8 : memref<128x128xf32, #tpu.memory_space<vmem>>) target(%dma_start3A_132 : memref<10112x128xf32, #tpu.memory_space<vmem_shared>>) offsets(%dma_start3A_129 : memref<128xi32, #tpu.memory_space<vmem>>) semaphore(%arg9 : memref<!tpu.dma_semaphore, #tpu.memory_space<semaphore_mem>>) {add = true}
      %mul3A_133 = arith.constant 32 : i32
      %mul3A_134 = arith.muli %scan3A_43, %mul3A_133 : i32
      %add3A_135 = arith.constant 9 : i32
      %add3A_136 = arith.addi %mul3A_134, %add3A_135 : i32
      %dma_start3A_137 = arith.constant 0 : i32
      %dma_start3A_138 = tpu.memref_slice %arg7[%add3A_136, %dma_start3A_137] : memref<160x128xi32, #tpu.memory_space<vmem>> -> memref<1x128xi32, #tpu.memory_space<vmem>>
      %dma_start3A_139 = tpu.memref_squeeze %dma_start3A_138 : memref<1x128xi32, #tpu.memory_space<vmem>> -> memref<128xi32, #tpu.memory_space<vmem>>
      %dma_start3A_140 = arith.constant 0 : i32
      %dma_start3A_141 = arith.constant 0 : i32
      %dma_start3A_142 = tpu.memref_slice %arg6[%dma_start3A_140, %dma_start3A_141] : memref<10112x128xf32, #tpu.memory_space<vmem_shared>> -> memref<10112x128xf32, #tpu.memory_space<vmem_shared>>
      tpu.enqueue_indirect_dma source(%arg8 : memref<128x128xf32, #tpu.memory_space<vmem>>) target(%dma_start3A_142 : memref<10112x128xf32, #tpu.memory_space<vmem_shared>>) offsets(%dma_start3A_139 : memref<128xi32, #tpu.memory_space<vmem>>) semaphore(%arg9 : memref<!tpu.dma_semaphore, #tpu.memory_space<semaphore_mem>>) {add = true}
      %mul3A_143 = arith.constant 32 : i32
      %mul3A_144 = arith.muli %scan3A_43, %mul3A_143 : i32
      %add3A_145 = arith.constant 10 : i32
      %add3A_146 = arith.addi %mul3A_144, %add3A_145 : i32
      %dma_start3A_147 = arith.constant 0 : i32
      %dma_start3A_148 = tpu.memref_slice %arg7[%add3A_146, %dma_start3A_147] : memref<160x128xi32, #tpu.memory_space<vmem>> -> memref<1x128xi32, #tpu.memory_space<vmem>>
      %dma_start3A_149 = tpu.memref_squeeze %dma_start3A_148 : memref<1x128xi32, #tpu.memory_space<vmem>> -> memref<128xi32, #tpu.memory_space<vmem>>
      %dma_start3A_150 = arith.constant 0 : i32
      %dma_start3A_151 = arith.constant 0 : i32
      %dma_start3A_152 = tpu.memref_slice %arg6[%dma_start3A_150, %dma_start3A_151] : memref<10112x128xf32, #tpu.memory_space<vmem_shared>> -> memref<10112x128xf32, #tpu.memory_space<vmem_shared>>
      tpu.enqueue_indirect_dma source(%arg8 : memref<128x128xf32, #tpu.memory_space<vmem>>) target(%dma_start3A_152 : memref<10112x128xf32, #tpu.memory_space<vmem_shared>>) offsets(%dma_start3A_149 : memref<128xi32, #tpu.memory_space<vmem>>) semaphore(%arg9 : memref<!tpu.dma_semaphore, #tpu.memory_space<semaphore_mem>>) {add = true}
      %mul3A_153 = arith.constant 32 : i32
      %mul3A_154 = arith.muli %scan3A_43, %mul3A_153 : i32
      %add3A_155 = arith.constant 11 : i32
      %add3A_156 = arith.addi %mul3A_154, %add3A_155 : i32
      %dma_start3A_157 = arith.constant 0 : i32
      %dma_start3A_158 = tpu.memref_slice %arg7[%add3A_156, %dma_start3A_157] : memref<160x128xi32, #tpu.memory_space<vmem>> -> memref<1x128xi32, #tpu.memory_space<vmem>>
      %dma_start3A_159 = tpu.memref_squeeze %dma_start3A_158 : memref<1x128xi32, #tpu.memory_space<vmem>> -> memref<128xi32, #tpu.memory_space<vmem>>
      %dma_start3A_160 = arith.constant 0 : i32
      %dma_start3A_161 = arith.constant 0 : i32
      %dma_start3A_162 = tpu.memref_slice %arg6[%dma_start3A_160, %dma_start3A_161] : memref<10112x128xf32, #tpu.memory_space<vmem_shared>> -> memref<10112x128xf32, #tpu.memory_space<vmem_shared>>
      tpu.enqueue_indirect_dma source(%arg8 : memref<128x128xf32, #tpu.memory_space<vmem>>) target(%dma_start3A_162 : memref<10112x128xf32, #tpu.memory_space<vmem_shared>>) offsets(%dma_start3A_159 : memref<128xi32, #tpu.memory_space<vmem>>) semaphore(%arg9 : memref<!tpu.dma_semaphore, #tpu.memory_space<semaphore_mem>>) {add = true}
      %mul3A_163 = arith.constant 32 : i32
      %mul3A_164 = arith.muli %scan3A_43, %mul3A_163 : i32
      %add3A_165 = arith.constant 12 : i32
      %add3A_166 = arith.addi %mul3A_164, %add3A_165 : i32
      %dma_start3A_167 = arith.constant 0 : i32
      %dma_start3A_168 = tpu.memref_slice %arg7[%add3A_166, %dma_start3A_167] : memref<160x128xi32, #tpu.memory_space<vmem>> -> memref<1x128xi32, #tpu.memory_space<vmem>>
      %dma_start3A_169 = tpu.memref_squeeze %dma_start3A_168 : memref<1x128xi32, #tpu.memory_space<vmem>> -> memref<128xi32, #tpu.memory_space<vmem>>
      %dma_start3A_170 = arith.constant 0 : i32
      %dma_start3A_171 = arith.constant 0 : i32
      %dma_start3A_172 = tpu.memref_slice %arg6[%dma_start3A_170, %dma_start3A_171] : memref<10112x128xf32, #tpu.memory_space<vmem_shared>> -> memref<10112x128xf32, #tpu.memory_space<vmem_shared>>
      tpu.enqueue_indirect_dma source(%arg8 : memref<128x128xf32, #tpu.memory_space<vmem>>) target(%dma_start3A_172 : memref<10112x128xf32, #tpu.memory_space<vmem_shared>>) offsets(%dma_start3A_169 : memref<128xi32, #tpu.memory_space<vmem>>) semaphore(%arg9 : memref<!tpu.dma_semaphore, #tpu.memory_space<semaphore_mem>>) {add = true}
      %mul3A_173 = arith.constant 32 : i32
      %mul3A_174 = arith.muli %scan3A_43, %mul3A_173 : i32
      %add3A_175 = arith.constant 13 : i32
      %add3A_176 = arith.addi %mul3A_174, %add3A_175 : i32
      %dma_start3A_177 = arith.constant 0 : i32
      %dma_start3A_178 = tpu.memref_slice %arg7[%add3A_176, %dma_start3A_177] : memref<160x128xi32, #tpu.memory_space<vmem>> -> memref<1x128xi32, #tpu.memory_space<vmem>>
      %dma_start3A_179 = tpu.memref_squeeze %dma_start3A_178 : memref<1x128xi32, #tpu.memory_space<vmem>> -> memref<128xi32, #tpu.memory_space<vmem>>
      %dma_start3A_180 = arith.constant 0 : i32
      %dma_start3A_181 = arith.constant 0 : i32
      %dma_start3A_182 = tpu.memref_slice %arg6[%dma_start3A_180, %dma_start3A_181] : memref<10112x128xf32, #tpu.memory_space<vmem_shared>> -> memref<10112x128xf32, #tpu.memory_space<vmem_shared>>
      tpu.enqueue_indirect_dma source(%arg8 : memref<128x128xf32, #tpu.memory_space<vmem>>) target(%dma_start3A_182 : memref<10112x128xf32, #tpu.memory_space<vmem_shared>>) offsets(%dma_start3A_179 : memref<128xi32, #tpu.memory_space<vmem>>) semaphore(%arg9 : memref<!tpu.dma_semaphore, #tpu.memory_space<semaphore_mem>>) {add = true}
      %mul3A_183 = arith.constant 32 : i32
      %mul3A_184 = arith.muli %scan3A_43, %mul3A_183 : i32
      %add3A_185 = arith.constant 14 : i32
      %add3A_186 = arith.addi %mul3A_184, %add3A_185 : i32
      %dma_start3A_187 = arith.constant 0 : i32
      %dma_start3A_188 = tpu.memref_slice %arg7[%add3A_186, %dma_start3A_187] : memref<160x128xi32, #tpu.memory_space<vmem>> -> memref<1x128xi32, #tpu.memory_space<vmem>>
      %dma_start3A_189 = tpu.memref_squeeze %dma_start3A_188 : memref<1x128xi32, #tpu.memory_space<vmem>> -> memref<128xi32, #tpu.memory_space<vmem>>
      %dma_start3A_190 = arith.constant 0 : i32
      %dma_start3A_191 = arith.constant 0 : i32
      %dma_start3A_192 = tpu.memref_slice %arg6[%dma_start3A_190, %dma_start3A_191] : memref<10112x128xf32, #tpu.memory_space<vmem_shared>> -> memref<10112x128xf32, #tpu.memory_space<vmem_shared>>
      tpu.enqueue_indirect_dma source(%arg8 : memref<128x128xf32, #tpu.memory_space<vmem>>) target(%dma_start3A_192 : memref<10112x128xf32, #tpu.memory_space<vmem_shared>>) offsets(%dma_start3A_189 : memref<128xi32, #tpu.memory_space<vmem>>) semaphore(%arg9 : memref<!tpu.dma_semaphore, #tpu.memory_space<semaphore_mem>>) {add = true}
      %mul3A_193 = arith.constant 32 : i32
      %mul3A_194 = arith.muli %scan3A_43, %mul3A_193 : i32
      %add3A_195 = arith.constant 15 : i32
      %add3A_196 = arith.addi %mul3A_194, %add3A_195 : i32
      %dma_start3A_197 = arith.constant 0 : i32
      %dma_start3A_198 = tpu.memref_slice %arg7[%add3A_196, %dma_start3A_197] : memref<160x128xi32, #tpu.memory_space<vmem>> -> memref<1x128xi32, #tpu.memory_space<vmem>>
      %dma_start3A_199 = tpu.memref_squeeze %dma_start3A_198 : memref<1x128xi32, #tpu.memory_space<vmem>> -> memref<128xi32, #tpu.memory_space<vmem>>
      %dma_start3A_200 = arith.constant 0 : i32
      %dma_start3A_201 = arith.constant 0 : i32
      %dma_start3A_202 = tpu.memref_slice %arg6[%dma_start3A_200, %dma_start3A_201] : memref<10112x128xf32, #tpu.memory_space<vmem_shared>> -> memref<10112x128xf32, #tpu.memory_space<vmem_shared>>
      tpu.enqueue_indirect_dma source(%arg8 : memref<128x128xf32, #tpu.memory_space<vmem>>) target(%dma_start3A_202 : memref<10112x128xf32, #tpu.memory_space<vmem_shared>>) offsets(%dma_start3A_199 : memref<128xi32, #tpu.memory_space<vmem>>) semaphore(%arg9 : memref<!tpu.dma_semaphore, #tpu.memory_space<semaphore_mem>>) {add = true}
      %mul3A_203 = arith.constant 32 : i32
      %mul3A_204 = arith.muli %scan3A_43, %mul3A_203 : i32
      %add3A_205 = arith.constant 16 : i32
      %add3A_206 = arith.addi %mul3A_204, %add3A_205 : i32
      %dma_start3A_207 = arith.constant 0 : i32
      %dma_start3A_208 = tpu.memref_slice %arg7[%add3A_206, %dma_start3A_207] : memref<160x128xi32, #tpu.memory_space<vmem>> -> memref<1x128xi32, #tpu.memory_space<vmem>>
      %dma_start3A_209 = tpu.memref_squeeze %dma_start3A_208 : memref<1x128xi32, #tpu.memory_space<vmem>> -> memref<128xi32, #tpu.memory_space<vmem>>
      %dma_start3A_210 = arith.constant 0 : i32
      %dma_start3A_211 = arith.constant 0 : i32
      %dma_start3A_212 = tpu.memref_slice %arg6[%dma_start3A_210, %dma_start3A_211] : memref<10112x128xf32, #tpu.memory_space<vmem_shared>> -> memref<10112x128xf32, #tpu.memory_space<vmem_shared>>
      tpu.enqueue_indirect_dma source(%arg8 : memref<128x128xf32, #tpu.memory_space<vmem>>) target(%dma_start3A_212 : memref<10112x128xf32, #tpu.memory_space<vmem_shared>>) offsets(%dma_start3A_209 : memref<128xi32, #tpu.memory_space<vmem>>) semaphore(%arg9 : memref<!tpu.dma_semaphore, #tpu.memory_space<semaphore_mem>>) {add = true}
      %mul3A_213 = arith.constant 32 : i32
      %mul3A_214 = arith.muli %scan3A_43, %mul3A_213 : i32
      %add3A_215 = arith.constant 17 : i32
      %add3A_216 = arith.addi %mul3A_214, %add3A_215 : i32
      %dma_start3A_217 = arith.constant 0 : i32
      %dma_start3A_218 = tpu.memref_slice %arg7[%add3A_216, %dma_start3A_217] : memref<160x128xi32, #tpu.memory_space<vmem>> -> memref<1x128xi32, #tpu.memory_space<vmem>>
      %dma_start3A_219 = tpu.memref_squeeze %dma_start3A_218 : memref<1x128xi32, #tpu.memory_space<vmem>> -> memref<128xi32, #tpu.memory_space<vmem>>
      %dma_start3A_220 = arith.constant 0 : i32
      %dma_start3A_221 = arith.constant 0 : i32
      %dma_start3A_222 = tpu.memref_slice %arg6[%dma_start3A_220, %dma_start3A_221] : memref<10112x128xf32, #tpu.memory_space<vmem_shared>> -> memref<10112x128xf32, #tpu.memory_space<vmem_shared>>
      tpu.enqueue_indirect_dma source(%arg8 : memref<128x128xf32, #tpu.memory_space<vmem>>) target(%dma_start3A_222 : memref<10112x128xf32, #tpu.memory_space<vmem_shared>>) offsets(%dma_start3A_219 : memref<128xi32, #tpu.memory_space<vmem>>) semaphore(%arg9 : memref<!tpu.dma_semaphore, #tpu.memory_space<semaphore_mem>>) {add = true}
      %mul3A_223 = arith.constant 32 : i32
      %mul3A_224 = arith.muli %scan3A_43, %mul3A_223 : i32
      %add3A_225 = arith.constant 18 : i32
      %add3A_226 = arith.addi %mul3A_224, %add3A_225 : i32
      %dma_start3A_227 = arith.constant 0 : i32
      %dma_start3A_228 = tpu.memref_slice %arg7[%add3A_226, %dma_start3A_227] : memref<160x128xi32, #tpu.memory_space<vmem>> -> memref<1x128xi32, #tpu.memory_space<vmem>>
      %dma_start3A_229 = tpu.memref_squeeze %dma_start3A_228 : memref<1x128xi32, #tpu.memory_space<vmem>> -> memref<128xi32, #tpu.memory_space<vmem>>
      %dma_start3A_230 = arith.constant 0 : i32
      %dma_start3A_231 = arith.constant 0 : i32
      %dma_start3A_232 = tpu.memref_slice %arg6[%dma_start3A_230, %dma_start3A_231] : memref<10112x128xf32, #tpu.memory_space<vmem_shared>> -> memref<10112x128xf32, #tpu.memory_space<vmem_shared>>
      tpu.enqueue_indirect_dma source(%arg8 : memref<128x128xf32, #tpu.memory_space<vmem>>) target(%dma_start3A_232 : memref<10112x128xf32, #tpu.memory_space<vmem_shared>>) offsets(%dma_start3A_229 : memref<128xi32, #tpu.memory_space<vmem>>) semaphore(%arg9 : memref<!tpu.dma_semaphore, #tpu.memory_space<semaphore_mem>>) {add = true}
      %mul3A_233 = arith.constant 32 : i32
      %mul3A_234 = arith.muli %scan3A_43, %mul3A_233 : i32
      %add3A_235 = arith.constant 19 : i32
      %add3A_236 = arith.addi %mul3A_234, %add3A_235 : i32
      %dma_start3A_237 = arith.constant 0 : i32
      %dma_start3A_238 = tpu.memref_slice %arg7[%add3A_236, %dma_start3A_237] : memref<160x128xi32, #tpu.memory_space<vmem>> -> memref<1x128xi32, #tpu.memory_space<vmem>>
      %dma_start3A_239 = tpu.memref_squeeze %dma_start3A_238 : memref<1x128xi32, #tpu.memory_space<vmem>> -> memref<128xi32, #tpu.memory_space<vmem>>
      %dma_start3A_240 = arith.constant 0 : i32
      %dma_start3A_241 = arith.constant 0 : i32
      %dma_start3A_242 = tpu.memref_slice %arg6[%dma_start3A_240, %dma_start3A_241] : memref<10112x128xf32, #tpu.memory_space<vmem_shared>> -> memref<10112x128xf32, #tpu.memory_space<vmem_shared>>
      tpu.enqueue_indirect_dma source(%arg8 : memref<128x128xf32, #tpu.memory_space<vmem>>) target(%dma_start3A_242 : memref<10112x128xf32, #tpu.memory_space<vmem_shared>>) offsets(%dma_start3A_239 : memref<128xi32, #tpu.memory_space<vmem>>) semaphore(%arg9 : memref<!tpu.dma_semaphore, #tpu.memory_space<semaphore_mem>>) {add = true}
      %mul3A_243 = arith.constant 32 : i32
      %mul3A_244 = arith.muli %scan3A_43, %mul3A_243 : i32
      %add3A_245 = arith.constant 20 : i32
      %add3A_246 = arith.addi %mul3A_244, %add3A_245 : i32
      %dma_start3A_247 = arith.constant 0 : i32
      %dma_start3A_248 = tpu.memref_slice %arg7[%add3A_246, %dma_start3A_247] : memref<160x128xi32, #tpu.memory_space<vmem>> -> memref<1x128xi32, #tpu.memory_space<vmem>>
      %dma_start3A_249 = tpu.memref_squeeze %dma_start3A_248 : memref<1x128xi32, #tpu.memory_space<vmem>> -> memref<128xi32, #tpu.memory_space<vmem>>
      %dma_start3A_250 = arith.constant 0 : i32
      %dma_start3A_251 = arith.constant 0 : i32
      %dma_start3A_252 = tpu.memref_slice %arg6[%dma_start3A_250, %dma_start3A_251] : memref<10112x128xf32, #tpu.memory_space<vmem_shared>> -> memref<10112x128xf32, #tpu.memory_space<vmem_shared>>
      tpu.enqueue_indirect_dma source(%arg8 : memref<128x128xf32, #tpu.memory_space<vmem>>) target(%dma_start3A_252 : memref<10112x128xf32, #tpu.memory_space<vmem_shared>>) offsets(%dma_start3A_249 : memref<128xi32, #tpu.memory_space<vmem>>) semaphore(%arg9 : memref<!tpu.dma_semaphore, #tpu.memory_space<semaphore_mem>>) {add = true}
      %mul3A_253 = arith.constant 32 : i32
      %mul3A_254 = arith.muli %scan3A_43, %mul3A_253 : i32
      %add3A_255 = arith.constant 21 : i32
      %add3A_256 = arith.addi %mul3A_254, %add3A_255 : i32
      %dma_start3A_257 = arith.constant 0 : i32
      %dma_start3A_258 = tpu.memref_slice %arg7[%add3A_256, %dma_start3A_257] : memref<160x128xi32, #tpu.memory_space<vmem>> -> memref<1x128xi32, #tpu.memory_space<vmem>>
      %dma_start3A_259 = tpu.memref_squeeze %dma_start3A_258 : memref<1x128xi32, #tpu.memory_space<vmem>> -> memref<128xi32, #tpu.memory_space<vmem>>
      %dma_start3A_260 = arith.constant 0 : i32
      %dma_start3A_261 = arith.constant 0 : i32
      %dma_start3A_262 = tpu.memref_slice %arg6[%dma_start3A_260, %dma_start3A_261] : memref<10112x128xf32, #tpu.memory_space<vmem_shared>> -> memref<10112x128xf32, #tpu.memory_space<vmem_shared>>
      tpu.enqueue_indirect_dma source(%arg8 : memref<128x128xf32, #tpu.memory_space<vmem>>) target(%dma_start3A_262 : memref<10112x128xf32, #tpu.memory_space<vmem_shared>>) offsets(%dma_start3A_259 : memref<128xi32, #tpu.memory_space<vmem>>) semaphore(%arg9 : memref<!tpu.dma_semaphore, #tpu.memory_space<semaphore_mem>>) {add = true}
      %mul3A_263 = arith.constant 32 : i32
      %mul3A_264 = arith.muli %scan3A_43, %mul3A_263 : i32
      %add3A_265 = arith.constant 22 : i32
      %add3A_266 = arith.addi %mul3A_264, %add3A_265 : i32
      %dma_start3A_267 = arith.constant 0 : i32
      %dma_start3A_268 = tpu.memref_slice %arg7[%add3A_266, %dma_start3A_267] : memref<160x128xi32, #tpu.memory_space<vmem>> -> memref<1x128xi32, #tpu.memory_space<vmem>>
      %dma_start3A_269 = tpu.memref_squeeze %dma_start3A_268 : memref<1x128xi32, #tpu.memory_space<vmem>> -> memref<128xi32, #tpu.memory_space<vmem>>
      %dma_start3A_270 = arith.constant 0 : i32
      %dma_start3A_271 = arith.constant 0 : i32
      %dma_start3A_272 = tpu.memref_slice %arg6[%dma_start3A_270, %dma_start3A_271] : memref<10112x128xf32, #tpu.memory_space<vmem_shared>> -> memref<10112x128xf32, #tpu.memory_space<vmem_shared>>
      tpu.enqueue_indirect_dma source(%arg8 : memref<128x128xf32, #tpu.memory_space<vmem>>) target(%dma_start3A_272 : memref<10112x128xf32, #tpu.memory_space<vmem_shared>>) offsets(%dma_start3A_269 : memref<128xi32, #tpu.memory_space<vmem>>) semaphore(%arg9 : memref<!tpu.dma_semaphore, #tpu.memory_space<semaphore_mem>>) {add = true}
      %mul3A_273 = arith.constant 32 : i32
      %mul3A_274 = arith.muli %scan3A_43, %mul3A_273 : i32
      %add3A_275 = arith.constant 23 : i32
      %add3A_276 = arith.addi %mul3A_274, %add3A_275 : i32
      %dma_start3A_277 = arith.constant 0 : i32
      %dma_start3A_278 = tpu.memref_slice %arg7[%add3A_276, %dma_start3A_277] : memref<160x128xi32, #tpu.memory_space<vmem>> -> memref<1x128xi32, #tpu.memory_space<vmem>>
      %dma_start3A_279 = tpu.memref_squeeze %dma_start3A_278 : memref<1x128xi32, #tpu.memory_space<vmem>> -> memref<128xi32, #tpu.memory_space<vmem>>
      %dma_start3A_280 = arith.constant 0 : i32
      %dma_start3A_281 = arith.constant 0 : i32
      %dma_start3A_282 = tpu.memref_slice %arg6[%dma_start3A_280, %dma_start3A_281] : memref<10112x128xf32, #tpu.memory_space<vmem_shared>> -> memref<10112x128xf32, #tpu.memory_space<vmem_shared>>
      tpu.enqueue_indirect_dma source(%arg8 : memref<128x128xf32, #tpu.memory_space<vmem>>) target(%dma_start3A_282 : memref<10112x128xf32, #tpu.memory_space<vmem_shared>>) offsets(%dma_start3A_279 : memref<128xi32, #tpu.memory_space<vmem>>) semaphore(%arg9 : memref<!tpu.dma_semaphore, #tpu.memory_space<semaphore_mem>>) {add = true}
      %mul3A_283 = arith.constant 32 : i32
      %mul3A_284 = arith.muli %scan3A_43, %mul3A_283 : i32
      %add3A_285 = arith.constant 24 : i32
      %add3A_286 = arith.addi %mul3A_284, %add3A_285 : i32
      %dma_start3A_287 = arith.constant 0 : i32
      %dma_start3A_288 = tpu.memref_slice %arg7[%add3A_286, %dma_start3A_287] : memref<160x128xi32, #tpu.memory_space<vmem>> -> memref<1x128xi32, #tpu.memory_space<vmem>>
      %dma_start3A_289 = tpu.memref_squeeze %dma_start3A_288 : memref<1x128xi32, #tpu.memory_space<vmem>> -> memref<128xi32, #tpu.memory_space<vmem>>
      %dma_start3A_290 = arith.constant 0 : i32
      %dma_start3A_291 = arith.constant 0 : i32
      %dma_start3A_292 = tpu.memref_slice %arg6[%dma_start3A_290, %dma_start3A_291] : memref<10112x128xf32, #tpu.memory_space<vmem_shared>> -> memref<10112x128xf32, #tpu.memory_space<vmem_shared>>
      tpu.enqueue_indirect_dma source(%arg8 : memref<128x128xf32, #tpu.memory_space<vmem>>) target(%dma_start3A_292 : memref<10112x128xf32, #tpu.memory_space<vmem_shared>>) offsets(%dma_start3A_289 : memref<128xi32, #tpu.memory_space<vmem>>) semaphore(%arg9 : memref<!tpu.dma_semaphore, #tpu.memory_space<semaphore_mem>>) {add = true}
      %mul3A_293 = arith.constant 32 : i32
      %mul3A_294 = arith.muli %scan3A_43, %mul3A_293 : i32
      %add3A_295 = arith.constant 25 : i32
      %add3A_296 = arith.addi %mul3A_294, %add3A_295 : i32
      %dma_start3A_297 = arith.constant 0 : i32
      %dma_start3A_298 = tpu.memref_slice %arg7[%add3A_296, %dma_start3A_297] : memref<160x128xi32, #tpu.memory_space<vmem>> -> memref<1x128xi32, #tpu.memory_space<vmem>>
      %dma_start3A_299 = tpu.memref_squeeze %dma_start3A_298 : memref<1x128xi32, #tpu.memory_space<vmem>> -> memref<128xi32, #tpu.memory_space<vmem>>
      %dma_start3A_300 = arith.constant 0 : i32
      %dma_start3A_301 = arith.constant 0 : i32
      %dma_start3A_302 = tpu.memref_slice %arg6[%dma_start3A_300, %dma_start3A_301] : memref<10112x128xf32, #tpu.memory_space<vmem_shared>> -> memref<10112x128xf32, #tpu.memory_space<vmem_shared>>
      tpu.enqueue_indirect_dma source(%arg8 : memref<128x128xf32, #tpu.memory_space<vmem>>) target(%dma_start3A_302 : memref<10112x128xf32, #tpu.memory_space<vmem_shared>>) offsets(%dma_start3A_299 : memref<128xi32, #tpu.memory_space<vmem>>) semaphore(%arg9 : memref<!tpu.dma_semaphore, #tpu.memory_space<semaphore_mem>>) {add = true}
      %mul3A_303 = arith.constant 32 : i32
      %mul3A_304 = arith.muli %scan3A_43, %mul3A_303 : i32
      %add3A_305 = arith.constant 26 : i32
      %add3A_306 = arith.addi %mul3A_304, %add3A_305 : i32
      %dma_start3A_307 = arith.constant 0 : i32
      %dma_start3A_308 = tpu.memref_slice %arg7[%add3A_306, %dma_start3A_307] : memref<160x128xi32, #tpu.memory_space<vmem>> -> memref<1x128xi32, #tpu.memory_space<vmem>>
      %dma_start3A_309 = tpu.memref_squeeze %dma_start3A_308 : memref<1x128xi32, #tpu.memory_space<vmem>> -> memref<128xi32, #tpu.memory_space<vmem>>
      %dma_start3A_310 = arith.constant 0 : i32
      %dma_start3A_311 = arith.constant 0 : i32
      %dma_start3A_312 = tpu.memref_slice %arg6[%dma_start3A_310, %dma_start3A_311] : memref<10112x128xf32, #tpu.memory_space<vmem_shared>> -> memref<10112x128xf32, #tpu.memory_space<vmem_shared>>
      tpu.enqueue_indirect_dma source(%arg8 : memref<128x128xf32, #tpu.memory_space<vmem>>) target(%dma_start3A_312 : memref<10112x128xf32, #tpu.memory_space<vmem_shared>>) offsets(%dma_start3A_309 : memref<128xi32, #tpu.memory_space<vmem>>) semaphore(%arg9 : memref<!tpu.dma_semaphore, #tpu.memory_space<semaphore_mem>>) {add = true}
      %mul3A_313 = arith.constant 32 : i32
      %mul3A_314 = arith.muli %scan3A_43, %mul3A_313 : i32
      %add3A_315 = arith.constant 27 : i32
      %add3A_316 = arith.addi %mul3A_314, %add3A_315 : i32
      %dma_start3A_317 = arith.constant 0 : i32
      %dma_start3A_318 = tpu.memref_slice %arg7[%add3A_316, %dma_start3A_317] : memref<160x128xi32, #tpu.memory_space<vmem>> -> memref<1x128xi32, #tpu.memory_space<vmem>>
      %dma_start3A_319 = tpu.memref_squeeze %dma_start3A_318 : memref<1x128xi32, #tpu.memory_space<vmem>> -> memref<128xi32, #tpu.memory_space<vmem>>
      %dma_start3A_320 = arith.constant 0 : i32
      %dma_start3A_321 = arith.constant 0 : i32
      %dma_start3A_322 = tpu.memref_slice %arg6[%dma_start3A_320, %dma_start3A_321] : memref<10112x128xf32, #tpu.memory_space<vmem_shared>> -> memref<10112x128xf32, #tpu.memory_space<vmem_shared>>
      tpu.enqueue_indirect_dma source(%arg8 : memref<128x128xf32, #tpu.memory_space<vmem>>) target(%dma_start3A_322 : memref<10112x128xf32, #tpu.memory_space<vmem_shared>>) offsets(%dma_start3A_319 : memref<128xi32, #tpu.memory_space<vmem>>) semaphore(%arg9 : memref<!tpu.dma_semaphore, #tpu.memory_space<semaphore_mem>>) {add = true}
      %mul3A_323 = arith.constant 32 : i32
      %mul3A_324 = arith.muli %scan3A_43, %mul3A_323 : i32
      %add3A_325 = arith.constant 28 : i32
      %add3A_326 = arith.addi %mul3A_324, %add3A_325 : i32
      %dma_start3A_327 = arith.constant 0 : i32
      %dma_start3A_328 = tpu.memref_slice %arg7[%add3A_326, %dma_start3A_327] : memref<160x128xi32, #tpu.memory_space<vmem>> -> memref<1x128xi32, #tpu.memory_space<vmem>>
      %dma_start3A_329 = tpu.memref_squeeze %dma_start3A_328 : memref<1x128xi32, #tpu.memory_space<vmem>> -> memref<128xi32, #tpu.memory_space<vmem>>
      %dma_start3A_330 = arith.constant 0 : i32
      %dma_start3A_331 = arith.constant 0 : i32
      %dma_start3A_332 = tpu.memref_slice %arg6[%dma_start3A_330, %dma_start3A_331] : memref<10112x128xf32, #tpu.memory_space<vmem_shared>> -> memref<10112x128xf32, #tpu.memory_space<vmem_shared>>
      tpu.enqueue_indirect_dma source(%arg8 : memref<128x128xf32, #tpu.memory_space<vmem>>) target(%dma_start3A_332 : memref<10112x128xf32, #tpu.memory_space<vmem_shared>>) offsets(%dma_start3A_329 : memref<128xi32, #tpu.memory_space<vmem>>) semaphore(%arg9 : memref<!tpu.dma_semaphore, #tpu.memory_space<semaphore_mem>>) {add = true}
      %mul3A_333 = arith.constant 32 : i32
      %mul3A_334 = arith.muli %scan3A_43, %mul3A_333 : i32
      %add3A_335 = arith.constant 29 : i32
      %add3A_336 = arith.addi %mul3A_334, %add3A_335 : i32
      %dma_start3A_337 = arith.constant 0 : i32
      %dma_start3A_338 = tpu.memref_slice %arg7[%add3A_336, %dma_start3A_337] : memref<160x128xi32, #tpu.memory_space<vmem>> -> memref<1x128xi32, #tpu.memory_space<vmem>>
      %dma_start3A_339 = tpu.memref_squeeze %dma_start3A_338 : memref<1x128xi32, #tpu.memory_space<vmem>> -> memref<128xi32, #tpu.memory_space<vmem>>
      %dma_start3A_340 = arith.constant 0 : i32
      %dma_start3A_341 = arith.constant 0 : i32
      %dma_start3A_342 = tpu.memref_slice %arg6[%dma_start3A_340, %dma_start3A_341] : memref<10112x128xf32, #tpu.memory_space<vmem_shared>> -> memref<10112x128xf32, #tpu.memory_space<vmem_shared>>
      tpu.enqueue_indirect_dma source(%arg8 : memref<128x128xf32, #tpu.memory_space<vmem>>) target(%dma_start3A_342 : memref<10112x128xf32, #tpu.memory_space<vmem_shared>>) offsets(%dma_start3A_339 : memref<128xi32, #tpu.memory_space<vmem>>) semaphore(%arg9 : memref<!tpu.dma_semaphore, #tpu.memory_space<semaphore_mem>>) {add = true}
      %mul3A_343 = arith.constant 32 : i32
      %mul3A_344 = arith.muli %scan3A_43, %mul3A_343 : i32
      %add3A_345 = arith.constant 30 : i32
      %add3A_346 = arith.addi %mul3A_344, %add3A_345 : i32
      %dma_start3A_347 = arith.constant 0 : i32
      %dma_start3A_348 = tpu.memref_slice %arg7[%add3A_346, %dma_start3A_347] : memref<160x128xi32, #tpu.memory_space<vmem>> -> memref<1x128xi32, #tpu.memory_space<vmem>>
      %dma_start3A_349 = tpu.memref_squeeze %dma_start3A_348 : memref<1x128xi32, #tpu.memory_space<vmem>> -> memref<128xi32, #tpu.memory_space<vmem>>
      %dma_start3A_350 = arith.constant 0 : i32
      %dma_start3A_351 = arith.constant 0 : i32
      %dma_start3A_352 = tpu.memref_slice %arg6[%dma_start3A_350, %dma_start3A_351] : memref<10112x128xf32, #tpu.memory_space<vmem_shared>> -> memref<10112x128xf32, #tpu.memory_space<vmem_shared>>
      tpu.enqueue_indirect_dma source(%arg8 : memref<128x128xf32, #tpu.memory_space<vmem>>) target(%dma_start3A_352 : memref<10112x128xf32, #tpu.memory_space<vmem_shared>>) offsets(%dma_start3A_349 : memref<128xi32, #tpu.memory_space<vmem>>) semaphore(%arg9 : memref<!tpu.dma_semaphore, #tpu.memory_space<semaphore_mem>>) {add = true}
      %mul3A_353 = arith.constant 32 : i32
      %mul3A_354 = arith.muli %scan3A_43, %mul3A_353 : i32
      %add3A_355 = arith.constant 31 : i32
      %add3A_356 = arith.addi %mul3A_354, %add3A_355 : i32
      %dma_start3A_357 = arith.constant 0 : i32
      %dma_start3A_358 = tpu.memref_slice %arg7[%add3A_356, %dma_start3A_357] : memref<160x128xi32, #tpu.memory_space<vmem>> -> memref<1x128xi32, #tpu.memory_space<vmem>>
      %dma_start3A_359 = tpu.memref_squeeze %dma_start3A_358 : memref<1x128xi32, #tpu.memory_space<vmem>> -> memref<128xi32, #tpu.memory_space<vmem>>
      %dma_start3A_360 = arith.constant 0 : i32
      %dma_start3A_361 = arith.constant 0 : i32
      %dma_start3A_362 = tpu.memref_slice %arg6[%dma_start3A_360, %dma_start3A_361] : memref<10112x128xf32, #tpu.memory_space<vmem_shared>> -> memref<10112x128xf32, #tpu.memory_space<vmem_shared>>
      tpu.enqueue_indirect_dma source(%arg8 : memref<128x128xf32, #tpu.memory_space<vmem>>) target(%dma_start3A_362 : memref<10112x128xf32, #tpu.memory_space<vmem_shared>>) offsets(%dma_start3A_359 : memref<128xi32, #tpu.memory_space<vmem>>) semaphore(%arg9 : memref<!tpu.dma_semaphore, #tpu.memory_space<semaphore_mem>>) {add = true}
      %dma_wait3A = arith.constant 0 : i32
      %dma_wait3A_363 = arith.constant 0 : i32
      %dma_wait3A_364 = tpu.memref_slice %arg7[%dma_wait3A, %dma_wait3A_363] : memref<160x128xi32, #tpu.memory_space<vmem>> -> memref<1x128xi32, #tpu.memory_space<vmem>>
      %dma_wait3A_365 = tpu.memref_squeeze %dma_wait3A_364 : memref<1x128xi32, #tpu.memory_space<vmem>> -> memref<128xi32, #tpu.memory_space<vmem>>
      %dma_wait3A_366 = arith.constant 0 : i32
      %dma_wait3A_367 = arith.constant 0 : i32
      %dma_wait3A_368 = tpu.memref_slice %arg6[%dma_wait3A_366, %dma_wait3A_367] : memref<10112x128xf32, #tpu.memory_space<vmem_shared>> -> memref<10112x128xf32, #tpu.memory_space<vmem_shared>>
      tpu.wait_indirect_dma semaphore(%arg9 : memref<!tpu.dma_semaphore, #tpu.memory_space<semaphore_mem>>) src(%arg8 : memref<128x128xf32, #tpu.memory_space<vmem>>) dst(%dma_wait3A_368 : memref<10112x128xf32, #tpu.memory_space<vmem_shared>>)
      %dma_wait3A_369 = arith.constant 0 : i32
      %dma_wait3A_370 = arith.constant 0 : i32
      %dma_wait3A_371 = tpu.memref_slice %arg7[%dma_wait3A_369, %dma_wait3A_370] : memref<160x128xi32, #tpu.memory_space<vmem>> -> memref<1x128xi32, #tpu.memory_space<vmem>>
      %dma_wait3A_372 = tpu.memref_squeeze %dma_wait3A_371 : memref<1x128xi32, #tpu.memory_space<vmem>> -> memref<128xi32, #tpu.memory_space<vmem>>
      %dma_wait3A_373 = arith.constant 0 : i32
      %dma_wait3A_374 = arith.constant 0 : i32
      %dma_wait3A_375 = tpu.memref_slice %arg6[%dma_wait3A_373, %dma_wait3A_374] : memref<10112x128xf32, #tpu.memory_space<vmem_shared>> -> memref<10112x128xf32, #tpu.memory_space<vmem_shared>>
      tpu.wait_indirect_dma semaphore(%arg9 : memref<!tpu.dma_semaphore, #tpu.memory_space<semaphore_mem>>) src(%arg8 : memref<128x128xf32, #tpu.memory_space<vmem>>) dst(%dma_wait3A_375 : memref<10112x128xf32, #tpu.memory_space<vmem_shared>>)
      %dma_wait3A_376 = arith.constant 0 : i32
      %dma_wait3A_377 = arith.constant 0 : i32
      %dma_wait3A_378 = tpu.memref_slice %arg7[%dma_wait3A_376, %dma_wait3A_377] : memref<160x128xi32, #tpu.memory_space<vmem>> -> memref<1x128xi32, #tpu.memory_space<vmem>>
      %dma_wait3A_379 = tpu.memref_squeeze %dma_wait3A_378 : memref<1x128xi32, #tpu.memory_space<vmem>> -> memref<128xi32, #tpu.memory_space<vmem>>
      %dma_wait3A_380 = arith.constant 0 : i32
      %dma_wait3A_381 = arith.constant 0 : i32
      %dma_wait3A_382 = tpu.memref_slice %arg6[%dma_wait3A_380, %dma_wait3A_381] : memref<10112x128xf32, #tpu.memory_space<vmem_shared>> -> memref<10112x128xf32, #tpu.memory_space<vmem_shared>>
      tpu.wait_indirect_dma semaphore(%arg9 : memref<!tpu.dma_semaphore, #tpu.memory_space<semaphore_mem>>) src(%arg8 : memref<128x128xf32, #tpu.memory_space<vmem>>) dst(%dma_wait3A_382 : memref<10112x128xf32, #tpu.memory_space<vmem_shared>>)
      %dma_wait3A_383 = arith.constant 0 : i32
      %dma_wait3A_384 = arith.constant 0 : i32
      %dma_wait3A_385 = tpu.memref_slice %arg7[%dma_wait3A_383, %dma_wait3A_384] : memref<160x128xi32, #tpu.memory_space<vmem>> -> memref<1x128xi32, #tpu.memory_space<vmem>>
      %dma_wait3A_386 = tpu.memref_squeeze %dma_wait3A_385 : memref<1x128xi32, #tpu.memory_space<vmem>> -> memref<128xi32, #tpu.memory_space<vmem>>
      %dma_wait3A_387 = arith.constant 0 : i32
      %dma_wait3A_388 = arith.constant 0 : i32
      %dma_wait3A_389 = tpu.memref_slice %arg6[%dma_wait3A_387, %dma_wait3A_388] : memref<10112x128xf32, #tpu.memory_space<vmem_shared>> -> memref<10112x128xf32, #tpu.memory_space<vmem_shared>>
      tpu.wait_indirect_dma semaphore(%arg9 : memref<!tpu.dma_semaphore, #tpu.memory_space<semaphore_mem>>) src(%arg8 : memref<128x128xf32, #tpu.memory_space<vmem>>) dst(%dma_wait3A_389 : memref<10112x128xf32, #tpu.memory_space<vmem_shared>>)
      %dma_wait3A_390 = arith.constant 0 : i32
      %dma_wait3A_391 = arith.constant 0 : i32
      %dma_wait3A_392 = tpu.memref_slice %arg7[%dma_wait3A_390, %dma_wait3A_391] : memref<160x128xi32, #tpu.memory_space<vmem>> -> memref<1x128xi32, #tpu.memory_space<vmem>>
      %dma_wait3A_393 = tpu.memref_squeeze %dma_wait3A_392 : memref<1x128xi32, #tpu.memory_space<vmem>> -> memref<128xi32, #tpu.memory_space<vmem>>
      %dma_wait3A_394 = arith.constant 0 : i32
      %dma_wait3A_395 = arith.constant 0 : i32
      %dma_wait3A_396 = tpu.memref_slice %arg6[%dma_wait3A_394, %dma_wait3A_395] : memref<10112x128xf32, #tpu.memory_space<vmem_shared>> -> memref<10112x128xf32, #tpu.memory_space<vmem_shared>>
      tpu.wait_indirect_dma semaphore(%arg9 : memref<!tpu.dma_semaphore, #tpu.memory_space<semaphore_mem>>) src(%arg8 : memref<128x128xf32, #tpu.memory_space<vmem>>) dst(%dma_wait3A_396 : memref<10112x128xf32, #tpu.memory_space<vmem_shared>>)
      %dma_wait3A_397 = arith.constant 0 : i32
      %dma_wait3A_398 = arith.constant 0 : i32
      %dma_wait3A_399 = tpu.memref_slice %arg7[%dma_wait3A_397, %dma_wait3A_398] : memref<160x128xi32, #tpu.memory_space<vmem>> -> memref<1x128xi32, #tpu.memory_space<vmem>>
      %dma_wait3A_400 = tpu.memref_squeeze %dma_wait3A_399 : memref<1x128xi32, #tpu.memory_space<vmem>> -> memref<128xi32, #tpu.memory_space<vmem>>
      %dma_wait3A_401 = arith.constant 0 : i32
      %dma_wait3A_402 = arith.constant 0 : i32
      %dma_wait3A_403 = tpu.memref_slice %arg6[%dma_wait3A_401, %dma_wait3A_402] : memref<10112x128xf32, #tpu.memory_space<vmem_shared>> -> memref<10112x128xf32, #tpu.memory_space<vmem_shared>>
      tpu.wait_indirect_dma semaphore(%arg9 : memref<!tpu.dma_semaphore, #tpu.memory_space<semaphore_mem>>) src(%arg8 : memref<128x128xf32, #tpu.memory_space<vmem>>) dst(%dma_wait3A_403 : memref<10112x128xf32, #tpu.memory_space<vmem_shared>>)
      %dma_wait3A_404 = arith.constant 0 : i32
      %dma_wait3A_405 = arith.constant 0 : i32
      %dma_wait3A_406 = tpu.memref_slice %arg7[%dma_wait3A_404, %dma_wait3A_405] : memref<160x128xi32, #tpu.memory_space<vmem>> -> memref<1x128xi32, #tpu.memory_space<vmem>>
      %dma_wait3A_407 = tpu.memref_squeeze %dma_wait3A_406 : memref<1x128xi32, #tpu.memory_space<vmem>> -> memref<128xi32, #tpu.memory_space<vmem>>
      %dma_wait3A_408 = arith.constant 0 : i32
      %dma_wait3A_409 = arith.constant 0 : i32
      %dma_wait3A_410 = tpu.memref_slice %arg6[%dma_wait3A_408, %dma_wait3A_409] : memref<10112x128xf32, #tpu.memory_space<vmem_shared>> -> memref<10112x128xf32, #tpu.memory_space<vmem_shared>>
      tpu.wait_indirect_dma semaphore(%arg9 : memref<!tpu.dma_semaphore, #tpu.memory_space<semaphore_mem>>) src(%arg8 : memref<128x128xf32, #tpu.memory_space<vmem>>) dst(%dma_wait3A_410 : memref<10112x128xf32, #tpu.memory_space<vmem_shared>>)
      %dma_wait3A_411 = arith.constant 0 : i32
      %dma_wait3A_412 = arith.constant 0 : i32
      %dma_wait3A_413 = tpu.memref_slice %arg7[%dma_wait3A_411, %dma_wait3A_412] : memref<160x128xi32, #tpu.memory_space<vmem>> -> memref<1x128xi32, #tpu.memory_space<vmem>>
      %dma_wait3A_414 = tpu.memref_squeeze %dma_wait3A_413 : memref<1x128xi32, #tpu.memory_space<vmem>> -> memref<128xi32, #tpu.memory_space<vmem>>
      %dma_wait3A_415 = arith.constant 0 : i32
      %dma_wait3A_416 = arith.constant 0 : i32
      %dma_wait3A_417 = tpu.memref_slice %arg6[%dma_wait3A_415, %dma_wait3A_416] : memref<10112x128xf32, #tpu.memory_space<vmem_shared>> -> memref<10112x128xf32, #tpu.memory_space<vmem_shared>>
      tpu.wait_indirect_dma semaphore(%arg9 : memref<!tpu.dma_semaphore, #tpu.memory_space<semaphore_mem>>) src(%arg8 : memref<128x128xf32, #tpu.memory_space<vmem>>) dst(%dma_wait3A_417 : memref<10112x128xf32, #tpu.memory_space<vmem_shared>>)
      %dma_wait3A_418 = arith.constant 0 : i32
      %dma_wait3A_419 = arith.constant 0 : i32
      %dma_wait3A_420 = tpu.memref_slice %arg7[%dma_wait3A_418, %dma_wait3A_419] : memref<160x128xi32, #tpu.memory_space<vmem>> -> memref<1x128xi32, #tpu.memory_space<vmem>>
      %dma_wait3A_421 = tpu.memref_squeeze %dma_wait3A_420 : memref<1x128xi32, #tpu.memory_space<vmem>> -> memref<128xi32, #tpu.memory_space<vmem>>
      %dma_wait3A_422 = arith.constant 0 : i32
      %dma_wait3A_423 = arith.constant 0 : i32
      %dma_wait3A_424 = tpu.memref_slice %arg6[%dma_wait3A_422, %dma_wait3A_423] : memref<10112x128xf32, #tpu.memory_space<vmem_shared>> -> memref<10112x128xf32, #tpu.memory_space<vmem_shared>>
      tpu.wait_indirect_dma semaphore(%arg9 : memref<!tpu.dma_semaphore, #tpu.memory_space<semaphore_mem>>) src(%arg8 : memref<128x128xf32, #tpu.memory_space<vmem>>) dst(%dma_wait3A_424 : memref<10112x128xf32, #tpu.memory_space<vmem_shared>>)
      %dma_wait3A_425 = arith.constant 0 : i32
      %dma_wait3A_426 = arith.constant 0 : i32
      %dma_wait3A_427 = tpu.memref_slice %arg7[%dma_wait3A_425, %dma_wait3A_426] : memref<160x128xi32, #tpu.memory_space<vmem>> -> memref<1x128xi32, #tpu.memory_space<vmem>>
      %dma_wait3A_428 = tpu.memref_squeeze %dma_wait3A_427 : memref<1x128xi32, #tpu.memory_space<vmem>> -> memref<128xi32, #tpu.memory_space<vmem>>
      %dma_wait3A_429 = arith.constant 0 : i32
      %dma_wait3A_430 = arith.constant 0 : i32
      %dma_wait3A_431 = tpu.memref_slice %arg6[%dma_wait3A_429, %dma_wait3A_430] : memref<10112x128xf32, #tpu.memory_space<vmem_shared>> -> memref<10112x128xf32, #tpu.memory_space<vmem_shared>>
      tpu.wait_indirect_dma semaphore(%arg9 : memref<!tpu.dma_semaphore, #tpu.memory_space<semaphore_mem>>) src(%arg8 : memref<128x128xf32, #tpu.memory_space<vmem>>) dst(%dma_wait3A_431 : memref<10112x128xf32, #tpu.memory_space<vmem_shared>>)
      %dma_wait3A_432 = arith.constant 0 : i32
      %dma_wait3A_433 = arith.constant 0 : i32
      %dma_wait3A_434 = tpu.memref_slice %arg7[%dma_wait3A_432, %dma_wait3A_433] : memref<160x128xi32, #tpu.memory_space<vmem>> -> memref<1x128xi32, #tpu.memory_space<vmem>>
      %dma_wait3A_435 = tpu.memref_squeeze %dma_wait3A_434 : memref<1x128xi32, #tpu.memory_space<vmem>> -> memref<128xi32, #tpu.memory_space<vmem>>
      %dma_wait3A_436 = arith.constant 0 : i32
      %dma_wait3A_437 = arith.constant 0 : i32
      %dma_wait3A_438 = tpu.memref_slice %arg6[%dma_wait3A_436, %dma_wait3A_437] : memref<10112x128xf32, #tpu.memory_space<vmem_shared>> -> memref<10112x128xf32, #tpu.memory_space<vmem_shared>>
      tpu.wait_indirect_dma semaphore(%arg9 : memref<!tpu.dma_semaphore, #tpu.memory_space<semaphore_mem>>) src(%arg8 : memref<128x128xf32, #tpu.memory_space<vmem>>) dst(%dma_wait3A_438 : memref<10112x128xf32, #tpu.memory_space<vmem_shared>>)
      %dma_wait3A_439 = arith.constant 0 : i32
      %dma_wait3A_440 = arith.constant 0 : i32
      %dma_wait3A_441 = tpu.memref_slice %arg7[%dma_wait3A_439, %dma_wait3A_440] : memref<160x128xi32, #tpu.memory_space<vmem>> -> memref<1x128xi32, #tpu.memory_space<vmem>>
      %dma_wait3A_442 = tpu.memref_squeeze %dma_wait3A_441 : memref<1x128xi32, #tpu.memory_space<vmem>> -> memref<128xi32, #tpu.memory_space<vmem>>
      %dma_wait3A_443 = arith.constant 0 : i32
      %dma_wait3A_444 = arith.constant 0 : i32
      %dma_wait3A_445 = tpu.memref_slice %arg6[%dma_wait3A_443, %dma_wait3A_444] : memref<10112x128xf32, #tpu.memory_space<vmem_shared>> -> memref<10112x128xf32, #tpu.memory_space<vmem_shared>>
      tpu.wait_indirect_dma semaphore(%arg9 : memref<!tpu.dma_semaphore, #tpu.memory_space<semaphore_mem>>) src(%arg8 : memref<128x128xf32, #tpu.memory_space<vmem>>) dst(%dma_wait3A_445 : memref<10112x128xf32, #tpu.memory_space<vmem_shared>>)
      %dma_wait3A_446 = arith.constant 0 : i32
      %dma_wait3A_447 = arith.constant 0 : i32
      %dma_wait3A_448 = tpu.memref_slice %arg7[%dma_wait3A_446, %dma_wait3A_447] : memref<160x128xi32, #tpu.memory_space<vmem>> -> memref<1x128xi32, #tpu.memory_space<vmem>>
      %dma_wait3A_449 = tpu.memref_squeeze %dma_wait3A_448 : memref<1x128xi32, #tpu.memory_space<vmem>> -> memref<128xi32, #tpu.memory_space<vmem>>
      %dma_wait3A_450 = arith.constant 0 : i32
      %dma_wait3A_451 = arith.constant 0 : i32
      %dma_wait3A_452 = tpu.memref_slice %arg6[%dma_wait3A_450, %dma_wait3A_451] : memref<10112x128xf32, #tpu.memory_space<vmem_shared>> -> memref<10112x128xf32, #tpu.memory_space<vmem_shared>>
      tpu.wait_indirect_dma semaphore(%arg9 : memref<!tpu.dma_semaphore, #tpu.memory_space<semaphore_mem>>) src(%arg8 : memref<128x128xf32, #tpu.memory_space<vmem>>) dst(%dma_wait3A_452 : memref<10112x128xf32, #tpu.memory_space<vmem_shared>>)
      %dma_wait3A_453 = arith.constant 0 : i32
      %dma_wait3A_454 = arith.constant 0 : i32
      %dma_wait3A_455 = tpu.memref_slice %arg7[%dma_wait3A_453, %dma_wait3A_454] : memref<160x128xi32, #tpu.memory_space<vmem>> -> memref<1x128xi32, #tpu.memory_space<vmem>>
      %dma_wait3A_456 = tpu.memref_squeeze %dma_wait3A_455 : memref<1x128xi32, #tpu.memory_space<vmem>> -> memref<128xi32, #tpu.memory_space<vmem>>
      %dma_wait3A_457 = arith.constant 0 : i32
      %dma_wait3A_458 = arith.constant 0 : i32
      %dma_wait3A_459 = tpu.memref_slice %arg6[%dma_wait3A_457, %dma_wait3A_458] : memref<10112x128xf32, #tpu.memory_space<vmem_shared>> -> memref<10112x128xf32, #tpu.memory_space<vmem_shared>>
      tpu.wait_indirect_dma semaphore(%arg9 : memref<!tpu.dma_semaphore, #tpu.memory_space<semaphore_mem>>) src(%arg8 : memref<128x128xf32, #tpu.memory_space<vmem>>) dst(%dma_wait3A_459 : memref<10112x128xf32, #tpu.memory_space<vmem_shared>>)
      %dma_wait3A_460 = arith.constant 0 : i32
      %dma_wait3A_461 = arith.constant 0 : i32
      %dma_wait3A_462 = tpu.memref_slice %arg7[%dma_wait3A_460, %dma_wait3A_461] : memref<160x128xi32, #tpu.memory_space<vmem>> -> memref<1x128xi32, #tpu.memory_space<vmem>>
      %dma_wait3A_463 = tpu.memref_squeeze %dma_wait3A_462 : memref<1x128xi32, #tpu.memory_space<vmem>> -> memref<128xi32, #tpu.memory_space<vmem>>
      %dma_wait3A_464 = arith.constant 0 : i32
      %dma_wait3A_465 = arith.constant 0 : i32
      %dma_wait3A_466 = tpu.memref_slice %arg6[%dma_wait3A_464, %dma_wait3A_465] : memref<10112x128xf32, #tpu.memory_space<vmem_shared>> -> memref<10112x128xf32, #tpu.memory_space<vmem_shared>>
      tpu.wait_indirect_dma semaphore(%arg9 : memref<!tpu.dma_semaphore, #tpu.memory_space<semaphore_mem>>) src(%arg8 : memref<128x128xf32, #tpu.memory_space<vmem>>) dst(%dma_wait3A_466 : memref<10112x128xf32, #tpu.memory_space<vmem_shared>>)
      %dma_wait3A_467 = arith.constant 0 : i32
      %dma_wait3A_468 = arith.constant 0 : i32
      %dma_wait3A_469 = tpu.memref_slice %arg7[%dma_wait3A_467, %dma_wait3A_468] : memref<160x128xi32, #tpu.memory_space<vmem>> -> memref<1x128xi32, #tpu.memory_space<vmem>>
      %dma_wait3A_470 = tpu.memref_squeeze %dma_wait3A_469 : memref<1x128xi32, #tpu.memory_space<vmem>> -> memref<128xi32, #tpu.memory_space<vmem>>
      %dma_wait3A_471 = arith.constant 0 : i32
      %dma_wait3A_472 = arith.constant 0 : i32
      %dma_wait3A_473 = tpu.memref_slice %arg6[%dma_wait3A_471, %dma_wait3A_472] : memref<10112x128xf32, #tpu.memory_space<vmem_shared>> -> memref<10112x128xf32, #tpu.memory_space<vmem_shared>>
      tpu.wait_indirect_dma semaphore(%arg9 : memref<!tpu.dma_semaphore, #tpu.memory_space<semaphore_mem>>) src(%arg8 : memref<128x128xf32, #tpu.memory_space<vmem>>) dst(%dma_wait3A_473 : memref<10112x128xf32, #tpu.memory_space<vmem_shared>>)
      %dma_wait3A_474 = arith.constant 0 : i32
      %dma_wait3A_475 = arith.constant 0 : i32
      %dma_wait3A_476 = tpu.memref_slice %arg7[%dma_wait3A_474, %dma_wait3A_475] : memref<160x128xi32, #tpu.memory_space<vmem>> -> memref<1x128xi32, #tpu.memory_space<vmem>>
      %dma_wait3A_477 = tpu.memref_squeeze %dma_wait3A_476 : memref<1x128xi32, #tpu.memory_space<vmem>> -> memref<128xi32, #tpu.memory_space<vmem>>
      %dma_wait3A_478 = arith.constant 0 : i32
      %dma_wait3A_479 = arith.constant 0 : i32
      %dma_wait3A_480 = tpu.memref_slice %arg6[%dma_wait3A_478, %dma_wait3A_479] : memref<10112x128xf32, #tpu.memory_space<vmem_shared>> -> memref<10112x128xf32, #tpu.memory_space<vmem_shared>>
      tpu.wait_indirect_dma semaphore(%arg9 : memref<!tpu.dma_semaphore, #tpu.memory_space<semaphore_mem>>) src(%arg8 : memref<128x128xf32, #tpu.memory_space<vmem>>) dst(%dma_wait3A_480 : memref<10112x128xf32, #tpu.memory_space<vmem_shared>>)
      %dma_wait3A_481 = arith.constant 0 : i32
      %dma_wait3A_482 = arith.constant 0 : i32
      %dma_wait3A_483 = tpu.memref_slice %arg7[%dma_wait3A_481, %dma_wait3A_482] : memref<160x128xi32, #tpu.memory_space<vmem>> -> memref<1x128xi32, #tpu.memory_space<vmem>>
      %dma_wait3A_484 = tpu.memref_squeeze %dma_wait3A_483 : memref<1x128xi32, #tpu.memory_space<vmem>> -> memref<128xi32, #tpu.memory_space<vmem>>
      %dma_wait3A_485 = arith.constant 0 : i32
      %dma_wait3A_486 = arith.constant 0 : i32
      %dma_wait3A_487 = tpu.memref_slice %arg6[%dma_wait3A_485, %dma_wait3A_486] : memref<10112x128xf32, #tpu.memory_space<vmem_shared>> -> memref<10112x128xf32, #tpu.memory_space<vmem_shared>>
      tpu.wait_indirect_dma semaphore(%arg9 : memref<!tpu.dma_semaphore, #tpu.memory_space<semaphore_mem>>) src(%arg8 : memref<128x128xf32, #tpu.memory_space<vmem>>) dst(%dma_wait3A_487 : memref<10112x128xf32, #tpu.memory_space<vmem_shared>>)
      %dma_wait3A_488 = arith.constant 0 : i32
      %dma_wait3A_489 = arith.constant 0 : i32
      %dma_wait3A_490 = tpu.memref_slice %arg7[%dma_wait3A_488, %dma_wait3A_489] : memref<160x128xi32, #tpu.memory_space<vmem>> -> memref<1x128xi32, #tpu.memory_space<vmem>>
      %dma_wait3A_491 = tpu.memref_squeeze %dma_wait3A_490 : memref<1x128xi32, #tpu.memory_space<vmem>> -> memref<128xi32, #tpu.memory_space<vmem>>
      %dma_wait3A_492 = arith.constant 0 : i32
      %dma_wait3A_493 = arith.constant 0 : i32
      %dma_wait3A_494 = tpu.memref_slice %arg6[%dma_wait3A_492, %dma_wait3A_493] : memref<10112x128xf32, #tpu.memory_space<vmem_shared>> -> memref<10112x128xf32, #tpu.memory_space<vmem_shared>>
      tpu.wait_indirect_dma semaphore(%arg9 : memref<!tpu.dma_semaphore, #tpu.memory_space<semaphore_mem>>) src(%arg8 : memref<128x128xf32, #tpu.memory_space<vmem>>) dst(%dma_wait3A_494 : memref<10112x128xf32, #tpu.memory_space<vmem_shared>>)
      %dma_wait3A_495 = arith.constant 0 : i32
      %dma_wait3A_496 = arith.constant 0 : i32
      %dma_wait3A_497 = tpu.memref_slice %arg7[%dma_wait3A_495, %dma_wait3A_496] : memref<160x128xi32, #tpu.memory_space<vmem>> -> memref<1x128xi32, #tpu.memory_space<vmem>>
      %dma_wait3A_498 = tpu.memref_squeeze %dma_wait3A_497 : memref<1x128xi32, #tpu.memory_space<vmem>> -> memref<128xi32, #tpu.memory_space<vmem>>
      %dma_wait3A_499 = arith.constant 0 : i32
      %dma_wait3A_500 = arith.constant 0 : i32
      %dma_wait3A_501 = tpu.memref_slice %arg6[%dma_wait3A_499, %dma_wait3A_500] : memref<10112x128xf32, #tpu.memory_space<vmem_shared>> -> memref<10112x128xf32, #tpu.memory_space<vmem_shared>>
      tpu.wait_indirect_dma semaphore(%arg9 : memref<!tpu.dma_semaphore, #tpu.memory_space<semaphore_mem>>) src(%arg8 : memref<128x128xf32, #tpu.memory_space<vmem>>) dst(%dma_wait3A_501 : memref<10112x128xf32, #tpu.memory_space<vmem_shared>>)
      %dma_wait3A_502 = arith.constant 0 : i32
      %dma_wait3A_503 = arith.constant 0 : i32
      %dma_wait3A_504 = tpu.memref_slice %arg7[%dma_wait3A_502, %dma_wait3A_503] : memref<160x128xi32, #tpu.memory_space<vmem>> -> memref<1x128xi32, #tpu.memory_space<vmem>>
      %dma_wait3A_505 = tpu.memref_squeeze %dma_wait3A_504 : memref<1x128xi32, #tpu.memory_space<vmem>> -> memref<128xi32, #tpu.memory_space<vmem>>
      %dma_wait3A_506 = arith.constant 0 : i32
      %dma_wait3A_507 = arith.constant 0 : i32
      %dma_wait3A_508 = tpu.memref_slice %arg6[%dma_wait3A_506, %dma_wait3A_507] : memref<10112x128xf32, #tpu.memory_space<vmem_shared>> -> memref<10112x128xf32, #tpu.memory_space<vmem_shared>>
      tpu.wait_indirect_dma semaphore(%arg9 : memref<!tpu.dma_semaphore, #tpu.memory_space<semaphore_mem>>) src(%arg8 : memref<128x128xf32, #tpu.memory_space<vmem>>) dst(%dma_wait3A_508 : memref<10112x128xf32, #tpu.memory_space<vmem_shared>>)
      %dma_wait3A_509 = arith.constant 0 : i32
      %dma_wait3A_510 = arith.constant 0 : i32
      %dma_wait3A_511 = tpu.memref_slice %arg7[%dma_wait3A_509, %dma_wait3A_510] : memref<160x128xi32, #tpu.memory_space<vmem>> -> memref<1x128xi32, #tpu.memory_space<vmem>>
      %dma_wait3A_512 = tpu.memref_squeeze %dma_wait3A_511 : memref<1x128xi32, #tpu.memory_space<vmem>> -> memref<128xi32, #tpu.memory_space<vmem>>
      %dma_wait3A_513 = arith.constant 0 : i32
      %dma_wait3A_514 = arith.constant 0 : i32
      %dma_wait3A_515 = tpu.memref_slice %arg6[%dma_wait3A_513, %dma_wait3A_514] : memref<10112x128xf32, #tpu.memory_space<vmem_shared>> -> memref<10112x128xf32, #tpu.memory_space<vmem_shared>>
      tpu.wait_indirect_dma semaphore(%arg9 : memref<!tpu.dma_semaphore, #tpu.memory_space<semaphore_mem>>) src(%arg8 : memref<128x128xf32, #tpu.memory_space<vmem>>) dst(%dma_wait3A_515 : memref<10112x128xf32, #tpu.memory_space<vmem_shared>>)
      %dma_wait3A_516 = arith.constant 0 : i32
      %dma_wait3A_517 = arith.constant 0 : i32
      %dma_wait3A_518 = tpu.memref_slice %arg7[%dma_wait3A_516, %dma_wait3A_517] : memref<160x128xi32, #tpu.memory_space<vmem>> -> memref<1x128xi32, #tpu.memory_space<vmem>>
      %dma_wait3A_519 = tpu.memref_squeeze %dma_wait3A_518 : memref<1x128xi32, #tpu.memory_space<vmem>> -> memref<128xi32, #tpu.memory_space<vmem>>
      %dma_wait3A_520 = arith.constant 0 : i32
      %dma_wait3A_521 = arith.constant 0 : i32
      %dma_wait3A_522 = tpu.memref_slice %arg6[%dma_wait3A_520, %dma_wait3A_521] : memref<10112x128xf32, #tpu.memory_space<vmem_shared>> -> memref<10112x128xf32, #tpu.memory_space<vmem_shared>>
      tpu.wait_indirect_dma semaphore(%arg9 : memref<!tpu.dma_semaphore, #tpu.memory_space<semaphore_mem>>) src(%arg8 : memref<128x128xf32, #tpu.memory_space<vmem>>) dst(%dma_wait3A_522 : memref<10112x128xf32, #tpu.memory_space<vmem_shared>>)
      %dma_wait3A_523 = arith.constant 0 : i32
      %dma_wait3A_524 = arith.constant 0 : i32
      %dma_wait3A_525 = tpu.memref_slice %arg7[%dma_wait3A_523, %dma_wait3A_524] : memref<160x128xi32, #tpu.memory_space<vmem>> -> memref<1x128xi32, #tpu.memory_space<vmem>>
      %dma_wait3A_526 = tpu.memref_squeeze %dma_wait3A_525 : memref<1x128xi32, #tpu.memory_space<vmem>> -> memref<128xi32, #tpu.memory_space<vmem>>
      %dma_wait3A_527 = arith.constant 0 : i32
      %dma_wait3A_528 = arith.constant 0 : i32
      %dma_wait3A_529 = tpu.memref_slice %arg6[%dma_wait3A_527, %dma_wait3A_528] : memref<10112x128xf32, #tpu.memory_space<vmem_shared>> -> memref<10112x128xf32, #tpu.memory_space<vmem_shared>>
      tpu.wait_indirect_dma semaphore(%arg9 : memref<!tpu.dma_semaphore, #tpu.memory_space<semaphore_mem>>) src(%arg8 : memref<128x128xf32, #tpu.memory_space<vmem>>) dst(%dma_wait3A_529 : memref<10112x128xf32, #tpu.memory_space<vmem_shared>>)
      %dma_wait3A_530 = arith.constant 0 : i32
      %dma_wait3A_531 = arith.constant 0 : i32
      %dma_wait3A_532 = tpu.memref_slice %arg7[%dma_wait3A_530, %dma_wait3A_531] : memref<160x128xi32, #tpu.memory_space<vmem>> -> memref<1x128xi32, #tpu.memory_space<vmem>>
      %dma_wait3A_533 = tpu.memref_squeeze %dma_wait3A_532 : memref<1x128xi32, #tpu.memory_space<vmem>> -> memref<128xi32, #tpu.memory_space<vmem>>
      %dma_wait3A_534 = arith.constant 0 : i32
      %dma_wait3A_535 = arith.constant 0 : i32
      %dma_wait3A_536 = tpu.memref_slice %arg6[%dma_wait3A_534, %dma_wait3A_535] : memref<10112x128xf32, #tpu.memory_space<vmem_shared>> -> memref<10112x128xf32, #tpu.memory_space<vmem_shared>>
      tpu.wait_indirect_dma semaphore(%arg9 : memref<!tpu.dma_semaphore, #tpu.memory_space<semaphore_mem>>) src(%arg8 : memref<128x128xf32, #tpu.memory_space<vmem>>) dst(%dma_wait3A_536 : memref<10112x128xf32, #tpu.memory_space<vmem_shared>>)
      %dma_wait3A_537 = arith.constant 0 : i32
      %dma_wait3A_538 = arith.constant 0 : i32
      %dma_wait3A_539 = tpu.memref_slice %arg7[%dma_wait3A_537, %dma_wait3A_538] : memref<160x128xi32, #tpu.memory_space<vmem>> -> memref<1x128xi32, #tpu.memory_space<vmem>>
      %dma_wait3A_540 = tpu.memref_squeeze %dma_wait3A_539 : memref<1x128xi32, #tpu.memory_space<vmem>> -> memref<128xi32, #tpu.memory_space<vmem>>
      %dma_wait3A_541 = arith.constant 0 : i32
      %dma_wait3A_542 = arith.constant 0 : i32
      %dma_wait3A_543 = tpu.memref_slice %arg6[%dma_wait3A_541, %dma_wait3A_542] : memref<10112x128xf32, #tpu.memory_space<vmem_shared>> -> memref<10112x128xf32, #tpu.memory_space<vmem_shared>>
      tpu.wait_indirect_dma semaphore(%arg9 : memref<!tpu.dma_semaphore, #tpu.memory_space<semaphore_mem>>) src(%arg8 : memref<128x128xf32, #tpu.memory_space<vmem>>) dst(%dma_wait3A_543 : memref<10112x128xf32, #tpu.memory_space<vmem_shared>>)
      %dma_wait3A_544 = arith.constant 0 : i32
      %dma_wait3A_545 = arith.constant 0 : i32
      %dma_wait3A_546 = tpu.memref_slice %arg7[%dma_wait3A_544, %dma_wait3A_545] : memref<160x128xi32, #tpu.memory_space<vmem>> -> memref<1x128xi32, #tpu.memory_space<vmem>>
      %dma_wait3A_547 = tpu.memref_squeeze %dma_wait3A_546 : memref<1x128xi32, #tpu.memory_space<vmem>> -> memref<128xi32, #tpu.memory_space<vmem>>
      %dma_wait3A_548 = arith.constant 0 : i32
      %dma_wait3A_549 = arith.constant 0 : i32
      %dma_wait3A_550 = tpu.memref_slice %arg6[%dma_wait3A_548, %dma_wait3A_549] : memref<10112x128xf32, #tpu.memory_space<vmem_shared>> -> memref<10112x128xf32, #tpu.memory_space<vmem_shared>>
      tpu.wait_indirect_dma semaphore(%arg9 : memref<!tpu.dma_semaphore, #tpu.memory_space<semaphore_mem>>) src(%arg8 : memref<128x128xf32, #tpu.memory_space<vmem>>) dst(%dma_wait3A_550 : memref<10112x128xf32, #tpu.memory_space<vmem_shared>>)
      %dma_wait3A_551 = arith.constant 0 : i32
      %dma_wait3A_552 = arith.constant 0 : i32
      %dma_wait3A_553 = tpu.memref_slice %arg7[%dma_wait3A_551, %dma_wait3A_552] : memref<160x128xi32, #tpu.memory_space<vmem>> -> memref<1x128xi32, #tpu.memory_space<vmem>>
      %dma_wait3A_554 = tpu.memref_squeeze %dma_wait3A_553 : memref<1x128xi32, #tpu.memory_space<vmem>> -> memref<128xi32, #tpu.memory_space<vmem>>
      %dma_wait3A_555 = arith.constant 0 : i32
      %dma_wait3A_556 = arith.constant 0 : i32
      %dma_wait3A_557 = tpu.memref_slice %arg6[%dma_wait3A_555, %dma_wait3A_556] : memref<10112x128xf32, #tpu.memory_space<vmem_shared>> -> memref<10112x128xf32, #tpu.memory_space<vmem_shared>>
      tpu.wait_indirect_dma semaphore(%arg9 : memref<!tpu.dma_semaphore, #tpu.memory_space<semaphore_mem>>) src(%arg8 : memref<128x128xf32, #tpu.memory_space<vmem>>) dst(%dma_wait3A_557 : memref<10112x128xf32, #tpu.memory_space<vmem_shared>>)
      %dma_wait3A_558 = arith.constant 0 : i32
      %dma_wait3A_559 = arith.constant 0 : i32
      %dma_wait3A_560 = tpu.memref_slice %arg7[%dma_wait3A_558, %dma_wait3A_559] : memref<160x128xi32, #tpu.memory_space<vmem>> -> memref<1x128xi32, #tpu.memory_space<vmem>>
      %dma_wait3A_561 = tpu.memref_squeeze %dma_wait3A_560 : memref<1x128xi32, #tpu.memory_space<vmem>> -> memref<128xi32, #tpu.memory_space<vmem>>
      %dma_wait3A_562 = arith.constant 0 : i32
      %dma_wait3A_563 = arith.constant 0 : i32
      %dma_wait3A_564 = tpu.memref_slice %arg6[%dma_wait3A_562, %dma_wait3A_563] : memref<10112x128xf32, #tpu.memory_space<vmem_shared>> -> memref<10112x128xf32, #tpu.memory_space<vmem_shared>>
      tpu.wait_indirect_dma semaphore(%arg9 : memref<!tpu.dma_semaphore, #tpu.memory_space<semaphore_mem>>) src(%arg8 : memref<128x128xf32, #tpu.memory_space<vmem>>) dst(%dma_wait3A_564 : memref<10112x128xf32, #tpu.memory_space<vmem_shared>>)
      %dma_wait3A_565 = arith.constant 0 : i32
      %dma_wait3A_566 = arith.constant 0 : i32
      %dma_wait3A_567 = tpu.memref_slice %arg7[%dma_wait3A_565, %dma_wait3A_566] : memref<160x128xi32, #tpu.memory_space<vmem>> -> memref<1x128xi32, #tpu.memory_space<vmem>>
      %dma_wait3A_568 = tpu.memref_squeeze %dma_wait3A_567 : memref<1x128xi32, #tpu.memory_space<vmem>> -> memref<128xi32, #tpu.memory_space<vmem>>
      %dma_wait3A_569 = arith.constant 0 : i32
      %dma_wait3A_570 = arith.constant 0 : i32
      %dma_wait3A_571 = tpu.memref_slice %arg6[%dma_wait3A_569, %dma_wait3A_570] : memref<10112x128xf32, #tpu.memory_space<vmem_shared>> -> memref<10112x128xf32, #tpu.memory_space<vmem_shared>>
      tpu.wait_indirect_dma semaphore(%arg9 : memref<!tpu.dma_semaphore, #tpu.memory_space<semaphore_mem>>) src(%arg8 : memref<128x128xf32, #tpu.memory_space<vmem>>) dst(%dma_wait3A_571 : memref<10112x128xf32, #tpu.memory_space<vmem_shared>>)
      %dma_wait3A_572 = arith.constant 0 : i32
      %dma_wait3A_573 = arith.constant 0 : i32
      %dma_wait3A_574 = tpu.memref_slice %arg7[%dma_wait3A_572, %dma_wait3A_573] : memref<160x128xi32, #tpu.memory_space<vmem>> -> memref<1x128xi32, #tpu.memory_space<vmem>>
      %dma_wait3A_575 = tpu.memref_squeeze %dma_wait3A_574 : memref<1x128xi32, #tpu.memory_space<vmem>> -> memref<128xi32, #tpu.memory_space<vmem>>
      %dma_wait3A_576 = arith.constant 0 : i32
      %dma_wait3A_577 = arith.constant 0 : i32
      %dma_wait3A_578 = tpu.memref_slice %arg6[%dma_wait3A_576, %dma_wait3A_577] : memref<10112x128xf32, #tpu.memory_space<vmem_shared>> -> memref<10112x128xf32, #tpu.memory_space<vmem_shared>>
      tpu.wait_indirect_dma semaphore(%arg9 : memref<!tpu.dma_semaphore, #tpu.memory_space<semaphore_mem>>) src(%arg8 : memref<128x128xf32, #tpu.memory_space<vmem>>) dst(%dma_wait3A_578 : memref<10112x128xf32, #tpu.memory_space<vmem_shared>>)
      %dma_wait3A_579 = arith.constant 0 : i32
      %dma_wait3A_580 = arith.constant 0 : i32
      %dma_wait3A_581 = tpu.memref_slice %arg7[%dma_wait3A_579, %dma_wait3A_580] : memref<160x128xi32, #tpu.memory_space<vmem>> -> memref<1x128xi32, #tpu.memory_space<vmem>>
      %dma_wait3A_582 = tpu.memref_squeeze %dma_wait3A_581 : memref<1x128xi32, #tpu.memory_space<vmem>> -> memref<128xi32, #tpu.memory_space<vmem>>
      %dma_wait3A_583 = arith.constant 0 : i32
      %dma_wait3A_584 = arith.constant 0 : i32
      %dma_wait3A_585 = tpu.memref_slice %arg6[%dma_wait3A_583, %dma_wait3A_584] : memref<10112x128xf32, #tpu.memory_space<vmem_shared>> -> memref<10112x128xf32, #tpu.memory_space<vmem_shared>>
      tpu.wait_indirect_dma semaphore(%arg9 : memref<!tpu.dma_semaphore, #tpu.memory_space<semaphore_mem>>) src(%arg8 : memref<128x128xf32, #tpu.memory_space<vmem>>) dst(%dma_wait3A_585 : memref<10112x128xf32, #tpu.memory_space<vmem_shared>>)
    }
    %scan3A_19 = arith.constant 5 : i32
    %barrier3A_20 = arith.constant 0 : index
    tpu.barrier barrier_id(%barrier3A_20)
    %mul3A_21 = arith.constant 632 : i32
    %mul3A_22 = arith.muli %arg1, %mul3A_21 : i32
    %add3A_23 = arith.constant 0 : i32
    %add3A_24 = arith.addi %mul3A_22, %add3A_23 : i32
    %add3A_25 = arith.constant 0 : i32
    %add3A_26 = arith.addi %mul3A_22, %add3A_25 : i32
    "tpu.region"() ({
      %run_scoped3A = tpu.sem_alloc : memref<!tpu.dma_semaphore, #tpu.memory_space<semaphore_mem>>
      %dma_start3A = arith.constant 0 : i32
      %dma_start3A_43 = tpu.memref_slice %arg5[%arg0, %add3A_26, %dma_start3A] : memref<2x10112x128xf32, #tpu.memory_space<hbm>> -> memref<1x128x128xf32, #tpu.memory_space<hbm>>
      %dma_start3A_44 = tpu.memref_squeeze %dma_start3A_43 : memref<1x128x128xf32, #tpu.memory_space<hbm>> -> memref<128x128xf32, #tpu.memory_space<hbm>>
      %dma_start3A_45 = arith.constant 0 : i32
      %dma_start3A_46 = tpu.memref_slice %arg6[%add3A_24, %dma_start3A_45] : memref<10112x128xf32, #tpu.memory_space<vmem_shared>> -> memref<128x128xf32, #tpu.memory_space<vmem_shared>>
      tpu.enqueue_dma source(%dma_start3A_46 : memref<128x128xf32, #tpu.memory_space<vmem_shared>>) target(%dma_start3A_44 : memref<128x128xf32, #tpu.memory_space<hbm>>) target_semaphore(%run_scoped3A : memref<!tpu.dma_semaphore, #tpu.memory_space<semaphore_mem>>)
      %dma_wait3A = arith.constant 0 : i32
      %dma_wait3A_47 = tpu.memref_slice %arg5[%arg0, %add3A_26, %dma_wait3A] : memref<2x10112x128xf32, #tpu.memory_space<hbm>> -> memref<1x128x128xf32, #tpu.memory_space<hbm>>
      %dma_wait3A_48 = tpu.memref_squeeze %dma_wait3A_47 : memref<1x128x128xf32, #tpu.memory_space<hbm>> -> memref<128x128xf32, #tpu.memory_space<hbm>>
      %dma_wait3A_49 = arith.constant 0 : i32
      %dma_wait3A_50 = tpu.memref_slice %arg6[%add3A_24, %dma_wait3A_49] : memref<10112x128xf32, #tpu.memory_space<vmem_shared>> -> memref<128x128xf32, #tpu.memory_space<vmem_shared>>
      tpu.wait_dma2 semaphore(%run_scoped3A : memref<!tpu.dma_semaphore, #tpu.memory_space<semaphore_mem>>) src(%dma_wait3A_50 : memref<128x128xf32, #tpu.memory_space<vmem_shared>>) dst(%dma_wait3A_48 : memref<128x128xf32, #tpu.memory_space<hbm>>)
      tpu.yield
    }) : () -> ()
    %add3A_27 = arith.constant 128 : i32
    %add3A_28 = arith.addi %mul3A_22, %add3A_27 : i32
    %add3A_29 = arith.constant 128 : i32
    %add3A_30 = arith.addi %mul3A_22, %add3A_29 : i32
    "tpu.region"() ({
      %run_scoped3A = tpu.sem_alloc : memref<!tpu.dma_semaphore, #tpu.memory_space<semaphore_mem>>
      %dma_start3A = arith.constant 0 : i32
      %dma_start3A_43 = tpu.memref_slice %arg5[%arg0, %add3A_30, %dma_start3A] : memref<2x10112x128xf32, #tpu.memory_space<hbm>> -> memref<1x128x128xf32, #tpu.memory_space<hbm>>
      %dma_start3A_44 = tpu.memref_squeeze %dma_start3A_43 : memref<1x128x128xf32, #tpu.memory_space<hbm>> -> memref<128x128xf32, #tpu.memory_space<hbm>>
      %dma_start3A_45 = arith.constant 0 : i32
      %dma_start3A_46 = tpu.memref_slice %arg6[%add3A_28, %dma_start3A_45] : memref<10112x128xf32, #tpu.memory_space<vmem_shared>> -> memref<128x128xf32, #tpu.memory_space<vmem_shared>>
      tpu.enqueue_dma source(%dma_start3A_46 : memref<128x128xf32, #tpu.memory_space<vmem_shared>>) target(%dma_start3A_44 : memref<128x128xf32, #tpu.memory_space<hbm>>) target_semaphore(%run_scoped3A : memref<!tpu.dma_semaphore, #tpu.memory_space<semaphore_mem>>)
      %dma_wait3A = arith.constant 0 : i32
      %dma_wait3A_47 = tpu.memref_slice %arg5[%arg0, %add3A_30, %dma_wait3A] : memref<2x10112x128xf32, #tpu.memory_space<hbm>> -> memref<1x128x128xf32, #tpu.memory_space<hbm>>
      %dma_wait3A_48 = tpu.memref_squeeze %dma_wait3A_47 : memref<1x128x128xf32, #tpu.memory_space<hbm>> -> memref<128x128xf32, #tpu.memory_space<hbm>>
      %dma_wait3A_49 = arith.constant 0 : i32
      %dma_wait3A_50 = tpu.memref_slice %arg6[%add3A_28, %dma_wait3A_49] : memref<10112x128xf32, #tpu.memory_space<vmem_shared>> -> memref<128x128xf32, #tpu.memory_space<vmem_shared>>
      tpu.wait_dma2 semaphore(%run_scoped3A : memref<!tpu.dma_semaphore, #tpu.memory_space<semaphore_mem>>) src(%dma_wait3A_50 : memref<128x128xf32, #tpu.memory_space<vmem_shared>>) dst(%dma_wait3A_48 : memref<128x128xf32, #tpu.memory_space<hbm>>)
      tpu.yield
    }) : () -> ()
    %add3A_31 = arith.constant 256 : i32
    %add3A_32 = arith.addi %mul3A_22, %add3A_31 : i32
    %add3A_33 = arith.constant 256 : i32
    %add3A_34 = arith.addi %mul3A_22, %add3A_33 : i32
    "tpu.region"() ({
      %run_scoped3A = tpu.sem_alloc : memref<!tpu.dma_semaphore, #tpu.memory_space<semaphore_mem>>
      %dma_start3A = arith.constant 0 : i32
      %dma_start3A_43 = tpu.memref_slice %arg5[%arg0, %add3A_34, %dma_start3A] : memref<2x10112x128xf32, #tpu.memory_space<hbm>> -> memref<1x128x128xf32, #tpu.memory_space<hbm>>
      %dma_start3A_44 = tpu.memref_squeeze %dma_start3A_43 : memref<1x128x128xf32, #tpu.memory_space<hbm>> -> memref<128x128xf32, #tpu.memory_space<hbm>>
      %dma_start3A_45 = arith.constant 0 : i32
      %dma_start3A_46 = tpu.memref_slice %arg6[%add3A_32, %dma_start3A_45] : memref<10112x128xf32, #tpu.memory_space<vmem_shared>> -> memref<128x128xf32, #tpu.memory_space<vmem_shared>>
      tpu.enqueue_dma source(%dma_start3A_46 : memref<128x128xf32, #tpu.memory_space<vmem_shared>>) target(%dma_start3A_44 : memref<128x128xf32, #tpu.memory_space<hbm>>) target_semaphore(%run_scoped3A : memref<!tpu.dma_semaphore, #tpu.memory_space<semaphore_mem>>)
      %dma_wait3A = arith.constant 0 : i32
      %dma_wait3A_47 = tpu.memref_slice %arg5[%arg0, %add3A_34, %dma_wait3A] : memref<2x10112x128xf32, #tpu.memory_space<hbm>> -> memref<1x128x128xf32, #tpu.memory_space<hbm>>
      %dma_wait3A_48 = tpu.memref_squeeze %dma_wait3A_47 : memref<1x128x128xf32, #tpu.memory_space<hbm>> -> memref<128x128xf32, #tpu.memory_space<hbm>>
      %dma_wait3A_49 = arith.constant 0 : i32
      %dma_wait3A_50 = tpu.memref_slice %arg6[%add3A_32, %dma_wait3A_49] : memref<10112x128xf32, #tpu.memory_space<vmem_shared>> -> memref<128x128xf32, #tpu.memory_space<vmem_shared>>
      tpu.wait_dma2 semaphore(%run_scoped3A : memref<!tpu.dma_semaphore, #tpu.memory_space<semaphore_mem>>) src(%dma_wait3A_50 : memref<128x128xf32, #tpu.memory_space<vmem_shared>>) dst(%dma_wait3A_48 : memref<128x128xf32, #tpu.memory_space<hbm>>)
      tpu.yield
    }) : () -> ()
    %add3A_35 = arith.constant 384 : i32
    %add3A_36 = arith.addi %mul3A_22, %add3A_35 : i32
    %add3A_37 = arith.constant 384 : i32
    %add3A_38 = arith.addi %mul3A_22, %add3A_37 : i32
    "tpu.region"() ({
      %run_scoped3A = tpu.sem_alloc : memref<!tpu.dma_semaphore, #tpu.memory_space<semaphore_mem>>
      %dma_start3A = arith.constant 0 : i32
      %dma_start3A_43 = tpu.memref_slice %arg5[%arg0, %add3A_38, %dma_start3A] : memref<2x10112x128xf32, #tpu.memory_space<hbm>> -> memref<1x128x128xf32, #tpu.memory_space<hbm>>
      %dma_start3A_44 = tpu.memref_squeeze %dma_start3A_43 : memref<1x128x128xf32, #tpu.memory_space<hbm>> -> memref<128x128xf32, #tpu.memory_space<hbm>>
      %dma_start3A_45 = arith.constant 0 : i32
      %dma_start3A_46 = tpu.memref_slice %arg6[%add3A_36, %dma_start3A_45] : memref<10112x128xf32, #tpu.memory_space<vmem_shared>> -> memref<128x128xf32, #tpu.memory_space<vmem_shared>>
      tpu.enqueue_dma source(%dma_start3A_46 : memref<128x128xf32, #tpu.memory_space<vmem_shared>>) target(%dma_start3A_44 : memref<128x128xf32, #tpu.memory_space<hbm>>) target_semaphore(%run_scoped3A : memref<!tpu.dma_semaphore, #tpu.memory_space<semaphore_mem>>)
      %dma_wait3A = arith.constant 0 : i32
      %dma_wait3A_47 = tpu.memref_slice %arg5[%arg0, %add3A_38, %dma_wait3A] : memref<2x10112x128xf32, #tpu.memory_space<hbm>> -> memref<1x128x128xf32, #tpu.memory_space<hbm>>
      %dma_wait3A_48 = tpu.memref_squeeze %dma_wait3A_47 : memref<1x128x128xf32, #tpu.memory_space<hbm>> -> memref<128x128xf32, #tpu.memory_space<hbm>>
      %dma_wait3A_49 = arith.constant 0 : i32
      %dma_wait3A_50 = tpu.memref_slice %arg6[%add3A_36, %dma_wait3A_49] : memref<10112x128xf32, #tpu.memory_space<vmem_shared>> -> memref<128x128xf32, #tpu.memory_space<vmem_shared>>
      tpu.wait_dma2 semaphore(%run_scoped3A : memref<!tpu.dma_semaphore, #tpu.memory_space<semaphore_mem>>) src(%dma_wait3A_50 : memref<128x128xf32, #tpu.memory_space<vmem_shared>>) dst(%dma_wait3A_48 : memref<128x128xf32, #tpu.memory_space<hbm>>)
      tpu.yield
    }) : () -> ()
    %add3A_39 = arith.constant 512 : i32
    %add3A_40 = arith.addi %mul3A_22, %add3A_39 : i32
    %add3A_41 = arith.constant 512 : i32
    %add3A_42 = arith.addi %mul3A_22, %add3A_41 : i32
    "tpu.region"() ({
      %run_scoped3A = tpu.sem_alloc : memref<!tpu.dma_semaphore, #tpu.memory_space<semaphore_mem>>
      %dma_start3A = arith.constant 0 : i32
      %dma_start3A_43 = tpu.memref_slice %arg5[%arg0, %add3A_42, %dma_start3A] : memref<2x10112x128xf32, #tpu.memory_space<hbm>> -> memref<1x120x128xf32, #tpu.memory_space<hbm>>
      %dma_start3A_44 = tpu.memref_squeeze %dma_start3A_43 : memref<1x120x128xf32, #tpu.memory_space<hbm>> -> memref<120x128xf32, #tpu.memory_space<hbm>>
      %dma_start3A_45 = arith.constant 0 : i32
      %dma_start3A_46 = tpu.memref_slice %arg6[%add3A_40, %dma_start3A_45] : memref<10112x128xf32, #tpu.memory_space<vmem_shared>> -> memref<120x128xf32, #tpu.memory_space<vmem_shared>>
      tpu.enqueue_dma source(%dma_start3A_46 : memref<120x128xf32, #tpu.memory_space<vmem_shared>>) target(%dma_start3A_44 : memref<120x128xf32, #tpu.memory_space<hbm>>) target_semaphore(%run_scoped3A : memref<!tpu.dma_semaphore, #tpu.memory_space<semaphore_mem>>)
      %dma_wait3A = arith.constant 0 : i32
      %dma_wait3A_47 = tpu.memref_slice %arg5[%arg0, %add3A_42, %dma_wait3A] : memref<2x10112x128xf32, #tpu.memory_space<hbm>> -> memref<1x120x128xf32, #tpu.memory_space<hbm>>
      %dma_wait3A_48 = tpu.memref_squeeze %dma_wait3A_47 : memref<1x120x128xf32, #tpu.memory_space<hbm>> -> memref<120x128xf32, #tpu.memory_space<hbm>>
      %dma_wait3A_49 = arith.constant 0 : i32
      %dma_wait3A_50 = tpu.memref_slice %arg6[%add3A_40, %dma_wait3A_49] : memref<10112x128xf32, #tpu.memory_space<vmem_shared>> -> memref<120x128xf32, #tpu.memory_space<vmem_shared>>
      tpu.wait_dma2 semaphore(%run_scoped3A : memref<!tpu.dma_semaphore, #tpu.memory_space<semaphore_mem>>) src(%dma_wait3A_50 : memref<120x128xf32, #tpu.memory_space<vmem_shared>>) dst(%dma_wait3A_48 : memref<120x128xf32, #tpu.memory_space<hbm>>)
      tpu.yield
    }) : () -> ()
    return
  }
}

#map = affine_map<(d0, d1) -> (0, 0)>
#map1 = affine_map<(d0, d1) -> (0, 0, 0)>
module attributes {stable_mosaic.version = 14 : i64} {
  func.func @_edge_body(%arg0: i32, %arg1: i32, %arg2: memref<10000x128xf32, #tpu.memory_space<hbm>>, %arg3: memref<2560x128xi32, #tpu.memory_space<hbm>>, %arg4: memref<2560x128xi32, #tpu.memory_space<hbm>>, %arg5: memref<128x128xf32, #tpu.memory_space<hbm>>, %arg6: memref<2x10112x128xf32, #tpu.memory_space<hbm>>, %arg7: memref<10112x128xf32, #tpu.memory_space<vmem_shared>>, %arg8: memref<40x128xi32, #tpu.memory_space<vmem>>, %arg9: memref<40x128xi32, #tpu.memory_space<vmem>>, %arg10: memref<2x128x128xf32, #tpu.memory_space<vmem>>, %arg11: memref<2x!tpu.dma_semaphore, #tpu.memory_space<semaphore_mem>>, %arg12: memref<2x!tpu.dma_semaphore, #tpu.memory_space<semaphore_mem>>) attributes {dimension_semantics = [#tpu.dimension_semantics<core_parallel>, #tpu.dimension_semantics<subcore_parallel>], iteration_bounds = array<i64: 2, 16>, scalar_prefetch = 0 : i64, scratch_operands = 6 : i64, tpu.core_type = #tpu.core_type<sc_vector_subcore>, window_params = [{transform_indices = #map}, {transform_indices = #map}, {transform_indices = #map}, {transform_indices = #map}, {transform_indices = #map1}]} {
    %mul3A = arith.constant 632 : i32
    %mul3A_0 = arith.muli %arg1, %mul3A : i32
    %add3A = arith.constant 0 : i32
    %add3A_1 = arith.addi %mul3A_0, %add3A : i32
    "tpu.region"() ({
      %run_scoped3A = tpu.sem_alloc : memref<!tpu.dma_semaphore, #tpu.memory_space<semaphore_mem>>
      %dma_start3A = arith.constant 0 : i32
      %dma_start3A_53 = tpu.memref_slice %arg7[%add3A_1, %dma_start3A] : memref<10112x128xf32, #tpu.memory_space<vmem_shared>> -> memref<128x128xf32, #tpu.memory_space<vmem_shared>>
      %dma_start3A_54 = arith.constant 0 : i32
      %dma_start3A_55 = arith.constant 0 : i32
      %dma_start3A_56 = tpu.memref_slice %arg5[%dma_start3A_54, %dma_start3A_55] : memref<128x128xf32, #tpu.memory_space<hbm>> -> memref<128x128xf32, #tpu.memory_space<hbm>>
      tpu.enqueue_dma source(%dma_start3A_56 : memref<128x128xf32, #tpu.memory_space<hbm>>) target(%dma_start3A_53 : memref<128x128xf32, #tpu.memory_space<vmem_shared>>) target_semaphore(%run_scoped3A : memref<!tpu.dma_semaphore, #tpu.memory_space<semaphore_mem>>)
      %dma_wait3A = arith.constant 0 : i32
      %dma_wait3A_57 = tpu.memref_slice %arg7[%add3A_1, %dma_wait3A] : memref<10112x128xf32, #tpu.memory_space<vmem_shared>> -> memref<128x128xf32, #tpu.memory_space<vmem_shared>>
      %dma_wait3A_58 = arith.constant 0 : i32
      %dma_wait3A_59 = arith.constant 0 : i32
      %dma_wait3A_60 = tpu.memref_slice %arg5[%dma_wait3A_58, %dma_wait3A_59] : memref<128x128xf32, #tpu.memory_space<hbm>> -> memref<128x128xf32, #tpu.memory_space<hbm>>
      tpu.wait_dma2 semaphore(%run_scoped3A : memref<!tpu.dma_semaphore, #tpu.memory_space<semaphore_mem>>) src(%dma_wait3A_60 : memref<128x128xf32, #tpu.memory_space<hbm>>) dst(%dma_wait3A_57 : memref<128x128xf32, #tpu.memory_space<vmem_shared>>)
      tpu.yield
    }) : () -> ()
    %add3A_2 = arith.constant 128 : i32
    %add3A_3 = arith.addi %mul3A_0, %add3A_2 : i32
    "tpu.region"() ({
      %run_scoped3A = tpu.sem_alloc : memref<!tpu.dma_semaphore, #tpu.memory_space<semaphore_mem>>
      %dma_start3A = arith.constant 0 : i32
      %dma_start3A_53 = tpu.memref_slice %arg7[%add3A_3, %dma_start3A] : memref<10112x128xf32, #tpu.memory_space<vmem_shared>> -> memref<128x128xf32, #tpu.memory_space<vmem_shared>>
      %dma_start3A_54 = arith.constant 0 : i32
      %dma_start3A_55 = arith.constant 0 : i32
      %dma_start3A_56 = tpu.memref_slice %arg5[%dma_start3A_54, %dma_start3A_55] : memref<128x128xf32, #tpu.memory_space<hbm>> -> memref<128x128xf32, #tpu.memory_space<hbm>>
      tpu.enqueue_dma source(%dma_start3A_56 : memref<128x128xf32, #tpu.memory_space<hbm>>) target(%dma_start3A_53 : memref<128x128xf32, #tpu.memory_space<vmem_shared>>) target_semaphore(%run_scoped3A : memref<!tpu.dma_semaphore, #tpu.memory_space<semaphore_mem>>)
      %dma_wait3A = arith.constant 0 : i32
      %dma_wait3A_57 = tpu.memref_slice %arg7[%add3A_3, %dma_wait3A] : memref<10112x128xf32, #tpu.memory_space<vmem_shared>> -> memref<128x128xf32, #tpu.memory_space<vmem_shared>>
      %dma_wait3A_58 = arith.constant 0 : i32
      %dma_wait3A_59 = arith.constant 0 : i32
      %dma_wait3A_60 = tpu.memref_slice %arg5[%dma_wait3A_58, %dma_wait3A_59] : memref<128x128xf32, #tpu.memory_space<hbm>> -> memref<128x128xf32, #tpu.memory_space<hbm>>
      tpu.wait_dma2 semaphore(%run_scoped3A : memref<!tpu.dma_semaphore, #tpu.memory_space<semaphore_mem>>) src(%dma_wait3A_60 : memref<128x128xf32, #tpu.memory_space<hbm>>) dst(%dma_wait3A_57 : memref<128x128xf32, #tpu.memory_space<vmem_shared>>)
      tpu.yield
    }) : () -> ()
    %add3A_4 = arith.constant 256 : i32
    %add3A_5 = arith.addi %mul3A_0, %add3A_4 : i32
    "tpu.region"() ({
      %run_scoped3A = tpu.sem_alloc : memref<!tpu.dma_semaphore, #tpu.memory_space<semaphore_mem>>
      %dma_start3A = arith.constant 0 : i32
      %dma_start3A_53 = tpu.memref_slice %arg7[%add3A_5, %dma_start3A] : memref<10112x128xf32, #tpu.memory_space<vmem_shared>> -> memref<128x128xf32, #tpu.memory_space<vmem_shared>>
      %dma_start3A_54 = arith.constant 0 : i32
      %dma_start3A_55 = arith.constant 0 : i32
      %dma_start3A_56 = tpu.memref_slice %arg5[%dma_start3A_54, %dma_start3A_55] : memref<128x128xf32, #tpu.memory_space<hbm>> -> memref<128x128xf32, #tpu.memory_space<hbm>>
      tpu.enqueue_dma source(%dma_start3A_56 : memref<128x128xf32, #tpu.memory_space<hbm>>) target(%dma_start3A_53 : memref<128x128xf32, #tpu.memory_space<vmem_shared>>) target_semaphore(%run_scoped3A : memref<!tpu.dma_semaphore, #tpu.memory_space<semaphore_mem>>)
      %dma_wait3A = arith.constant 0 : i32
      %dma_wait3A_57 = tpu.memref_slice %arg7[%add3A_5, %dma_wait3A] : memref<10112x128xf32, #tpu.memory_space<vmem_shared>> -> memref<128x128xf32, #tpu.memory_space<vmem_shared>>
      %dma_wait3A_58 = arith.constant 0 : i32
      %dma_wait3A_59 = arith.constant 0 : i32
      %dma_wait3A_60 = tpu.memref_slice %arg5[%dma_wait3A_58, %dma_wait3A_59] : memref<128x128xf32, #tpu.memory_space<hbm>> -> memref<128x128xf32, #tpu.memory_space<hbm>>
      tpu.wait_dma2 semaphore(%run_scoped3A : memref<!tpu.dma_semaphore, #tpu.memory_space<semaphore_mem>>) src(%dma_wait3A_60 : memref<128x128xf32, #tpu.memory_space<hbm>>) dst(%dma_wait3A_57 : memref<128x128xf32, #tpu.memory_space<vmem_shared>>)
      tpu.yield
    }) : () -> ()
    %add3A_6 = arith.constant 384 : i32
    %add3A_7 = arith.addi %mul3A_0, %add3A_6 : i32
    "tpu.region"() ({
      %run_scoped3A = tpu.sem_alloc : memref<!tpu.dma_semaphore, #tpu.memory_space<semaphore_mem>>
      %dma_start3A = arith.constant 0 : i32
      %dma_start3A_53 = tpu.memref_slice %arg7[%add3A_7, %dma_start3A] : memref<10112x128xf32, #tpu.memory_space<vmem_shared>> -> memref<128x128xf32, #tpu.memory_space<vmem_shared>>
      %dma_start3A_54 = arith.constant 0 : i32
      %dma_start3A_55 = arith.constant 0 : i32
      %dma_start3A_56 = tpu.memref_slice %arg5[%dma_start3A_54, %dma_start3A_55] : memref<128x128xf32, #tpu.memory_space<hbm>> -> memref<128x128xf32, #tpu.memory_space<hbm>>
      tpu.enqueue_dma source(%dma_start3A_56 : memref<128x128xf32, #tpu.memory_space<hbm>>) target(%dma_start3A_53 : memref<128x128xf32, #tpu.memory_space<vmem_shared>>) target_semaphore(%run_scoped3A : memref<!tpu.dma_semaphore, #tpu.memory_space<semaphore_mem>>)
      %dma_wait3A = arith.constant 0 : i32
      %dma_wait3A_57 = tpu.memref_slice %arg7[%add3A_7, %dma_wait3A] : memref<10112x128xf32, #tpu.memory_space<vmem_shared>> -> memref<128x128xf32, #tpu.memory_space<vmem_shared>>
      %dma_wait3A_58 = arith.constant 0 : i32
      %dma_wait3A_59 = arith.constant 0 : i32
      %dma_wait3A_60 = tpu.memref_slice %arg5[%dma_wait3A_58, %dma_wait3A_59] : memref<128x128xf32, #tpu.memory_space<hbm>> -> memref<128x128xf32, #tpu.memory_space<hbm>>
      tpu.wait_dma2 semaphore(%run_scoped3A : memref<!tpu.dma_semaphore, #tpu.memory_space<semaphore_mem>>) src(%dma_wait3A_60 : memref<128x128xf32, #tpu.memory_space<hbm>>) dst(%dma_wait3A_57 : memref<128x128xf32, #tpu.memory_space<vmem_shared>>)
      tpu.yield
    }) : () -> ()
    %add3A_8 = arith.constant 512 : i32
    %add3A_9 = arith.addi %mul3A_0, %add3A_8 : i32
    "tpu.region"() ({
      %run_scoped3A = tpu.sem_alloc : memref<!tpu.dma_semaphore, #tpu.memory_space<semaphore_mem>>
      %dma_start3A = arith.constant 0 : i32
      %dma_start3A_53 = tpu.memref_slice %arg7[%add3A_9, %dma_start3A] : memref<10112x128xf32, #tpu.memory_space<vmem_shared>> -> memref<120x128xf32, #tpu.memory_space<vmem_shared>>
      %dma_start3A_54 = arith.constant 0 : i32
      %dma_start3A_55 = arith.constant 0 : i32
      %dma_start3A_56 = tpu.memref_slice %arg5[%dma_start3A_54, %dma_start3A_55] : memref<128x128xf32, #tpu.memory_space<hbm>> -> memref<120x128xf32, #tpu.memory_space<hbm>>
      tpu.enqueue_dma source(%dma_start3A_56 : memref<120x128xf32, #tpu.memory_space<hbm>>) target(%dma_start3A_53 : memref<120x128xf32, #tpu.memory_space<vmem_shared>>) target_semaphore(%run_scoped3A : memref<!tpu.dma_semaphore, #tpu.memory_space<semaphore_mem>>)
      %dma_wait3A = arith.constant 0 : i32
      %dma_wait3A_57 = tpu.memref_slice %arg7[%add3A_9, %dma_wait3A] : memref<10112x128xf32, #tpu.memory_space<vmem_shared>> -> memref<120x128xf32, #tpu.memory_space<vmem_shared>>
      %dma_wait3A_58 = arith.constant 0 : i32
      %dma_wait3A_59 = arith.constant 0 : i32
      %dma_wait3A_60 = tpu.memref_slice %arg5[%dma_wait3A_58, %dma_wait3A_59] : memref<128x128xf32, #tpu.memory_space<hbm>> -> memref<120x128xf32, #tpu.memory_space<hbm>>
      tpu.wait_dma2 semaphore(%run_scoped3A : memref<!tpu.dma_semaphore, #tpu.memory_space<semaphore_mem>>) src(%dma_wait3A_60 : memref<120x128xf32, #tpu.memory_space<hbm>>) dst(%dma_wait3A_57 : memref<120x128xf32, #tpu.memory_space<vmem_shared>>)
      tpu.yield
    }) : () -> ()
    %eq3A = arith.constant 0 : i32
    %eq3A_10 = arith.cmpi eq, %arg0, %eq3A : i32
    %jit3A = arith.constant 1 : i32
    %jit3A_11 = arith.constant 3 : i32
    %select_n3A = arith.select %eq3A_10, %jit3A, %jit3A_11 : i32
    %eq3A_12 = arith.constant 0 : i32
    %eq3A_13 = arith.cmpi eq, %arg0, %eq3A_12 : i32
    %mul3A_14 = arith.constant 40 : i32
    %mul3A_15 = arith.muli %arg1, %mul3A_14 : i32
    %add3A_16 = arith.constant 1920 : i32
    %add3A_17 = arith.addi %add3A_16, %mul3A_15 : i32
    %mul3A_18 = arith.constant 120 : i32
    %mul3A_19 = arith.muli %arg1, %mul3A_18 : i32
    %select_n3A_20 = arith.select %eq3A_13, %add3A_17, %mul3A_19 : i32
    %barrier3A = arith.constant 0 : index
    tpu.barrier barrier_id(%barrier3A)
    %while3A = arith.constant 0 : i32
    %while3A_21 = arith.constant 0 : i32
    %while3A_22 = arith.subi %select_n3A, %while3A_21 : i32
    %while3A_23 = arith.addi %while3A_21, %while3A_22 : i32
    %while3A_24 = arith.constant 1 : i32
    %while3A_25 = arith.divsi %while3A_22, %while3A_24 : i32
    %while3A_26 = arith.muli %while3A_25, %while3A_24 : i32
    %while3A_27 = arith.addi %while3A_21, %while3A_26 : i32
    %while3A_28 = arith.constant 1 : i32
    scf.for %while3A_53 = %while3A_21 to %while3A_27 step %while3A_28  : i32 {
      %mul3A_54 = arith.constant 40 : i32
      %mul3A_55 = arith.muli %while3A_53, %mul3A_54 : i32
      %add3A_56 = arith.addi %select_n3A_20, %mul3A_55 : i32
      "tpu.region"() ({
        %run_scoped3A = tpu.sem_alloc : memref<!tpu.dma_semaphore, #tpu.memory_space<semaphore_mem>>
        %dma_start3A_180 = arith.constant 0 : i32
        %dma_start3A_181 = tpu.memref_slice %arg3[%add3A_56, %dma_start3A_180] : memref<2560x128xi32, #tpu.memory_space<hbm>> -> memref<40x128xi32, #tpu.memory_space<hbm>>
        %dma_start3A_182 = arith.constant 0 : i32
        %dma_start3A_183 = tpu.memref_slice %arg3[%add3A_56, %dma_start3A_182] : memref<2560x128xi32, #tpu.memory_space<hbm>> -> memref<40x128xi32, #tpu.memory_space<hbm>>
        tpu.enqueue_dma source(%dma_start3A_183 : memref<40x128xi32, #tpu.memory_space<hbm>>) target(%arg8 : memref<40x128xi32, #tpu.memory_space<vmem>>) target_semaphore(%run_scoped3A : memref<!tpu.dma_semaphore, #tpu.memory_space<semaphore_mem>>)
        %dma_wait3A_184 = arith.constant 0 : i32
        %dma_wait3A_185 = tpu.memref_slice %arg3[%add3A_56, %dma_wait3A_184] : memref<2560x128xi32, #tpu.memory_space<hbm>> -> memref<40x128xi32, #tpu.memory_space<hbm>>
        %dma_wait3A_186 = arith.constant 0 : i32
        %dma_wait3A_187 = tpu.memref_slice %arg3[%add3A_56, %dma_wait3A_186] : memref<2560x128xi32, #tpu.memory_space<hbm>> -> memref<40x128xi32, #tpu.memory_space<hbm>>
        tpu.wait_dma2 semaphore(%run_scoped3A : memref<!tpu.dma_semaphore, #tpu.memory_space<semaphore_mem>>) src(%dma_wait3A_187 : memref<40x128xi32, #tpu.memory_space<hbm>>) dst(%arg8 : memref<40x128xi32, #tpu.memory_space<vmem>>)
        tpu.yield
      }) : () -> ()
      "tpu.region"() ({
        %run_scoped3A = tpu.sem_alloc : memref<!tpu.dma_semaphore, #tpu.memory_space<semaphore_mem>>
        %dma_start3A_180 = arith.constant 0 : i32
        %dma_start3A_181 = tpu.memref_slice %arg4[%add3A_56, %dma_start3A_180] : memref<2560x128xi32, #tpu.memory_space<hbm>> -> memref<40x128xi32, #tpu.memory_space<hbm>>
        %dma_start3A_182 = arith.constant 0 : i32
        %dma_start3A_183 = tpu.memref_slice %arg4[%add3A_56, %dma_start3A_182] : memref<2560x128xi32, #tpu.memory_space<hbm>> -> memref<40x128xi32, #tpu.memory_space<hbm>>
        tpu.enqueue_dma source(%dma_start3A_183 : memref<40x128xi32, #tpu.memory_space<hbm>>) target(%arg9 : memref<40x128xi32, #tpu.memory_space<vmem>>) target_semaphore(%run_scoped3A : memref<!tpu.dma_semaphore, #tpu.memory_space<semaphore_mem>>)
        %dma_wait3A_184 = arith.constant 0 : i32
        %dma_wait3A_185 = tpu.memref_slice %arg4[%add3A_56, %dma_wait3A_184] : memref<2560x128xi32, #tpu.memory_space<hbm>> -> memref<40x128xi32, #tpu.memory_space<hbm>>
        %dma_wait3A_186 = arith.constant 0 : i32
        %dma_wait3A_187 = tpu.memref_slice %arg4[%add3A_56, %dma_wait3A_186] : memref<2560x128xi32, #tpu.memory_space<hbm>> -> memref<40x128xi32, #tpu.memory_space<hbm>>
        tpu.wait_dma2 semaphore(%run_scoped3A : memref<!tpu.dma_semaphore, #tpu.memory_space<semaphore_mem>>) src(%dma_wait3A_187 : memref<40x128xi32, #tpu.memory_space<hbm>>) dst(%arg9 : memref<40x128xi32, #tpu.memory_space<vmem>>)
        tpu.yield
      }) : () -> ()
      %dma_start3A = arith.constant 0 : i32
      %dma_start3A_57 = arith.constant 0 : i32
      %dma_start3A_58 = arith.constant 0 : i32
      %dma_start3A_59 = arith.constant 0 : i32
      %dma_start3A_60 = arith.constant 0 : i32
      %dma_start3A_61 = tpu.memref_slice %arg10[%dma_start3A_57, %dma_start3A_59, %dma_start3A_60] : memref<2x128x128xf32, #tpu.memory_space<vmem>> -> memref<1x128x128xf32, #tpu.memory_space<vmem>>
      %dma_start3A_62 = tpu.memref_squeeze %dma_start3A_61 : memref<1x128x128xf32, #tpu.memory_space<vmem>> -> memref<128x128xf32, #tpu.memory_space<vmem>>
      %dma_start3A_63 = arith.constant 0 : i32
      %dma_start3A_64 = tpu.memref_slice %arg8[%dma_start3A, %dma_start3A_63] : memref<40x128xi32, #tpu.memory_space<vmem>> -> memref<1x128xi32, #tpu.memory_space<vmem>>
      %dma_start3A_65 = tpu.memref_squeeze %dma_start3A_64 : memref<1x128xi32, #tpu.memory_space<vmem>> -> memref<128xi32, #tpu.memory_space<vmem>>
      %dma_start3A_66 = arith.constant 0 : i32
      %dma_start3A_67 = arith.constant 0 : i32
      %dma_start3A_68 = tpu.memref_slice %arg2[%dma_start3A_66, %dma_start3A_67] : memref<10000x128xf32, #tpu.memory_space<hbm>> -> memref<10000x128xf32, #tpu.memory_space<hbm>>
      %dma_start3A_69 = tpu.memref_slice %arg11[%dma_start3A_58] : memref<2x!tpu.dma_semaphore, #tpu.memory_space<semaphore_mem>> -> memref<1x!tpu.dma_semaphore, #tpu.memory_space<semaphore_mem>>
      %dma_start3A_70 = tpu.memref_squeeze %dma_start3A_69 : memref<1x!tpu.dma_semaphore, #tpu.memory_space<semaphore_mem>> -> memref<!tpu.dma_semaphore, #tpu.memory_space<semaphore_mem>>
      tpu.enqueue_indirect_dma source(%dma_start3A_68 : memref<10000x128xf32, #tpu.memory_space<hbm>>) target(%dma_start3A_62 : memref<128x128xf32, #tpu.memory_space<vmem>>) offsets(%dma_start3A_65 : memref<128xi32, #tpu.memory_space<vmem>>) semaphore(%dma_start3A_70 : memref<!tpu.dma_semaphore, #tpu.memory_space<semaphore_mem>>)
      %dma_start3A_71 = arith.constant 1 : i32
      %dma_start3A_72 = arith.constant 1 : i32
      %dma_start3A_73 = arith.constant 1 : i32
      %dma_start3A_74 = arith.constant 0 : i32
      %dma_start3A_75 = arith.constant 0 : i32
      %dma_start3A_76 = tpu.memref_slice %arg10[%dma_start3A_72, %dma_start3A_74, %dma_start3A_75] : memref<2x128x128xf32, #tpu.memory_space<vmem>> -> memref<1x128x128xf32, #tpu.memory_space<vmem>>
      %dma_start3A_77 = tpu.memref_squeeze %dma_start3A_76 : memref<1x128x128xf32, #tpu.memory_space<vmem>> -> memref<128x128xf32, #tpu.memory_space<vmem>>
      %dma_start3A_78 = arith.constant 0 : i32
      %dma_start3A_79 = tpu.memref_slice %arg8[%dma_start3A_71, %dma_start3A_78] : memref<40x128xi32, #tpu.memory_space<vmem>> -> memref<1x128xi32, #tpu.memory_space<vmem>>
      %dma_start3A_80 = tpu.memref_squeeze %dma_start3A_79 : memref<1x128xi32, #tpu.memory_space<vmem>> -> memref<128xi32, #tpu.memory_space<vmem>>
      %dma_start3A_81 = arith.constant 0 : i32
      %dma_start3A_82 = arith.constant 0 : i32
      %dma_start3A_83 = tpu.memref_slice %arg2[%dma_start3A_81, %dma_start3A_82] : memref<10000x128xf32, #tpu.memory_space<hbm>> -> memref<10000x128xf32, #tpu.memory_space<hbm>>
      %dma_start3A_84 = tpu.memref_slice %arg11[%dma_start3A_73] : memref<2x!tpu.dma_semaphore, #tpu.memory_space<semaphore_mem>> -> memref<1x!tpu.dma_semaphore, #tpu.memory_space<semaphore_mem>>
      %dma_start3A_85 = tpu.memref_squeeze %dma_start3A_84 : memref<1x!tpu.dma_semaphore, #tpu.memory_space<semaphore_mem>> -> memref<!tpu.dma_semaphore, #tpu.memory_space<semaphore_mem>>
      tpu.enqueue_indirect_dma source(%dma_start3A_83 : memref<10000x128xf32, #tpu.memory_space<hbm>>) target(%dma_start3A_77 : memref<128x128xf32, #tpu.memory_space<vmem>>) offsets(%dma_start3A_80 : memref<128xi32, #tpu.memory_space<vmem>>) semaphore(%dma_start3A_85 : memref<!tpu.dma_semaphore, #tpu.memory_space<semaphore_mem>>)
      %scan3A = arith.constant 0 : i32
      %scan3A_86 = arith.constant 0 : i32
      %scan3A_87 = arith.constant 19 : i32
      %scan3A_88 = arith.addi %scan3A_86, %scan3A_87 : i32
      %scan3A_89 = arith.constant 1 : i32
      scf.for %scan3A_180 = %scan3A_86 to %scan3A_88 step %scan3A_89  : i32 {
        %dma_wait3A_181 = arith.constant 0 : i32
        %dma_wait3A_182 = arith.constant 0 : i32
        %dma_wait3A_183 = arith.constant 0 : i32
        %dma_wait3A_184 = arith.constant 0 : i32
        %dma_wait3A_185 = arith.constant 0 : i32
        %dma_wait3A_186 = tpu.memref_slice %arg10[%dma_wait3A_182, %dma_wait3A_184, %dma_wait3A_185] : memref<2x128x128xf32, #tpu.memory_space<vmem>> -> memref<1x128x128xf32, #tpu.memory_space<vmem>>
        %dma_wait3A_187 = tpu.memref_squeeze %dma_wait3A_186 : memref<1x128x128xf32, #tpu.memory_space<vmem>> -> memref<128x128xf32, #tpu.memory_space<vmem>>
        %dma_wait3A_188 = arith.constant 0 : i32
        %dma_wait3A_189 = tpu.memref_slice %arg8[%dma_wait3A_181, %dma_wait3A_188] : memref<40x128xi32, #tpu.memory_space<vmem>> -> memref<1x128xi32, #tpu.memory_space<vmem>>
        %dma_wait3A_190 = tpu.memref_squeeze %dma_wait3A_189 : memref<1x128xi32, #tpu.memory_space<vmem>> -> memref<128xi32, #tpu.memory_space<vmem>>
        %dma_wait3A_191 = arith.constant 0 : i32
        %dma_wait3A_192 = arith.constant 0 : i32
        %dma_wait3A_193 = tpu.memref_slice %arg2[%dma_wait3A_191, %dma_wait3A_192] : memref<10000x128xf32, #tpu.memory_space<hbm>> -> memref<10000x128xf32, #tpu.memory_space<hbm>>
        %dma_wait3A_194 = tpu.memref_slice %arg11[%dma_wait3A_183] : memref<2x!tpu.dma_semaphore, #tpu.memory_space<semaphore_mem>> -> memref<1x!tpu.dma_semaphore, #tpu.memory_space<semaphore_mem>>
        %dma_wait3A_195 = tpu.memref_squeeze %dma_wait3A_194 : memref<1x!tpu.dma_semaphore, #tpu.memory_space<semaphore_mem>> -> memref<!tpu.dma_semaphore, #tpu.memory_space<semaphore_mem>>
        tpu.wait_indirect_dma semaphore(%dma_wait3A_195 : memref<!tpu.dma_semaphore, #tpu.memory_space<semaphore_mem>>) src(%dma_wait3A_193 : memref<10000x128xf32, #tpu.memory_space<hbm>>) dst(%dma_wait3A_187 : memref<128x128xf32, #tpu.memory_space<vmem>>)
        %mul3A_196 = arith.constant 2 : i32
        %mul3A_197 = arith.muli %scan3A_180, %mul3A_196 : i32
        %add3A_198 = arith.constant 0 : i32
        %add3A_199 = arith.addi %mul3A_197, %add3A_198 : i32
        %dma_start3A_200 = arith.constant 0 : i32
        %dma_start3A_201 = arith.constant 0 : i32
        %dma_start3A_202 = arith.constant 0 : i32
        %dma_start3A_203 = arith.constant 0 : i32
        %dma_start3A_204 = tpu.memref_slice %arg10[%dma_start3A_200, %dma_start3A_202, %dma_start3A_203] : memref<2x128x128xf32, #tpu.memory_space<vmem>> -> memref<1x128x128xf32, #tpu.memory_space<vmem>>
        %dma_start3A_205 = tpu.memref_squeeze %dma_start3A_204 : memref<1x128x128xf32, #tpu.memory_space<vmem>> -> memref<128x128xf32, #tpu.memory_space<vmem>>
        %dma_start3A_206 = arith.constant 0 : i32
        %dma_start3A_207 = tpu.memref_slice %arg9[%add3A_199, %dma_start3A_206] : memref<40x128xi32, #tpu.memory_space<vmem>> -> memref<1x128xi32, #tpu.memory_space<vmem>>
        %dma_start3A_208 = tpu.memref_squeeze %dma_start3A_207 : memref<1x128xi32, #tpu.memory_space<vmem>> -> memref<128xi32, #tpu.memory_space<vmem>>
        %dma_start3A_209 = arith.constant 0 : i32
        %dma_start3A_210 = arith.constant 0 : i32
        %dma_start3A_211 = tpu.memref_slice %arg7[%dma_start3A_209, %dma_start3A_210] : memref<10112x128xf32, #tpu.memory_space<vmem_shared>> -> memref<10112x128xf32, #tpu.memory_space<vmem_shared>>
        %dma_start3A_212 = tpu.memref_slice %arg12[%dma_start3A_201] : memref<2x!tpu.dma_semaphore, #tpu.memory_space<semaphore_mem>> -> memref<1x!tpu.dma_semaphore, #tpu.memory_space<semaphore_mem>>
        %dma_start3A_213 = tpu.memref_squeeze %dma_start3A_212 : memref<1x!tpu.dma_semaphore, #tpu.memory_space<semaphore_mem>> -> memref<!tpu.dma_semaphore, #tpu.memory_space<semaphore_mem>>
        tpu.enqueue_indirect_dma source(%dma_start3A_205 : memref<128x128xf32, #tpu.memory_space<vmem>>) target(%dma_start3A_211 : memref<10112x128xf32, #tpu.memory_space<vmem_shared>>) offsets(%dma_start3A_208 : memref<128xi32, #tpu.memory_space<vmem>>) semaphore(%dma_start3A_213 : memref<!tpu.dma_semaphore, #tpu.memory_space<semaphore_mem>>) {add = true}
        %dma_wait3A_214 = arith.constant 0 : i32
        %dma_wait3A_215 = arith.constant 1 : i32
        %dma_wait3A_216 = arith.constant 1 : i32
        %dma_wait3A_217 = arith.constant 0 : i32
        %dma_wait3A_218 = arith.constant 0 : i32
        %dma_wait3A_219 = tpu.memref_slice %arg10[%dma_wait3A_215, %dma_wait3A_217, %dma_wait3A_218] : memref<2x128x128xf32, #tpu.memory_space<vmem>> -> memref<1x128x128xf32, #tpu.memory_space<vmem>>
        %dma_wait3A_220 = tpu.memref_squeeze %dma_wait3A_219 : memref<1x128x128xf32, #tpu.memory_space<vmem>> -> memref<128x128xf32, #tpu.memory_space<vmem>>
        %dma_wait3A_221 = arith.constant 0 : i32
        %dma_wait3A_222 = tpu.memref_slice %arg8[%dma_wait3A_214, %dma_wait3A_221] : memref<40x128xi32, #tpu.memory_space<vmem>> -> memref<1x128xi32, #tpu.memory_space<vmem>>
        %dma_wait3A_223 = tpu.memref_squeeze %dma_wait3A_222 : memref<1x128xi32, #tpu.memory_space<vmem>> -> memref<128xi32, #tpu.memory_space<vmem>>
        %dma_wait3A_224 = arith.constant 0 : i32
        %dma_wait3A_225 = arith.constant 0 : i32
        %dma_wait3A_226 = tpu.memref_slice %arg2[%dma_wait3A_224, %dma_wait3A_225] : memref<10000x128xf32, #tpu.memory_space<hbm>> -> memref<10000x128xf32, #tpu.memory_space<hbm>>
        %dma_wait3A_227 = tpu.memref_slice %arg11[%dma_wait3A_216] : memref<2x!tpu.dma_semaphore, #tpu.memory_space<semaphore_mem>> -> memref<1x!tpu.dma_semaphore, #tpu.memory_space<semaphore_mem>>
        %dma_wait3A_228 = tpu.memref_squeeze %dma_wait3A_227 : memref<1x!tpu.dma_semaphore, #tpu.memory_space<semaphore_mem>> -> memref<!tpu.dma_semaphore, #tpu.memory_space<semaphore_mem>>
        tpu.wait_indirect_dma semaphore(%dma_wait3A_228 : memref<!tpu.dma_semaphore, #tpu.memory_space<semaphore_mem>>) src(%dma_wait3A_226 : memref<10000x128xf32, #tpu.memory_space<hbm>>) dst(%dma_wait3A_220 : memref<128x128xf32, #tpu.memory_space<vmem>>)
        %mul3A_229 = arith.constant 2 : i32
        %mul3A_230 = arith.muli %scan3A_180, %mul3A_229 : i32
        %add3A_231 = arith.constant 1 : i32
        %add3A_232 = arith.addi %mul3A_230, %add3A_231 : i32
        %dma_start3A_233 = arith.constant 1 : i32
        %dma_start3A_234 = arith.constant 1 : i32
        %dma_start3A_235 = arith.constant 0 : i32
        %dma_start3A_236 = arith.constant 0 : i32
        %dma_start3A_237 = tpu.memref_slice %arg10[%dma_start3A_233, %dma_start3A_235, %dma_start3A_236] : memref<2x128x128xf32, #tpu.memory_space<vmem>> -> memref<1x128x128xf32, #tpu.memory_space<vmem>>
        %dma_start3A_238 = tpu.memref_squeeze %dma_start3A_237 : memref<1x128x128xf32, #tpu.memory_space<vmem>> -> memref<128x128xf32, #tpu.memory_space<vmem>>
        %dma_start3A_239 = arith.constant 0 : i32
        %dma_start3A_240 = tpu.memref_slice %arg9[%add3A_232, %dma_start3A_239] : memref<40x128xi32, #tpu.memory_space<vmem>> -> memref<1x128xi32, #tpu.memory_space<vmem>>
        %dma_start3A_241 = tpu.memref_squeeze %dma_start3A_240 : memref<1x128xi32, #tpu.memory_space<vmem>> -> memref<128xi32, #tpu.memory_space<vmem>>
        %dma_start3A_242 = arith.constant 0 : i32
        %dma_start3A_243 = arith.constant 0 : i32
        %dma_start3A_244 = tpu.memref_slice %arg7[%dma_start3A_242, %dma_start3A_243] : memref<10112x128xf32, #tpu.memory_space<vmem_shared>> -> memref<10112x128xf32, #tpu.memory_space<vmem_shared>>
        %dma_start3A_245 = tpu.memref_slice %arg12[%dma_start3A_234] : memref<2x!tpu.dma_semaphore, #tpu.memory_space<semaphore_mem>> -> memref<1x!tpu.dma_semaphore, #tpu.memory_space<semaphore_mem>>
        %dma_start3A_246 = tpu.memref_squeeze %dma_start3A_245 : memref<1x!tpu.dma_semaphore, #tpu.memory_space<semaphore_mem>> -> memref<!tpu.dma_semaphore, #tpu.memory_space<semaphore_mem>>
        tpu.enqueue_indirect_dma source(%dma_start3A_238 : memref<128x128xf32, #tpu.memory_space<vmem>>) target(%dma_start3A_244 : memref<10112x128xf32, #tpu.memory_space<vmem_shared>>) offsets(%dma_start3A_241 : memref<128xi32, #tpu.memory_space<vmem>>) semaphore(%dma_start3A_246 : memref<!tpu.dma_semaphore, #tpu.memory_space<semaphore_mem>>) {add = true}
        %dma_wait3A_247 = arith.constant 0 : i32
        %dma_wait3A_248 = arith.constant 0 : i32
        %dma_wait3A_249 = arith.constant 0 : i32
        %dma_wait3A_250 = arith.constant 0 : i32
        %dma_wait3A_251 = arith.constant 0 : i32
        %dma_wait3A_252 = tpu.memref_slice %arg10[%dma_wait3A_247, %dma_wait3A_250, %dma_wait3A_251] : memref<2x128x128xf32, #tpu.memory_space<vmem>> -> memref<1x128x128xf32, #tpu.memory_space<vmem>>
        %dma_wait3A_253 = tpu.memref_squeeze %dma_wait3A_252 : memref<1x128x128xf32, #tpu.memory_space<vmem>> -> memref<128x128xf32, #tpu.memory_space<vmem>>
        %dma_wait3A_254 = arith.constant 0 : i32
        %dma_wait3A_255 = tpu.memref_slice %arg9[%dma_wait3A_248, %dma_wait3A_254] : memref<40x128xi32, #tpu.memory_space<vmem>> -> memref<1x128xi32, #tpu.memory_space<vmem>>
        %dma_wait3A_256 = tpu.memref_squeeze %dma_wait3A_255 : memref<1x128xi32, #tpu.memory_space<vmem>> -> memref<128xi32, #tpu.memory_space<vmem>>
        %dma_wait3A_257 = arith.constant 0 : i32
        %dma_wait3A_258 = arith.constant 0 : i32
        %dma_wait3A_259 = tpu.memref_slice %arg7[%dma_wait3A_257, %dma_wait3A_258] : memref<10112x128xf32, #tpu.memory_space<vmem_shared>> -> memref<10112x128xf32, #tpu.memory_space<vmem_shared>>
        %dma_wait3A_260 = tpu.memref_slice %arg12[%dma_wait3A_249] : memref<2x!tpu.dma_semaphore, #tpu.memory_space<semaphore_mem>> -> memref<1x!tpu.dma_semaphore, #tpu.memory_space<semaphore_mem>>
        %dma_wait3A_261 = tpu.memref_squeeze %dma_wait3A_260 : memref<1x!tpu.dma_semaphore, #tpu.memory_space<semaphore_mem>> -> memref<!tpu.dma_semaphore, #tpu.memory_space<semaphore_mem>>
        tpu.wait_indirect_dma semaphore(%dma_wait3A_261 : memref<!tpu.dma_semaphore, #tpu.memory_space<semaphore_mem>>) src(%dma_wait3A_253 : memref<128x128xf32, #tpu.memory_space<vmem>>) dst(%dma_wait3A_259 : memref<10112x128xf32, #tpu.memory_space<vmem_shared>>)
        %add3A_262 = arith.constant 1 : i32
        %add3A_263 = arith.addi %scan3A_180, %add3A_262 : i32
        %mul3A_264 = arith.constant 2 : i32
        %mul3A_265 = arith.muli %add3A_263, %mul3A_264 : i32
        %add3A_266 = arith.constant 0 : i32
        %add3A_267 = arith.addi %mul3A_265, %add3A_266 : i32
        %dma_start3A_268 = arith.constant 0 : i32
        %dma_start3A_269 = arith.constant 0 : i32
        %dma_start3A_270 = arith.constant 0 : i32
        %dma_start3A_271 = arith.constant 0 : i32
        %dma_start3A_272 = tpu.memref_slice %arg10[%dma_start3A_268, %dma_start3A_270, %dma_start3A_271] : memref<2x128x128xf32, #tpu.memory_space<vmem>> -> memref<1x128x128xf32, #tpu.memory_space<vmem>>
        %dma_start3A_273 = tpu.memref_squeeze %dma_start3A_272 : memref<1x128x128xf32, #tpu.memory_space<vmem>> -> memref<128x128xf32, #tpu.memory_space<vmem>>
        %dma_start3A_274 = arith.constant 0 : i32
        %dma_start3A_275 = tpu.memref_slice %arg8[%add3A_267, %dma_start3A_274] : memref<40x128xi32, #tpu.memory_space<vmem>> -> memref<1x128xi32, #tpu.memory_space<vmem>>
        %dma_start3A_276 = tpu.memref_squeeze %dma_start3A_275 : memref<1x128xi32, #tpu.memory_space<vmem>> -> memref<128xi32, #tpu.memory_space<vmem>>
        %dma_start3A_277 = arith.constant 0 : i32
        %dma_start3A_278 = arith.constant 0 : i32
        %dma_start3A_279 = tpu.memref_slice %arg2[%dma_start3A_277, %dma_start3A_278] : memref<10000x128xf32, #tpu.memory_space<hbm>> -> memref<10000x128xf32, #tpu.memory_space<hbm>>
        %dma_start3A_280 = tpu.memref_slice %arg11[%dma_start3A_269] : memref<2x!tpu.dma_semaphore, #tpu.memory_space<semaphore_mem>> -> memref<1x!tpu.dma_semaphore, #tpu.memory_space<semaphore_mem>>
        %dma_start3A_281 = tpu.memref_squeeze %dma_start3A_280 : memref<1x!tpu.dma_semaphore, #tpu.memory_space<semaphore_mem>> -> memref<!tpu.dma_semaphore, #tpu.memory_space<semaphore_mem>>
        tpu.enqueue_indirect_dma source(%dma_start3A_279 : memref<10000x128xf32, #tpu.memory_space<hbm>>) target(%dma_start3A_273 : memref<128x128xf32, #tpu.memory_space<vmem>>) offsets(%dma_start3A_276 : memref<128xi32, #tpu.memory_space<vmem>>) semaphore(%dma_start3A_281 : memref<!tpu.dma_semaphore, #tpu.memory_space<semaphore_mem>>)
        %dma_wait3A_282 = arith.constant 1 : i32
        %dma_wait3A_283 = arith.constant 0 : i32
        %dma_wait3A_284 = arith.constant 1 : i32
        %dma_wait3A_285 = arith.constant 0 : i32
        %dma_wait3A_286 = arith.constant 0 : i32
        %dma_wait3A_287 = tpu.memref_slice %arg10[%dma_wait3A_282, %dma_wait3A_285, %dma_wait3A_286] : memref<2x128x128xf32, #tpu.memory_space<vmem>> -> memref<1x128x128xf32, #tpu.memory_space<vmem>>
        %dma_wait3A_288 = tpu.memref_squeeze %dma_wait3A_287 : memref<1x128x128xf32, #tpu.memory_space<vmem>> -> memref<128x128xf32, #tpu.memory_space<vmem>>
        %dma_wait3A_289 = arith.constant 0 : i32
        %dma_wait3A_290 = tpu.memref_slice %arg9[%dma_wait3A_283, %dma_wait3A_289] : memref<40x128xi32, #tpu.memory_space<vmem>> -> memref<1x128xi32, #tpu.memory_space<vmem>>
        %dma_wait3A_291 = tpu.memref_squeeze %dma_wait3A_290 : memref<1x128xi32, #tpu.memory_space<vmem>> -> memref<128xi32, #tpu.memory_space<vmem>>
        %dma_wait3A_292 = arith.constant 0 : i32
        %dma_wait3A_293 = arith.constant 0 : i32
        %dma_wait3A_294 = tpu.memref_slice %arg7[%dma_wait3A_292, %dma_wait3A_293] : memref<10112x128xf32, #tpu.memory_space<vmem_shared>> -> memref<10112x128xf32, #tpu.memory_space<vmem_shared>>
        %dma_wait3A_295 = tpu.memref_slice %arg12[%dma_wait3A_284] : memref<2x!tpu.dma_semaphore, #tpu.memory_space<semaphore_mem>> -> memref<1x!tpu.dma_semaphore, #tpu.memory_space<semaphore_mem>>
        %dma_wait3A_296 = tpu.memref_squeeze %dma_wait3A_295 : memref<1x!tpu.dma_semaphore, #tpu.memory_space<semaphore_mem>> -> memref<!tpu.dma_semaphore, #tpu.memory_space<semaphore_mem>>
        tpu.wait_indirect_dma semaphore(%dma_wait3A_296 : memref<!tpu.dma_semaphore, #tpu.memory_space<semaphore_mem>>) src(%dma_wait3A_288 : memref<128x128xf32, #tpu.memory_space<vmem>>) dst(%dma_wait3A_294 : memref<10112x128xf32, #tpu.memory_space<vmem_shared>>)
        %add3A_297 = arith.constant 1 : i32
        %add3A_298 = arith.addi %scan3A_180, %add3A_297 : i32
        %mul3A_299 = arith.constant 2 : i32
        %mul3A_300 = arith.muli %add3A_298, %mul3A_299 : i32
        %add3A_301 = arith.constant 1 : i32
        %add3A_302 = arith.addi %mul3A_300, %add3A_301 : i32
        %dma_start3A_303 = arith.constant 1 : i32
        %dma_start3A_304 = arith.constant 1 : i32
        %dma_start3A_305 = arith.constant 0 : i32
        %dma_start3A_306 = arith.constant 0 : i32
        %dma_start3A_307 = tpu.memref_slice %arg10[%dma_start3A_303, %dma_start3A_305, %dma_start3A_306] : memref<2x128x128xf32, #tpu.memory_space<vmem>> -> memref<1x128x128xf32, #tpu.memory_space<vmem>>
        %dma_start3A_308 = tpu.memref_squeeze %dma_start3A_307 : memref<1x128x128xf32, #tpu.memory_space<vmem>> -> memref<128x128xf32, #tpu.memory_space<vmem>>
        %dma_start3A_309 = arith.constant 0 : i32
        %dma_start3A_310 = tpu.memref_slice %arg8[%add3A_302, %dma_start3A_309] : memref<40x128xi32, #tpu.memory_space<vmem>> -> memref<1x128xi32, #tpu.memory_space<vmem>>
        %dma_start3A_311 = tpu.memref_squeeze %dma_start3A_310 : memref<1x128xi32, #tpu.memory_space<vmem>> -> memref<128xi32, #tpu.memory_space<vmem>>
        %dma_start3A_312 = arith.constant 0 : i32
        %dma_start3A_313 = arith.constant 0 : i32
        %dma_start3A_314 = tpu.memref_slice %arg2[%dma_start3A_312, %dma_start3A_313] : memref<10000x128xf32, #tpu.memory_space<hbm>> -> memref<10000x128xf32, #tpu.memory_space<hbm>>
        %dma_start3A_315 = tpu.memref_slice %arg11[%dma_start3A_304] : memref<2x!tpu.dma_semaphore, #tpu.memory_space<semaphore_mem>> -> memref<1x!tpu.dma_semaphore, #tpu.memory_space<semaphore_mem>>
        %dma_start3A_316 = tpu.memref_squeeze %dma_start3A_315 : memref<1x!tpu.dma_semaphore, #tpu.memory_space<semaphore_mem>> -> memref<!tpu.dma_semaphore, #tpu.memory_space<semaphore_mem>>
        tpu.enqueue_indirect_dma source(%dma_start3A_314 : memref<10000x128xf32, #tpu.memory_space<hbm>>) target(%dma_start3A_308 : memref<128x128xf32, #tpu.memory_space<vmem>>) offsets(%dma_start3A_311 : memref<128xi32, #tpu.memory_space<vmem>>) semaphore(%dma_start3A_316 : memref<!tpu.dma_semaphore, #tpu.memory_space<semaphore_mem>>)
      }
      %scan3A_90 = arith.constant 19 : i32
      %dma_wait3A = arith.constant 0 : i32
      %dma_wait3A_91 = arith.constant 0 : i32
      %dma_wait3A_92 = arith.constant 0 : i32
      %dma_wait3A_93 = arith.constant 0 : i32
      %dma_wait3A_94 = arith.constant 0 : i32
      %dma_wait3A_95 = tpu.memref_slice %arg10[%dma_wait3A_91, %dma_wait3A_93, %dma_wait3A_94] : memref<2x128x128xf32, #tpu.memory_space<vmem>> -> memref<1x128x128xf32, #tpu.memory_space<vmem>>
      %dma_wait3A_96 = tpu.memref_squeeze %dma_wait3A_95 : memref<1x128x128xf32, #tpu.memory_space<vmem>> -> memref<128x128xf32, #tpu.memory_space<vmem>>
      %dma_wait3A_97 = arith.constant 0 : i32
      %dma_wait3A_98 = tpu.memref_slice %arg8[%dma_wait3A, %dma_wait3A_97] : memref<40x128xi32, #tpu.memory_space<vmem>> -> memref<1x128xi32, #tpu.memory_space<vmem>>
      %dma_wait3A_99 = tpu.memref_squeeze %dma_wait3A_98 : memref<1x128xi32, #tpu.memory_space<vmem>> -> memref<128xi32, #tpu.memory_space<vmem>>
      %dma_wait3A_100 = arith.constant 0 : i32
      %dma_wait3A_101 = arith.constant 0 : i32
      %dma_wait3A_102 = tpu.memref_slice %arg2[%dma_wait3A_100, %dma_wait3A_101] : memref<10000x128xf32, #tpu.memory_space<hbm>> -> memref<10000x128xf32, #tpu.memory_space<hbm>>
      %dma_wait3A_103 = tpu.memref_slice %arg11[%dma_wait3A_92] : memref<2x!tpu.dma_semaphore, #tpu.memory_space<semaphore_mem>> -> memref<1x!tpu.dma_semaphore, #tpu.memory_space<semaphore_mem>>
      %dma_wait3A_104 = tpu.memref_squeeze %dma_wait3A_103 : memref<1x!tpu.dma_semaphore, #tpu.memory_space<semaphore_mem>> -> memref<!tpu.dma_semaphore, #tpu.memory_space<semaphore_mem>>
      tpu.wait_indirect_dma semaphore(%dma_wait3A_104 : memref<!tpu.dma_semaphore, #tpu.memory_space<semaphore_mem>>) src(%dma_wait3A_102 : memref<10000x128xf32, #tpu.memory_space<hbm>>) dst(%dma_wait3A_96 : memref<128x128xf32, #tpu.memory_space<vmem>>)
      %dma_start3A_105 = arith.constant 0 : i32
      %dma_start3A_106 = arith.constant 38 : i32
      %dma_start3A_107 = arith.constant 0 : i32
      %dma_start3A_108 = arith.constant 0 : i32
      %dma_start3A_109 = arith.constant 0 : i32
      %dma_start3A_110 = tpu.memref_slice %arg10[%dma_start3A_105, %dma_start3A_108, %dma_start3A_109] : memref<2x128x128xf32, #tpu.memory_space<vmem>> -> memref<1x128x128xf32, #tpu.memory_space<vmem>>
      %dma_start3A_111 = tpu.memref_squeeze %dma_start3A_110 : memref<1x128x128xf32, #tpu.memory_space<vmem>> -> memref<128x128xf32, #tpu.memory_space<vmem>>
      %dma_start3A_112 = arith.constant 0 : i32
      %dma_start3A_113 = tpu.memref_slice %arg9[%dma_start3A_106, %dma_start3A_112] : memref<40x128xi32, #tpu.memory_space<vmem>> -> memref<1x128xi32, #tpu.memory_space<vmem>>
      %dma_start3A_114 = tpu.memref_squeeze %dma_start3A_113 : memref<1x128xi32, #tpu.memory_space<vmem>> -> memref<128xi32, #tpu.memory_space<vmem>>
      %dma_start3A_115 = arith.constant 0 : i32
      %dma_start3A_116 = arith.constant 0 : i32
      %dma_start3A_117 = tpu.memref_slice %arg7[%dma_start3A_115, %dma_start3A_116] : memref<10112x128xf32, #tpu.memory_space<vmem_shared>> -> memref<10112x128xf32, #tpu.memory_space<vmem_shared>>
      %dma_start3A_118 = tpu.memref_slice %arg12[%dma_start3A_107] : memref<2x!tpu.dma_semaphore, #tpu.memory_space<semaphore_mem>> -> memref<1x!tpu.dma_semaphore, #tpu.memory_space<semaphore_mem>>
      %dma_start3A_119 = tpu.memref_squeeze %dma_start3A_118 : memref<1x!tpu.dma_semaphore, #tpu.memory_space<semaphore_mem>> -> memref<!tpu.dma_semaphore, #tpu.memory_space<semaphore_mem>>
      tpu.enqueue_indirect_dma source(%dma_start3A_111 : memref<128x128xf32, #tpu.memory_space<vmem>>) target(%dma_start3A_117 : memref<10112x128xf32, #tpu.memory_space<vmem_shared>>) offsets(%dma_start3A_114 : memref<128xi32, #tpu.memory_space<vmem>>) semaphore(%dma_start3A_119 : memref<!tpu.dma_semaphore, #tpu.memory_space<semaphore_mem>>) {add = true}
      %dma_wait3A_120 = arith.constant 0 : i32
      %dma_wait3A_121 = arith.constant 1 : i32
      %dma_wait3A_122 = arith.constant 1 : i32
      %dma_wait3A_123 = arith.constant 0 : i32
      %dma_wait3A_124 = arith.constant 0 : i32
      %dma_wait3A_125 = tpu.memref_slice %arg10[%dma_wait3A_121, %dma_wait3A_123, %dma_wait3A_124] : memref<2x128x128xf32, #tpu.memory_space<vmem>> -> memref<1x128x128xf32, #tpu.memory_space<vmem>>
      %dma_wait3A_126 = tpu.memref_squeeze %dma_wait3A_125 : memref<1x128x128xf32, #tpu.memory_space<vmem>> -> memref<128x128xf32, #tpu.memory_space<vmem>>
      %dma_wait3A_127 = arith.constant 0 : i32
      %dma_wait3A_128 = tpu.memref_slice %arg8[%dma_wait3A_120, %dma_wait3A_127] : memref<40x128xi32, #tpu.memory_space<vmem>> -> memref<1x128xi32, #tpu.memory_space<vmem>>
      %dma_wait3A_129 = tpu.memref_squeeze %dma_wait3A_128 : memref<1x128xi32, #tpu.memory_space<vmem>> -> memref<128xi32, #tpu.memory_space<vmem>>
      %dma_wait3A_130 = arith.constant 0 : i32
      %dma_wait3A_131 = arith.constant 0 : i32
      %dma_wait3A_132 = tpu.memref_slice %arg2[%dma_wait3A_130, %dma_wait3A_131] : memref<10000x128xf32, #tpu.memory_space<hbm>> -> memref<10000x128xf32, #tpu.memory_space<hbm>>
      %dma_wait3A_133 = tpu.memref_slice %arg11[%dma_wait3A_122] : memref<2x!tpu.dma_semaphore, #tpu.memory_space<semaphore_mem>> -> memref<1x!tpu.dma_semaphore, #tpu.memory_space<semaphore_mem>>
      %dma_wait3A_134 = tpu.memref_squeeze %dma_wait3A_133 : memref<1x!tpu.dma_semaphore, #tpu.memory_space<semaphore_mem>> -> memref<!tpu.dma_semaphore, #tpu.memory_space<semaphore_mem>>
      tpu.wait_indirect_dma semaphore(%dma_wait3A_134 : memref<!tpu.dma_semaphore, #tpu.memory_space<semaphore_mem>>) src(%dma_wait3A_132 : memref<10000x128xf32, #tpu.memory_space<hbm>>) dst(%dma_wait3A_126 : memref<128x128xf32, #tpu.memory_space<vmem>>)
      %dma_start3A_135 = arith.constant 1 : i32
      %dma_start3A_136 = arith.constant 39 : i32
      %dma_start3A_137 = arith.constant 1 : i32
      %dma_start3A_138 = arith.constant 0 : i32
      %dma_start3A_139 = arith.constant 0 : i32
      %dma_start3A_140 = tpu.memref_slice %arg10[%dma_start3A_135, %dma_start3A_138, %dma_start3A_139] : memref<2x128x128xf32, #tpu.memory_space<vmem>> -> memref<1x128x128xf32, #tpu.memory_space<vmem>>
      %dma_start3A_141 = tpu.memref_squeeze %dma_start3A_140 : memref<1x128x128xf32, #tpu.memory_space<vmem>> -> memref<128x128xf32, #tpu.memory_space<vmem>>
      %dma_start3A_142 = arith.constant 0 : i32
      %dma_start3A_143 = tpu.memref_slice %arg9[%dma_start3A_136, %dma_start3A_142] : memref<40x128xi32, #tpu.memory_space<vmem>> -> memref<1x128xi32, #tpu.memory_space<vmem>>
      %dma_start3A_144 = tpu.memref_squeeze %dma_start3A_143 : memref<1x128xi32, #tpu.memory_space<vmem>> -> memref<128xi32, #tpu.memory_space<vmem>>
      %dma_start3A_145 = arith.constant 0 : i32
      %dma_start3A_146 = arith.constant 0 : i32
      %dma_start3A_147 = tpu.memref_slice %arg7[%dma_start3A_145, %dma_start3A_146] : memref<10112x128xf32, #tpu.memory_space<vmem_shared>> -> memref<10112x128xf32, #tpu.memory_space<vmem_shared>>
      %dma_start3A_148 = tpu.memref_slice %arg12[%dma_start3A_137] : memref<2x!tpu.dma_semaphore, #tpu.memory_space<semaphore_mem>> -> memref<1x!tpu.dma_semaphore, #tpu.memory_space<semaphore_mem>>
      %dma_start3A_149 = tpu.memref_squeeze %dma_start3A_148 : memref<1x!tpu.dma_semaphore, #tpu.memory_space<semaphore_mem>> -> memref<!tpu.dma_semaphore, #tpu.memory_space<semaphore_mem>>
      tpu.enqueue_indirect_dma source(%dma_start3A_141 : memref<128x128xf32, #tpu.memory_space<vmem>>) target(%dma_start3A_147 : memref<10112x128xf32, #tpu.memory_space<vmem_shared>>) offsets(%dma_start3A_144 : memref<128xi32, #tpu.memory_space<vmem>>) semaphore(%dma_start3A_149 : memref<!tpu.dma_semaphore, #tpu.memory_space<semaphore_mem>>) {add = true}
      %dma_wait3A_150 = arith.constant 0 : i32
      %dma_wait3A_151 = arith.constant 0 : i32
      %dma_wait3A_152 = arith.constant 0 : i32
      %dma_wait3A_153 = arith.constant 0 : i32
      %dma_wait3A_154 = arith.constant 0 : i32
      %dma_wait3A_155 = tpu.memref_slice %arg10[%dma_wait3A_150, %dma_wait3A_153, %dma_wait3A_154] : memref<2x128x128xf32, #tpu.memory_space<vmem>> -> memref<1x128x128xf32, #tpu.memory_space<vmem>>
      %dma_wait3A_156 = tpu.memref_squeeze %dma_wait3A_155 : memref<1x128x128xf32, #tpu.memory_space<vmem>> -> memref<128x128xf32, #tpu.memory_space<vmem>>
      %dma_wait3A_157 = arith.constant 0 : i32
      %dma_wait3A_158 = tpu.memref_slice %arg9[%dma_wait3A_151, %dma_wait3A_157] : memref<40x128xi32, #tpu.memory_space<vmem>> -> memref<1x128xi32, #tpu.memory_space<vmem>>
      %dma_wait3A_159 = tpu.memref_squeeze %dma_wait3A_158 : memref<1x128xi32, #tpu.memory_space<vmem>> -> memref<128xi32, #tpu.memory_space<vmem>>
      %dma_wait3A_160 = arith.constant 0 : i32
      %dma_wait3A_161 = arith.constant 0 : i32
      %dma_wait3A_162 = tpu.memref_slice %arg7[%dma_wait3A_160, %dma_wait3A_161] : memref<10112x128xf32, #tpu.memory_space<vmem_shared>> -> memref<10112x128xf32, #tpu.memory_space<vmem_shared>>
      %dma_wait3A_163 = tpu.memref_slice %arg12[%dma_wait3A_152] : memref<2x!tpu.dma_semaphore, #tpu.memory_space<semaphore_mem>> -> memref<1x!tpu.dma_semaphore, #tpu.memory_space<semaphore_mem>>
      %dma_wait3A_164 = tpu.memref_squeeze %dma_wait3A_163 : memref<1x!tpu.dma_semaphore, #tpu.memory_space<semaphore_mem>> -> memref<!tpu.dma_semaphore, #tpu.memory_space<semaphore_mem>>
      tpu.wait_indirect_dma semaphore(%dma_wait3A_164 : memref<!tpu.dma_semaphore, #tpu.memory_space<semaphore_mem>>) src(%dma_wait3A_156 : memref<128x128xf32, #tpu.memory_space<vmem>>) dst(%dma_wait3A_162 : memref<10112x128xf32, #tpu.memory_space<vmem_shared>>)
      %dma_wait3A_165 = arith.constant 1 : i32
      %dma_wait3A_166 = arith.constant 0 : i32
      %dma_wait3A_167 = arith.constant 1 : i32
      %dma_wait3A_168 = arith.constant 0 : i32
      %dma_wait3A_169 = arith.constant 0 : i32
      %dma_wait3A_170 = tpu.memref_slice %arg10[%dma_wait3A_165, %dma_wait3A_168, %dma_wait3A_169] : memref<2x128x128xf32, #tpu.memory_space<vmem>> -> memref<1x128x128xf32, #tpu.memory_space<vmem>>
      %dma_wait3A_171 = tpu.memref_squeeze %dma_wait3A_170 : memref<1x128x128xf32, #tpu.memory_space<vmem>> -> memref<128x128xf32, #tpu.memory_space<vmem>>
      %dma_wait3A_172 = arith.constant 0 : i32
      %dma_wait3A_173 = tpu.memref_slice %arg9[%dma_wait3A_166, %dma_wait3A_172] : memref<40x128xi32, #tpu.memory_space<vmem>> -> memref<1x128xi32, #tpu.memory_space<vmem>>
      %dma_wait3A_174 = tpu.memref_squeeze %dma_wait3A_173 : memref<1x128xi32, #tpu.memory_space<vmem>> -> memref<128xi32, #tpu.memory_space<vmem>>
      %dma_wait3A_175 = arith.constant 0 : i32
      %dma_wait3A_176 = arith.constant 0 : i32
      %dma_wait3A_177 = tpu.memref_slice %arg7[%dma_wait3A_175, %dma_wait3A_176] : memref<10112x128xf32, #tpu.memory_space<vmem_shared>> -> memref<10112x128xf32, #tpu.memory_space<vmem_shared>>
      %dma_wait3A_178 = tpu.memref_slice %arg12[%dma_wait3A_167] : memref<2x!tpu.dma_semaphore, #tpu.memory_space<semaphore_mem>> -> memref<1x!tpu.dma_semaphore, #tpu.memory_space<semaphore_mem>>
      %dma_wait3A_179 = tpu.memref_squeeze %dma_wait3A_178 : memref<1x!tpu.dma_semaphore, #tpu.memory_space<semaphore_mem>> -> memref<!tpu.dma_semaphore, #tpu.memory_space<semaphore_mem>>
      tpu.wait_indirect_dma semaphore(%dma_wait3A_179 : memref<!tpu.dma_semaphore, #tpu.memory_space<semaphore_mem>>) src(%dma_wait3A_171 : memref<128x128xf32, #tpu.memory_space<vmem>>) dst(%dma_wait3A_177 : memref<10112x128xf32, #tpu.memory_space<vmem_shared>>)
    }
    %while3A_29 = arith.constant 1 : i32
    scf.for %while3A_53 = %while3A_27 to %while3A_23 step %while3A_29  : i32 {
      %mul3A_54 = arith.constant 40 : i32
      %mul3A_55 = arith.muli %while3A_53, %mul3A_54 : i32
      %add3A_56 = arith.addi %select_n3A_20, %mul3A_55 : i32
      "tpu.region"() ({
        %run_scoped3A = tpu.sem_alloc : memref<!tpu.dma_semaphore, #tpu.memory_space<semaphore_mem>>
        %dma_start3A_180 = arith.constant 0 : i32
        %dma_start3A_181 = tpu.memref_slice %arg3[%add3A_56, %dma_start3A_180] : memref<2560x128xi32, #tpu.memory_space<hbm>> -> memref<40x128xi32, #tpu.memory_space<hbm>>
        %dma_start3A_182 = arith.constant 0 : i32
        %dma_start3A_183 = tpu.memref_slice %arg3[%add3A_56, %dma_start3A_182] : memref<2560x128xi32, #tpu.memory_space<hbm>> -> memref<40x128xi32, #tpu.memory_space<hbm>>
        tpu.enqueue_dma source(%dma_start3A_183 : memref<40x128xi32, #tpu.memory_space<hbm>>) target(%arg8 : memref<40x128xi32, #tpu.memory_space<vmem>>) target_semaphore(%run_scoped3A : memref<!tpu.dma_semaphore, #tpu.memory_space<semaphore_mem>>)
        %dma_wait3A_184 = arith.constant 0 : i32
        %dma_wait3A_185 = tpu.memref_slice %arg3[%add3A_56, %dma_wait3A_184] : memref<2560x128xi32, #tpu.memory_space<hbm>> -> memref<40x128xi32, #tpu.memory_space<hbm>>
        %dma_wait3A_186 = arith.constant 0 : i32
        %dma_wait3A_187 = tpu.memref_slice %arg3[%add3A_56, %dma_wait3A_186] : memref<2560x128xi32, #tpu.memory_space<hbm>> -> memref<40x128xi32, #tpu.memory_space<hbm>>
        tpu.wait_dma2 semaphore(%run_scoped3A : memref<!tpu.dma_semaphore, #tpu.memory_space<semaphore_mem>>) src(%dma_wait3A_187 : memref<40x128xi32, #tpu.memory_space<hbm>>) dst(%arg8 : memref<40x128xi32, #tpu.memory_space<vmem>>)
        tpu.yield
      }) : () -> ()
      "tpu.region"() ({
        %run_scoped3A = tpu.sem_alloc : memref<!tpu.dma_semaphore, #tpu.memory_space<semaphore_mem>>
        %dma_start3A_180 = arith.constant 0 : i32
        %dma_start3A_181 = tpu.memref_slice %arg4[%add3A_56, %dma_start3A_180] : memref<2560x128xi32, #tpu.memory_space<hbm>> -> memref<40x128xi32, #tpu.memory_space<hbm>>
        %dma_start3A_182 = arith.constant 0 : i32
        %dma_start3A_183 = tpu.memref_slice %arg4[%add3A_56, %dma_start3A_182] : memref<2560x128xi32, #tpu.memory_space<hbm>> -> memref<40x128xi32, #tpu.memory_space<hbm>>
        tpu.enqueue_dma source(%dma_start3A_183 : memref<40x128xi32, #tpu.memory_space<hbm>>) target(%arg9 : memref<40x128xi32, #tpu.memory_space<vmem>>) target_semaphore(%run_scoped3A : memref<!tpu.dma_semaphore, #tpu.memory_space<semaphore_mem>>)
        %dma_wait3A_184 = arith.constant 0 : i32
        %dma_wait3A_185 = tpu.memref_slice %arg4[%add3A_56, %dma_wait3A_184] : memref<2560x128xi32, #tpu.memory_space<hbm>> -> memref<40x128xi32, #tpu.memory_space<hbm>>
        %dma_wait3A_186 = arith.constant 0 : i32
        %dma_wait3A_187 = tpu.memref_slice %arg4[%add3A_56, %dma_wait3A_186] : memref<2560x128xi32, #tpu.memory_space<hbm>> -> memref<40x128xi32, #tpu.memory_space<hbm>>
        tpu.wait_dma2 semaphore(%run_scoped3A : memref<!tpu.dma_semaphore, #tpu.memory_space<semaphore_mem>>) src(%dma_wait3A_187 : memref<40x128xi32, #tpu.memory_space<hbm>>) dst(%arg9 : memref<40x128xi32, #tpu.memory_space<vmem>>)
        tpu.yield
      }) : () -> ()
      %dma_start3A = arith.constant 0 : i32
      %dma_start3A_57 = arith.constant 0 : i32
      %dma_start3A_58 = arith.constant 0 : i32
      %dma_start3A_59 = arith.constant 0 : i32
      %dma_start3A_60 = arith.constant 0 : i32
      %dma_start3A_61 = tpu.memref_slice %arg10[%dma_start3A_57, %dma_start3A_59, %dma_start3A_60] : memref<2x128x128xf32, #tpu.memory_space<vmem>> -> memref<1x128x128xf32, #tpu.memory_space<vmem>>
      %dma_start3A_62 = tpu.memref_squeeze %dma_start3A_61 : memref<1x128x128xf32, #tpu.memory_space<vmem>> -> memref<128x128xf32, #tpu.memory_space<vmem>>
      %dma_start3A_63 = arith.constant 0 : i32
      %dma_start3A_64 = tpu.memref_slice %arg8[%dma_start3A, %dma_start3A_63] : memref<40x128xi32, #tpu.memory_space<vmem>> -> memref<1x128xi32, #tpu.memory_space<vmem>>
      %dma_start3A_65 = tpu.memref_squeeze %dma_start3A_64 : memref<1x128xi32, #tpu.memory_space<vmem>> -> memref<128xi32, #tpu.memory_space<vmem>>
      %dma_start3A_66 = arith.constant 0 : i32
      %dma_start3A_67 = arith.constant 0 : i32
      %dma_start3A_68 = tpu.memref_slice %arg2[%dma_start3A_66, %dma_start3A_67] : memref<10000x128xf32, #tpu.memory_space<hbm>> -> memref<10000x128xf32, #tpu.memory_space<hbm>>
      %dma_start3A_69 = tpu.memref_slice %arg11[%dma_start3A_58] : memref<2x!tpu.dma_semaphore, #tpu.memory_space<semaphore_mem>> -> memref<1x!tpu.dma_semaphore, #tpu.memory_space<semaphore_mem>>
      %dma_start3A_70 = tpu.memref_squeeze %dma_start3A_69 : memref<1x!tpu.dma_semaphore, #tpu.memory_space<semaphore_mem>> -> memref<!tpu.dma_semaphore, #tpu.memory_space<semaphore_mem>>
      tpu.enqueue_indirect_dma source(%dma_start3A_68 : memref<10000x128xf32, #tpu.memory_space<hbm>>) target(%dma_start3A_62 : memref<128x128xf32, #tpu.memory_space<vmem>>) offsets(%dma_start3A_65 : memref<128xi32, #tpu.memory_space<vmem>>) semaphore(%dma_start3A_70 : memref<!tpu.dma_semaphore, #tpu.memory_space<semaphore_mem>>)
      %dma_start3A_71 = arith.constant 1 : i32
      %dma_start3A_72 = arith.constant 1 : i32
      %dma_start3A_73 = arith.constant 1 : i32
      %dma_start3A_74 = arith.constant 0 : i32
      %dma_start3A_75 = arith.constant 0 : i32
      %dma_start3A_76 = tpu.memref_slice %arg10[%dma_start3A_72, %dma_start3A_74, %dma_start3A_75] : memref<2x128x128xf32, #tpu.memory_space<vmem>> -> memref<1x128x128xf32, #tpu.memory_space<vmem>>
      %dma_start3A_77 = tpu.memref_squeeze %dma_start3A_76 : memref<1x128x128xf32, #tpu.memory_space<vmem>> -> memref<128x128xf32, #tpu.memory_space<vmem>>
      %dma_start3A_78 = arith.constant 0 : i32
      %dma_start3A_79 = tpu.memref_slice %arg8[%dma_start3A_71, %dma_start3A_78] : memref<40x128xi32, #tpu.memory_space<vmem>> -> memref<1x128xi32, #tpu.memory_space<vmem>>
      %dma_start3A_80 = tpu.memref_squeeze %dma_start3A_79 : memref<1x128xi32, #tpu.memory_space<vmem>> -> memref<128xi32, #tpu.memory_space<vmem>>
      %dma_start3A_81 = arith.constant 0 : i32
      %dma_start3A_82 = arith.constant 0 : i32
      %dma_start3A_83 = tpu.memref_slice %arg2[%dma_start3A_81, %dma_start3A_82] : memref<10000x128xf32, #tpu.memory_space<hbm>> -> memref<10000x128xf32, #tpu.memory_space<hbm>>
      %dma_start3A_84 = tpu.memref_slice %arg11[%dma_start3A_73] : memref<2x!tpu.dma_semaphore, #tpu.memory_space<semaphore_mem>> -> memref<1x!tpu.dma_semaphore, #tpu.memory_space<semaphore_mem>>
      %dma_start3A_85 = tpu.memref_squeeze %dma_start3A_84 : memref<1x!tpu.dma_semaphore, #tpu.memory_space<semaphore_mem>> -> memref<!tpu.dma_semaphore, #tpu.memory_space<semaphore_mem>>
      tpu.enqueue_indirect_dma source(%dma_start3A_83 : memref<10000x128xf32, #tpu.memory_space<hbm>>) target(%dma_start3A_77 : memref<128x128xf32, #tpu.memory_space<vmem>>) offsets(%dma_start3A_80 : memref<128xi32, #tpu.memory_space<vmem>>) semaphore(%dma_start3A_85 : memref<!tpu.dma_semaphore, #tpu.memory_space<semaphore_mem>>)
      %scan3A = arith.constant 0 : i32
      %scan3A_86 = arith.constant 0 : i32
      %scan3A_87 = arith.constant 19 : i32
      %scan3A_88 = arith.addi %scan3A_86, %scan3A_87 : i32
      %scan3A_89 = arith.constant 1 : i32
      scf.for %scan3A_180 = %scan3A_86 to %scan3A_88 step %scan3A_89  : i32 {
        %dma_wait3A_181 = arith.constant 0 : i32
        %dma_wait3A_182 = arith.constant 0 : i32
        %dma_wait3A_183 = arith.constant 0 : i32
        %dma_wait3A_184 = arith.constant 0 : i32
        %dma_wait3A_185 = arith.constant 0 : i32
        %dma_wait3A_186 = tpu.memref_slice %arg10[%dma_wait3A_182, %dma_wait3A_184, %dma_wait3A_185] : memref<2x128x128xf32, #tpu.memory_space<vmem>> -> memref<1x128x128xf32, #tpu.memory_space<vmem>>
        %dma_wait3A_187 = tpu.memref_squeeze %dma_wait3A_186 : memref<1x128x128xf32, #tpu.memory_space<vmem>> -> memref<128x128xf32, #tpu.memory_space<vmem>>
        %dma_wait3A_188 = arith.constant 0 : i32
        %dma_wait3A_189 = tpu.memref_slice %arg8[%dma_wait3A_181, %dma_wait3A_188] : memref<40x128xi32, #tpu.memory_space<vmem>> -> memref<1x128xi32, #tpu.memory_space<vmem>>
        %dma_wait3A_190 = tpu.memref_squeeze %dma_wait3A_189 : memref<1x128xi32, #tpu.memory_space<vmem>> -> memref<128xi32, #tpu.memory_space<vmem>>
        %dma_wait3A_191 = arith.constant 0 : i32
        %dma_wait3A_192 = arith.constant 0 : i32
        %dma_wait3A_193 = tpu.memref_slice %arg2[%dma_wait3A_191, %dma_wait3A_192] : memref<10000x128xf32, #tpu.memory_space<hbm>> -> memref<10000x128xf32, #tpu.memory_space<hbm>>
        %dma_wait3A_194 = tpu.memref_slice %arg11[%dma_wait3A_183] : memref<2x!tpu.dma_semaphore, #tpu.memory_space<semaphore_mem>> -> memref<1x!tpu.dma_semaphore, #tpu.memory_space<semaphore_mem>>
        %dma_wait3A_195 = tpu.memref_squeeze %dma_wait3A_194 : memref<1x!tpu.dma_semaphore, #tpu.memory_space<semaphore_mem>> -> memref<!tpu.dma_semaphore, #tpu.memory_space<semaphore_mem>>
        tpu.wait_indirect_dma semaphore(%dma_wait3A_195 : memref<!tpu.dma_semaphore, #tpu.memory_space<semaphore_mem>>) src(%dma_wait3A_193 : memref<10000x128xf32, #tpu.memory_space<hbm>>) dst(%dma_wait3A_187 : memref<128x128xf32, #tpu.memory_space<vmem>>)
        %mul3A_196 = arith.constant 2 : i32
        %mul3A_197 = arith.muli %scan3A_180, %mul3A_196 : i32
        %add3A_198 = arith.constant 0 : i32
        %add3A_199 = arith.addi %mul3A_197, %add3A_198 : i32
        %dma_start3A_200 = arith.constant 0 : i32
        %dma_start3A_201 = arith.constant 0 : i32
        %dma_start3A_202 = arith.constant 0 : i32
        %dma_start3A_203 = arith.constant 0 : i32
        %dma_start3A_204 = tpu.memref_slice %arg10[%dma_start3A_200, %dma_start3A_202, %dma_start3A_203] : memref<2x128x128xf32, #tpu.memory_space<vmem>> -> memref<1x128x128xf32, #tpu.memory_space<vmem>>
        %dma_start3A_205 = tpu.memref_squeeze %dma_start3A_204 : memref<1x128x128xf32, #tpu.memory_space<vmem>> -> memref<128x128xf32, #tpu.memory_space<vmem>>
        %dma_start3A_206 = arith.constant 0 : i32
        %dma_start3A_207 = tpu.memref_slice %arg9[%add3A_199, %dma_start3A_206] : memref<40x128xi32, #tpu.memory_space<vmem>> -> memref<1x128xi32, #tpu.memory_space<vmem>>
        %dma_start3A_208 = tpu.memref_squeeze %dma_start3A_207 : memref<1x128xi32, #tpu.memory_space<vmem>> -> memref<128xi32, #tpu.memory_space<vmem>>
        %dma_start3A_209 = arith.constant 0 : i32
        %dma_start3A_210 = arith.constant 0 : i32
        %dma_start3A_211 = tpu.memref_slice %arg7[%dma_start3A_209, %dma_start3A_210] : memref<10112x128xf32, #tpu.memory_space<vmem_shared>> -> memref<10112x128xf32, #tpu.memory_space<vmem_shared>>
        %dma_start3A_212 = tpu.memref_slice %arg12[%dma_start3A_201] : memref<2x!tpu.dma_semaphore, #tpu.memory_space<semaphore_mem>> -> memref<1x!tpu.dma_semaphore, #tpu.memory_space<semaphore_mem>>
        %dma_start3A_213 = tpu.memref_squeeze %dma_start3A_212 : memref<1x!tpu.dma_semaphore, #tpu.memory_space<semaphore_mem>> -> memref<!tpu.dma_semaphore, #tpu.memory_space<semaphore_mem>>
        tpu.enqueue_indirect_dma source(%dma_start3A_205 : memref<128x128xf32, #tpu.memory_space<vmem>>) target(%dma_start3A_211 : memref<10112x128xf32, #tpu.memory_space<vmem_shared>>) offsets(%dma_start3A_208 : memref<128xi32, #tpu.memory_space<vmem>>) semaphore(%dma_start3A_213 : memref<!tpu.dma_semaphore, #tpu.memory_space<semaphore_mem>>) {add = true}
        %dma_wait3A_214 = arith.constant 0 : i32
        %dma_wait3A_215 = arith.constant 1 : i32
        %dma_wait3A_216 = arith.constant 1 : i32
        %dma_wait3A_217 = arith.constant 0 : i32
        %dma_wait3A_218 = arith.constant 0 : i32
        %dma_wait3A_219 = tpu.memref_slice %arg10[%dma_wait3A_215, %dma_wait3A_217, %dma_wait3A_218] : memref<2x128x128xf32, #tpu.memory_space<vmem>> -> memref<1x128x128xf32, #tpu.memory_space<vmem>>
        %dma_wait3A_220 = tpu.memref_squeeze %dma_wait3A_219 : memref<1x128x128xf32, #tpu.memory_space<vmem>> -> memref<128x128xf32, #tpu.memory_space<vmem>>
        %dma_wait3A_221 = arith.constant 0 : i32
        %dma_wait3A_222 = tpu.memref_slice %arg8[%dma_wait3A_214, %dma_wait3A_221] : memref<40x128xi32, #tpu.memory_space<vmem>> -> memref<1x128xi32, #tpu.memory_space<vmem>>
        %dma_wait3A_223 = tpu.memref_squeeze %dma_wait3A_222 : memref<1x128xi32, #tpu.memory_space<vmem>> -> memref<128xi32, #tpu.memory_space<vmem>>
        %dma_wait3A_224 = arith.constant 0 : i32
        %dma_wait3A_225 = arith.constant 0 : i32
        %dma_wait3A_226 = tpu.memref_slice %arg2[%dma_wait3A_224, %dma_wait3A_225] : memref<10000x128xf32, #tpu.memory_space<hbm>> -> memref<10000x128xf32, #tpu.memory_space<hbm>>
        %dma_wait3A_227 = tpu.memref_slice %arg11[%dma_wait3A_216] : memref<2x!tpu.dma_semaphore, #tpu.memory_space<semaphore_mem>> -> memref<1x!tpu.dma_semaphore, #tpu.memory_space<semaphore_mem>>
        %dma_wait3A_228 = tpu.memref_squeeze %dma_wait3A_227 : memref<1x!tpu.dma_semaphore, #tpu.memory_space<semaphore_mem>> -> memref<!tpu.dma_semaphore, #tpu.memory_space<semaphore_mem>>
        tpu.wait_indirect_dma semaphore(%dma_wait3A_228 : memref<!tpu.dma_semaphore, #tpu.memory_space<semaphore_mem>>) src(%dma_wait3A_226 : memref<10000x128xf32, #tpu.memory_space<hbm>>) dst(%dma_wait3A_220 : memref<128x128xf32, #tpu.memory_space<vmem>>)
        %mul3A_229 = arith.constant 2 : i32
        %mul3A_230 = arith.muli %scan3A_180, %mul3A_229 : i32
        %add3A_231 = arith.constant 1 : i32
        %add3A_232 = arith.addi %mul3A_230, %add3A_231 : i32
        %dma_start3A_233 = arith.constant 1 : i32
        %dma_start3A_234 = arith.constant 1 : i32
        %dma_start3A_235 = arith.constant 0 : i32
        %dma_start3A_236 = arith.constant 0 : i32
        %dma_start3A_237 = tpu.memref_slice %arg10[%dma_start3A_233, %dma_start3A_235, %dma_start3A_236] : memref<2x128x128xf32, #tpu.memory_space<vmem>> -> memref<1x128x128xf32, #tpu.memory_space<vmem>>
        %dma_start3A_238 = tpu.memref_squeeze %dma_start3A_237 : memref<1x128x128xf32, #tpu.memory_space<vmem>> -> memref<128x128xf32, #tpu.memory_space<vmem>>
        %dma_start3A_239 = arith.constant 0 : i32
        %dma_start3A_240 = tpu.memref_slice %arg9[%add3A_232, %dma_start3A_239] : memref<40x128xi32, #tpu.memory_space<vmem>> -> memref<1x128xi32, #tpu.memory_space<vmem>>
        %dma_start3A_241 = tpu.memref_squeeze %dma_start3A_240 : memref<1x128xi32, #tpu.memory_space<vmem>> -> memref<128xi32, #tpu.memory_space<vmem>>
        %dma_start3A_242 = arith.constant 0 : i32
        %dma_start3A_243 = arith.constant 0 : i32
        %dma_start3A_244 = tpu.memref_slice %arg7[%dma_start3A_242, %dma_start3A_243] : memref<10112x128xf32, #tpu.memory_space<vmem_shared>> -> memref<10112x128xf32, #tpu.memory_space<vmem_shared>>
        %dma_start3A_245 = tpu.memref_slice %arg12[%dma_start3A_234] : memref<2x!tpu.dma_semaphore, #tpu.memory_space<semaphore_mem>> -> memref<1x!tpu.dma_semaphore, #tpu.memory_space<semaphore_mem>>
        %dma_start3A_246 = tpu.memref_squeeze %dma_start3A_245 : memref<1x!tpu.dma_semaphore, #tpu.memory_space<semaphore_mem>> -> memref<!tpu.dma_semaphore, #tpu.memory_space<semaphore_mem>>
        tpu.enqueue_indirect_dma source(%dma_start3A_238 : memref<128x128xf32, #tpu.memory_space<vmem>>) target(%dma_start3A_244 : memref<10112x128xf32, #tpu.memory_space<vmem_shared>>) offsets(%dma_start3A_241 : memref<128xi32, #tpu.memory_space<vmem>>) semaphore(%dma_start3A_246 : memref<!tpu.dma_semaphore, #tpu.memory_space<semaphore_mem>>) {add = true}
        %dma_wait3A_247 = arith.constant 0 : i32
        %dma_wait3A_248 = arith.constant 0 : i32
        %dma_wait3A_249 = arith.constant 0 : i32
        %dma_wait3A_250 = arith.constant 0 : i32
        %dma_wait3A_251 = arith.constant 0 : i32
        %dma_wait3A_252 = tpu.memref_slice %arg10[%dma_wait3A_247, %dma_wait3A_250, %dma_wait3A_251] : memref<2x128x128xf32, #tpu.memory_space<vmem>> -> memref<1x128x128xf32, #tpu.memory_space<vmem>>
        %dma_wait3A_253 = tpu.memref_squeeze %dma_wait3A_252 : memref<1x128x128xf32, #tpu.memory_space<vmem>> -> memref<128x128xf32, #tpu.memory_space<vmem>>
        %dma_wait3A_254 = arith.constant 0 : i32
        %dma_wait3A_255 = tpu.memref_slice %arg9[%dma_wait3A_248, %dma_wait3A_254] : memref<40x128xi32, #tpu.memory_space<vmem>> -> memref<1x128xi32, #tpu.memory_space<vmem>>
        %dma_wait3A_256 = tpu.memref_squeeze %dma_wait3A_255 : memref<1x128xi32, #tpu.memory_space<vmem>> -> memref<128xi32, #tpu.memory_space<vmem>>
        %dma_wait3A_257 = arith.constant 0 : i32
        %dma_wait3A_258 = arith.constant 0 : i32
        %dma_wait3A_259 = tpu.memref_slice %arg7[%dma_wait3A_257, %dma_wait3A_258] : memref<10112x128xf32, #tpu.memory_space<vmem_shared>> -> memref<10112x128xf32, #tpu.memory_space<vmem_shared>>
        %dma_wait3A_260 = tpu.memref_slice %arg12[%dma_wait3A_249] : memref<2x!tpu.dma_semaphore, #tpu.memory_space<semaphore_mem>> -> memref<1x!tpu.dma_semaphore, #tpu.memory_space<semaphore_mem>>
        %dma_wait3A_261 = tpu.memref_squeeze %dma_wait3A_260 : memref<1x!tpu.dma_semaphore, #tpu.memory_space<semaphore_mem>> -> memref<!tpu.dma_semaphore, #tpu.memory_space<semaphore_mem>>
        tpu.wait_indirect_dma semaphore(%dma_wait3A_261 : memref<!tpu.dma_semaphore, #tpu.memory_space<semaphore_mem>>) src(%dma_wait3A_253 : memref<128x128xf32, #tpu.memory_space<vmem>>) dst(%dma_wait3A_259 : memref<10112x128xf32, #tpu.memory_space<vmem_shared>>)
        %add3A_262 = arith.constant 1 : i32
        %add3A_263 = arith.addi %scan3A_180, %add3A_262 : i32
        %mul3A_264 = arith.constant 2 : i32
        %mul3A_265 = arith.muli %add3A_263, %mul3A_264 : i32
        %add3A_266 = arith.constant 0 : i32
        %add3A_267 = arith.addi %mul3A_265, %add3A_266 : i32
        %dma_start3A_268 = arith.constant 0 : i32
        %dma_start3A_269 = arith.constant 0 : i32
        %dma_start3A_270 = arith.constant 0 : i32
        %dma_start3A_271 = arith.constant 0 : i32
        %dma_start3A_272 = tpu.memref_slice %arg10[%dma_start3A_268, %dma_start3A_270, %dma_start3A_271] : memref<2x128x128xf32, #tpu.memory_space<vmem>> -> memref<1x128x128xf32, #tpu.memory_space<vmem>>
        %dma_start3A_273 = tpu.memref_squeeze %dma_start3A_272 : memref<1x128x128xf32, #tpu.memory_space<vmem>> -> memref<128x128xf32, #tpu.memory_space<vmem>>
        %dma_start3A_274 = arith.constant 0 : i32
        %dma_start3A_275 = tpu.memref_slice %arg8[%add3A_267, %dma_start3A_274] : memref<40x128xi32, #tpu.memory_space<vmem>> -> memref<1x128xi32, #tpu.memory_space<vmem>>
        %dma_start3A_276 = tpu.memref_squeeze %dma_start3A_275 : memref<1x128xi32, #tpu.memory_space<vmem>> -> memref<128xi32, #tpu.memory_space<vmem>>
        %dma_start3A_277 = arith.constant 0 : i32
        %dma_start3A_278 = arith.constant 0 : i32
        %dma_start3A_279 = tpu.memref_slice %arg2[%dma_start3A_277, %dma_start3A_278] : memref<10000x128xf32, #tpu.memory_space<hbm>> -> memref<10000x128xf32, #tpu.memory_space<hbm>>
        %dma_start3A_280 = tpu.memref_slice %arg11[%dma_start3A_269] : memref<2x!tpu.dma_semaphore, #tpu.memory_space<semaphore_mem>> -> memref<1x!tpu.dma_semaphore, #tpu.memory_space<semaphore_mem>>
        %dma_start3A_281 = tpu.memref_squeeze %dma_start3A_280 : memref<1x!tpu.dma_semaphore, #tpu.memory_space<semaphore_mem>> -> memref<!tpu.dma_semaphore, #tpu.memory_space<semaphore_mem>>
        tpu.enqueue_indirect_dma source(%dma_start3A_279 : memref<10000x128xf32, #tpu.memory_space<hbm>>) target(%dma_start3A_273 : memref<128x128xf32, #tpu.memory_space<vmem>>) offsets(%dma_start3A_276 : memref<128xi32, #tpu.memory_space<vmem>>) semaphore(%dma_start3A_281 : memref<!tpu.dma_semaphore, #tpu.memory_space<semaphore_mem>>)
        %dma_wait3A_282 = arith.constant 1 : i32
        %dma_wait3A_283 = arith.constant 0 : i32
        %dma_wait3A_284 = arith.constant 1 : i32
        %dma_wait3A_285 = arith.constant 0 : i32
        %dma_wait3A_286 = arith.constant 0 : i32
        %dma_wait3A_287 = tpu.memref_slice %arg10[%dma_wait3A_282, %dma_wait3A_285, %dma_wait3A_286] : memref<2x128x128xf32, #tpu.memory_space<vmem>> -> memref<1x128x128xf32, #tpu.memory_space<vmem>>
        %dma_wait3A_288 = tpu.memref_squeeze %dma_wait3A_287 : memref<1x128x128xf32, #tpu.memory_space<vmem>> -> memref<128x128xf32, #tpu.memory_space<vmem>>
        %dma_wait3A_289 = arith.constant 0 : i32
        %dma_wait3A_290 = tpu.memref_slice %arg9[%dma_wait3A_283, %dma_wait3A_289] : memref<40x128xi32, #tpu.memory_space<vmem>> -> memref<1x128xi32, #tpu.memory_space<vmem>>
        %dma_wait3A_291 = tpu.memref_squeeze %dma_wait3A_290 : memref<1x128xi32, #tpu.memory_space<vmem>> -> memref<128xi32, #tpu.memory_space<vmem>>
        %dma_wait3A_292 = arith.constant 0 : i32
        %dma_wait3A_293 = arith.constant 0 : i32
        %dma_wait3A_294 = tpu.memref_slice %arg7[%dma_wait3A_292, %dma_wait3A_293] : memref<10112x128xf32, #tpu.memory_space<vmem_shared>> -> memref<10112x128xf32, #tpu.memory_space<vmem_shared>>
        %dma_wait3A_295 = tpu.memref_slice %arg12[%dma_wait3A_284] : memref<2x!tpu.dma_semaphore, #tpu.memory_space<semaphore_mem>> -> memref<1x!tpu.dma_semaphore, #tpu.memory_space<semaphore_mem>>
        %dma_wait3A_296 = tpu.memref_squeeze %dma_wait3A_295 : memref<1x!tpu.dma_semaphore, #tpu.memory_space<semaphore_mem>> -> memref<!tpu.dma_semaphore, #tpu.memory_space<semaphore_mem>>
        tpu.wait_indirect_dma semaphore(%dma_wait3A_296 : memref<!tpu.dma_semaphore, #tpu.memory_space<semaphore_mem>>) src(%dma_wait3A_288 : memref<128x128xf32, #tpu.memory_space<vmem>>) dst(%dma_wait3A_294 : memref<10112x128xf32, #tpu.memory_space<vmem_shared>>)
        %add3A_297 = arith.constant 1 : i32
        %add3A_298 = arith.addi %scan3A_180, %add3A_297 : i32
        %mul3A_299 = arith.constant 2 : i32
        %mul3A_300 = arith.muli %add3A_298, %mul3A_299 : i32
        %add3A_301 = arith.constant 1 : i32
        %add3A_302 = arith.addi %mul3A_300, %add3A_301 : i32
        %dma_start3A_303 = arith.constant 1 : i32
        %dma_start3A_304 = arith.constant 1 : i32
        %dma_start3A_305 = arith.constant 0 : i32
        %dma_start3A_306 = arith.constant 0 : i32
        %dma_start3A_307 = tpu.memref_slice %arg10[%dma_start3A_303, %dma_start3A_305, %dma_start3A_306] : memref<2x128x128xf32, #tpu.memory_space<vmem>> -> memref<1x128x128xf32, #tpu.memory_space<vmem>>
        %dma_start3A_308 = tpu.memref_squeeze %dma_start3A_307 : memref<1x128x128xf32, #tpu.memory_space<vmem>> -> memref<128x128xf32, #tpu.memory_space<vmem>>
        %dma_start3A_309 = arith.constant 0 : i32
        %dma_start3A_310 = tpu.memref_slice %arg8[%add3A_302, %dma_start3A_309] : memref<40x128xi32, #tpu.memory_space<vmem>> -> memref<1x128xi32, #tpu.memory_space<vmem>>
        %dma_start3A_311 = tpu.memref_squeeze %dma_start3A_310 : memref<1x128xi32, #tpu.memory_space<vmem>> -> memref<128xi32, #tpu.memory_space<vmem>>
        %dma_start3A_312 = arith.constant 0 : i32
        %dma_start3A_313 = arith.constant 0 : i32
        %dma_start3A_314 = tpu.memref_slice %arg2[%dma_start3A_312, %dma_start3A_313] : memref<10000x128xf32, #tpu.memory_space<hbm>> -> memref<10000x128xf32, #tpu.memory_space<hbm>>
        %dma_start3A_315 = tpu.memref_slice %arg11[%dma_start3A_304] : memref<2x!tpu.dma_semaphore, #tpu.memory_space<semaphore_mem>> -> memref<1x!tpu.dma_semaphore, #tpu.memory_space<semaphore_mem>>
        %dma_start3A_316 = tpu.memref_squeeze %dma_start3A_315 : memref<1x!tpu.dma_semaphore, #tpu.memory_space<semaphore_mem>> -> memref<!tpu.dma_semaphore, #tpu.memory_space<semaphore_mem>>
        tpu.enqueue_indirect_dma source(%dma_start3A_314 : memref<10000x128xf32, #tpu.memory_space<hbm>>) target(%dma_start3A_308 : memref<128x128xf32, #tpu.memory_space<vmem>>) offsets(%dma_start3A_311 : memref<128xi32, #tpu.memory_space<vmem>>) semaphore(%dma_start3A_316 : memref<!tpu.dma_semaphore, #tpu.memory_space<semaphore_mem>>)
      }
      %scan3A_90 = arith.constant 19 : i32
      %dma_wait3A = arith.constant 0 : i32
      %dma_wait3A_91 = arith.constant 0 : i32
      %dma_wait3A_92 = arith.constant 0 : i32
      %dma_wait3A_93 = arith.constant 0 : i32
      %dma_wait3A_94 = arith.constant 0 : i32
      %dma_wait3A_95 = tpu.memref_slice %arg10[%dma_wait3A_91, %dma_wait3A_93, %dma_wait3A_94] : memref<2x128x128xf32, #tpu.memory_space<vmem>> -> memref<1x128x128xf32, #tpu.memory_space<vmem>>
      %dma_wait3A_96 = tpu.memref_squeeze %dma_wait3A_95 : memref<1x128x128xf32, #tpu.memory_space<vmem>> -> memref<128x128xf32, #tpu.memory_space<vmem>>
      %dma_wait3A_97 = arith.constant 0 : i32
      %dma_wait3A_98 = tpu.memref_slice %arg8[%dma_wait3A, %dma_wait3A_97] : memref<40x128xi32, #tpu.memory_space<vmem>> -> memref<1x128xi32, #tpu.memory_space<vmem>>
      %dma_wait3A_99 = tpu.memref_squeeze %dma_wait3A_98 : memref<1x128xi32, #tpu.memory_space<vmem>> -> memref<128xi32, #tpu.memory_space<vmem>>
      %dma_wait3A_100 = arith.constant 0 : i32
      %dma_wait3A_101 = arith.constant 0 : i32
      %dma_wait3A_102 = tpu.memref_slice %arg2[%dma_wait3A_100, %dma_wait3A_101] : memref<10000x128xf32, #tpu.memory_space<hbm>> -> memref<10000x128xf32, #tpu.memory_space<hbm>>
      %dma_wait3A_103 = tpu.memref_slice %arg11[%dma_wait3A_92] : memref<2x!tpu.dma_semaphore, #tpu.memory_space<semaphore_mem>> -> memref<1x!tpu.dma_semaphore, #tpu.memory_space<semaphore_mem>>
      %dma_wait3A_104 = tpu.memref_squeeze %dma_wait3A_103 : memref<1x!tpu.dma_semaphore, #tpu.memory_space<semaphore_mem>> -> memref<!tpu.dma_semaphore, #tpu.memory_space<semaphore_mem>>
      tpu.wait_indirect_dma semaphore(%dma_wait3A_104 : memref<!tpu.dma_semaphore, #tpu.memory_space<semaphore_mem>>) src(%dma_wait3A_102 : memref<10000x128xf32, #tpu.memory_space<hbm>>) dst(%dma_wait3A_96 : memref<128x128xf32, #tpu.memory_space<vmem>>)
      %dma_start3A_105 = arith.constant 0 : i32
      %dma_start3A_106 = arith.constant 38 : i32
      %dma_start3A_107 = arith.constant 0 : i32
      %dma_start3A_108 = arith.constant 0 : i32
      %dma_start3A_109 = arith.constant 0 : i32
      %dma_start3A_110 = tpu.memref_slice %arg10[%dma_start3A_105, %dma_start3A_108, %dma_start3A_109] : memref<2x128x128xf32, #tpu.memory_space<vmem>> -> memref<1x128x128xf32, #tpu.memory_space<vmem>>
      %dma_start3A_111 = tpu.memref_squeeze %dma_start3A_110 : memref<1x128x128xf32, #tpu.memory_space<vmem>> -> memref<128x128xf32, #tpu.memory_space<vmem>>
      %dma_start3A_112 = arith.constant 0 : i32
      %dma_start3A_113 = tpu.memref_slice %arg9[%dma_start3A_106, %dma_start3A_112] : memref<40x128xi32, #tpu.memory_space<vmem>> -> memref<1x128xi32, #tpu.memory_space<vmem>>
      %dma_start3A_114 = tpu.memref_squeeze %dma_start3A_113 : memref<1x128xi32, #tpu.memory_space<vmem>> -> memref<128xi32, #tpu.memory_space<vmem>>
      %dma_start3A_115 = arith.constant 0 : i32
      %dma_start3A_116 = arith.constant 0 : i32
      %dma_start3A_117 = tpu.memref_slice %arg7[%dma_start3A_115, %dma_start3A_116] : memref<10112x128xf32, #tpu.memory_space<vmem_shared>> -> memref<10112x128xf32, #tpu.memory_space<vmem_shared>>
      %dma_start3A_118 = tpu.memref_slice %arg12[%dma_start3A_107] : memref<2x!tpu.dma_semaphore, #tpu.memory_space<semaphore_mem>> -> memref<1x!tpu.dma_semaphore, #tpu.memory_space<semaphore_mem>>
      %dma_start3A_119 = tpu.memref_squeeze %dma_start3A_118 : memref<1x!tpu.dma_semaphore, #tpu.memory_space<semaphore_mem>> -> memref<!tpu.dma_semaphore, #tpu.memory_space<semaphore_mem>>
      tpu.enqueue_indirect_dma source(%dma_start3A_111 : memref<128x128xf32, #tpu.memory_space<vmem>>) target(%dma_start3A_117 : memref<10112x128xf32, #tpu.memory_space<vmem_shared>>) offsets(%dma_start3A_114 : memref<128xi32, #tpu.memory_space<vmem>>) semaphore(%dma_start3A_119 : memref<!tpu.dma_semaphore, #tpu.memory_space<semaphore_mem>>) {add = true}
      %dma_wait3A_120 = arith.constant 0 : i32
      %dma_wait3A_121 = arith.constant 1 : i32
      %dma_wait3A_122 = arith.constant 1 : i32
      %dma_wait3A_123 = arith.constant 0 : i32
      %dma_wait3A_124 = arith.constant 0 : i32
      %dma_wait3A_125 = tpu.memref_slice %arg10[%dma_wait3A_121, %dma_wait3A_123, %dma_wait3A_124] : memref<2x128x128xf32, #tpu.memory_space<vmem>> -> memref<1x128x128xf32, #tpu.memory_space<vmem>>
      %dma_wait3A_126 = tpu.memref_squeeze %dma_wait3A_125 : memref<1x128x128xf32, #tpu.memory_space<vmem>> -> memref<128x128xf32, #tpu.memory_space<vmem>>
      %dma_wait3A_127 = arith.constant 0 : i32
      %dma_wait3A_128 = tpu.memref_slice %arg8[%dma_wait3A_120, %dma_wait3A_127] : memref<40x128xi32, #tpu.memory_space<vmem>> -> memref<1x128xi32, #tpu.memory_space<vmem>>
      %dma_wait3A_129 = tpu.memref_squeeze %dma_wait3A_128 : memref<1x128xi32, #tpu.memory_space<vmem>> -> memref<128xi32, #tpu.memory_space<vmem>>
      %dma_wait3A_130 = arith.constant 0 : i32
      %dma_wait3A_131 = arith.constant 0 : i32
      %dma_wait3A_132 = tpu.memref_slice %arg2[%dma_wait3A_130, %dma_wait3A_131] : memref<10000x128xf32, #tpu.memory_space<hbm>> -> memref<10000x128xf32, #tpu.memory_space<hbm>>
      %dma_wait3A_133 = tpu.memref_slice %arg11[%dma_wait3A_122] : memref<2x!tpu.dma_semaphore, #tpu.memory_space<semaphore_mem>> -> memref<1x!tpu.dma_semaphore, #tpu.memory_space<semaphore_mem>>
      %dma_wait3A_134 = tpu.memref_squeeze %dma_wait3A_133 : memref<1x!tpu.dma_semaphore, #tpu.memory_space<semaphore_mem>> -> memref<!tpu.dma_semaphore, #tpu.memory_space<semaphore_mem>>
      tpu.wait_indirect_dma semaphore(%dma_wait3A_134 : memref<!tpu.dma_semaphore, #tpu.memory_space<semaphore_mem>>) src(%dma_wait3A_132 : memref<10000x128xf32, #tpu.memory_space<hbm>>) dst(%dma_wait3A_126 : memref<128x128xf32, #tpu.memory_space<vmem>>)
      %dma_start3A_135 = arith.constant 1 : i32
      %dma_start3A_136 = arith.constant 39 : i32
      %dma_start3A_137 = arith.constant 1 : i32
      %dma_start3A_138 = arith.constant 0 : i32
      %dma_start3A_139 = arith.constant 0 : i32
      %dma_start3A_140 = tpu.memref_slice %arg10[%dma_start3A_135, %dma_start3A_138, %dma_start3A_139] : memref<2x128x128xf32, #tpu.memory_space<vmem>> -> memref<1x128x128xf32, #tpu.memory_space<vmem>>
      %dma_start3A_141 = tpu.memref_squeeze %dma_start3A_140 : memref<1x128x128xf32, #tpu.memory_space<vmem>> -> memref<128x128xf32, #tpu.memory_space<vmem>>
      %dma_start3A_142 = arith.constant 0 : i32
      %dma_start3A_143 = tpu.memref_slice %arg9[%dma_start3A_136, %dma_start3A_142] : memref<40x128xi32, #tpu.memory_space<vmem>> -> memref<1x128xi32, #tpu.memory_space<vmem>>
      %dma_start3A_144 = tpu.memref_squeeze %dma_start3A_143 : memref<1x128xi32, #tpu.memory_space<vmem>> -> memref<128xi32, #tpu.memory_space<vmem>>
      %dma_start3A_145 = arith.constant 0 : i32
      %dma_start3A_146 = arith.constant 0 : i32
      %dma_start3A_147 = tpu.memref_slice %arg7[%dma_start3A_145, %dma_start3A_146] : memref<10112x128xf32, #tpu.memory_space<vmem_shared>> -> memref<10112x128xf32, #tpu.memory_space<vmem_shared>>
      %dma_start3A_148 = tpu.memref_slice %arg12[%dma_start3A_137] : memref<2x!tpu.dma_semaphore, #tpu.memory_space<semaphore_mem>> -> memref<1x!tpu.dma_semaphore, #tpu.memory_space<semaphore_mem>>
      %dma_start3A_149 = tpu.memref_squeeze %dma_start3A_148 : memref<1x!tpu.dma_semaphore, #tpu.memory_space<semaphore_mem>> -> memref<!tpu.dma_semaphore, #tpu.memory_space<semaphore_mem>>
      tpu.enqueue_indirect_dma source(%dma_start3A_141 : memref<128x128xf32, #tpu.memory_space<vmem>>) target(%dma_start3A_147 : memref<10112x128xf32, #tpu.memory_space<vmem_shared>>) offsets(%dma_start3A_144 : memref<128xi32, #tpu.memory_space<vmem>>) semaphore(%dma_start3A_149 : memref<!tpu.dma_semaphore, #tpu.memory_space<semaphore_mem>>) {add = true}
      %dma_wait3A_150 = arith.constant 0 : i32
      %dma_wait3A_151 = arith.constant 0 : i32
      %dma_wait3A_152 = arith.constant 0 : i32
      %dma_wait3A_153 = arith.constant 0 : i32
      %dma_wait3A_154 = arith.constant 0 : i32
      %dma_wait3A_155 = tpu.memref_slice %arg10[%dma_wait3A_150, %dma_wait3A_153, %dma_wait3A_154] : memref<2x128x128xf32, #tpu.memory_space<vmem>> -> memref<1x128x128xf32, #tpu.memory_space<vmem>>
      %dma_wait3A_156 = tpu.memref_squeeze %dma_wait3A_155 : memref<1x128x128xf32, #tpu.memory_space<vmem>> -> memref<128x128xf32, #tpu.memory_space<vmem>>
      %dma_wait3A_157 = arith.constant 0 : i32
      %dma_wait3A_158 = tpu.memref_slice %arg9[%dma_wait3A_151, %dma_wait3A_157] : memref<40x128xi32, #tpu.memory_space<vmem>> -> memref<1x128xi32, #tpu.memory_space<vmem>>
      %dma_wait3A_159 = tpu.memref_squeeze %dma_wait3A_158 : memref<1x128xi32, #tpu.memory_space<vmem>> -> memref<128xi32, #tpu.memory_space<vmem>>
      %dma_wait3A_160 = arith.constant 0 : i32
      %dma_wait3A_161 = arith.constant 0 : i32
      %dma_wait3A_162 = tpu.memref_slice %arg7[%dma_wait3A_160, %dma_wait3A_161] : memref<10112x128xf32, #tpu.memory_space<vmem_shared>> -> memref<10112x128xf32, #tpu.memory_space<vmem_shared>>
      %dma_wait3A_163 = tpu.memref_slice %arg12[%dma_wait3A_152] : memref<2x!tpu.dma_semaphore, #tpu.memory_space<semaphore_mem>> -> memref<1x!tpu.dma_semaphore, #tpu.memory_space<semaphore_mem>>
      %dma_wait3A_164 = tpu.memref_squeeze %dma_wait3A_163 : memref<1x!tpu.dma_semaphore, #tpu.memory_space<semaphore_mem>> -> memref<!tpu.dma_semaphore, #tpu.memory_space<semaphore_mem>>
      tpu.wait_indirect_dma semaphore(%dma_wait3A_164 : memref<!tpu.dma_semaphore, #tpu.memory_space<semaphore_mem>>) src(%dma_wait3A_156 : memref<128x128xf32, #tpu.memory_space<vmem>>) dst(%dma_wait3A_162 : memref<10112x128xf32, #tpu.memory_space<vmem_shared>>)
      %dma_wait3A_165 = arith.constant 1 : i32
      %dma_wait3A_166 = arith.constant 0 : i32
      %dma_wait3A_167 = arith.constant 1 : i32
      %dma_wait3A_168 = arith.constant 0 : i32
      %dma_wait3A_169 = arith.constant 0 : i32
      %dma_wait3A_170 = tpu.memref_slice %arg10[%dma_wait3A_165, %dma_wait3A_168, %dma_wait3A_169] : memref<2x128x128xf32, #tpu.memory_space<vmem>> -> memref<1x128x128xf32, #tpu.memory_space<vmem>>
      %dma_wait3A_171 = tpu.memref_squeeze %dma_wait3A_170 : memref<1x128x128xf32, #tpu.memory_space<vmem>> -> memref<128x128xf32, #tpu.memory_space<vmem>>
      %dma_wait3A_172 = arith.constant 0 : i32
      %dma_wait3A_173 = tpu.memref_slice %arg9[%dma_wait3A_166, %dma_wait3A_172] : memref<40x128xi32, #tpu.memory_space<vmem>> -> memref<1x128xi32, #tpu.memory_space<vmem>>
      %dma_wait3A_174 = tpu.memref_squeeze %dma_wait3A_173 : memref<1x128xi32, #tpu.memory_space<vmem>> -> memref<128xi32, #tpu.memory_space<vmem>>
      %dma_wait3A_175 = arith.constant 0 : i32
      %dma_wait3A_176 = arith.constant 0 : i32
      %dma_wait3A_177 = tpu.memref_slice %arg7[%dma_wait3A_175, %dma_wait3A_176] : memref<10112x128xf32, #tpu.memory_space<vmem_shared>> -> memref<10112x128xf32, #tpu.memory_space<vmem_shared>>
      %dma_wait3A_178 = tpu.memref_slice %arg12[%dma_wait3A_167] : memref<2x!tpu.dma_semaphore, #tpu.memory_space<semaphore_mem>> -> memref<1x!tpu.dma_semaphore, #tpu.memory_space<semaphore_mem>>
      %dma_wait3A_179 = tpu.memref_squeeze %dma_wait3A_178 : memref<1x!tpu.dma_semaphore, #tpu.memory_space<semaphore_mem>> -> memref<!tpu.dma_semaphore, #tpu.memory_space<semaphore_mem>>
      tpu.wait_indirect_dma semaphore(%dma_wait3A_179 : memref<!tpu.dma_semaphore, #tpu.memory_space<semaphore_mem>>) src(%dma_wait3A_171 : memref<128x128xf32, #tpu.memory_space<vmem>>) dst(%dma_wait3A_177 : memref<10112x128xf32, #tpu.memory_space<vmem_shared>>)
    }
    %barrier3A_30 = arith.constant 0 : index
    tpu.barrier barrier_id(%barrier3A_30)
    %mul3A_31 = arith.constant 632 : i32
    %mul3A_32 = arith.muli %arg1, %mul3A_31 : i32
    %add3A_33 = arith.constant 0 : i32
    %add3A_34 = arith.addi %mul3A_32, %add3A_33 : i32
    %add3A_35 = arith.constant 0 : i32
    %add3A_36 = arith.addi %mul3A_32, %add3A_35 : i32
    "tpu.region"() ({
      %run_scoped3A = tpu.sem_alloc : memref<!tpu.dma_semaphore, #tpu.memory_space<semaphore_mem>>
      %dma_start3A = arith.constant 0 : i32
      %dma_start3A_53 = tpu.memref_slice %arg6[%arg0, %add3A_36, %dma_start3A] : memref<2x10112x128xf32, #tpu.memory_space<hbm>> -> memref<1x128x128xf32, #tpu.memory_space<hbm>>
      %dma_start3A_54 = tpu.memref_squeeze %dma_start3A_53 : memref<1x128x128xf32, #tpu.memory_space<hbm>> -> memref<128x128xf32, #tpu.memory_space<hbm>>
      %dma_start3A_55 = arith.constant 0 : i32
      %dma_start3A_56 = tpu.memref_slice %arg7[%add3A_34, %dma_start3A_55] : memref<10112x128xf32, #tpu.memory_space<vmem_shared>> -> memref<128x128xf32, #tpu.memory_space<vmem_shared>>
      tpu.enqueue_dma source(%dma_start3A_56 : memref<128x128xf32, #tpu.memory_space<vmem_shared>>) target(%dma_start3A_54 : memref<128x128xf32, #tpu.memory_space<hbm>>) target_semaphore(%run_scoped3A : memref<!tpu.dma_semaphore, #tpu.memory_space<semaphore_mem>>)
      %dma_wait3A = arith.constant 0 : i32
      %dma_wait3A_57 = tpu.memref_slice %arg6[%arg0, %add3A_36, %dma_wait3A] : memref<2x10112x128xf32, #tpu.memory_space<hbm>> -> memref<1x128x128xf32, #tpu.memory_space<hbm>>
      %dma_wait3A_58 = tpu.memref_squeeze %dma_wait3A_57 : memref<1x128x128xf32, #tpu.memory_space<hbm>> -> memref<128x128xf32, #tpu.memory_space<hbm>>
      %dma_wait3A_59 = arith.constant 0 : i32
      %dma_wait3A_60 = tpu.memref_slice %arg7[%add3A_34, %dma_wait3A_59] : memref<10112x128xf32, #tpu.memory_space<vmem_shared>> -> memref<128x128xf32, #tpu.memory_space<vmem_shared>>
      tpu.wait_dma2 semaphore(%run_scoped3A : memref<!tpu.dma_semaphore, #tpu.memory_space<semaphore_mem>>) src(%dma_wait3A_60 : memref<128x128xf32, #tpu.memory_space<vmem_shared>>) dst(%dma_wait3A_58 : memref<128x128xf32, #tpu.memory_space<hbm>>)
      tpu.yield
    }) : () -> ()
    %add3A_37 = arith.constant 128 : i32
    %add3A_38 = arith.addi %mul3A_32, %add3A_37 : i32
    %add3A_39 = arith.constant 128 : i32
    %add3A_40 = arith.addi %mul3A_32, %add3A_39 : i32
    "tpu.region"() ({
      %run_scoped3A = tpu.sem_alloc : memref<!tpu.dma_semaphore, #tpu.memory_space<semaphore_mem>>
      %dma_start3A = arith.constant 0 : i32
      %dma_start3A_53 = tpu.memref_slice %arg6[%arg0, %add3A_40, %dma_start3A] : memref<2x10112x128xf32, #tpu.memory_space<hbm>> -> memref<1x128x128xf32, #tpu.memory_space<hbm>>
      %dma_start3A_54 = tpu.memref_squeeze %dma_start3A_53 : memref<1x128x128xf32, #tpu.memory_space<hbm>> -> memref<128x128xf32, #tpu.memory_space<hbm>>
      %dma_start3A_55 = arith.constant 0 : i32
      %dma_start3A_56 = tpu.memref_slice %arg7[%add3A_38, %dma_start3A_55] : memref<10112x128xf32, #tpu.memory_space<vmem_shared>> -> memref<128x128xf32, #tpu.memory_space<vmem_shared>>
      tpu.enqueue_dma source(%dma_start3A_56 : memref<128x128xf32, #tpu.memory_space<vmem_shared>>) target(%dma_start3A_54 : memref<128x128xf32, #tpu.memory_space<hbm>>) target_semaphore(%run_scoped3A : memref<!tpu.dma_semaphore, #tpu.memory_space<semaphore_mem>>)
      %dma_wait3A = arith.constant 0 : i32
      %dma_wait3A_57 = tpu.memref_slice %arg6[%arg0, %add3A_40, %dma_wait3A] : memref<2x10112x128xf32, #tpu.memory_space<hbm>> -> memref<1x128x128xf32, #tpu.memory_space<hbm>>
      %dma_wait3A_58 = tpu.memref_squeeze %dma_wait3A_57 : memref<1x128x128xf32, #tpu.memory_space<hbm>> -> memref<128x128xf32, #tpu.memory_space<hbm>>
      %dma_wait3A_59 = arith.constant 0 : i32
      %dma_wait3A_60 = tpu.memref_slice %arg7[%add3A_38, %dma_wait3A_59] : memref<10112x128xf32, #tpu.memory_space<vmem_shared>> -> memref<128x128xf32, #tpu.memory_space<vmem_shared>>
      tpu.wait_dma2 semaphore(%run_scoped3A : memref<!tpu.dma_semaphore, #tpu.memory_space<semaphore_mem>>) src(%dma_wait3A_60 : memref<128x128xf32, #tpu.memory_space<vmem_shared>>) dst(%dma_wait3A_58 : memref<128x128xf32, #tpu.memory_space<hbm>>)
      tpu.yield
    }) : () -> ()
    %add3A_41 = arith.constant 256 : i32
    %add3A_42 = arith.addi %mul3A_32, %add3A_41 : i32
    %add3A_43 = arith.constant 256 : i32
    %add3A_44 = arith.addi %mul3A_32, %add3A_43 : i32
    "tpu.region"() ({
      %run_scoped3A = tpu.sem_alloc : memref<!tpu.dma_semaphore, #tpu.memory_space<semaphore_mem>>
      %dma_start3A = arith.constant 0 : i32
      %dma_start3A_53 = tpu.memref_slice %arg6[%arg0, %add3A_44, %dma_start3A] : memref<2x10112x128xf32, #tpu.memory_space<hbm>> -> memref<1x128x128xf32, #tpu.memory_space<hbm>>
      %dma_start3A_54 = tpu.memref_squeeze %dma_start3A_53 : memref<1x128x128xf32, #tpu.memory_space<hbm>> -> memref<128x128xf32, #tpu.memory_space<hbm>>
      %dma_start3A_55 = arith.constant 0 : i32
      %dma_start3A_56 = tpu.memref_slice %arg7[%add3A_42, %dma_start3A_55] : memref<10112x128xf32, #tpu.memory_space<vmem_shared>> -> memref<128x128xf32, #tpu.memory_space<vmem_shared>>
      tpu.enqueue_dma source(%dma_start3A_56 : memref<128x128xf32, #tpu.memory_space<vmem_shared>>) target(%dma_start3A_54 : memref<128x128xf32, #tpu.memory_space<hbm>>) target_semaphore(%run_scoped3A : memref<!tpu.dma_semaphore, #tpu.memory_space<semaphore_mem>>)
      %dma_wait3A = arith.constant 0 : i32
      %dma_wait3A_57 = tpu.memref_slice %arg6[%arg0, %add3A_44, %dma_wait3A] : memref<2x10112x128xf32, #tpu.memory_space<hbm>> -> memref<1x128x128xf32, #tpu.memory_space<hbm>>
      %dma_wait3A_58 = tpu.memref_squeeze %dma_wait3A_57 : memref<1x128x128xf32, #tpu.memory_space<hbm>> -> memref<128x128xf32, #tpu.memory_space<hbm>>
      %dma_wait3A_59 = arith.constant 0 : i32
      %dma_wait3A_60 = tpu.memref_slice %arg7[%add3A_42, %dma_wait3A_59] : memref<10112x128xf32, #tpu.memory_space<vmem_shared>> -> memref<128x128xf32, #tpu.memory_space<vmem_shared>>
      tpu.wait_dma2 semaphore(%run_scoped3A : memref<!tpu.dma_semaphore, #tpu.memory_space<semaphore_mem>>) src(%dma_wait3A_60 : memref<128x128xf32, #tpu.memory_space<vmem_shared>>) dst(%dma_wait3A_58 : memref<128x128xf32, #tpu.memory_space<hbm>>)
      tpu.yield
    }) : () -> ()
    %add3A_45 = arith.constant 384 : i32
    %add3A_46 = arith.addi %mul3A_32, %add3A_45 : i32
    %add3A_47 = arith.constant 384 : i32
    %add3A_48 = arith.addi %mul3A_32, %add3A_47 : i32
    "tpu.region"() ({
      %run_scoped3A = tpu.sem_alloc : memref<!tpu.dma_semaphore, #tpu.memory_space<semaphore_mem>>
      %dma_start3A = arith.constant 0 : i32
      %dma_start3A_53 = tpu.memref_slice %arg6[%arg0, %add3A_48, %dma_start3A] : memref<2x10112x128xf32, #tpu.memory_space<hbm>> -> memref<1x128x128xf32, #tpu.memory_space<hbm>>
      %dma_start3A_54 = tpu.memref_squeeze %dma_start3A_53 : memref<1x128x128xf32, #tpu.memory_space<hbm>> -> memref<128x128xf32, #tpu.memory_space<hbm>>
      %dma_start3A_55 = arith.constant 0 : i32
      %dma_start3A_56 = tpu.memref_slice %arg7[%add3A_46, %dma_start3A_55] : memref<10112x128xf32, #tpu.memory_space<vmem_shared>> -> memref<128x128xf32, #tpu.memory_space<vmem_shared>>
      tpu.enqueue_dma source(%dma_start3A_56 : memref<128x128xf32, #tpu.memory_space<vmem_shared>>) target(%dma_start3A_54 : memref<128x128xf32, #tpu.memory_space<hbm>>) target_semaphore(%run_scoped3A : memref<!tpu.dma_semaphore, #tpu.memory_space<semaphore_mem>>)
      %dma_wait3A = arith.constant 0 : i32
      %dma_wait3A_57 = tpu.memref_slice %arg6[%arg0, %add3A_48, %dma_wait3A] : memref<2x10112x128xf32, #tpu.memory_space<hbm>> -> memref<1x128x128xf32, #tpu.memory_space<hbm>>
      %dma_wait3A_58 = tpu.memref_squeeze %dma_wait3A_57 : memref<1x128x128xf32, #tpu.memory_space<hbm>> -> memref<128x128xf32, #tpu.memory_space<hbm>>
      %dma_wait3A_59 = arith.constant 0 : i32
      %dma_wait3A_60 = tpu.memref_slice %arg7[%add3A_46, %dma_wait3A_59] : memref<10112x128xf32, #tpu.memory_space<vmem_shared>> -> memref<128x128xf32, #tpu.memory_space<vmem_shared>>
      tpu.wait_dma2 semaphore(%run_scoped3A : memref<!tpu.dma_semaphore, #tpu.memory_space<semaphore_mem>>) src(%dma_wait3A_60 : memref<128x128xf32, #tpu.memory_space<vmem_shared>>) dst(%dma_wait3A_58 : memref<128x128xf32, #tpu.memory_space<hbm>>)
      tpu.yield
    }) : () -> ()
    %add3A_49 = arith.constant 512 : i32
    %add3A_50 = arith.addi %mul3A_32, %add3A_49 : i32
    %add3A_51 = arith.constant 512 : i32
    %add3A_52 = arith.addi %mul3A_32, %add3A_51 : i32
    "tpu.region"() ({
      %run_scoped3A = tpu.sem_alloc : memref<!tpu.dma_semaphore, #tpu.memory_space<semaphore_mem>>
      %dma_start3A = arith.constant 0 : i32
      %dma_start3A_53 = tpu.memref_slice %arg6[%arg0, %add3A_52, %dma_start3A] : memref<2x10112x128xf32, #tpu.memory_space<hbm>> -> memref<1x120x128xf32, #tpu.memory_space<hbm>>
      %dma_start3A_54 = tpu.memref_squeeze %dma_start3A_53 : memref<1x120x128xf32, #tpu.memory_space<hbm>> -> memref<120x128xf32, #tpu.memory_space<hbm>>
      %dma_start3A_55 = arith.constant 0 : i32
      %dma_start3A_56 = tpu.memref_slice %arg7[%add3A_50, %dma_start3A_55] : memref<10112x128xf32, #tpu.memory_space<vmem_shared>> -> memref<120x128xf32, #tpu.memory_space<vmem_shared>>
      tpu.enqueue_dma source(%dma_start3A_56 : memref<120x128xf32, #tpu.memory_space<vmem_shared>>) target(%dma_start3A_54 : memref<120x128xf32, #tpu.memory_space<hbm>>) target_semaphore(%run_scoped3A : memref<!tpu.dma_semaphore, #tpu.memory_space<semaphore_mem>>)
      %dma_wait3A = arith.constant 0 : i32
      %dma_wait3A_57 = tpu.memref_slice %arg6[%arg0, %add3A_52, %dma_wait3A] : memref<2x10112x128xf32, #tpu.memory_space<hbm>> -> memref<1x120x128xf32, #tpu.memory_space<hbm>>
      %dma_wait3A_58 = tpu.memref_squeeze %dma_wait3A_57 : memref<1x120x128xf32, #tpu.memory_space<hbm>> -> memref<120x128xf32, #tpu.memory_space<hbm>>
      %dma_wait3A_59 = arith.constant 0 : i32
      %dma_wait3A_60 = tpu.memref_slice %arg7[%add3A_50, %dma_wait3A_59] : memref<10112x128xf32, #tpu.memory_space<vmem_shared>> -> memref<120x128xf32, #tpu.memory_space<vmem_shared>>
      tpu.wait_dma2 semaphore(%run_scoped3A : memref<!tpu.dma_semaphore, #tpu.memory_space<semaphore_mem>>) src(%dma_wait3A_60 : memref<120x128xf32, #tpu.memory_space<vmem_shared>>) dst(%dma_wait3A_58 : memref<120x128xf32, #tpu.memory_space<hbm>>)
      tpu.yield
    }) : () -> ()
    return
  }
}

#map = affine_map<(d0, d1) -> (0, 0)>
#map1 = affine_map<(d0, d1) -> (0, 0, 0)>
module attributes {stable_mosaic.version = 14 : i64} {
  func.func @_edge_body(%arg0: i32, %arg1: i32, %arg2: memref<10000x128xf32, #tpu.memory_space<hbm>>, %arg3: memref<2560x128xi32, #tpu.memory_space<hbm>>, %arg4: memref<2560x128xi32, #tpu.memory_space<hbm>>, %arg5: memref<128x128xf32, #tpu.memory_space<hbm>>, %arg6: memref<2x10112x128xf32, #tpu.memory_space<hbm>>, %arg7: memref<10112x128xf32, #tpu.memory_space<vmem_shared>>, %arg8: memref<40x128xi32, #tpu.memory_space<vmem>>, %arg9: memref<40x128xi32, #tpu.memory_space<vmem>>, %arg10: memref<2x128x128xf32, #tpu.memory_space<vmem>>, %arg11: memref<2x!tpu.dma_semaphore, #tpu.memory_space<semaphore_mem>>, %arg12: memref<2x!tpu.dma_semaphore, #tpu.memory_space<semaphore_mem>>) attributes {dimension_semantics = [#tpu.dimension_semantics<core_parallel>, #tpu.dimension_semantics<subcore_parallel>], iteration_bounds = array<i64: 2, 16>, scalar_prefetch = 0 : i64, scratch_operands = 6 : i64, tpu.core_type = #tpu.core_type<sc_vector_subcore>, window_params = [{transform_indices = #map}, {transform_indices = #map}, {transform_indices = #map}, {transform_indices = #map}, {transform_indices = #map1}]} {
    %mul3A = arith.constant 632 : i32
    %mul3A_0 = arith.muli %arg1, %mul3A : i32
    %add3A = arith.constant 0 : i32
    %add3A_1 = arith.addi %mul3A_0, %add3A : i32
    "tpu.region"() ({
      %run_scoped3A = tpu.sem_alloc : memref<!tpu.dma_semaphore, #tpu.memory_space<semaphore_mem>>
      %dma_start3A = arith.constant 0 : i32
      %dma_start3A_53 = tpu.memref_slice %arg7[%add3A_1, %dma_start3A] : memref<10112x128xf32, #tpu.memory_space<vmem_shared>> -> memref<128x128xf32, #tpu.memory_space<vmem_shared>>
      %dma_start3A_54 = arith.constant 0 : i32
      %dma_start3A_55 = arith.constant 0 : i32
      %dma_start3A_56 = tpu.memref_slice %arg5[%dma_start3A_54, %dma_start3A_55] : memref<128x128xf32, #tpu.memory_space<hbm>> -> memref<128x128xf32, #tpu.memory_space<hbm>>
      tpu.enqueue_dma source(%dma_start3A_56 : memref<128x128xf32, #tpu.memory_space<hbm>>) target(%dma_start3A_53 : memref<128x128xf32, #tpu.memory_space<vmem_shared>>) target_semaphore(%run_scoped3A : memref<!tpu.dma_semaphore, #tpu.memory_space<semaphore_mem>>)
      %dma_wait3A = arith.constant 0 : i32
      %dma_wait3A_57 = tpu.memref_slice %arg7[%add3A_1, %dma_wait3A] : memref<10112x128xf32, #tpu.memory_space<vmem_shared>> -> memref<128x128xf32, #tpu.memory_space<vmem_shared>>
      %dma_wait3A_58 = arith.constant 0 : i32
      %dma_wait3A_59 = arith.constant 0 : i32
      %dma_wait3A_60 = tpu.memref_slice %arg5[%dma_wait3A_58, %dma_wait3A_59] : memref<128x128xf32, #tpu.memory_space<hbm>> -> memref<128x128xf32, #tpu.memory_space<hbm>>
      tpu.wait_dma2 semaphore(%run_scoped3A : memref<!tpu.dma_semaphore, #tpu.memory_space<semaphore_mem>>) src(%dma_wait3A_60 : memref<128x128xf32, #tpu.memory_space<hbm>>) dst(%dma_wait3A_57 : memref<128x128xf32, #tpu.memory_space<vmem_shared>>)
      tpu.yield
    }) : () -> ()
    %add3A_2 = arith.constant 128 : i32
    %add3A_3 = arith.addi %mul3A_0, %add3A_2 : i32
    "tpu.region"() ({
      %run_scoped3A = tpu.sem_alloc : memref<!tpu.dma_semaphore, #tpu.memory_space<semaphore_mem>>
      %dma_start3A = arith.constant 0 : i32
      %dma_start3A_53 = tpu.memref_slice %arg7[%add3A_3, %dma_start3A] : memref<10112x128xf32, #tpu.memory_space<vmem_shared>> -> memref<128x128xf32, #tpu.memory_space<vmem_shared>>
      %dma_start3A_54 = arith.constant 0 : i32
      %dma_start3A_55 = arith.constant 0 : i32
      %dma_start3A_56 = tpu.memref_slice %arg5[%dma_start3A_54, %dma_start3A_55] : memref<128x128xf32, #tpu.memory_space<hbm>> -> memref<128x128xf32, #tpu.memory_space<hbm>>
      tpu.enqueue_dma source(%dma_start3A_56 : memref<128x128xf32, #tpu.memory_space<hbm>>) target(%dma_start3A_53 : memref<128x128xf32, #tpu.memory_space<vmem_shared>>) target_semaphore(%run_scoped3A : memref<!tpu.dma_semaphore, #tpu.memory_space<semaphore_mem>>)
      %dma_wait3A = arith.constant 0 : i32
      %dma_wait3A_57 = tpu.memref_slice %arg7[%add3A_3, %dma_wait3A] : memref<10112x128xf32, #tpu.memory_space<vmem_shared>> -> memref<128x128xf32, #tpu.memory_space<vmem_shared>>
      %dma_wait3A_58 = arith.constant 0 : i32
      %dma_wait3A_59 = arith.constant 0 : i32
      %dma_wait3A_60 = tpu.memref_slice %arg5[%dma_wait3A_58, %dma_wait3A_59] : memref<128x128xf32, #tpu.memory_space<hbm>> -> memref<128x128xf32, #tpu.memory_space<hbm>>
      tpu.wait_dma2 semaphore(%run_scoped3A : memref<!tpu.dma_semaphore, #tpu.memory_space<semaphore_mem>>) src(%dma_wait3A_60 : memref<128x128xf32, #tpu.memory_space<hbm>>) dst(%dma_wait3A_57 : memref<128x128xf32, #tpu.memory_space<vmem_shared>>)
      tpu.yield
    }) : () -> ()
    %add3A_4 = arith.constant 256 : i32
    %add3A_5 = arith.addi %mul3A_0, %add3A_4 : i32
    "tpu.region"() ({
      %run_scoped3A = tpu.sem_alloc : memref<!tpu.dma_semaphore, #tpu.memory_space<semaphore_mem>>
      %dma_start3A = arith.constant 0 : i32
      %dma_start3A_53 = tpu.memref_slice %arg7[%add3A_5, %dma_start3A] : memref<10112x128xf32, #tpu.memory_space<vmem_shared>> -> memref<128x128xf32, #tpu.memory_space<vmem_shared>>
      %dma_start3A_54 = arith.constant 0 : i32
      %dma_start3A_55 = arith.constant 0 : i32
      %dma_start3A_56 = tpu.memref_slice %arg5[%dma_start3A_54, %dma_start3A_55] : memref<128x128xf32, #tpu.memory_space<hbm>> -> memref<128x128xf32, #tpu.memory_space<hbm>>
      tpu.enqueue_dma source(%dma_start3A_56 : memref<128x128xf32, #tpu.memory_space<hbm>>) target(%dma_start3A_53 : memref<128x128xf32, #tpu.memory_space<vmem_shared>>) target_semaphore(%run_scoped3A : memref<!tpu.dma_semaphore, #tpu.memory_space<semaphore_mem>>)
      %dma_wait3A = arith.constant 0 : i32
      %dma_wait3A_57 = tpu.memref_slice %arg7[%add3A_5, %dma_wait3A] : memref<10112x128xf32, #tpu.memory_space<vmem_shared>> -> memref<128x128xf32, #tpu.memory_space<vmem_shared>>
      %dma_wait3A_58 = arith.constant 0 : i32
      %dma_wait3A_59 = arith.constant 0 : i32
      %dma_wait3A_60 = tpu.memref_slice %arg5[%dma_wait3A_58, %dma_wait3A_59] : memref<128x128xf32, #tpu.memory_space<hbm>> -> memref<128x128xf32, #tpu.memory_space<hbm>>
      tpu.wait_dma2 semaphore(%run_scoped3A : memref<!tpu.dma_semaphore, #tpu.memory_space<semaphore_mem>>) src(%dma_wait3A_60 : memref<128x128xf32, #tpu.memory_space<hbm>>) dst(%dma_wait3A_57 : memref<128x128xf32, #tpu.memory_space<vmem_shared>>)
      tpu.yield
    }) : () -> ()
    %add3A_6 = arith.constant 384 : i32
    %add3A_7 = arith.addi %mul3A_0, %add3A_6 : i32
    "tpu.region"() ({
      %run_scoped3A = tpu.sem_alloc : memref<!tpu.dma_semaphore, #tpu.memory_space<semaphore_mem>>
      %dma_start3A = arith.constant 0 : i32
      %dma_start3A_53 = tpu.memref_slice %arg7[%add3A_7, %dma_start3A] : memref<10112x128xf32, #tpu.memory_space<vmem_shared>> -> memref<128x128xf32, #tpu.memory_space<vmem_shared>>
      %dma_start3A_54 = arith.constant 0 : i32
      %dma_start3A_55 = arith.constant 0 : i32
      %dma_start3A_56 = tpu.memref_slice %arg5[%dma_start3A_54, %dma_start3A_55] : memref<128x128xf32, #tpu.memory_space<hbm>> -> memref<128x128xf32, #tpu.memory_space<hbm>>
      tpu.enqueue_dma source(%dma_start3A_56 : memref<128x128xf32, #tpu.memory_space<hbm>>) target(%dma_start3A_53 : memref<128x128xf32, #tpu.memory_space<vmem_shared>>) target_semaphore(%run_scoped3A : memref<!tpu.dma_semaphore, #tpu.memory_space<semaphore_mem>>)
      %dma_wait3A = arith.constant 0 : i32
      %dma_wait3A_57 = tpu.memref_slice %arg7[%add3A_7, %dma_wait3A] : memref<10112x128xf32, #tpu.memory_space<vmem_shared>> -> memref<128x128xf32, #tpu.memory_space<vmem_shared>>
      %dma_wait3A_58 = arith.constant 0 : i32
      %dma_wait3A_59 = arith.constant 0 : i32
      %dma_wait3A_60 = tpu.memref_slice %arg5[%dma_wait3A_58, %dma_wait3A_59] : memref<128x128xf32, #tpu.memory_space<hbm>> -> memref<128x128xf32, #tpu.memory_space<hbm>>
      tpu.wait_dma2 semaphore(%run_scoped3A : memref<!tpu.dma_semaphore, #tpu.memory_space<semaphore_mem>>) src(%dma_wait3A_60 : memref<128x128xf32, #tpu.memory_space<hbm>>) dst(%dma_wait3A_57 : memref<128x128xf32, #tpu.memory_space<vmem_shared>>)
      tpu.yield
    }) : () -> ()
    %add3A_8 = arith.constant 512 : i32
    %add3A_9 = arith.addi %mul3A_0, %add3A_8 : i32
    "tpu.region"() ({
      %run_scoped3A = tpu.sem_alloc : memref<!tpu.dma_semaphore, #tpu.memory_space<semaphore_mem>>
      %dma_start3A = arith.constant 0 : i32
      %dma_start3A_53 = tpu.memref_slice %arg7[%add3A_9, %dma_start3A] : memref<10112x128xf32, #tpu.memory_space<vmem_shared>> -> memref<120x128xf32, #tpu.memory_space<vmem_shared>>
      %dma_start3A_54 = arith.constant 0 : i32
      %dma_start3A_55 = arith.constant 0 : i32
      %dma_start3A_56 = tpu.memref_slice %arg5[%dma_start3A_54, %dma_start3A_55] : memref<128x128xf32, #tpu.memory_space<hbm>> -> memref<120x128xf32, #tpu.memory_space<hbm>>
      tpu.enqueue_dma source(%dma_start3A_56 : memref<120x128xf32, #tpu.memory_space<hbm>>) target(%dma_start3A_53 : memref<120x128xf32, #tpu.memory_space<vmem_shared>>) target_semaphore(%run_scoped3A : memref<!tpu.dma_semaphore, #tpu.memory_space<semaphore_mem>>)
      %dma_wait3A = arith.constant 0 : i32
      %dma_wait3A_57 = tpu.memref_slice %arg7[%add3A_9, %dma_wait3A] : memref<10112x128xf32, #tpu.memory_space<vmem_shared>> -> memref<120x128xf32, #tpu.memory_space<vmem_shared>>
      %dma_wait3A_58 = arith.constant 0 : i32
      %dma_wait3A_59 = arith.constant 0 : i32
      %dma_wait3A_60 = tpu.memref_slice %arg5[%dma_wait3A_58, %dma_wait3A_59] : memref<128x128xf32, #tpu.memory_space<hbm>> -> memref<120x128xf32, #tpu.memory_space<hbm>>
      tpu.wait_dma2 semaphore(%run_scoped3A : memref<!tpu.dma_semaphore, #tpu.memory_space<semaphore_mem>>) src(%dma_wait3A_60 : memref<120x128xf32, #tpu.memory_space<hbm>>) dst(%dma_wait3A_57 : memref<120x128xf32, #tpu.memory_space<vmem_shared>>)
      tpu.yield
    }) : () -> ()
    %eq3A = arith.constant 0 : i32
    %eq3A_10 = arith.cmpi eq, %arg0, %eq3A : i32
    %jit3A = arith.constant 1 : i32
    %jit3A_11 = arith.constant 3 : i32
    %select_n3A = arith.select %eq3A_10, %jit3A, %jit3A_11 : i32
    %eq3A_12 = arith.constant 0 : i32
    %eq3A_13 = arith.cmpi eq, %arg0, %eq3A_12 : i32
    %mul3A_14 = arith.constant 40 : i32
    %mul3A_15 = arith.muli %arg1, %mul3A_14 : i32
    %add3A_16 = arith.constant 1920 : i32
    %add3A_17 = arith.addi %add3A_16, %mul3A_15 : i32
    %mul3A_18 = arith.constant 120 : i32
    %mul3A_19 = arith.muli %arg1, %mul3A_18 : i32
    %select_n3A_20 = arith.select %eq3A_13, %add3A_17, %mul3A_19 : i32
    %barrier3A = arith.constant 0 : index
    tpu.barrier barrier_id(%barrier3A)
    %while3A = arith.constant 0 : i32
    %while3A_21 = arith.constant 0 : i32
    %while3A_22 = arith.subi %select_n3A, %while3A_21 : i32
    %while3A_23 = arith.addi %while3A_21, %while3A_22 : i32
    %while3A_24 = arith.constant 1 : i32
    %while3A_25 = arith.divsi %while3A_22, %while3A_24 : i32
    %while3A_26 = arith.muli %while3A_25, %while3A_24 : i32
    %while3A_27 = arith.addi %while3A_21, %while3A_26 : i32
    %while3A_28 = arith.constant 1 : i32
    scf.for %while3A_53 = %while3A_21 to %while3A_27 step %while3A_28  : i32 {
      %mul3A_54 = arith.constant 40 : i32
      %mul3A_55 = arith.muli %while3A_53, %mul3A_54 : i32
      %add3A_56 = arith.addi %select_n3A_20, %mul3A_55 : i32
      "tpu.region"() ({
        %run_scoped3A = tpu.sem_alloc : memref<!tpu.dma_semaphore, #tpu.memory_space<semaphore_mem>>
        %dma_start3A_180 = arith.constant 0 : i32
        %dma_start3A_181 = tpu.memref_slice %arg3[%add3A_56, %dma_start3A_180] : memref<2560x128xi32, #tpu.memory_space<hbm>> -> memref<40x128xi32, #tpu.memory_space<hbm>>
        %dma_start3A_182 = arith.constant 0 : i32
        %dma_start3A_183 = tpu.memref_slice %arg3[%add3A_56, %dma_start3A_182] : memref<2560x128xi32, #tpu.memory_space<hbm>> -> memref<40x128xi32, #tpu.memory_space<hbm>>
        tpu.enqueue_dma source(%dma_start3A_183 : memref<40x128xi32, #tpu.memory_space<hbm>>) target(%arg8 : memref<40x128xi32, #tpu.memory_space<vmem>>) target_semaphore(%run_scoped3A : memref<!tpu.dma_semaphore, #tpu.memory_space<semaphore_mem>>)
        %dma_wait3A_184 = arith.constant 0 : i32
        %dma_wait3A_185 = tpu.memref_slice %arg3[%add3A_56, %dma_wait3A_184] : memref<2560x128xi32, #tpu.memory_space<hbm>> -> memref<40x128xi32, #tpu.memory_space<hbm>>
        %dma_wait3A_186 = arith.constant 0 : i32
        %dma_wait3A_187 = tpu.memref_slice %arg3[%add3A_56, %dma_wait3A_186] : memref<2560x128xi32, #tpu.memory_space<hbm>> -> memref<40x128xi32, #tpu.memory_space<hbm>>
        tpu.wait_dma2 semaphore(%run_scoped3A : memref<!tpu.dma_semaphore, #tpu.memory_space<semaphore_mem>>) src(%dma_wait3A_187 : memref<40x128xi32, #tpu.memory_space<hbm>>) dst(%arg8 : memref<40x128xi32, #tpu.memory_space<vmem>>)
        tpu.yield
      }) : () -> ()
      "tpu.region"() ({
        %run_scoped3A = tpu.sem_alloc : memref<!tpu.dma_semaphore, #tpu.memory_space<semaphore_mem>>
        %dma_start3A_180 = arith.constant 0 : i32
        %dma_start3A_181 = tpu.memref_slice %arg4[%add3A_56, %dma_start3A_180] : memref<2560x128xi32, #tpu.memory_space<hbm>> -> memref<40x128xi32, #tpu.memory_space<hbm>>
        %dma_start3A_182 = arith.constant 0 : i32
        %dma_start3A_183 = tpu.memref_slice %arg4[%add3A_56, %dma_start3A_182] : memref<2560x128xi32, #tpu.memory_space<hbm>> -> memref<40x128xi32, #tpu.memory_space<hbm>>
        tpu.enqueue_dma source(%dma_start3A_183 : memref<40x128xi32, #tpu.memory_space<hbm>>) target(%arg9 : memref<40x128xi32, #tpu.memory_space<vmem>>) target_semaphore(%run_scoped3A : memref<!tpu.dma_semaphore, #tpu.memory_space<semaphore_mem>>)
        %dma_wait3A_184 = arith.constant 0 : i32
        %dma_wait3A_185 = tpu.memref_slice %arg4[%add3A_56, %dma_wait3A_184] : memref<2560x128xi32, #tpu.memory_space<hbm>> -> memref<40x128xi32, #tpu.memory_space<hbm>>
        %dma_wait3A_186 = arith.constant 0 : i32
        %dma_wait3A_187 = tpu.memref_slice %arg4[%add3A_56, %dma_wait3A_186] : memref<2560x128xi32, #tpu.memory_space<hbm>> -> memref<40x128xi32, #tpu.memory_space<hbm>>
        tpu.wait_dma2 semaphore(%run_scoped3A : memref<!tpu.dma_semaphore, #tpu.memory_space<semaphore_mem>>) src(%dma_wait3A_187 : memref<40x128xi32, #tpu.memory_space<hbm>>) dst(%arg9 : memref<40x128xi32, #tpu.memory_space<vmem>>)
        tpu.yield
      }) : () -> ()
      %dma_start3A = arith.constant 0 : i32
      %dma_start3A_57 = arith.constant 0 : i32
      %dma_start3A_58 = arith.constant 0 : i32
      %dma_start3A_59 = arith.constant 0 : i32
      %dma_start3A_60 = arith.constant 0 : i32
      %dma_start3A_61 = tpu.memref_slice %arg10[%dma_start3A_57, %dma_start3A_59, %dma_start3A_60] : memref<2x128x128xf32, #tpu.memory_space<vmem>> -> memref<1x128x128xf32, #tpu.memory_space<vmem>>
      %dma_start3A_62 = tpu.memref_squeeze %dma_start3A_61 : memref<1x128x128xf32, #tpu.memory_space<vmem>> -> memref<128x128xf32, #tpu.memory_space<vmem>>
      %dma_start3A_63 = arith.constant 0 : i32
      %dma_start3A_64 = tpu.memref_slice %arg8[%dma_start3A, %dma_start3A_63] : memref<40x128xi32, #tpu.memory_space<vmem>> -> memref<1x128xi32, #tpu.memory_space<vmem>>
      %dma_start3A_65 = tpu.memref_squeeze %dma_start3A_64 : memref<1x128xi32, #tpu.memory_space<vmem>> -> memref<128xi32, #tpu.memory_space<vmem>>
      %dma_start3A_66 = arith.constant 0 : i32
      %dma_start3A_67 = arith.constant 0 : i32
      %dma_start3A_68 = tpu.memref_slice %arg2[%dma_start3A_66, %dma_start3A_67] : memref<10000x128xf32, #tpu.memory_space<hbm>> -> memref<10000x128xf32, #tpu.memory_space<hbm>>
      %dma_start3A_69 = tpu.memref_slice %arg11[%dma_start3A_58] : memref<2x!tpu.dma_semaphore, #tpu.memory_space<semaphore_mem>> -> memref<1x!tpu.dma_semaphore, #tpu.memory_space<semaphore_mem>>
      %dma_start3A_70 = tpu.memref_squeeze %dma_start3A_69 : memref<1x!tpu.dma_semaphore, #tpu.memory_space<semaphore_mem>> -> memref<!tpu.dma_semaphore, #tpu.memory_space<semaphore_mem>>
      tpu.enqueue_indirect_dma source(%dma_start3A_68 : memref<10000x128xf32, #tpu.memory_space<hbm>>) target(%dma_start3A_62 : memref<128x128xf32, #tpu.memory_space<vmem>>) offsets(%dma_start3A_65 : memref<128xi32, #tpu.memory_space<vmem>>) semaphore(%dma_start3A_70 : memref<!tpu.dma_semaphore, #tpu.memory_space<semaphore_mem>>)
      %dma_start3A_71 = arith.constant 1 : i32
      %dma_start3A_72 = arith.constant 1 : i32
      %dma_start3A_73 = arith.constant 1 : i32
      %dma_start3A_74 = arith.constant 0 : i32
      %dma_start3A_75 = arith.constant 0 : i32
      %dma_start3A_76 = tpu.memref_slice %arg10[%dma_start3A_72, %dma_start3A_74, %dma_start3A_75] : memref<2x128x128xf32, #tpu.memory_space<vmem>> -> memref<1x128x128xf32, #tpu.memory_space<vmem>>
      %dma_start3A_77 = tpu.memref_squeeze %dma_start3A_76 : memref<1x128x128xf32, #tpu.memory_space<vmem>> -> memref<128x128xf32, #tpu.memory_space<vmem>>
      %dma_start3A_78 = arith.constant 0 : i32
      %dma_start3A_79 = tpu.memref_slice %arg8[%dma_start3A_71, %dma_start3A_78] : memref<40x128xi32, #tpu.memory_space<vmem>> -> memref<1x128xi32, #tpu.memory_space<vmem>>
      %dma_start3A_80 = tpu.memref_squeeze %dma_start3A_79 : memref<1x128xi32, #tpu.memory_space<vmem>> -> memref<128xi32, #tpu.memory_space<vmem>>
      %dma_start3A_81 = arith.constant 0 : i32
      %dma_start3A_82 = arith.constant 0 : i32
      %dma_start3A_83 = tpu.memref_slice %arg2[%dma_start3A_81, %dma_start3A_82] : memref<10000x128xf32, #tpu.memory_space<hbm>> -> memref<10000x128xf32, #tpu.memory_space<hbm>>
      %dma_start3A_84 = tpu.memref_slice %arg11[%dma_start3A_73] : memref<2x!tpu.dma_semaphore, #tpu.memory_space<semaphore_mem>> -> memref<1x!tpu.dma_semaphore, #tpu.memory_space<semaphore_mem>>
      %dma_start3A_85 = tpu.memref_squeeze %dma_start3A_84 : memref<1x!tpu.dma_semaphore, #tpu.memory_space<semaphore_mem>> -> memref<!tpu.dma_semaphore, #tpu.memory_space<semaphore_mem>>
      tpu.enqueue_indirect_dma source(%dma_start3A_83 : memref<10000x128xf32, #tpu.memory_space<hbm>>) target(%dma_start3A_77 : memref<128x128xf32, #tpu.memory_space<vmem>>) offsets(%dma_start3A_80 : memref<128xi32, #tpu.memory_space<vmem>>) semaphore(%dma_start3A_85 : memref<!tpu.dma_semaphore, #tpu.memory_space<semaphore_mem>>)
      %scan3A = arith.constant 0 : i32
      %scan3A_86 = arith.constant 0 : i32
      %scan3A_87 = arith.constant 19 : i32
      %scan3A_88 = arith.addi %scan3A_86, %scan3A_87 : i32
      %scan3A_89 = arith.constant 1 : i32
      scf.for %scan3A_180 = %scan3A_86 to %scan3A_88 step %scan3A_89  : i32 {
        %dma_wait3A_181 = arith.constant 0 : i32
        %dma_wait3A_182 = arith.constant 0 : i32
        %dma_wait3A_183 = arith.constant 0 : i32
        %dma_wait3A_184 = arith.constant 0 : i32
        %dma_wait3A_185 = arith.constant 0 : i32
        %dma_wait3A_186 = tpu.memref_slice %arg10[%dma_wait3A_182, %dma_wait3A_184, %dma_wait3A_185] : memref<2x128x128xf32, #tpu.memory_space<vmem>> -> memref<1x128x128xf32, #tpu.memory_space<vmem>>
        %dma_wait3A_187 = tpu.memref_squeeze %dma_wait3A_186 : memref<1x128x128xf32, #tpu.memory_space<vmem>> -> memref<128x128xf32, #tpu.memory_space<vmem>>
        %dma_wait3A_188 = arith.constant 0 : i32
        %dma_wait3A_189 = tpu.memref_slice %arg8[%dma_wait3A_181, %dma_wait3A_188] : memref<40x128xi32, #tpu.memory_space<vmem>> -> memref<1x128xi32, #tpu.memory_space<vmem>>
        %dma_wait3A_190 = tpu.memref_squeeze %dma_wait3A_189 : memref<1x128xi32, #tpu.memory_space<vmem>> -> memref<128xi32, #tpu.memory_space<vmem>>
        %dma_wait3A_191 = arith.constant 0 : i32
        %dma_wait3A_192 = arith.constant 0 : i32
        %dma_wait3A_193 = tpu.memref_slice %arg2[%dma_wait3A_191, %dma_wait3A_192] : memref<10000x128xf32, #tpu.memory_space<hbm>> -> memref<10000x128xf32, #tpu.memory_space<hbm>>
        %dma_wait3A_194 = tpu.memref_slice %arg11[%dma_wait3A_183] : memref<2x!tpu.dma_semaphore, #tpu.memory_space<semaphore_mem>> -> memref<1x!tpu.dma_semaphore, #tpu.memory_space<semaphore_mem>>
        %dma_wait3A_195 = tpu.memref_squeeze %dma_wait3A_194 : memref<1x!tpu.dma_semaphore, #tpu.memory_space<semaphore_mem>> -> memref<!tpu.dma_semaphore, #tpu.memory_space<semaphore_mem>>
        tpu.wait_indirect_dma semaphore(%dma_wait3A_195 : memref<!tpu.dma_semaphore, #tpu.memory_space<semaphore_mem>>) src(%dma_wait3A_193 : memref<10000x128xf32, #tpu.memory_space<hbm>>) dst(%dma_wait3A_187 : memref<128x128xf32, #tpu.memory_space<vmem>>)
        %mul3A_196 = arith.constant 2 : i32
        %mul3A_197 = arith.muli %scan3A_180, %mul3A_196 : i32
        %add3A_198 = arith.constant 0 : i32
        %add3A_199 = arith.addi %mul3A_197, %add3A_198 : i32
        %dma_start3A_200 = arith.constant 0 : i32
        %dma_start3A_201 = arith.constant 0 : i32
        %dma_start3A_202 = arith.constant 0 : i32
        %dma_start3A_203 = arith.constant 0 : i32
        %dma_start3A_204 = tpu.memref_slice %arg10[%dma_start3A_200, %dma_start3A_202, %dma_start3A_203] : memref<2x128x128xf32, #tpu.memory_space<vmem>> -> memref<1x128x128xf32, #tpu.memory_space<vmem>>
        %dma_start3A_205 = tpu.memref_squeeze %dma_start3A_204 : memref<1x128x128xf32, #tpu.memory_space<vmem>> -> memref<128x128xf32, #tpu.memory_space<vmem>>
        %dma_start3A_206 = arith.constant 0 : i32
        %dma_start3A_207 = tpu.memref_slice %arg9[%add3A_199, %dma_start3A_206] : memref<40x128xi32, #tpu.memory_space<vmem>> -> memref<1x128xi32, #tpu.memory_space<vmem>>
        %dma_start3A_208 = tpu.memref_squeeze %dma_start3A_207 : memref<1x128xi32, #tpu.memory_space<vmem>> -> memref<128xi32, #tpu.memory_space<vmem>>
        %dma_start3A_209 = arith.constant 0 : i32
        %dma_start3A_210 = arith.constant 0 : i32
        %dma_start3A_211 = tpu.memref_slice %arg7[%dma_start3A_209, %dma_start3A_210] : memref<10112x128xf32, #tpu.memory_space<vmem_shared>> -> memref<10112x128xf32, #tpu.memory_space<vmem_shared>>
        %dma_start3A_212 = tpu.memref_slice %arg12[%dma_start3A_201] : memref<2x!tpu.dma_semaphore, #tpu.memory_space<semaphore_mem>> -> memref<1x!tpu.dma_semaphore, #tpu.memory_space<semaphore_mem>>
        %dma_start3A_213 = tpu.memref_squeeze %dma_start3A_212 : memref<1x!tpu.dma_semaphore, #tpu.memory_space<semaphore_mem>> -> memref<!tpu.dma_semaphore, #tpu.memory_space<semaphore_mem>>
        tpu.enqueue_indirect_dma source(%dma_start3A_205 : memref<128x128xf32, #tpu.memory_space<vmem>>) target(%dma_start3A_211 : memref<10112x128xf32, #tpu.memory_space<vmem_shared>>) offsets(%dma_start3A_208 : memref<128xi32, #tpu.memory_space<vmem>>) semaphore(%dma_start3A_213 : memref<!tpu.dma_semaphore, #tpu.memory_space<semaphore_mem>>) {add = true}
        %dma_wait3A_214 = arith.constant 0 : i32
        %dma_wait3A_215 = arith.constant 1 : i32
        %dma_wait3A_216 = arith.constant 1 : i32
        %dma_wait3A_217 = arith.constant 0 : i32
        %dma_wait3A_218 = arith.constant 0 : i32
        %dma_wait3A_219 = tpu.memref_slice %arg10[%dma_wait3A_215, %dma_wait3A_217, %dma_wait3A_218] : memref<2x128x128xf32, #tpu.memory_space<vmem>> -> memref<1x128x128xf32, #tpu.memory_space<vmem>>
        %dma_wait3A_220 = tpu.memref_squeeze %dma_wait3A_219 : memref<1x128x128xf32, #tpu.memory_space<vmem>> -> memref<128x128xf32, #tpu.memory_space<vmem>>
        %dma_wait3A_221 = arith.constant 0 : i32
        %dma_wait3A_222 = tpu.memref_slice %arg8[%dma_wait3A_214, %dma_wait3A_221] : memref<40x128xi32, #tpu.memory_space<vmem>> -> memref<1x128xi32, #tpu.memory_space<vmem>>
        %dma_wait3A_223 = tpu.memref_squeeze %dma_wait3A_222 : memref<1x128xi32, #tpu.memory_space<vmem>> -> memref<128xi32, #tpu.memory_space<vmem>>
        %dma_wait3A_224 = arith.constant 0 : i32
        %dma_wait3A_225 = arith.constant 0 : i32
        %dma_wait3A_226 = tpu.memref_slice %arg2[%dma_wait3A_224, %dma_wait3A_225] : memref<10000x128xf32, #tpu.memory_space<hbm>> -> memref<10000x128xf32, #tpu.memory_space<hbm>>
        %dma_wait3A_227 = tpu.memref_slice %arg11[%dma_wait3A_216] : memref<2x!tpu.dma_semaphore, #tpu.memory_space<semaphore_mem>> -> memref<1x!tpu.dma_semaphore, #tpu.memory_space<semaphore_mem>>
        %dma_wait3A_228 = tpu.memref_squeeze %dma_wait3A_227 : memref<1x!tpu.dma_semaphore, #tpu.memory_space<semaphore_mem>> -> memref<!tpu.dma_semaphore, #tpu.memory_space<semaphore_mem>>
        tpu.wait_indirect_dma semaphore(%dma_wait3A_228 : memref<!tpu.dma_semaphore, #tpu.memory_space<semaphore_mem>>) src(%dma_wait3A_226 : memref<10000x128xf32, #tpu.memory_space<hbm>>) dst(%dma_wait3A_220 : memref<128x128xf32, #tpu.memory_space<vmem>>)
        %mul3A_229 = arith.constant 2 : i32
        %mul3A_230 = arith.muli %scan3A_180, %mul3A_229 : i32
        %add3A_231 = arith.constant 1 : i32
        %add3A_232 = arith.addi %mul3A_230, %add3A_231 : i32
        %dma_start3A_233 = arith.constant 1 : i32
        %dma_start3A_234 = arith.constant 1 : i32
        %dma_start3A_235 = arith.constant 0 : i32
        %dma_start3A_236 = arith.constant 0 : i32
        %dma_start3A_237 = tpu.memref_slice %arg10[%dma_start3A_233, %dma_start3A_235, %dma_start3A_236] : memref<2x128x128xf32, #tpu.memory_space<vmem>> -> memref<1x128x128xf32, #tpu.memory_space<vmem>>
        %dma_start3A_238 = tpu.memref_squeeze %dma_start3A_237 : memref<1x128x128xf32, #tpu.memory_space<vmem>> -> memref<128x128xf32, #tpu.memory_space<vmem>>
        %dma_start3A_239 = arith.constant 0 : i32
        %dma_start3A_240 = tpu.memref_slice %arg9[%add3A_232, %dma_start3A_239] : memref<40x128xi32, #tpu.memory_space<vmem>> -> memref<1x128xi32, #tpu.memory_space<vmem>>
        %dma_start3A_241 = tpu.memref_squeeze %dma_start3A_240 : memref<1x128xi32, #tpu.memory_space<vmem>> -> memref<128xi32, #tpu.memory_space<vmem>>
        %dma_start3A_242 = arith.constant 0 : i32
        %dma_start3A_243 = arith.constant 0 : i32
        %dma_start3A_244 = tpu.memref_slice %arg7[%dma_start3A_242, %dma_start3A_243] : memref<10112x128xf32, #tpu.memory_space<vmem_shared>> -> memref<10112x128xf32, #tpu.memory_space<vmem_shared>>
        %dma_start3A_245 = tpu.memref_slice %arg12[%dma_start3A_234] : memref<2x!tpu.dma_semaphore, #tpu.memory_space<semaphore_mem>> -> memref<1x!tpu.dma_semaphore, #tpu.memory_space<semaphore_mem>>
        %dma_start3A_246 = tpu.memref_squeeze %dma_start3A_245 : memref<1x!tpu.dma_semaphore, #tpu.memory_space<semaphore_mem>> -> memref<!tpu.dma_semaphore, #tpu.memory_space<semaphore_mem>>
        tpu.enqueue_indirect_dma source(%dma_start3A_238 : memref<128x128xf32, #tpu.memory_space<vmem>>) target(%dma_start3A_244 : memref<10112x128xf32, #tpu.memory_space<vmem_shared>>) offsets(%dma_start3A_241 : memref<128xi32, #tpu.memory_space<vmem>>) semaphore(%dma_start3A_246 : memref<!tpu.dma_semaphore, #tpu.memory_space<semaphore_mem>>) {add = true}
        %dma_wait3A_247 = arith.constant 0 : i32
        %dma_wait3A_248 = arith.constant 0 : i32
        %dma_wait3A_249 = arith.constant 0 : i32
        %dma_wait3A_250 = arith.constant 0 : i32
        %dma_wait3A_251 = arith.constant 0 : i32
        %dma_wait3A_252 = tpu.memref_slice %arg10[%dma_wait3A_247, %dma_wait3A_250, %dma_wait3A_251] : memref<2x128x128xf32, #tpu.memory_space<vmem>> -> memref<1x128x128xf32, #tpu.memory_space<vmem>>
        %dma_wait3A_253 = tpu.memref_squeeze %dma_wait3A_252 : memref<1x128x128xf32, #tpu.memory_space<vmem>> -> memref<128x128xf32, #tpu.memory_space<vmem>>
        %dma_wait3A_254 = arith.constant 0 : i32
        %dma_wait3A_255 = tpu.memref_slice %arg9[%dma_wait3A_248, %dma_wait3A_254] : memref<40x128xi32, #tpu.memory_space<vmem>> -> memref<1x128xi32, #tpu.memory_space<vmem>>
        %dma_wait3A_256 = tpu.memref_squeeze %dma_wait3A_255 : memref<1x128xi32, #tpu.memory_space<vmem>> -> memref<128xi32, #tpu.memory_space<vmem>>
        %dma_wait3A_257 = arith.constant 0 : i32
        %dma_wait3A_258 = arith.constant 0 : i32
        %dma_wait3A_259 = tpu.memref_slice %arg7[%dma_wait3A_257, %dma_wait3A_258] : memref<10112x128xf32, #tpu.memory_space<vmem_shared>> -> memref<10112x128xf32, #tpu.memory_space<vmem_shared>>
        %dma_wait3A_260 = tpu.memref_slice %arg12[%dma_wait3A_249] : memref<2x!tpu.dma_semaphore, #tpu.memory_space<semaphore_mem>> -> memref<1x!tpu.dma_semaphore, #tpu.memory_space<semaphore_mem>>
        %dma_wait3A_261 = tpu.memref_squeeze %dma_wait3A_260 : memref<1x!tpu.dma_semaphore, #tpu.memory_space<semaphore_mem>> -> memref<!tpu.dma_semaphore, #tpu.memory_space<semaphore_mem>>
        tpu.wait_indirect_dma semaphore(%dma_wait3A_261 : memref<!tpu.dma_semaphore, #tpu.memory_space<semaphore_mem>>) src(%dma_wait3A_253 : memref<128x128xf32, #tpu.memory_space<vmem>>) dst(%dma_wait3A_259 : memref<10112x128xf32, #tpu.memory_space<vmem_shared>>)
        %add3A_262 = arith.constant 1 : i32
        %add3A_263 = arith.addi %scan3A_180, %add3A_262 : i32
        %mul3A_264 = arith.constant 2 : i32
        %mul3A_265 = arith.muli %add3A_263, %mul3A_264 : i32
        %add3A_266 = arith.constant 0 : i32
        %add3A_267 = arith.addi %mul3A_265, %add3A_266 : i32
        %dma_start3A_268 = arith.constant 0 : i32
        %dma_start3A_269 = arith.constant 0 : i32
        %dma_start3A_270 = arith.constant 0 : i32
        %dma_start3A_271 = arith.constant 0 : i32
        %dma_start3A_272 = tpu.memref_slice %arg10[%dma_start3A_268, %dma_start3A_270, %dma_start3A_271] : memref<2x128x128xf32, #tpu.memory_space<vmem>> -> memref<1x128x128xf32, #tpu.memory_space<vmem>>
        %dma_start3A_273 = tpu.memref_squeeze %dma_start3A_272 : memref<1x128x128xf32, #tpu.memory_space<vmem>> -> memref<128x128xf32, #tpu.memory_space<vmem>>
        %dma_start3A_274 = arith.constant 0 : i32
        %dma_start3A_275 = tpu.memref_slice %arg8[%add3A_267, %dma_start3A_274] : memref<40x128xi32, #tpu.memory_space<vmem>> -> memref<1x128xi32, #tpu.memory_space<vmem>>
        %dma_start3A_276 = tpu.memref_squeeze %dma_start3A_275 : memref<1x128xi32, #tpu.memory_space<vmem>> -> memref<128xi32, #tpu.memory_space<vmem>>
        %dma_start3A_277 = arith.constant 0 : i32
        %dma_start3A_278 = arith.constant 0 : i32
        %dma_start3A_279 = tpu.memref_slice %arg2[%dma_start3A_277, %dma_start3A_278] : memref<10000x128xf32, #tpu.memory_space<hbm>> -> memref<10000x128xf32, #tpu.memory_space<hbm>>
        %dma_start3A_280 = tpu.memref_slice %arg11[%dma_start3A_269] : memref<2x!tpu.dma_semaphore, #tpu.memory_space<semaphore_mem>> -> memref<1x!tpu.dma_semaphore, #tpu.memory_space<semaphore_mem>>
        %dma_start3A_281 = tpu.memref_squeeze %dma_start3A_280 : memref<1x!tpu.dma_semaphore, #tpu.memory_space<semaphore_mem>> -> memref<!tpu.dma_semaphore, #tpu.memory_space<semaphore_mem>>
        tpu.enqueue_indirect_dma source(%dma_start3A_279 : memref<10000x128xf32, #tpu.memory_space<hbm>>) target(%dma_start3A_273 : memref<128x128xf32, #tpu.memory_space<vmem>>) offsets(%dma_start3A_276 : memref<128xi32, #tpu.memory_space<vmem>>) semaphore(%dma_start3A_281 : memref<!tpu.dma_semaphore, #tpu.memory_space<semaphore_mem>>)
        %dma_wait3A_282 = arith.constant 1 : i32
        %dma_wait3A_283 = arith.constant 0 : i32
        %dma_wait3A_284 = arith.constant 1 : i32
        %dma_wait3A_285 = arith.constant 0 : i32
        %dma_wait3A_286 = arith.constant 0 : i32
        %dma_wait3A_287 = tpu.memref_slice %arg10[%dma_wait3A_282, %dma_wait3A_285, %dma_wait3A_286] : memref<2x128x128xf32, #tpu.memory_space<vmem>> -> memref<1x128x128xf32, #tpu.memory_space<vmem>>
        %dma_wait3A_288 = tpu.memref_squeeze %dma_wait3A_287 : memref<1x128x128xf32, #tpu.memory_space<vmem>> -> memref<128x128xf32, #tpu.memory_space<vmem>>
        %dma_wait3A_289 = arith.constant 0 : i32
        %dma_wait3A_290 = tpu.memref_slice %arg9[%dma_wait3A_283, %dma_wait3A_289] : memref<40x128xi32, #tpu.memory_space<vmem>> -> memref<1x128xi32, #tpu.memory_space<vmem>>
        %dma_wait3A_291 = tpu.memref_squeeze %dma_wait3A_290 : memref<1x128xi32, #tpu.memory_space<vmem>> -> memref<128xi32, #tpu.memory_space<vmem>>
        %dma_wait3A_292 = arith.constant 0 : i32
        %dma_wait3A_293 = arith.constant 0 : i32
        %dma_wait3A_294 = tpu.memref_slice %arg7[%dma_wait3A_292, %dma_wait3A_293] : memref<10112x128xf32, #tpu.memory_space<vmem_shared>> -> memref<10112x128xf32, #tpu.memory_space<vmem_shared>>
        %dma_wait3A_295 = tpu.memref_slice %arg12[%dma_wait3A_284] : memref<2x!tpu.dma_semaphore, #tpu.memory_space<semaphore_mem>> -> memref<1x!tpu.dma_semaphore, #tpu.memory_space<semaphore_mem>>
        %dma_wait3A_296 = tpu.memref_squeeze %dma_wait3A_295 : memref<1x!tpu.dma_semaphore, #tpu.memory_space<semaphore_mem>> -> memref<!tpu.dma_semaphore, #tpu.memory_space<semaphore_mem>>
        tpu.wait_indirect_dma semaphore(%dma_wait3A_296 : memref<!tpu.dma_semaphore, #tpu.memory_space<semaphore_mem>>) src(%dma_wait3A_288 : memref<128x128xf32, #tpu.memory_space<vmem>>) dst(%dma_wait3A_294 : memref<10112x128xf32, #tpu.memory_space<vmem_shared>>)
        %add3A_297 = arith.constant 1 : i32
        %add3A_298 = arith.addi %scan3A_180, %add3A_297 : i32
        %mul3A_299 = arith.constant 2 : i32
        %mul3A_300 = arith.muli %add3A_298, %mul3A_299 : i32
        %add3A_301 = arith.constant 1 : i32
        %add3A_302 = arith.addi %mul3A_300, %add3A_301 : i32
        %dma_start3A_303 = arith.constant 1 : i32
        %dma_start3A_304 = arith.constant 1 : i32
        %dma_start3A_305 = arith.constant 0 : i32
        %dma_start3A_306 = arith.constant 0 : i32
        %dma_start3A_307 = tpu.memref_slice %arg10[%dma_start3A_303, %dma_start3A_305, %dma_start3A_306] : memref<2x128x128xf32, #tpu.memory_space<vmem>> -> memref<1x128x128xf32, #tpu.memory_space<vmem>>
        %dma_start3A_308 = tpu.memref_squeeze %dma_start3A_307 : memref<1x128x128xf32, #tpu.memory_space<vmem>> -> memref<128x128xf32, #tpu.memory_space<vmem>>
        %dma_start3A_309 = arith.constant 0 : i32
        %dma_start3A_310 = tpu.memref_slice %arg8[%add3A_302, %dma_start3A_309] : memref<40x128xi32, #tpu.memory_space<vmem>> -> memref<1x128xi32, #tpu.memory_space<vmem>>
        %dma_start3A_311 = tpu.memref_squeeze %dma_start3A_310 : memref<1x128xi32, #tpu.memory_space<vmem>> -> memref<128xi32, #tpu.memory_space<vmem>>
        %dma_start3A_312 = arith.constant 0 : i32
        %dma_start3A_313 = arith.constant 0 : i32
        %dma_start3A_314 = tpu.memref_slice %arg2[%dma_start3A_312, %dma_start3A_313] : memref<10000x128xf32, #tpu.memory_space<hbm>> -> memref<10000x128xf32, #tpu.memory_space<hbm>>
        %dma_start3A_315 = tpu.memref_slice %arg11[%dma_start3A_304] : memref<2x!tpu.dma_semaphore, #tpu.memory_space<semaphore_mem>> -> memref<1x!tpu.dma_semaphore, #tpu.memory_space<semaphore_mem>>
        %dma_start3A_316 = tpu.memref_squeeze %dma_start3A_315 : memref<1x!tpu.dma_semaphore, #tpu.memory_space<semaphore_mem>> -> memref<!tpu.dma_semaphore, #tpu.memory_space<semaphore_mem>>
        tpu.enqueue_indirect_dma source(%dma_start3A_314 : memref<10000x128xf32, #tpu.memory_space<hbm>>) target(%dma_start3A_308 : memref<128x128xf32, #tpu.memory_space<vmem>>) offsets(%dma_start3A_311 : memref<128xi32, #tpu.memory_space<vmem>>) semaphore(%dma_start3A_316 : memref<!tpu.dma_semaphore, #tpu.memory_space<semaphore_mem>>)
      }
      %scan3A_90 = arith.constant 19 : i32
      %dma_wait3A = arith.constant 0 : i32
      %dma_wait3A_91 = arith.constant 0 : i32
      %dma_wait3A_92 = arith.constant 0 : i32
      %dma_wait3A_93 = arith.constant 0 : i32
      %dma_wait3A_94 = arith.constant 0 : i32
      %dma_wait3A_95 = tpu.memref_slice %arg10[%dma_wait3A_91, %dma_wait3A_93, %dma_wait3A_94] : memref<2x128x128xf32, #tpu.memory_space<vmem>> -> memref<1x128x128xf32, #tpu.memory_space<vmem>>
      %dma_wait3A_96 = tpu.memref_squeeze %dma_wait3A_95 : memref<1x128x128xf32, #tpu.memory_space<vmem>> -> memref<128x128xf32, #tpu.memory_space<vmem>>
      %dma_wait3A_97 = arith.constant 0 : i32
      %dma_wait3A_98 = tpu.memref_slice %arg8[%dma_wait3A, %dma_wait3A_97] : memref<40x128xi32, #tpu.memory_space<vmem>> -> memref<1x128xi32, #tpu.memory_space<vmem>>
      %dma_wait3A_99 = tpu.memref_squeeze %dma_wait3A_98 : memref<1x128xi32, #tpu.memory_space<vmem>> -> memref<128xi32, #tpu.memory_space<vmem>>
      %dma_wait3A_100 = arith.constant 0 : i32
      %dma_wait3A_101 = arith.constant 0 : i32
      %dma_wait3A_102 = tpu.memref_slice %arg2[%dma_wait3A_100, %dma_wait3A_101] : memref<10000x128xf32, #tpu.memory_space<hbm>> -> memref<10000x128xf32, #tpu.memory_space<hbm>>
      %dma_wait3A_103 = tpu.memref_slice %arg11[%dma_wait3A_92] : memref<2x!tpu.dma_semaphore, #tpu.memory_space<semaphore_mem>> -> memref<1x!tpu.dma_semaphore, #tpu.memory_space<semaphore_mem>>
      %dma_wait3A_104 = tpu.memref_squeeze %dma_wait3A_103 : memref<1x!tpu.dma_semaphore, #tpu.memory_space<semaphore_mem>> -> memref<!tpu.dma_semaphore, #tpu.memory_space<semaphore_mem>>
      tpu.wait_indirect_dma semaphore(%dma_wait3A_104 : memref<!tpu.dma_semaphore, #tpu.memory_space<semaphore_mem>>) src(%dma_wait3A_102 : memref<10000x128xf32, #tpu.memory_space<hbm>>) dst(%dma_wait3A_96 : memref<128x128xf32, #tpu.memory_space<vmem>>)
      %dma_start3A_105 = arith.constant 0 : i32
      %dma_start3A_106 = arith.constant 38 : i32
      %dma_start3A_107 = arith.constant 0 : i32
      %dma_start3A_108 = arith.constant 0 : i32
      %dma_start3A_109 = arith.constant 0 : i32
      %dma_start3A_110 = tpu.memref_slice %arg10[%dma_start3A_105, %dma_start3A_108, %dma_start3A_109] : memref<2x128x128xf32, #tpu.memory_space<vmem>> -> memref<1x128x128xf32, #tpu.memory_space<vmem>>
      %dma_start3A_111 = tpu.memref_squeeze %dma_start3A_110 : memref<1x128x128xf32, #tpu.memory_space<vmem>> -> memref<128x128xf32, #tpu.memory_space<vmem>>
      %dma_start3A_112 = arith.constant 0 : i32
      %dma_start3A_113 = tpu.memref_slice %arg9[%dma_start3A_106, %dma_start3A_112] : memref<40x128xi32, #tpu.memory_space<vmem>> -> memref<1x128xi32, #tpu.memory_space<vmem>>
      %dma_start3A_114 = tpu.memref_squeeze %dma_start3A_113 : memref<1x128xi32, #tpu.memory_space<vmem>> -> memref<128xi32, #tpu.memory_space<vmem>>
      %dma_start3A_115 = arith.constant 0 : i32
      %dma_start3A_116 = arith.constant 0 : i32
      %dma_start3A_117 = tpu.memref_slice %arg7[%dma_start3A_115, %dma_start3A_116] : memref<10112x128xf32, #tpu.memory_space<vmem_shared>> -> memref<10112x128xf32, #tpu.memory_space<vmem_shared>>
      %dma_start3A_118 = tpu.memref_slice %arg12[%dma_start3A_107] : memref<2x!tpu.dma_semaphore, #tpu.memory_space<semaphore_mem>> -> memref<1x!tpu.dma_semaphore, #tpu.memory_space<semaphore_mem>>
      %dma_start3A_119 = tpu.memref_squeeze %dma_start3A_118 : memref<1x!tpu.dma_semaphore, #tpu.memory_space<semaphore_mem>> -> memref<!tpu.dma_semaphore, #tpu.memory_space<semaphore_mem>>
      tpu.enqueue_indirect_dma source(%dma_start3A_111 : memref<128x128xf32, #tpu.memory_space<vmem>>) target(%dma_start3A_117 : memref<10112x128xf32, #tpu.memory_space<vmem_shared>>) offsets(%dma_start3A_114 : memref<128xi32, #tpu.memory_space<vmem>>) semaphore(%dma_start3A_119 : memref<!tpu.dma_semaphore, #tpu.memory_space<semaphore_mem>>) {add = true}
      %dma_wait3A_120 = arith.constant 0 : i32
      %dma_wait3A_121 = arith.constant 1 : i32
      %dma_wait3A_122 = arith.constant 1 : i32
      %dma_wait3A_123 = arith.constant 0 : i32
      %dma_wait3A_124 = arith.constant 0 : i32
      %dma_wait3A_125 = tpu.memref_slice %arg10[%dma_wait3A_121, %dma_wait3A_123, %dma_wait3A_124] : memref<2x128x128xf32, #tpu.memory_space<vmem>> -> memref<1x128x128xf32, #tpu.memory_space<vmem>>
      %dma_wait3A_126 = tpu.memref_squeeze %dma_wait3A_125 : memref<1x128x128xf32, #tpu.memory_space<vmem>> -> memref<128x128xf32, #tpu.memory_space<vmem>>
      %dma_wait3A_127 = arith.constant 0 : i32
      %dma_wait3A_128 = tpu.memref_slice %arg8[%dma_wait3A_120, %dma_wait3A_127] : memref<40x128xi32, #tpu.memory_space<vmem>> -> memref<1x128xi32, #tpu.memory_space<vmem>>
      %dma_wait3A_129 = tpu.memref_squeeze %dma_wait3A_128 : memref<1x128xi32, #tpu.memory_space<vmem>> -> memref<128xi32, #tpu.memory_space<vmem>>
      %dma_wait3A_130 = arith.constant 0 : i32
      %dma_wait3A_131 = arith.constant 0 : i32
      %dma_wait3A_132 = tpu.memref_slice %arg2[%dma_wait3A_130, %dma_wait3A_131] : memref<10000x128xf32, #tpu.memory_space<hbm>> -> memref<10000x128xf32, #tpu.memory_space<hbm>>
      %dma_wait3A_133 = tpu.memref_slice %arg11[%dma_wait3A_122] : memref<2x!tpu.dma_semaphore, #tpu.memory_space<semaphore_mem>> -> memref<1x!tpu.dma_semaphore, #tpu.memory_space<semaphore_mem>>
      %dma_wait3A_134 = tpu.memref_squeeze %dma_wait3A_133 : memref<1x!tpu.dma_semaphore, #tpu.memory_space<semaphore_mem>> -> memref<!tpu.dma_semaphore, #tpu.memory_space<semaphore_mem>>
      tpu.wait_indirect_dma semaphore(%dma_wait3A_134 : memref<!tpu.dma_semaphore, #tpu.memory_space<semaphore_mem>>) src(%dma_wait3A_132 : memref<10000x128xf32, #tpu.memory_space<hbm>>) dst(%dma_wait3A_126 : memref<128x128xf32, #tpu.memory_space<vmem>>)
      %dma_start3A_135 = arith.constant 1 : i32
      %dma_start3A_136 = arith.constant 39 : i32
      %dma_start3A_137 = arith.constant 1 : i32
      %dma_start3A_138 = arith.constant 0 : i32
      %dma_start3A_139 = arith.constant 0 : i32
      %dma_start3A_140 = tpu.memref_slice %arg10[%dma_start3A_135, %dma_start3A_138, %dma_start3A_139] : memref<2x128x128xf32, #tpu.memory_space<vmem>> -> memref<1x128x128xf32, #tpu.memory_space<vmem>>
      %dma_start3A_141 = tpu.memref_squeeze %dma_start3A_140 : memref<1x128x128xf32, #tpu.memory_space<vmem>> -> memref<128x128xf32, #tpu.memory_space<vmem>>
      %dma_start3A_142 = arith.constant 0 : i32
      %dma_start3A_143 = tpu.memref_slice %arg9[%dma_start3A_136, %dma_start3A_142] : memref<40x128xi32, #tpu.memory_space<vmem>> -> memref<1x128xi32, #tpu.memory_space<vmem>>
      %dma_start3A_144 = tpu.memref_squeeze %dma_start3A_143 : memref<1x128xi32, #tpu.memory_space<vmem>> -> memref<128xi32, #tpu.memory_space<vmem>>
      %dma_start3A_145 = arith.constant 0 : i32
      %dma_start3A_146 = arith.constant 0 : i32
      %dma_start3A_147 = tpu.memref_slice %arg7[%dma_start3A_145, %dma_start3A_146] : memref<10112x128xf32, #tpu.memory_space<vmem_shared>> -> memref<10112x128xf32, #tpu.memory_space<vmem_shared>>
      %dma_start3A_148 = tpu.memref_slice %arg12[%dma_start3A_137] : memref<2x!tpu.dma_semaphore, #tpu.memory_space<semaphore_mem>> -> memref<1x!tpu.dma_semaphore, #tpu.memory_space<semaphore_mem>>
      %dma_start3A_149 = tpu.memref_squeeze %dma_start3A_148 : memref<1x!tpu.dma_semaphore, #tpu.memory_space<semaphore_mem>> -> memref<!tpu.dma_semaphore, #tpu.memory_space<semaphore_mem>>
      tpu.enqueue_indirect_dma source(%dma_start3A_141 : memref<128x128xf32, #tpu.memory_space<vmem>>) target(%dma_start3A_147 : memref<10112x128xf32, #tpu.memory_space<vmem_shared>>) offsets(%dma_start3A_144 : memref<128xi32, #tpu.memory_space<vmem>>) semaphore(%dma_start3A_149 : memref<!tpu.dma_semaphore, #tpu.memory_space<semaphore_mem>>) {add = true}
      %dma_wait3A_150 = arith.constant 0 : i32
      %dma_wait3A_151 = arith.constant 0 : i32
      %dma_wait3A_152 = arith.constant 0 : i32
      %dma_wait3A_153 = arith.constant 0 : i32
      %dma_wait3A_154 = arith.constant 0 : i32
      %dma_wait3A_155 = tpu.memref_slice %arg10[%dma_wait3A_150, %dma_wait3A_153, %dma_wait3A_154] : memref<2x128x128xf32, #tpu.memory_space<vmem>> -> memref<1x128x128xf32, #tpu.memory_space<vmem>>
      %dma_wait3A_156 = tpu.memref_squeeze %dma_wait3A_155 : memref<1x128x128xf32, #tpu.memory_space<vmem>> -> memref<128x128xf32, #tpu.memory_space<vmem>>
      %dma_wait3A_157 = arith.constant 0 : i32
      %dma_wait3A_158 = tpu.memref_slice %arg9[%dma_wait3A_151, %dma_wait3A_157] : memref<40x128xi32, #tpu.memory_space<vmem>> -> memref<1x128xi32, #tpu.memory_space<vmem>>
      %dma_wait3A_159 = tpu.memref_squeeze %dma_wait3A_158 : memref<1x128xi32, #tpu.memory_space<vmem>> -> memref<128xi32, #tpu.memory_space<vmem>>
      %dma_wait3A_160 = arith.constant 0 : i32
      %dma_wait3A_161 = arith.constant 0 : i32
      %dma_wait3A_162 = tpu.memref_slice %arg7[%dma_wait3A_160, %dma_wait3A_161] : memref<10112x128xf32, #tpu.memory_space<vmem_shared>> -> memref<10112x128xf32, #tpu.memory_space<vmem_shared>>
      %dma_wait3A_163 = tpu.memref_slice %arg12[%dma_wait3A_152] : memref<2x!tpu.dma_semaphore, #tpu.memory_space<semaphore_mem>> -> memref<1x!tpu.dma_semaphore, #tpu.memory_space<semaphore_mem>>
      %dma_wait3A_164 = tpu.memref_squeeze %dma_wait3A_163 : memref<1x!tpu.dma_semaphore, #tpu.memory_space<semaphore_mem>> -> memref<!tpu.dma_semaphore, #tpu.memory_space<semaphore_mem>>
      tpu.wait_indirect_dma semaphore(%dma_wait3A_164 : memref<!tpu.dma_semaphore, #tpu.memory_space<semaphore_mem>>) src(%dma_wait3A_156 : memref<128x128xf32, #tpu.memory_space<vmem>>) dst(%dma_wait3A_162 : memref<10112x128xf32, #tpu.memory_space<vmem_shared>>)
      %dma_wait3A_165 = arith.constant 1 : i32
      %dma_wait3A_166 = arith.constant 0 : i32
      %dma_wait3A_167 = arith.constant 1 : i32
      %dma_wait3A_168 = arith.constant 0 : i32
      %dma_wait3A_169 = arith.constant 0 : i32
      %dma_wait3A_170 = tpu.memref_slice %arg10[%dma_wait3A_165, %dma_wait3A_168, %dma_wait3A_169] : memref<2x128x128xf32, #tpu.memory_space<vmem>> -> memref<1x128x128xf32, #tpu.memory_space<vmem>>
      %dma_wait3A_171 = tpu.memref_squeeze %dma_wait3A_170 : memref<1x128x128xf32, #tpu.memory_space<vmem>> -> memref<128x128xf32, #tpu.memory_space<vmem>>
      %dma_wait3A_172 = arith.constant 0 : i32
      %dma_wait3A_173 = tpu.memref_slice %arg9[%dma_wait3A_166, %dma_wait3A_172] : memref<40x128xi32, #tpu.memory_space<vmem>> -> memref<1x128xi32, #tpu.memory_space<vmem>>
      %dma_wait3A_174 = tpu.memref_squeeze %dma_wait3A_173 : memref<1x128xi32, #tpu.memory_space<vmem>> -> memref<128xi32, #tpu.memory_space<vmem>>
      %dma_wait3A_175 = arith.constant 0 : i32
      %dma_wait3A_176 = arith.constant 0 : i32
      %dma_wait3A_177 = tpu.memref_slice %arg7[%dma_wait3A_175, %dma_wait3A_176] : memref<10112x128xf32, #tpu.memory_space<vmem_shared>> -> memref<10112x128xf32, #tpu.memory_space<vmem_shared>>
      %dma_wait3A_178 = tpu.memref_slice %arg12[%dma_wait3A_167] : memref<2x!tpu.dma_semaphore, #tpu.memory_space<semaphore_mem>> -> memref<1x!tpu.dma_semaphore, #tpu.memory_space<semaphore_mem>>
      %dma_wait3A_179 = tpu.memref_squeeze %dma_wait3A_178 : memref<1x!tpu.dma_semaphore, #tpu.memory_space<semaphore_mem>> -> memref<!tpu.dma_semaphore, #tpu.memory_space<semaphore_mem>>
      tpu.wait_indirect_dma semaphore(%dma_wait3A_179 : memref<!tpu.dma_semaphore, #tpu.memory_space<semaphore_mem>>) src(%dma_wait3A_171 : memref<128x128xf32, #tpu.memory_space<vmem>>) dst(%dma_wait3A_177 : memref<10112x128xf32, #tpu.memory_space<vmem_shared>>)
    }
    %while3A_29 = arith.constant 1 : i32
    scf.for %while3A_53 = %while3A_27 to %while3A_23 step %while3A_29  : i32 {
      %mul3A_54 = arith.constant 40 : i32
      %mul3A_55 = arith.muli %while3A_53, %mul3A_54 : i32
      %add3A_56 = arith.addi %select_n3A_20, %mul3A_55 : i32
      "tpu.region"() ({
        %run_scoped3A = tpu.sem_alloc : memref<!tpu.dma_semaphore, #tpu.memory_space<semaphore_mem>>
        %dma_start3A_180 = arith.constant 0 : i32
        %dma_start3A_181 = tpu.memref_slice %arg3[%add3A_56, %dma_start3A_180] : memref<2560x128xi32, #tpu.memory_space<hbm>> -> memref<40x128xi32, #tpu.memory_space<hbm>>
        %dma_start3A_182 = arith.constant 0 : i32
        %dma_start3A_183 = tpu.memref_slice %arg3[%add3A_56, %dma_start3A_182] : memref<2560x128xi32, #tpu.memory_space<hbm>> -> memref<40x128xi32, #tpu.memory_space<hbm>>
        tpu.enqueue_dma source(%dma_start3A_183 : memref<40x128xi32, #tpu.memory_space<hbm>>) target(%arg8 : memref<40x128xi32, #tpu.memory_space<vmem>>) target_semaphore(%run_scoped3A : memref<!tpu.dma_semaphore, #tpu.memory_space<semaphore_mem>>)
        %dma_wait3A_184 = arith.constant 0 : i32
        %dma_wait3A_185 = tpu.memref_slice %arg3[%add3A_56, %dma_wait3A_184] : memref<2560x128xi32, #tpu.memory_space<hbm>> -> memref<40x128xi32, #tpu.memory_space<hbm>>
        %dma_wait3A_186 = arith.constant 0 : i32
        %dma_wait3A_187 = tpu.memref_slice %arg3[%add3A_56, %dma_wait3A_186] : memref<2560x128xi32, #tpu.memory_space<hbm>> -> memref<40x128xi32, #tpu.memory_space<hbm>>
        tpu.wait_dma2 semaphore(%run_scoped3A : memref<!tpu.dma_semaphore, #tpu.memory_space<semaphore_mem>>) src(%dma_wait3A_187 : memref<40x128xi32, #tpu.memory_space<hbm>>) dst(%arg8 : memref<40x128xi32, #tpu.memory_space<vmem>>)
        tpu.yield
      }) : () -> ()
      "tpu.region"() ({
        %run_scoped3A = tpu.sem_alloc : memref<!tpu.dma_semaphore, #tpu.memory_space<semaphore_mem>>
        %dma_start3A_180 = arith.constant 0 : i32
        %dma_start3A_181 = tpu.memref_slice %arg4[%add3A_56, %dma_start3A_180] : memref<2560x128xi32, #tpu.memory_space<hbm>> -> memref<40x128xi32, #tpu.memory_space<hbm>>
        %dma_start3A_182 = arith.constant 0 : i32
        %dma_start3A_183 = tpu.memref_slice %arg4[%add3A_56, %dma_start3A_182] : memref<2560x128xi32, #tpu.memory_space<hbm>> -> memref<40x128xi32, #tpu.memory_space<hbm>>
        tpu.enqueue_dma source(%dma_start3A_183 : memref<40x128xi32, #tpu.memory_space<hbm>>) target(%arg9 : memref<40x128xi32, #tpu.memory_space<vmem>>) target_semaphore(%run_scoped3A : memref<!tpu.dma_semaphore, #tpu.memory_space<semaphore_mem>>)
        %dma_wait3A_184 = arith.constant 0 : i32
        %dma_wait3A_185 = tpu.memref_slice %arg4[%add3A_56, %dma_wait3A_184] : memref<2560x128xi32, #tpu.memory_space<hbm>> -> memref<40x128xi32, #tpu.memory_space<hbm>>
        %dma_wait3A_186 = arith.constant 0 : i32
        %dma_wait3A_187 = tpu.memref_slice %arg4[%add3A_56, %dma_wait3A_186] : memref<2560x128xi32, #tpu.memory_space<hbm>> -> memref<40x128xi32, #tpu.memory_space<hbm>>
        tpu.wait_dma2 semaphore(%run_scoped3A : memref<!tpu.dma_semaphore, #tpu.memory_space<semaphore_mem>>) src(%dma_wait3A_187 : memref<40x128xi32, #tpu.memory_space<hbm>>) dst(%arg9 : memref<40x128xi32, #tpu.memory_space<vmem>>)
        tpu.yield
      }) : () -> ()
      %dma_start3A = arith.constant 0 : i32
      %dma_start3A_57 = arith.constant 0 : i32
      %dma_start3A_58 = arith.constant 0 : i32
      %dma_start3A_59 = arith.constant 0 : i32
      %dma_start3A_60 = arith.constant 0 : i32
      %dma_start3A_61 = tpu.memref_slice %arg10[%dma_start3A_57, %dma_start3A_59, %dma_start3A_60] : memref<2x128x128xf32, #tpu.memory_space<vmem>> -> memref<1x128x128xf32, #tpu.memory_space<vmem>>
      %dma_start3A_62 = tpu.memref_squeeze %dma_start3A_61 : memref<1x128x128xf32, #tpu.memory_space<vmem>> -> memref<128x128xf32, #tpu.memory_space<vmem>>
      %dma_start3A_63 = arith.constant 0 : i32
      %dma_start3A_64 = tpu.memref_slice %arg8[%dma_start3A, %dma_start3A_63] : memref<40x128xi32, #tpu.memory_space<vmem>> -> memref<1x128xi32, #tpu.memory_space<vmem>>
      %dma_start3A_65 = tpu.memref_squeeze %dma_start3A_64 : memref<1x128xi32, #tpu.memory_space<vmem>> -> memref<128xi32, #tpu.memory_space<vmem>>
      %dma_start3A_66 = arith.constant 0 : i32
      %dma_start3A_67 = arith.constant 0 : i32
      %dma_start3A_68 = tpu.memref_slice %arg2[%dma_start3A_66, %dma_start3A_67] : memref<10000x128xf32, #tpu.memory_space<hbm>> -> memref<10000x128xf32, #tpu.memory_space<hbm>>
      %dma_start3A_69 = tpu.memref_slice %arg11[%dma_start3A_58] : memref<2x!tpu.dma_semaphore, #tpu.memory_space<semaphore_mem>> -> memref<1x!tpu.dma_semaphore, #tpu.memory_space<semaphore_mem>>
      %dma_start3A_70 = tpu.memref_squeeze %dma_start3A_69 : memref<1x!tpu.dma_semaphore, #tpu.memory_space<semaphore_mem>> -> memref<!tpu.dma_semaphore, #tpu.memory_space<semaphore_mem>>
      tpu.enqueue_indirect_dma source(%dma_start3A_68 : memref<10000x128xf32, #tpu.memory_space<hbm>>) target(%dma_start3A_62 : memref<128x128xf32, #tpu.memory_space<vmem>>) offsets(%dma_start3A_65 : memref<128xi32, #tpu.memory_space<vmem>>) semaphore(%dma_start3A_70 : memref<!tpu.dma_semaphore, #tpu.memory_space<semaphore_mem>>)
      %dma_start3A_71 = arith.constant 1 : i32
      %dma_start3A_72 = arith.constant 1 : i32
      %dma_start3A_73 = arith.constant 1 : i32
      %dma_start3A_74 = arith.constant 0 : i32
      %dma_start3A_75 = arith.constant 0 : i32
      %dma_start3A_76 = tpu.memref_slice %arg10[%dma_start3A_72, %dma_start3A_74, %dma_start3A_75] : memref<2x128x128xf32, #tpu.memory_space<vmem>> -> memref<1x128x128xf32, #tpu.memory_space<vmem>>
      %dma_start3A_77 = tpu.memref_squeeze %dma_start3A_76 : memref<1x128x128xf32, #tpu.memory_space<vmem>> -> memref<128x128xf32, #tpu.memory_space<vmem>>
      %dma_start3A_78 = arith.constant 0 : i32
      %dma_start3A_79 = tpu.memref_slice %arg8[%dma_start3A_71, %dma_start3A_78] : memref<40x128xi32, #tpu.memory_space<vmem>> -> memref<1x128xi32, #tpu.memory_space<vmem>>
      %dma_start3A_80 = tpu.memref_squeeze %dma_start3A_79 : memref<1x128xi32, #tpu.memory_space<vmem>> -> memref<128xi32, #tpu.memory_space<vmem>>
      %dma_start3A_81 = arith.constant 0 : i32
      %dma_start3A_82 = arith.constant 0 : i32
      %dma_start3A_83 = tpu.memref_slice %arg2[%dma_start3A_81, %dma_start3A_82] : memref<10000x128xf32, #tpu.memory_space<hbm>> -> memref<10000x128xf32, #tpu.memory_space<hbm>>
      %dma_start3A_84 = tpu.memref_slice %arg11[%dma_start3A_73] : memref<2x!tpu.dma_semaphore, #tpu.memory_space<semaphore_mem>> -> memref<1x!tpu.dma_semaphore, #tpu.memory_space<semaphore_mem>>
      %dma_start3A_85 = tpu.memref_squeeze %dma_start3A_84 : memref<1x!tpu.dma_semaphore, #tpu.memory_space<semaphore_mem>> -> memref<!tpu.dma_semaphore, #tpu.memory_space<semaphore_mem>>
      tpu.enqueue_indirect_dma source(%dma_start3A_83 : memref<10000x128xf32, #tpu.memory_space<hbm>>) target(%dma_start3A_77 : memref<128x128xf32, #tpu.memory_space<vmem>>) offsets(%dma_start3A_80 : memref<128xi32, #tpu.memory_space<vmem>>) semaphore(%dma_start3A_85 : memref<!tpu.dma_semaphore, #tpu.memory_space<semaphore_mem>>)
      %scan3A = arith.constant 0 : i32
      %scan3A_86 = arith.constant 0 : i32
      %scan3A_87 = arith.constant 19 : i32
      %scan3A_88 = arith.addi %scan3A_86, %scan3A_87 : i32
      %scan3A_89 = arith.constant 1 : i32
      scf.for %scan3A_180 = %scan3A_86 to %scan3A_88 step %scan3A_89  : i32 {
        %dma_wait3A_181 = arith.constant 0 : i32
        %dma_wait3A_182 = arith.constant 0 : i32
        %dma_wait3A_183 = arith.constant 0 : i32
        %dma_wait3A_184 = arith.constant 0 : i32
        %dma_wait3A_185 = arith.constant 0 : i32
        %dma_wait3A_186 = tpu.memref_slice %arg10[%dma_wait3A_182, %dma_wait3A_184, %dma_wait3A_185] : memref<2x128x128xf32, #tpu.memory_space<vmem>> -> memref<1x128x128xf32, #tpu.memory_space<vmem>>
        %dma_wait3A_187 = tpu.memref_squeeze %dma_wait3A_186 : memref<1x128x128xf32, #tpu.memory_space<vmem>> -> memref<128x128xf32, #tpu.memory_space<vmem>>
        %dma_wait3A_188 = arith.constant 0 : i32
        %dma_wait3A_189 = tpu.memref_slice %arg8[%dma_wait3A_181, %dma_wait3A_188] : memref<40x128xi32, #tpu.memory_space<vmem>> -> memref<1x128xi32, #tpu.memory_space<vmem>>
        %dma_wait3A_190 = tpu.memref_squeeze %dma_wait3A_189 : memref<1x128xi32, #tpu.memory_space<vmem>> -> memref<128xi32, #tpu.memory_space<vmem>>
        %dma_wait3A_191 = arith.constant 0 : i32
        %dma_wait3A_192 = arith.constant 0 : i32
        %dma_wait3A_193 = tpu.memref_slice %arg2[%dma_wait3A_191, %dma_wait3A_192] : memref<10000x128xf32, #tpu.memory_space<hbm>> -> memref<10000x128xf32, #tpu.memory_space<hbm>>
        %dma_wait3A_194 = tpu.memref_slice %arg11[%dma_wait3A_183] : memref<2x!tpu.dma_semaphore, #tpu.memory_space<semaphore_mem>> -> memref<1x!tpu.dma_semaphore, #tpu.memory_space<semaphore_mem>>
        %dma_wait3A_195 = tpu.memref_squeeze %dma_wait3A_194 : memref<1x!tpu.dma_semaphore, #tpu.memory_space<semaphore_mem>> -> memref<!tpu.dma_semaphore, #tpu.memory_space<semaphore_mem>>
        tpu.wait_indirect_dma semaphore(%dma_wait3A_195 : memref<!tpu.dma_semaphore, #tpu.memory_space<semaphore_mem>>) src(%dma_wait3A_193 : memref<10000x128xf32, #tpu.memory_space<hbm>>) dst(%dma_wait3A_187 : memref<128x128xf32, #tpu.memory_space<vmem>>)
        %mul3A_196 = arith.constant 2 : i32
        %mul3A_197 = arith.muli %scan3A_180, %mul3A_196 : i32
        %add3A_198 = arith.constant 0 : i32
        %add3A_199 = arith.addi %mul3A_197, %add3A_198 : i32
        %dma_start3A_200 = arith.constant 0 : i32
        %dma_start3A_201 = arith.constant 0 : i32
        %dma_start3A_202 = arith.constant 0 : i32
        %dma_start3A_203 = arith.constant 0 : i32
        %dma_start3A_204 = tpu.memref_slice %arg10[%dma_start3A_200, %dma_start3A_202, %dma_start3A_203] : memref<2x128x128xf32, #tpu.memory_space<vmem>> -> memref<1x128x128xf32, #tpu.memory_space<vmem>>
        %dma_start3A_205 = tpu.memref_squeeze %dma_start3A_204 : memref<1x128x128xf32, #tpu.memory_space<vmem>> -> memref<128x128xf32, #tpu.memory_space<vmem>>
        %dma_start3A_206 = arith.constant 0 : i32
        %dma_start3A_207 = tpu.memref_slice %arg9[%add3A_199, %dma_start3A_206] : memref<40x128xi32, #tpu.memory_space<vmem>> -> memref<1x128xi32, #tpu.memory_space<vmem>>
        %dma_start3A_208 = tpu.memref_squeeze %dma_start3A_207 : memref<1x128xi32, #tpu.memory_space<vmem>> -> memref<128xi32, #tpu.memory_space<vmem>>
        %dma_start3A_209 = arith.constant 0 : i32
        %dma_start3A_210 = arith.constant 0 : i32
        %dma_start3A_211 = tpu.memref_slice %arg7[%dma_start3A_209, %dma_start3A_210] : memref<10112x128xf32, #tpu.memory_space<vmem_shared>> -> memref<10112x128xf32, #tpu.memory_space<vmem_shared>>
        %dma_start3A_212 = tpu.memref_slice %arg12[%dma_start3A_201] : memref<2x!tpu.dma_semaphore, #tpu.memory_space<semaphore_mem>> -> memref<1x!tpu.dma_semaphore, #tpu.memory_space<semaphore_mem>>
        %dma_start3A_213 = tpu.memref_squeeze %dma_start3A_212 : memref<1x!tpu.dma_semaphore, #tpu.memory_space<semaphore_mem>> -> memref<!tpu.dma_semaphore, #tpu.memory_space<semaphore_mem>>
        tpu.enqueue_indirect_dma source(%dma_start3A_205 : memref<128x128xf32, #tpu.memory_space<vmem>>) target(%dma_start3A_211 : memref<10112x128xf32, #tpu.memory_space<vmem_shared>>) offsets(%dma_start3A_208 : memref<128xi32, #tpu.memory_space<vmem>>) semaphore(%dma_start3A_213 : memref<!tpu.dma_semaphore, #tpu.memory_space<semaphore_mem>>) {add = true}
        %dma_wait3A_214 = arith.constant 0 : i32
        %dma_wait3A_215 = arith.constant 1 : i32
        %dma_wait3A_216 = arith.constant 1 : i32
        %dma_wait3A_217 = arith.constant 0 : i32
        %dma_wait3A_218 = arith.constant 0 : i32
        %dma_wait3A_219 = tpu.memref_slice %arg10[%dma_wait3A_215, %dma_wait3A_217, %dma_wait3A_218] : memref<2x128x128xf32, #tpu.memory_space<vmem>> -> memref<1x128x128xf32, #tpu.memory_space<vmem>>
        %dma_wait3A_220 = tpu.memref_squeeze %dma_wait3A_219 : memref<1x128x128xf32, #tpu.memory_space<vmem>> -> memref<128x128xf32, #tpu.memory_space<vmem>>
        %dma_wait3A_221 = arith.constant 0 : i32
        %dma_wait3A_222 = tpu.memref_slice %arg8[%dma_wait3A_214, %dma_wait3A_221] : memref<40x128xi32, #tpu.memory_space<vmem>> -> memref<1x128xi32, #tpu.memory_space<vmem>>
        %dma_wait3A_223 = tpu.memref_squeeze %dma_wait3A_222 : memref<1x128xi32, #tpu.memory_space<vmem>> -> memref<128xi32, #tpu.memory_space<vmem>>
        %dma_wait3A_224 = arith.constant 0 : i32
        %dma_wait3A_225 = arith.constant 0 : i32
        %dma_wait3A_226 = tpu.memref_slice %arg2[%dma_wait3A_224, %dma_wait3A_225] : memref<10000x128xf32, #tpu.memory_space<hbm>> -> memref<10000x128xf32, #tpu.memory_space<hbm>>
        %dma_wait3A_227 = tpu.memref_slice %arg11[%dma_wait3A_216] : memref<2x!tpu.dma_semaphore, #tpu.memory_space<semaphore_mem>> -> memref<1x!tpu.dma_semaphore, #tpu.memory_space<semaphore_mem>>
        %dma_wait3A_228 = tpu.memref_squeeze %dma_wait3A_227 : memref<1x!tpu.dma_semaphore, #tpu.memory_space<semaphore_mem>> -> memref<!tpu.dma_semaphore, #tpu.memory_space<semaphore_mem>>
        tpu.wait_indirect_dma semaphore(%dma_wait3A_228 : memref<!tpu.dma_semaphore, #tpu.memory_space<semaphore_mem>>) src(%dma_wait3A_226 : memref<10000x128xf32, #tpu.memory_space<hbm>>) dst(%dma_wait3A_220 : memref<128x128xf32, #tpu.memory_space<vmem>>)
        %mul3A_229 = arith.constant 2 : i32
        %mul3A_230 = arith.muli %scan3A_180, %mul3A_229 : i32
        %add3A_231 = arith.constant 1 : i32
        %add3A_232 = arith.addi %mul3A_230, %add3A_231 : i32
        %dma_start3A_233 = arith.constant 1 : i32
        %dma_start3A_234 = arith.constant 1 : i32
        %dma_start3A_235 = arith.constant 0 : i32
        %dma_start3A_236 = arith.constant 0 : i32
        %dma_start3A_237 = tpu.memref_slice %arg10[%dma_start3A_233, %dma_start3A_235, %dma_start3A_236] : memref<2x128x128xf32, #tpu.memory_space<vmem>> -> memref<1x128x128xf32, #tpu.memory_space<vmem>>
        %dma_start3A_238 = tpu.memref_squeeze %dma_start3A_237 : memref<1x128x128xf32, #tpu.memory_space<vmem>> -> memref<128x128xf32, #tpu.memory_space<vmem>>
        %dma_start3A_239 = arith.constant 0 : i32
        %dma_start3A_240 = tpu.memref_slice %arg9[%add3A_232, %dma_start3A_239] : memref<40x128xi32, #tpu.memory_space<vmem>> -> memref<1x128xi32, #tpu.memory_space<vmem>>
        %dma_start3A_241 = tpu.memref_squeeze %dma_start3A_240 : memref<1x128xi32, #tpu.memory_space<vmem>> -> memref<128xi32, #tpu.memory_space<vmem>>
        %dma_start3A_242 = arith.constant 0 : i32
        %dma_start3A_243 = arith.constant 0 : i32
        %dma_start3A_244 = tpu.memref_slice %arg7[%dma_start3A_242, %dma_start3A_243] : memref<10112x128xf32, #tpu.memory_space<vmem_shared>> -> memref<10112x128xf32, #tpu.memory_space<vmem_shared>>
        %dma_start3A_245 = tpu.memref_slice %arg12[%dma_start3A_234] : memref<2x!tpu.dma_semaphore, #tpu.memory_space<semaphore_mem>> -> memref<1x!tpu.dma_semaphore, #tpu.memory_space<semaphore_mem>>
        %dma_start3A_246 = tpu.memref_squeeze %dma_start3A_245 : memref<1x!tpu.dma_semaphore, #tpu.memory_space<semaphore_mem>> -> memref<!tpu.dma_semaphore, #tpu.memory_space<semaphore_mem>>
        tpu.enqueue_indirect_dma source(%dma_start3A_238 : memref<128x128xf32, #tpu.memory_space<vmem>>) target(%dma_start3A_244 : memref<10112x128xf32, #tpu.memory_space<vmem_shared>>) offsets(%dma_start3A_241 : memref<128xi32, #tpu.memory_space<vmem>>) semaphore(%dma_start3A_246 : memref<!tpu.dma_semaphore, #tpu.memory_space<semaphore_mem>>) {add = true}
        %dma_wait3A_247 = arith.constant 0 : i32
        %dma_wait3A_248 = arith.constant 0 : i32
        %dma_wait3A_249 = arith.constant 0 : i32
        %dma_wait3A_250 = arith.constant 0 : i32
        %dma_wait3A_251 = arith.constant 0 : i32
        %dma_wait3A_252 = tpu.memref_slice %arg10[%dma_wait3A_247, %dma_wait3A_250, %dma_wait3A_251] : memref<2x128x128xf32, #tpu.memory_space<vmem>> -> memref<1x128x128xf32, #tpu.memory_space<vmem>>
        %dma_wait3A_253 = tpu.memref_squeeze %dma_wait3A_252 : memref<1x128x128xf32, #tpu.memory_space<vmem>> -> memref<128x128xf32, #tpu.memory_space<vmem>>
        %dma_wait3A_254 = arith.constant 0 : i32
        %dma_wait3A_255 = tpu.memref_slice %arg9[%dma_wait3A_248, %dma_wait3A_254] : memref<40x128xi32, #tpu.memory_space<vmem>> -> memref<1x128xi32, #tpu.memory_space<vmem>>
        %dma_wait3A_256 = tpu.memref_squeeze %dma_wait3A_255 : memref<1x128xi32, #tpu.memory_space<vmem>> -> memref<128xi32, #tpu.memory_space<vmem>>
        %dma_wait3A_257 = arith.constant 0 : i32
        %dma_wait3A_258 = arith.constant 0 : i32
        %dma_wait3A_259 = tpu.memref_slice %arg7[%dma_wait3A_257, %dma_wait3A_258] : memref<10112x128xf32, #tpu.memory_space<vmem_shared>> -> memref<10112x128xf32, #tpu.memory_space<vmem_shared>>
        %dma_wait3A_260 = tpu.memref_slice %arg12[%dma_wait3A_249] : memref<2x!tpu.dma_semaphore, #tpu.memory_space<semaphore_mem>> -> memref<1x!tpu.dma_semaphore, #tpu.memory_space<semaphore_mem>>
        %dma_wait3A_261 = tpu.memref_squeeze %dma_wait3A_260 : memref<1x!tpu.dma_semaphore, #tpu.memory_space<semaphore_mem>> -> memref<!tpu.dma_semaphore, #tpu.memory_space<semaphore_mem>>
        tpu.wait_indirect_dma semaphore(%dma_wait3A_261 : memref<!tpu.dma_semaphore, #tpu.memory_space<semaphore_mem>>) src(%dma_wait3A_253 : memref<128x128xf32, #tpu.memory_space<vmem>>) dst(%dma_wait3A_259 : memref<10112x128xf32, #tpu.memory_space<vmem_shared>>)
        %add3A_262 = arith.constant 1 : i32
        %add3A_263 = arith.addi %scan3A_180, %add3A_262 : i32
        %mul3A_264 = arith.constant 2 : i32
        %mul3A_265 = arith.muli %add3A_263, %mul3A_264 : i32
        %add3A_266 = arith.constant 0 : i32
        %add3A_267 = arith.addi %mul3A_265, %add3A_266 : i32
        %dma_start3A_268 = arith.constant 0 : i32
        %dma_start3A_269 = arith.constant 0 : i32
        %dma_start3A_270 = arith.constant 0 : i32
        %dma_start3A_271 = arith.constant 0 : i32
        %dma_start3A_272 = tpu.memref_slice %arg10[%dma_start3A_268, %dma_start3A_270, %dma_start3A_271] : memref<2x128x128xf32, #tpu.memory_space<vmem>> -> memref<1x128x128xf32, #tpu.memory_space<vmem>>
        %dma_start3A_273 = tpu.memref_squeeze %dma_start3A_272 : memref<1x128x128xf32, #tpu.memory_space<vmem>> -> memref<128x128xf32, #tpu.memory_space<vmem>>
        %dma_start3A_274 = arith.constant 0 : i32
        %dma_start3A_275 = tpu.memref_slice %arg8[%add3A_267, %dma_start3A_274] : memref<40x128xi32, #tpu.memory_space<vmem>> -> memref<1x128xi32, #tpu.memory_space<vmem>>
        %dma_start3A_276 = tpu.memref_squeeze %dma_start3A_275 : memref<1x128xi32, #tpu.memory_space<vmem>> -> memref<128xi32, #tpu.memory_space<vmem>>
        %dma_start3A_277 = arith.constant 0 : i32
        %dma_start3A_278 = arith.constant 0 : i32
        %dma_start3A_279 = tpu.memref_slice %arg2[%dma_start3A_277, %dma_start3A_278] : memref<10000x128xf32, #tpu.memory_space<hbm>> -> memref<10000x128xf32, #tpu.memory_space<hbm>>
        %dma_start3A_280 = tpu.memref_slice %arg11[%dma_start3A_269] : memref<2x!tpu.dma_semaphore, #tpu.memory_space<semaphore_mem>> -> memref<1x!tpu.dma_semaphore, #tpu.memory_space<semaphore_mem>>
        %dma_start3A_281 = tpu.memref_squeeze %dma_start3A_280 : memref<1x!tpu.dma_semaphore, #tpu.memory_space<semaphore_mem>> -> memref<!tpu.dma_semaphore, #tpu.memory_space<semaphore_mem>>
        tpu.enqueue_indirect_dma source(%dma_start3A_279 : memref<10000x128xf32, #tpu.memory_space<hbm>>) target(%dma_start3A_273 : memref<128x128xf32, #tpu.memory_space<vmem>>) offsets(%dma_start3A_276 : memref<128xi32, #tpu.memory_space<vmem>>) semaphore(%dma_start3A_281 : memref<!tpu.dma_semaphore, #tpu.memory_space<semaphore_mem>>)
        %dma_wait3A_282 = arith.constant 1 : i32
        %dma_wait3A_283 = arith.constant 0 : i32
        %dma_wait3A_284 = arith.constant 1 : i32
        %dma_wait3A_285 = arith.constant 0 : i32
        %dma_wait3A_286 = arith.constant 0 : i32
        %dma_wait3A_287 = tpu.memref_slice %arg10[%dma_wait3A_282, %dma_wait3A_285, %dma_wait3A_286] : memref<2x128x128xf32, #tpu.memory_space<vmem>> -> memref<1x128x128xf32, #tpu.memory_space<vmem>>
        %dma_wait3A_288 = tpu.memref_squeeze %dma_wait3A_287 : memref<1x128x128xf32, #tpu.memory_space<vmem>> -> memref<128x128xf32, #tpu.memory_space<vmem>>
        %dma_wait3A_289 = arith.constant 0 : i32
        %dma_wait3A_290 = tpu.memref_slice %arg9[%dma_wait3A_283, %dma_wait3A_289] : memref<40x128xi32, #tpu.memory_space<vmem>> -> memref<1x128xi32, #tpu.memory_space<vmem>>
        %dma_wait3A_291 = tpu.memref_squeeze %dma_wait3A_290 : memref<1x128xi32, #tpu.memory_space<vmem>> -> memref<128xi32, #tpu.memory_space<vmem>>
        %dma_wait3A_292 = arith.constant 0 : i32
        %dma_wait3A_293 = arith.constant 0 : i32
        %dma_wait3A_294 = tpu.memref_slice %arg7[%dma_wait3A_292, %dma_wait3A_293] : memref<10112x128xf32, #tpu.memory_space<vmem_shared>> -> memref<10112x128xf32, #tpu.memory_space<vmem_shared>>
        %dma_wait3A_295 = tpu.memref_slice %arg12[%dma_wait3A_284] : memref<2x!tpu.dma_semaphore, #tpu.memory_space<semaphore_mem>> -> memref<1x!tpu.dma_semaphore, #tpu.memory_space<semaphore_mem>>
        %dma_wait3A_296 = tpu.memref_squeeze %dma_wait3A_295 : memref<1x!tpu.dma_semaphore, #tpu.memory_space<semaphore_mem>> -> memref<!tpu.dma_semaphore, #tpu.memory_space<semaphore_mem>>
        tpu.wait_indirect_dma semaphore(%dma_wait3A_296 : memref<!tpu.dma_semaphore, #tpu.memory_space<semaphore_mem>>) src(%dma_wait3A_288 : memref<128x128xf32, #tpu.memory_space<vmem>>) dst(%dma_wait3A_294 : memref<10112x128xf32, #tpu.memory_space<vmem_shared>>)
        %add3A_297 = arith.constant 1 : i32
        %add3A_298 = arith.addi %scan3A_180, %add3A_297 : i32
        %mul3A_299 = arith.constant 2 : i32
        %mul3A_300 = arith.muli %add3A_298, %mul3A_299 : i32
        %add3A_301 = arith.constant 1 : i32
        %add3A_302 = arith.addi %mul3A_300, %add3A_301 : i32
        %dma_start3A_303 = arith.constant 1 : i32
        %dma_start3A_304 = arith.constant 1 : i32
        %dma_start3A_305 = arith.constant 0 : i32
        %dma_start3A_306 = arith.constant 0 : i32
        %dma_start3A_307 = tpu.memref_slice %arg10[%dma_start3A_303, %dma_start3A_305, %dma_start3A_306] : memref<2x128x128xf32, #tpu.memory_space<vmem>> -> memref<1x128x128xf32, #tpu.memory_space<vmem>>
        %dma_start3A_308 = tpu.memref_squeeze %dma_start3A_307 : memref<1x128x128xf32, #tpu.memory_space<vmem>> -> memref<128x128xf32, #tpu.memory_space<vmem>>
        %dma_start3A_309 = arith.constant 0 : i32
        %dma_start3A_310 = tpu.memref_slice %arg8[%add3A_302, %dma_start3A_309] : memref<40x128xi32, #tpu.memory_space<vmem>> -> memref<1x128xi32, #tpu.memory_space<vmem>>
        %dma_start3A_311 = tpu.memref_squeeze %dma_start3A_310 : memref<1x128xi32, #tpu.memory_space<vmem>> -> memref<128xi32, #tpu.memory_space<vmem>>
        %dma_start3A_312 = arith.constant 0 : i32
        %dma_start3A_313 = arith.constant 0 : i32
        %dma_start3A_314 = tpu.memref_slice %arg2[%dma_start3A_312, %dma_start3A_313] : memref<10000x128xf32, #tpu.memory_space<hbm>> -> memref<10000x128xf32, #tpu.memory_space<hbm>>
        %dma_start3A_315 = tpu.memref_slice %arg11[%dma_start3A_304] : memref<2x!tpu.dma_semaphore, #tpu.memory_space<semaphore_mem>> -> memref<1x!tpu.dma_semaphore, #tpu.memory_space<semaphore_mem>>
        %dma_start3A_316 = tpu.memref_squeeze %dma_start3A_315 : memref<1x!tpu.dma_semaphore, #tpu.memory_space<semaphore_mem>> -> memref<!tpu.dma_semaphore, #tpu.memory_space<semaphore_mem>>
        tpu.enqueue_indirect_dma source(%dma_start3A_314 : memref<10000x128xf32, #tpu.memory_space<hbm>>) target(%dma_start3A_308 : memref<128x128xf32, #tpu.memory_space<vmem>>) offsets(%dma_start3A_311 : memref<128xi32, #tpu.memory_space<vmem>>) semaphore(%dma_start3A_316 : memref<!tpu.dma_semaphore, #tpu.memory_space<semaphore_mem>>)
      }
      %scan3A_90 = arith.constant 19 : i32
      %dma_wait3A = arith.constant 0 : i32
      %dma_wait3A_91 = arith.constant 0 : i32
      %dma_wait3A_92 = arith.constant 0 : i32
      %dma_wait3A_93 = arith.constant 0 : i32
      %dma_wait3A_94 = arith.constant 0 : i32
      %dma_wait3A_95 = tpu.memref_slice %arg10[%dma_wait3A_91, %dma_wait3A_93, %dma_wait3A_94] : memref<2x128x128xf32, #tpu.memory_space<vmem>> -> memref<1x128x128xf32, #tpu.memory_space<vmem>>
      %dma_wait3A_96 = tpu.memref_squeeze %dma_wait3A_95 : memref<1x128x128xf32, #tpu.memory_space<vmem>> -> memref<128x128xf32, #tpu.memory_space<vmem>>
      %dma_wait3A_97 = arith.constant 0 : i32
      %dma_wait3A_98 = tpu.memref_slice %arg8[%dma_wait3A, %dma_wait3A_97] : memref<40x128xi32, #tpu.memory_space<vmem>> -> memref<1x128xi32, #tpu.memory_space<vmem>>
      %dma_wait3A_99 = tpu.memref_squeeze %dma_wait3A_98 : memref<1x128xi32, #tpu.memory_space<vmem>> -> memref<128xi32, #tpu.memory_space<vmem>>
      %dma_wait3A_100 = arith.constant 0 : i32
      %dma_wait3A_101 = arith.constant 0 : i32
      %dma_wait3A_102 = tpu.memref_slice %arg2[%dma_wait3A_100, %dma_wait3A_101] : memref<10000x128xf32, #tpu.memory_space<hbm>> -> memref<10000x128xf32, #tpu.memory_space<hbm>>
      %dma_wait3A_103 = tpu.memref_slice %arg11[%dma_wait3A_92] : memref<2x!tpu.dma_semaphore, #tpu.memory_space<semaphore_mem>> -> memref<1x!tpu.dma_semaphore, #tpu.memory_space<semaphore_mem>>
      %dma_wait3A_104 = tpu.memref_squeeze %dma_wait3A_103 : memref<1x!tpu.dma_semaphore, #tpu.memory_space<semaphore_mem>> -> memref<!tpu.dma_semaphore, #tpu.memory_space<semaphore_mem>>
      tpu.wait_indirect_dma semaphore(%dma_wait3A_104 : memref<!tpu.dma_semaphore, #tpu.memory_space<semaphore_mem>>) src(%dma_wait3A_102 : memref<10000x128xf32, #tpu.memory_space<hbm>>) dst(%dma_wait3A_96 : memref<128x128xf32, #tpu.memory_space<vmem>>)
      %dma_start3A_105 = arith.constant 0 : i32
      %dma_start3A_106 = arith.constant 38 : i32
      %dma_start3A_107 = arith.constant 0 : i32
      %dma_start3A_108 = arith.constant 0 : i32
      %dma_start3A_109 = arith.constant 0 : i32
      %dma_start3A_110 = tpu.memref_slice %arg10[%dma_start3A_105, %dma_start3A_108, %dma_start3A_109] : memref<2x128x128xf32, #tpu.memory_space<vmem>> -> memref<1x128x128xf32, #tpu.memory_space<vmem>>
      %dma_start3A_111 = tpu.memref_squeeze %dma_start3A_110 : memref<1x128x128xf32, #tpu.memory_space<vmem>> -> memref<128x128xf32, #tpu.memory_space<vmem>>
      %dma_start3A_112 = arith.constant 0 : i32
      %dma_start3A_113 = tpu.memref_slice %arg9[%dma_start3A_106, %dma_start3A_112] : memref<40x128xi32, #tpu.memory_space<vmem>> -> memref<1x128xi32, #tpu.memory_space<vmem>>
      %dma_start3A_114 = tpu.memref_squeeze %dma_start3A_113 : memref<1x128xi32, #tpu.memory_space<vmem>> -> memref<128xi32, #tpu.memory_space<vmem>>
      %dma_start3A_115 = arith.constant 0 : i32
      %dma_start3A_116 = arith.constant 0 : i32
      %dma_start3A_117 = tpu.memref_slice %arg7[%dma_start3A_115, %dma_start3A_116] : memref<10112x128xf32, #tpu.memory_space<vmem_shared>> -> memref<10112x128xf32, #tpu.memory_space<vmem_shared>>
      %dma_start3A_118 = tpu.memref_slice %arg12[%dma_start3A_107] : memref<2x!tpu.dma_semaphore, #tpu.memory_space<semaphore_mem>> -> memref<1x!tpu.dma_semaphore, #tpu.memory_space<semaphore_mem>>
      %dma_start3A_119 = tpu.memref_squeeze %dma_start3A_118 : memref<1x!tpu.dma_semaphore, #tpu.memory_space<semaphore_mem>> -> memref<!tpu.dma_semaphore, #tpu.memory_space<semaphore_mem>>
      tpu.enqueue_indirect_dma source(%dma_start3A_111 : memref<128x128xf32, #tpu.memory_space<vmem>>) target(%dma_start3A_117 : memref<10112x128xf32, #tpu.memory_space<vmem_shared>>) offsets(%dma_start3A_114 : memref<128xi32, #tpu.memory_space<vmem>>) semaphore(%dma_start3A_119 : memref<!tpu.dma_semaphore, #tpu.memory_space<semaphore_mem>>) {add = true}
      %dma_wait3A_120 = arith.constant 0 : i32
      %dma_wait3A_121 = arith.constant 1 : i32
      %dma_wait3A_122 = arith.constant 1 : i32
      %dma_wait3A_123 = arith.constant 0 : i32
      %dma_wait3A_124 = arith.constant 0 : i32
      %dma_wait3A_125 = tpu.memref_slice %arg10[%dma_wait3A_121, %dma_wait3A_123, %dma_wait3A_124] : memref<2x128x128xf32, #tpu.memory_space<vmem>> -> memref<1x128x128xf32, #tpu.memory_space<vmem>>
      %dma_wait3A_126 = tpu.memref_squeeze %dma_wait3A_125 : memref<1x128x128xf32, #tpu.memory_space<vmem>> -> memref<128x128xf32, #tpu.memory_space<vmem>>
      %dma_wait3A_127 = arith.constant 0 : i32
      %dma_wait3A_128 = tpu.memref_slice %arg8[%dma_wait3A_120, %dma_wait3A_127] : memref<40x128xi32, #tpu.memory_space<vmem>> -> memref<1x128xi32, #tpu.memory_space<vmem>>
      %dma_wait3A_129 = tpu.memref_squeeze %dma_wait3A_128 : memref<1x128xi32, #tpu.memory_space<vmem>> -> memref<128xi32, #tpu.memory_space<vmem>>
      %dma_wait3A_130 = arith.constant 0 : i32
      %dma_wait3A_131 = arith.constant 0 : i32
      %dma_wait3A_132 = tpu.memref_slice %arg2[%dma_wait3A_130, %dma_wait3A_131] : memref<10000x128xf32, #tpu.memory_space<hbm>> -> memref<10000x128xf32, #tpu.memory_space<hbm>>
      %dma_wait3A_133 = tpu.memref_slice %arg11[%dma_wait3A_122] : memref<2x!tpu.dma_semaphore, #tpu.memory_space<semaphore_mem>> -> memref<1x!tpu.dma_semaphore, #tpu.memory_space<semaphore_mem>>
      %dma_wait3A_134 = tpu.memref_squeeze %dma_wait3A_133 : memref<1x!tpu.dma_semaphore, #tpu.memory_space<semaphore_mem>> -> memref<!tpu.dma_semaphore, #tpu.memory_space<semaphore_mem>>
      tpu.wait_indirect_dma semaphore(%dma_wait3A_134 : memref<!tpu.dma_semaphore, #tpu.memory_space<semaphore_mem>>) src(%dma_wait3A_132 : memref<10000x128xf32, #tpu.memory_space<hbm>>) dst(%dma_wait3A_126 : memref<128x128xf32, #tpu.memory_space<vmem>>)
      %dma_start3A_135 = arith.constant 1 : i32
      %dma_start3A_136 = arith.constant 39 : i32
      %dma_start3A_137 = arith.constant 1 : i32
      %dma_start3A_138 = arith.constant 0 : i32
      %dma_start3A_139 = arith.constant 0 : i32
      %dma_start3A_140 = tpu.memref_slice %arg10[%dma_start3A_135, %dma_start3A_138, %dma_start3A_139] : memref<2x128x128xf32, #tpu.memory_space<vmem>> -> memref<1x128x128xf32, #tpu.memory_space<vmem>>
      %dma_start3A_141 = tpu.memref_squeeze %dma_start3A_140 : memref<1x128x128xf32, #tpu.memory_space<vmem>> -> memref<128x128xf32, #tpu.memory_space<vmem>>
      %dma_start3A_142 = arith.constant 0 : i32
      %dma_start3A_143 = tpu.memref_slice %arg9[%dma_start3A_136, %dma_start3A_142] : memref<40x128xi32, #tpu.memory_space<vmem>> -> memref<1x128xi32, #tpu.memory_space<vmem>>
      %dma_start3A_144 = tpu.memref_squeeze %dma_start3A_143 : memref<1x128xi32, #tpu.memory_space<vmem>> -> memref<128xi32, #tpu.memory_space<vmem>>
      %dma_start3A_145 = arith.constant 0 : i32
      %dma_start3A_146 = arith.constant 0 : i32
      %dma_start3A_147 = tpu.memref_slice %arg7[%dma_start3A_145, %dma_start3A_146] : memref<10112x128xf32, #tpu.memory_space<vmem_shared>> -> memref<10112x128xf32, #tpu.memory_space<vmem_shared>>
      %dma_start3A_148 = tpu.memref_slice %arg12[%dma_start3A_137] : memref<2x!tpu.dma_semaphore, #tpu.memory_space<semaphore_mem>> -> memref<1x!tpu.dma_semaphore, #tpu.memory_space<semaphore_mem>>
      %dma_start3A_149 = tpu.memref_squeeze %dma_start3A_148 : memref<1x!tpu.dma_semaphore, #tpu.memory_space<semaphore_mem>> -> memref<!tpu.dma_semaphore, #tpu.memory_space<semaphore_mem>>
      tpu.enqueue_indirect_dma source(%dma_start3A_141 : memref<128x128xf32, #tpu.memory_space<vmem>>) target(%dma_start3A_147 : memref<10112x128xf32, #tpu.memory_space<vmem_shared>>) offsets(%dma_start3A_144 : memref<128xi32, #tpu.memory_space<vmem>>) semaphore(%dma_start3A_149 : memref<!tpu.dma_semaphore, #tpu.memory_space<semaphore_mem>>) {add = true}
      %dma_wait3A_150 = arith.constant 0 : i32
      %dma_wait3A_151 = arith.constant 0 : i32
      %dma_wait3A_152 = arith.constant 0 : i32
      %dma_wait3A_153 = arith.constant 0 : i32
      %dma_wait3A_154 = arith.constant 0 : i32
      %dma_wait3A_155 = tpu.memref_slice %arg10[%dma_wait3A_150, %dma_wait3A_153, %dma_wait3A_154] : memref<2x128x128xf32, #tpu.memory_space<vmem>> -> memref<1x128x128xf32, #tpu.memory_space<vmem>>
      %dma_wait3A_156 = tpu.memref_squeeze %dma_wait3A_155 : memref<1x128x128xf32, #tpu.memory_space<vmem>> -> memref<128x128xf32, #tpu.memory_space<vmem>>
      %dma_wait3A_157 = arith.constant 0 : i32
      %dma_wait3A_158 = tpu.memref_slice %arg9[%dma_wait3A_151, %dma_wait3A_157] : memref<40x128xi32, #tpu.memory_space<vmem>> -> memref<1x128xi32, #tpu.memory_space<vmem>>
      %dma_wait3A_159 = tpu.memref_squeeze %dma_wait3A_158 : memref<1x128xi32, #tpu.memory_space<vmem>> -> memref<128xi32, #tpu.memory_space<vmem>>
      %dma_wait3A_160 = arith.constant 0 : i32
      %dma_wait3A_161 = arith.constant 0 : i32
      %dma_wait3A_162 = tpu.memref_slice %arg7[%dma_wait3A_160, %dma_wait3A_161] : memref<10112x128xf32, #tpu.memory_space<vmem_shared>> -> memref<10112x128xf32, #tpu.memory_space<vmem_shared>>
      %dma_wait3A_163 = tpu.memref_slice %arg12[%dma_wait3A_152] : memref<2x!tpu.dma_semaphore, #tpu.memory_space<semaphore_mem>> -> memref<1x!tpu.dma_semaphore, #tpu.memory_space<semaphore_mem>>
      %dma_wait3A_164 = tpu.memref_squeeze %dma_wait3A_163 : memref<1x!tpu.dma_semaphore, #tpu.memory_space<semaphore_mem>> -> memref<!tpu.dma_semaphore, #tpu.memory_space<semaphore_mem>>
      tpu.wait_indirect_dma semaphore(%dma_wait3A_164 : memref<!tpu.dma_semaphore, #tpu.memory_space<semaphore_mem>>) src(%dma_wait3A_156 : memref<128x128xf32, #tpu.memory_space<vmem>>) dst(%dma_wait3A_162 : memref<10112x128xf32, #tpu.memory_space<vmem_shared>>)
      %dma_wait3A_165 = arith.constant 1 : i32
      %dma_wait3A_166 = arith.constant 0 : i32
      %dma_wait3A_167 = arith.constant 1 : i32
      %dma_wait3A_168 = arith.constant 0 : i32
      %dma_wait3A_169 = arith.constant 0 : i32
      %dma_wait3A_170 = tpu.memref_slice %arg10[%dma_wait3A_165, %dma_wait3A_168, %dma_wait3A_169] : memref<2x128x128xf32, #tpu.memory_space<vmem>> -> memref<1x128x128xf32, #tpu.memory_space<vmem>>
      %dma_wait3A_171 = tpu.memref_squeeze %dma_wait3A_170 : memref<1x128x128xf32, #tpu.memory_space<vmem>> -> memref<128x128xf32, #tpu.memory_space<vmem>>
      %dma_wait3A_172 = arith.constant 0 : i32
      %dma_wait3A_173 = tpu.memref_slice %arg9[%dma_wait3A_166, %dma_wait3A_172] : memref<40x128xi32, #tpu.memory_space<vmem>> -> memref<1x128xi32, #tpu.memory_space<vmem>>
      %dma_wait3A_174 = tpu.memref_squeeze %dma_wait3A_173 : memref<1x128xi32, #tpu.memory_space<vmem>> -> memref<128xi32, #tpu.memory_space<vmem>>
      %dma_wait3A_175 = arith.constant 0 : i32
      %dma_wait3A_176 = arith.constant 0 : i32
      %dma_wait3A_177 = tpu.memref_slice %arg7[%dma_wait3A_175, %dma_wait3A_176] : memref<10112x128xf32, #tpu.memory_space<vmem_shared>> -> memref<10112x128xf32, #tpu.memory_space<vmem_shared>>
      %dma_wait3A_178 = tpu.memref_slice %arg12[%dma_wait3A_167] : memref<2x!tpu.dma_semaphore, #tpu.memory_space<semaphore_mem>> -> memref<1x!tpu.dma_semaphore, #tpu.memory_space<semaphore_mem>>
      %dma_wait3A_179 = tpu.memref_squeeze %dma_wait3A_178 : memref<1x!tpu.dma_semaphore, #tpu.memory_space<semaphore_mem>> -> memref<!tpu.dma_semaphore, #tpu.memory_space<semaphore_mem>>
      tpu.wait_indirect_dma semaphore(%dma_wait3A_179 : memref<!tpu.dma_semaphore, #tpu.memory_space<semaphore_mem>>) src(%dma_wait3A_171 : memref<128x128xf32, #tpu.memory_space<vmem>>) dst(%dma_wait3A_177 : memref<10112x128xf32, #tpu.memory_space<vmem_shared>>)
    }
    %barrier3A_30 = arith.constant 0 : index
    tpu.barrier barrier_id(%barrier3A_30)
    %mul3A_31 = arith.constant 632 : i32
    %mul3A_32 = arith.muli %arg1, %mul3A_31 : i32
    %add3A_33 = arith.constant 0 : i32
    %add3A_34 = arith.addi %mul3A_32, %add3A_33 : i32
    %add3A_35 = arith.constant 0 : i32
    %add3A_36 = arith.addi %mul3A_32, %add3A_35 : i32
    "tpu.region"() ({
      %run_scoped3A = tpu.sem_alloc : memref<!tpu.dma_semaphore, #tpu.memory_space<semaphore_mem>>
      %dma_start3A = arith.constant 0 : i32
      %dma_start3A_53 = tpu.memref_slice %arg6[%arg0, %add3A_36, %dma_start3A] : memref<2x10112x128xf32, #tpu.memory_space<hbm>> -> memref<1x128x128xf32, #tpu.memory_space<hbm>>
      %dma_start3A_54 = tpu.memref_squeeze %dma_start3A_53 : memref<1x128x128xf32, #tpu.memory_space<hbm>> -> memref<128x128xf32, #tpu.memory_space<hbm>>
      %dma_start3A_55 = arith.constant 0 : i32
      %dma_start3A_56 = tpu.memref_slice %arg7[%add3A_34, %dma_start3A_55] : memref<10112x128xf32, #tpu.memory_space<vmem_shared>> -> memref<128x128xf32, #tpu.memory_space<vmem_shared>>
      tpu.enqueue_dma source(%dma_start3A_56 : memref<128x128xf32, #tpu.memory_space<vmem_shared>>) target(%dma_start3A_54 : memref<128x128xf32, #tpu.memory_space<hbm>>) target_semaphore(%run_scoped3A : memref<!tpu.dma_semaphore, #tpu.memory_space<semaphore_mem>>)
      %dma_wait3A = arith.constant 0 : i32
      %dma_wait3A_57 = tpu.memref_slice %arg6[%arg0, %add3A_36, %dma_wait3A] : memref<2x10112x128xf32, #tpu.memory_space<hbm>> -> memref<1x128x128xf32, #tpu.memory_space<hbm>>
      %dma_wait3A_58 = tpu.memref_squeeze %dma_wait3A_57 : memref<1x128x128xf32, #tpu.memory_space<hbm>> -> memref<128x128xf32, #tpu.memory_space<hbm>>
      %dma_wait3A_59 = arith.constant 0 : i32
      %dma_wait3A_60 = tpu.memref_slice %arg7[%add3A_34, %dma_wait3A_59] : memref<10112x128xf32, #tpu.memory_space<vmem_shared>> -> memref<128x128xf32, #tpu.memory_space<vmem_shared>>
      tpu.wait_dma2 semaphore(%run_scoped3A : memref<!tpu.dma_semaphore, #tpu.memory_space<semaphore_mem>>) src(%dma_wait3A_60 : memref<128x128xf32, #tpu.memory_space<vmem_shared>>) dst(%dma_wait3A_58 : memref<128x128xf32, #tpu.memory_space<hbm>>)
      tpu.yield
    }) : () -> ()
    %add3A_37 = arith.constant 128 : i32
    %add3A_38 = arith.addi %mul3A_32, %add3A_37 : i32
    %add3A_39 = arith.constant 128 : i32
    %add3A_40 = arith.addi %mul3A_32, %add3A_39 : i32
    "tpu.region"() ({
      %run_scoped3A = tpu.sem_alloc : memref<!tpu.dma_semaphore, #tpu.memory_space<semaphore_mem>>
      %dma_start3A = arith.constant 0 : i32
      %dma_start3A_53 = tpu.memref_slice %arg6[%arg0, %add3A_40, %dma_start3A] : memref<2x10112x128xf32, #tpu.memory_space<hbm>> -> memref<1x128x128xf32, #tpu.memory_space<hbm>>
      %dma_start3A_54 = tpu.memref_squeeze %dma_start3A_53 : memref<1x128x128xf32, #tpu.memory_space<hbm>> -> memref<128x128xf32, #tpu.memory_space<hbm>>
      %dma_start3A_55 = arith.constant 0 : i32
      %dma_start3A_56 = tpu.memref_slice %arg7[%add3A_38, %dma_start3A_55] : memref<10112x128xf32, #tpu.memory_space<vmem_shared>> -> memref<128x128xf32, #tpu.memory_space<vmem_shared>>
      tpu.enqueue_dma source(%dma_start3A_56 : memref<128x128xf32, #tpu.memory_space<vmem_shared>>) target(%dma_start3A_54 : memref<128x128xf32, #tpu.memory_space<hbm>>) target_semaphore(%run_scoped3A : memref<!tpu.dma_semaphore, #tpu.memory_space<semaphore_mem>>)
      %dma_wait3A = arith.constant 0 : i32
      %dma_wait3A_57 = tpu.memref_slice %arg6[%arg0, %add3A_40, %dma_wait3A] : memref<2x10112x128xf32, #tpu.memory_space<hbm>> -> memref<1x128x128xf32, #tpu.memory_space<hbm>>
      %dma_wait3A_58 = tpu.memref_squeeze %dma_wait3A_57 : memref<1x128x128xf32, #tpu.memory_space<hbm>> -> memref<128x128xf32, #tpu.memory_space<hbm>>
      %dma_wait3A_59 = arith.constant 0 : i32
      %dma_wait3A_60 = tpu.memref_slice %arg7[%add3A_38, %dma_wait3A_59] : memref<10112x128xf32, #tpu.memory_space<vmem_shared>> -> memref<128x128xf32, #tpu.memory_space<vmem_shared>>
      tpu.wait_dma2 semaphore(%run_scoped3A : memref<!tpu.dma_semaphore, #tpu.memory_space<semaphore_mem>>) src(%dma_wait3A_60 : memref<128x128xf32, #tpu.memory_space<vmem_shared>>) dst(%dma_wait3A_58 : memref<128x128xf32, #tpu.memory_space<hbm>>)
      tpu.yield
    }) : () -> ()
    %add3A_41 = arith.constant 256 : i32
    %add3A_42 = arith.addi %mul3A_32, %add3A_41 : i32
    %add3A_43 = arith.constant 256 : i32
    %add3A_44 = arith.addi %mul3A_32, %add3A_43 : i32
    "tpu.region"() ({
      %run_scoped3A = tpu.sem_alloc : memref<!tpu.dma_semaphore, #tpu.memory_space<semaphore_mem>>
      %dma_start3A = arith.constant 0 : i32
      %dma_start3A_53 = tpu.memref_slice %arg6[%arg0, %add3A_44, %dma_start3A] : memref<2x10112x128xf32, #tpu.memory_space<hbm>> -> memref<1x128x128xf32, #tpu.memory_space<hbm>>
      %dma_start3A_54 = tpu.memref_squeeze %dma_start3A_53 : memref<1x128x128xf32, #tpu.memory_space<hbm>> -> memref<128x128xf32, #tpu.memory_space<hbm>>
      %dma_start3A_55 = arith.constant 0 : i32
      %dma_start3A_56 = tpu.memref_slice %arg7[%add3A_42, %dma_start3A_55] : memref<10112x128xf32, #tpu.memory_space<vmem_shared>> -> memref<128x128xf32, #tpu.memory_space<vmem_shared>>
      tpu.enqueue_dma source(%dma_start3A_56 : memref<128x128xf32, #tpu.memory_space<vmem_shared>>) target(%dma_start3A_54 : memref<128x128xf32, #tpu.memory_space<hbm>>) target_semaphore(%run_scoped3A : memref<!tpu.dma_semaphore, #tpu.memory_space<semaphore_mem>>)
      %dma_wait3A = arith.constant 0 : i32
      %dma_wait3A_57 = tpu.memref_slice %arg6[%arg0, %add3A_44, %dma_wait3A] : memref<2x10112x128xf32, #tpu.memory_space<hbm>> -> memref<1x128x128xf32, #tpu.memory_space<hbm>>
      %dma_wait3A_58 = tpu.memref_squeeze %dma_wait3A_57 : memref<1x128x128xf32, #tpu.memory_space<hbm>> -> memref<128x128xf32, #tpu.memory_space<hbm>>
      %dma_wait3A_59 = arith.constant 0 : i32
      %dma_wait3A_60 = tpu.memref_slice %arg7[%add3A_42, %dma_wait3A_59] : memref<10112x128xf32, #tpu.memory_space<vmem_shared>> -> memref<128x128xf32, #tpu.memory_space<vmem_shared>>
      tpu.wait_dma2 semaphore(%run_scoped3A : memref<!tpu.dma_semaphore, #tpu.memory_space<semaphore_mem>>) src(%dma_wait3A_60 : memref<128x128xf32, #tpu.memory_space<vmem_shared>>) dst(%dma_wait3A_58 : memref<128x128xf32, #tpu.memory_space<hbm>>)
      tpu.yield
    }) : () -> ()
    %add3A_45 = arith.constant 384 : i32
    %add3A_46 = arith.addi %mul3A_32, %add3A_45 : i32
    %add3A_47 = arith.constant 384 : i32
    %add3A_48 = arith.addi %mul3A_32, %add3A_47 : i32
    "tpu.region"() ({
      %run_scoped3A = tpu.sem_alloc : memref<!tpu.dma_semaphore, #tpu.memory_space<semaphore_mem>>
      %dma_start3A = arith.constant 0 : i32
      %dma_start3A_53 = tpu.memref_slice %arg6[%arg0, %add3A_48, %dma_start3A] : memref<2x10112x128xf32, #tpu.memory_space<hbm>> -> memref<1x128x128xf32, #tpu.memory_space<hbm>>
      %dma_start3A_54 = tpu.memref_squeeze %dma_start3A_53 : memref<1x128x128xf32, #tpu.memory_space<hbm>> -> memref<128x128xf32, #tpu.memory_space<hbm>>
      %dma_start3A_55 = arith.constant 0 : i32
      %dma_start3A_56 = tpu.memref_slice %arg7[%add3A_46, %dma_start3A_55] : memref<10112x128xf32, #tpu.memory_space<vmem_shared>> -> memref<128x128xf32, #tpu.memory_space<vmem_shared>>
      tpu.enqueue_dma source(%dma_start3A_56 : memref<128x128xf32, #tpu.memory_space<vmem_shared>>) target(%dma_start3A_54 : memref<128x128xf32, #tpu.memory_space<hbm>>) target_semaphore(%run_scoped3A : memref<!tpu.dma_semaphore, #tpu.memory_space<semaphore_mem>>)
      %dma_wait3A = arith.constant 0 : i32
      %dma_wait3A_57 = tpu.memref_slice %arg6[%arg0, %add3A_48, %dma_wait3A] : memref<2x10112x128xf32, #tpu.memory_space<hbm>> -> memref<1x128x128xf32, #tpu.memory_space<hbm>>
      %dma_wait3A_58 = tpu.memref_squeeze %dma_wait3A_57 : memref<1x128x128xf32, #tpu.memory_space<hbm>> -> memref<128x128xf32, #tpu.memory_space<hbm>>
      %dma_wait3A_59 = arith.constant 0 : i32
      %dma_wait3A_60 = tpu.memref_slice %arg7[%add3A_46, %dma_wait3A_59] : memref<10112x128xf32, #tpu.memory_space<vmem_shared>> -> memref<128x128xf32, #tpu.memory_space<vmem_shared>>
      tpu.wait_dma2 semaphore(%run_scoped3A : memref<!tpu.dma_semaphore, #tpu.memory_space<semaphore_mem>>) src(%dma_wait3A_60 : memref<128x128xf32, #tpu.memory_space<vmem_shared>>) dst(%dma_wait3A_58 : memref<128x128xf32, #tpu.memory_space<hbm>>)
      tpu.yield
    }) : () -> ()
    %add3A_49 = arith.constant 512 : i32
    %add3A_50 = arith.addi %mul3A_32, %add3A_49 : i32
    %add3A_51 = arith.constant 512 : i32
    %add3A_52 = arith.addi %mul3A_32, %add3A_51 : i32
    "tpu.region"() ({
      %run_scoped3A = tpu.sem_alloc : memref<!tpu.dma_semaphore, #tpu.memory_space<semaphore_mem>>
      %dma_start3A = arith.constant 0 : i32
      %dma_start3A_53 = tpu.memref_slice %arg6[%arg0, %add3A_52, %dma_start3A] : memref<2x10112x128xf32, #tpu.memory_space<hbm>> -> memref<1x120x128xf32, #tpu.memory_space<hbm>>
      %dma_start3A_54 = tpu.memref_squeeze %dma_start3A_53 : memref<1x120x128xf32, #tpu.memory_space<hbm>> -> memref<120x128xf32, #tpu.memory_space<hbm>>
      %dma_start3A_55 = arith.constant 0 : i32
      %dma_start3A_56 = tpu.memref_slice %arg7[%add3A_50, %dma_start3A_55] : memref<10112x128xf32, #tpu.memory_space<vmem_shared>> -> memref<120x128xf32, #tpu.memory_space<vmem_shared>>
      tpu.enqueue_dma source(%dma_start3A_56 : memref<120x128xf32, #tpu.memory_space<vmem_shared>>) target(%dma_start3A_54 : memref<120x128xf32, #tpu.memory_space<hbm>>) target_semaphore(%run_scoped3A : memref<!tpu.dma_semaphore, #tpu.memory_space<semaphore_mem>>)
      %dma_wait3A = arith.constant 0 : i32
      %dma_wait3A_57 = tpu.memref_slice %arg6[%arg0, %add3A_52, %dma_wait3A] : memref<2x10112x128xf32, #tpu.memory_space<hbm>> -> memref<1x120x128xf32, #tpu.memory_space<hbm>>
      %dma_wait3A_58 = tpu.memref_squeeze %dma_wait3A_57 : memref<1x120x128xf32, #tpu.memory_space<hbm>> -> memref<120x128xf32, #tpu.memory_space<hbm>>
      %dma_wait3A_59 = arith.constant 0 : i32
      %dma_wait3A_60 = tpu.memref_slice %arg7[%add3A_50, %dma_wait3A_59] : memref<10112x128xf32, #tpu.memory_space<vmem_shared>> -> memref<120x128xf32, #tpu.memory_space<vmem_shared>>
      tpu.wait_dma2 semaphore(%run_scoped3A : memref<!tpu.dma_semaphore, #tpu.memory_space<semaphore_mem>>) src(%dma_wait3A_60 : memref<120x128xf32, #tpu.memory_space<vmem_shared>>) dst(%dma_wait3A_58 : memref<120x128xf32, #tpu.memory_space<hbm>>)
      tpu.yield
    }) : () -> ()
    return
  }
}

module attributes {stable_mosaic.version = 14 : i64} {
  func.func @_tc0_body(%arg0: i32, %arg1: memref<2000x128xf32, #tpu.memory_space<vmem>>, %arg2: memref<128x128xf32, #tpu.memory_space<vmem>>, %arg3: memref<2000x128xf32, #tpu.memory_space<vmem>>, %arg4: memref<2000x128xf32, #tpu.memory_space<vmem>>) attributes {dimension_semantics = [#tpu.dimension_semantics<arbitrary>], iteration_bounds = array<i64: 5>, scalar_prefetch = 0 : i64, scratch_operands = 0 : i64, tpu.core_type = #tpu.core_type<tc>, window_params = [{transform_indices = @transform_0, window_bounds = array<i64: 2000, 128>}, {pipeline_mode = #tpu.pipeline_mode<synchronous>, transform_indices = @transform_1, window_bounds = array<i64: 128, 128>}, {transform_indices = @transform_2, window_bounds = array<i64: 2000, 128>}, {transform_indices = @transform_3, window_bounds = array<i64: 2000, 128>}]} {
    %get3A = arith.constant 0 : index
    %get3A_0 = arith.constant 0 : index
    %get3A_1 = vector.load %arg1[%get3A, %get3A_0] : memref<2000x128xf32, #tpu.memory_space<vmem>>, vector<2000x128xf32>
    %get3A_2 = arith.constant 0 : index
    %get3A_3 = arith.constant 0 : index
    %get3A_4 = vector.load %arg2[%get3A_2, %get3A_3] : memref<128x128xf32, #tpu.memory_space<vmem>>, vector<128x128xf32>
    %dot_general3A = arith.constant dense<0.000000e+00> : vector<2000x128xf32>
    %dot_general3A_5 = tpu.matmul %get3A_1, %get3A_4, %dot_general3A {dimension_numbers = #tpu.dot_dimension_numbers<[1], [0], [0], [1], [0, 0, 1, 1], [], []>, precision = #tpu.contract_precision<fp32>, transpose_lhs_hint = false} : vector<2000x128xf32>, vector<128x128xf32>, vector<2000x128xf32> -> vector<2000x128xf32>
    %get3A_6 = arith.constant 0 : index
    %get3A_7 = arith.constant 0 : index
    %get3A_8 = vector.load %arg3[%get3A_6, %get3A_7] : memref<2000x128xf32, #tpu.memory_space<vmem>>, vector<2000x128xf32>
    %slice3A = vector.extract_strided_slice %get3A_8 {offsets = [0, 0], sizes = [2000, 1], strides = [1, 1]} : vector<2000x128xf32> to vector<2000x1xf32>
    %max3A = arith.constant 1.000000e+00 : f32
    %max3A_9 = vector.broadcast %max3A : f32 to vector<2000x1xf32>
    %max3A_10 = arith.maximumf %slice3A, %max3A_9 : vector<2000x1xf32>
    %rsqrt3A = math.rsqrt %max3A_10 : vector<2000x1xf32>
    %mul3A = vector.broadcast %rsqrt3A : vector<2000x1xf32> to vector<2000x128xf32>
    %mul3A_11 = arith.mulf %dot_general3A_5, %mul3A : vector<2000x128xf32>
    %swap3A = arith.constant 0 : index
    %swap3A_12 = arith.constant 0 : index
    %swap3A_13 = vector.load %arg4[%swap3A, %swap3A_12] : memref<2000x128xf32, #tpu.memory_space<vmem>>, vector<2000x128xf32>
    tpu.vector_store %arg4[%swap3A, %swap3A_12], %mul3A_11 {strides = array<i32>} : memref<2000x128xf32, #tpu.memory_space<vmem>>, vector<2000x128xf32>,
    return
  }
  func.func @transform_0(%arg0: i32) -> (i32, i32) {
    %c0_i32 = arith.constant 0 : i32
    %c0_i32_0 = arith.constant 0 : i32
    return %arg0, %c0_i32 : i32, i32
  }
  func.func @transform_1(%arg0: i32) -> (i32, i32) {
    %c0_i32 = arith.constant 0 : i32
    %c0_i32_0 = arith.constant 0 : i32
    %c0_i32_1 = arith.constant 0 : i32
    return %c0_i32, %c0_i32_0 : i32, i32
  }
  func.func @transform_2(%arg0: i32) -> (i32, i32) {
    %c0_i32 = arith.constant 0 : i32
    %c0_i32_0 = arith.constant 0 : i32
    return %arg0, %c0_i32 : i32, i32
  }
  func.func @transform_3(%arg0: i32) -> (i32, i32) {
    %c0_i32 = arith.constant 0 : i32
    %c0_i32_0 = arith.constant 0 : i32
    return %arg0, %c0_i32 : i32, i32
  }
}

module attributes {stable_mosaic.version = 14 : i64} {
  func.func @_tcmid_body(%arg0: i32, %arg1: memref<2000x128xf32, #tpu.memory_space<vmem>>, %arg2: memref<2000x128xf32, #tpu.memory_space<vmem>>, %arg3: memref<2000x128xf32, #tpu.memory_space<vmem>>, %arg4: memref<1x128xf32, #tpu.memory_space<vmem>>, %arg5: memref<2000x128xf32, #tpu.memory_space<vmem>>, %arg6: memref<128x128xf32, #tpu.memory_space<vmem>>, %arg7: memref<2000x128xf32, #tpu.memory_space<vmem>>) attributes {dimension_semantics = [#tpu.dimension_semantics<arbitrary>], iteration_bounds = array<i64: 5>, scalar_prefetch = 0 : i64, scratch_operands = 0 : i64, tpu.core_type = #tpu.core_type<tc>, window_params = [{transform_indices = @transform_0, window_bounds = array<i64: 2000, 128>}, {transform_indices = @transform_1, window_bounds = array<i64: 2000, 128>}, {transform_indices = @transform_2, window_bounds = array<i64: 2000, 128>}, {pipeline_mode = #tpu.pipeline_mode<synchronous>, transform_indices = @transform_3, window_bounds = array<i64: 1, 128>}, {transform_indices = @transform_4, window_bounds = array<i64: 2000, 128>}, {pipeline_mode = #tpu.pipeline_mode<synchronous>, transform_indices = @transform_5, window_bounds = array<i64: 128, 128>}, {transform_indices = @transform_6, window_bounds = array<i64: 2000, 128>}]} {
    %get3A = arith.constant 0 : index
    %get3A_0 = arith.constant 0 : index
    %get3A_1 = vector.load %arg1[%get3A, %get3A_0] : memref<2000x128xf32, #tpu.memory_space<vmem>>, vector<2000x128xf32>
    %get3A_2 = arith.constant 0 : index
    %get3A_3 = arith.constant 0 : index
    %get3A_4 = vector.load %arg2[%get3A_2, %get3A_3] : memref<2000x128xf32, #tpu.memory_space<vmem>>, vector<2000x128xf32>
    %add3A = arith.addf %get3A_1, %get3A_4 : vector<2000x128xf32>
    %get3A_5 = arith.constant 0 : index
    %get3A_6 = arith.constant 0 : index
    %get3A_7 = vector.load %arg3[%get3A_5, %get3A_6] : memref<2000x128xf32, #tpu.memory_space<vmem>>, vector<2000x128xf32>
    %slice3A = vector.extract_strided_slice %get3A_7 {offsets = [0, 0], sizes = [2000, 1], strides = [1, 1]} : vector<2000x128xf32> to vector<2000x1xf32>
    %max3A = arith.constant 1.000000e+00 : f32
    %max3A_8 = vector.broadcast %max3A : f32 to vector<2000x1xf32>
    %max3A_9 = arith.maximumf %slice3A, %max3A_8 : vector<2000x1xf32>
    %rsqrt3A = math.rsqrt %max3A_9 : vector<2000x1xf32>
    %mul3A = vector.broadcast %rsqrt3A : vector<2000x1xf32> to vector<2000x128xf32>
    %mul3A_10 = arith.mulf %add3A, %mul3A : vector<2000x128xf32>
    %get3A_11 = arith.constant 0 : index
    %get3A_12 = arith.constant 0 : index
    %get3A_13 = vector.load %arg4[%get3A_11, %get3A_12] : memref<1x128xf32, #tpu.memory_space<vmem>>, vector<1x128xf32>
    %add3A_14 = vector.broadcast %get3A_13 : vector<1x128xf32> to vector<2000x128xf32>
    %add3A_15 = arith.addf %mul3A_10, %add3A_14 : vector<2000x128xf32>
    %max3A_16 = arith.constant 0.000000e+00 : f32
    %max3A_17 = vector.broadcast %max3A_16 : f32 to vector<2000x128xf32>
    %max3A_18 = arith.maximumf %add3A_15, %max3A_17 : vector<2000x128xf32>
    %get3A_19 = arith.constant 0 : index
    %get3A_20 = arith.constant 0 : index
    %get3A_21 = vector.load %arg6[%get3A_19, %get3A_20] : memref<128x128xf32, #tpu.memory_space<vmem>>, vector<128x128xf32>
    %dot_general3A = arith.constant dense<0.000000e+00> : vector<2000x128xf32>
    %dot_general3A_22 = tpu.matmul %max3A_18, %get3A_21, %dot_general3A {dimension_numbers = #tpu.dot_dimension_numbers<[1], [0], [0], [1], [0, 0, 1, 1], [], []>, precision = #tpu.contract_precision<fp32>, transpose_lhs_hint = false} : vector<2000x128xf32>, vector<128x128xf32>, vector<2000x128xf32> -> vector<2000x128xf32>
    %get3A_23 = arith.constant 0 : index
    %get3A_24 = arith.constant 0 : index
    %get3A_25 = vector.load %arg5[%get3A_23, %get3A_24] : memref<2000x128xf32, #tpu.memory_space<vmem>>, vector<2000x128xf32>
    %slice3A_26 = vector.extract_strided_slice %get3A_25 {offsets = [0, 0], sizes = [2000, 1], strides = [1, 1]} : vector<2000x128xf32> to vector<2000x1xf32>
    %max3A_27 = arith.constant 1.000000e+00 : f32
    %max3A_28 = vector.broadcast %max3A_27 : f32 to vector<2000x1xf32>
    %max3A_29 = arith.maximumf %slice3A_26, %max3A_28 : vector<2000x1xf32>
    %rsqrt3A_30 = math.rsqrt %max3A_29 : vector<2000x1xf32>
    %mul3A_31 = vector.broadcast %rsqrt3A_30 : vector<2000x1xf32> to vector<2000x128xf32>
    %mul3A_32 = arith.mulf %dot_general3A_22, %mul3A_31 : vector<2000x128xf32>
    %swap3A = arith.constant 0 : index
    %swap3A_33 = arith.constant 0 : index
    %swap3A_34 = vector.load %arg7[%swap3A, %swap3A_33] : memref<2000x128xf32, #tpu.memory_space<vmem>>, vector<2000x128xf32>
    tpu.vector_store %arg7[%swap3A, %swap3A_33], %mul3A_32 {strides = array<i32>} : memref<2000x128xf32, #tpu.memory_space<vmem>>, vector<2000x128xf32>,
    return
  }
  func.func @transform_0(%arg0: i32) -> (i32, i32) {
    %c0_i32 = arith.constant 0 : i32
    %c0_i32_0 = arith.constant 0 : i32
    return %arg0, %c0_i32 : i32, i32
  }
  func.func @transform_1(%arg0: i32) -> (i32, i32) {
    %c0_i32 = arith.constant 0 : i32
    %c0_i32_0 = arith.constant 0 : i32
    return %arg0, %c0_i32 : i32, i32
  }
  func.func @transform_2(%arg0: i32) -> (i32, i32) {
    %c0_i32 = arith.constant 0 : i32
    %c0_i32_0 = arith.constant 0 : i32
    return %arg0, %c0_i32 : i32, i32
  }
  func.func @transform_3(%arg0: i32) -> (i32, i32) {
    %c0_i32 = arith.constant 0 : i32
    %c0_i32_0 = arith.constant 0 : i32
    %c0_i32_1 = arith.constant 0 : i32
    return %c0_i32, %c0_i32_0 : i32, i32
  }
  func.func @transform_4(%arg0: i32) -> (i32, i32) {
    %c0_i32 = arith.constant 0 : i32
    %c0_i32_0 = arith.constant 0 : i32
    return %arg0, %c0_i32 : i32, i32
  }
  func.func @transform_5(%arg0: i32) -> (i32, i32) {
    %c0_i32 = arith.constant 0 : i32
    %c0_i32_0 = arith.constant 0 : i32
    %c0_i32_1 = arith.constant 0 : i32
    return %c0_i32, %c0_i32_0 : i32, i32
  }
  func.func @transform_6(%arg0: i32) -> (i32, i32) {
    %c0_i32 = arith.constant 0 : i32
    %c0_i32_0 = arith.constant 0 : i32
    return %arg0, %c0_i32 : i32, i32
  }
}

module attributes {stable_mosaic.version = 14 : i64} {
  func.func @_tcfin_body(%arg0: i32, %arg1: memref<2000x128xf32, #tpu.memory_space<vmem>>, %arg2: memref<2000x128xf32, #tpu.memory_space<vmem>>, %arg3: memref<2000x128xf32, #tpu.memory_space<vmem>>, %arg4: memref<1x128xf32, #tpu.memory_space<vmem>>, %arg5: memref<2000x128xf32, #tpu.memory_space<vmem>>) attributes {dimension_semantics = [#tpu.dimension_semantics<arbitrary>], iteration_bounds = array<i64: 5>, scalar_prefetch = 0 : i64, scratch_operands = 0 : i64, tpu.core_type = #tpu.core_type<tc>, window_params = [{transform_indices = @transform_0, window_bounds = array<i64: 2000, 128>}, {transform_indices = @transform_1, window_bounds = array<i64: 2000, 128>}, {transform_indices = @transform_2, window_bounds = array<i64: 2000, 128>}, {pipeline_mode = #tpu.pipeline_mode<synchronous>, transform_indices = @transform_3, window_bounds = array<i64: 1, 128>}, {transform_indices = @transform_4, window_bounds = array<i64: 2000, 128>}]} {
    %get3A = arith.constant 0 : index
    %get3A_0 = arith.constant 0 : index
    %get3A_1 = vector.load %arg1[%get3A, %get3A_0] : memref<2000x128xf32, #tpu.memory_space<vmem>>, vector<2000x128xf32>
    %get3A_2 = arith.constant 0 : index
    %get3A_3 = arith.constant 0 : index
    %get3A_4 = vector.load %arg2[%get3A_2, %get3A_3] : memref<2000x128xf32, #tpu.memory_space<vmem>>, vector<2000x128xf32>
    %add3A = arith.addf %get3A_1, %get3A_4 : vector<2000x128xf32>
    %get3A_5 = arith.constant 0 : index
    %get3A_6 = arith.constant 0 : index
    %get3A_7 = vector.load %arg3[%get3A_5, %get3A_6] : memref<2000x128xf32, #tpu.memory_space<vmem>>, vector<2000x128xf32>
    %slice3A = vector.extract_strided_slice %get3A_7 {offsets = [0, 0], sizes = [2000, 1], strides = [1, 1]} : vector<2000x128xf32> to vector<2000x1xf32>
    %max3A = arith.constant 1.000000e+00 : f32
    %max3A_8 = vector.broadcast %max3A : f32 to vector<2000x1xf32>
    %max3A_9 = arith.maximumf %slice3A, %max3A_8 : vector<2000x1xf32>
    %rsqrt3A = math.rsqrt %max3A_9 : vector<2000x1xf32>
    %mul3A = vector.broadcast %rsqrt3A : vector<2000x1xf32> to vector<2000x128xf32>
    %mul3A_10 = arith.mulf %add3A, %mul3A : vector<2000x128xf32>
    %get3A_11 = arith.constant 0 : index
    %get3A_12 = arith.constant 0 : index
    %get3A_13 = vector.load %arg4[%get3A_11, %get3A_12] : memref<1x128xf32, #tpu.memory_space<vmem>>, vector<1x128xf32>
    %add3A_14 = vector.broadcast %get3A_13 : vector<1x128xf32> to vector<2000x128xf32>
    %add3A_15 = arith.addf %mul3A_10, %add3A_14 : vector<2000x128xf32>
    %swap3A = arith.constant 0 : index
    %swap3A_16 = arith.constant 0 : index
    %swap3A_17 = vector.load %arg5[%swap3A, %swap3A_16] : memref<2000x128xf32, #tpu.memory_space<vmem>>, vector<2000x128xf32>
    tpu.vector_store %arg5[%swap3A, %swap3A_16], %add3A_15 {strides = array<i32>} : memref<2000x128xf32, #tpu.memory_space<vmem>>, vector<2000x128xf32>,
    return
  }
  func.func @transform_0(%arg0: i32) -> (i32, i32) {
    %c0_i32 = arith.constant 0 : i32
    %c0_i32_0 = arith.constant 0 : i32
    return %arg0, %c0_i32 : i32, i32
  }
  func.func @transform_1(%arg0: i32) -> (i32, i32) {
    %c0_i32 = arith.constant 0 : i32
    %c0_i32_0 = arith.constant 0 : i32
    return %arg0, %c0_i32 : i32, i32
  }
  func.func @transform_2(%arg0: i32) -> (i32, i32) {
    %c0_i32 = arith.constant 0 : i32
    %c0_i32_0 = arith.constant 0 : i32
    return %arg0, %c0_i32 : i32, i32
  }
  func.func @transform_3(%arg0: i32) -> (i32, i32) {
    %c0_i32 = arith.constant 0 : i32
    %c0_i32_0 = arith.constant 0 : i32
    %c0_i32_1 = arith.constant 0 : i32
    return %c0_i32, %c0_i32_0 : i32, i32
  }
  func.func @transform_4(%arg0: i32) -> (i32, i32) {
    %c0_i32 = arith.constant 0 : i32
    %c0_i32_0 = arith.constant 0 : i32
    return %arg0, %c0_i32 : i32, i32
  }
}

</mosaic_0001>

<sc_bundles>
// kernel: kernel.10.cloned.1.call-start
scs
__scs_entry_jumppad:
0x0: {  	(pc) =	sbr.rel $0x88, $3  }
0x1: {  	(tag) =	ssettag $0x0;
	lr =	simm.s32 $0x1  }
0x2: {  	[smem:$0x3F99] =	sst lr;
	_ =	strace $0xD0000000  }
0x3: {  	_ = 	snop  }
0x4: {  	_ = 	snop  }
0x5: {  	_ = 	snop  }
0x6: {  	_ = 	snop  }
0x7: {  	_ = 	snop  }
__scs_overlays_trampoline_lowered:
0x8: {  	[smem:$0x3FA8] =	sst s0  }
0x9: {  	[smem:$0x3FA9] =	sst s1  }
0xa: {  	[smem:$0x3FAA] =	sst s2  }
0xb: {  	[smem:$0x3FAB] =	sst s3  }
0xc: {  	[smem:$0x3FAC] =	sst s4  }
0xd: {  	[smem:$0x3FAD] =	sst s5  }
0xe: {  	[smem:$0x3FAE] =	sst s6  }
0xf: {  	[smem:$0x3FAF] =	sst s7  }
0x10: {  	[smem:$0x3FB0] =	sst s8  }
0x11: {  	[smem:$0x3FB1] =	sst s9;
	s0 =	simm.s32 @!p0 $0x0  }
0x12: {  	s1 =	sld [smem:$0x3F97];
	s0 =	simm.s32 @p0 $0x1  }
0x13: {  	[smem:$0x3FB2] =	sst s0;
	s0 =	simm.s32 @!p1 $0x0  }
0x14: {  	s2 =	sld [smem:$0x3F96];
	s0 =	simm.s32 @p1 $0x1  }
0x15: {  	[smem:$0x3FB3] =	sst s0;
	s0 =	simm.s32 @!p2 $0x0  }
0x16: {  	s3 =	sld [smem:$0x3FDB];
	s0 =	simm.s32 @p2 $0x1  }
0x17: {  	s4 =	simm.s32 $0x1BF5;
	[smem:$0x3FB5] =	sst s0  }
0x18: {  	s0 =	sld [smem:$0x3F98];
	_ =	swait.ge [sflag:s4], $0x0  }
0x19: {  	s7 =	sld [smem:$0x3F99]  }
0x1a: {  	s8 =	sadd.s32 $0xFFFFE003, lr  }
0x1b: {  	s9 =	sadd.s32 $0xFFFFFEF7, lr;
	s5 =	simm.s32 $0xFFFFFFFF;
	p2 =	slt.u32 s8, $0xFFFFF086  }
0x1c: {  	p1 =	slt.u32 s9, $0xF7A;
	s5 =	simm.s32 @!p2 $0x0  }
0x1d: {  	s5 =	simm.s32 @p1 $0x1;
	p0 =	seq.s32 s7, s2  }
0x1e: {  	s7 =	smul.u32 @!p0 $0xF7A, s2;
	p2 =	seq.s32 @!p0 s5, $0x0  }
0x1f: {  	s9 =	smul.u32 $0xF7A, s1;
	s8 =	simm.s32 @!p0 $0x1BF5;
	p2 =	por !p2, p0  }
0x20: {  	[sflag:s8] =	ssyncset.s32 @!p0 $0xFFFFF086;
	s6 =	sadd.s32 @!p0 s3, s7;
	s7 =	simm.s32 @!p0 $0x108  }
0x21: {  	s3 =	sadd.s32 s3, s9;
	s6 =	sadd.s32 @!p0 $0x88, s6;
	s7 =	simm.s32 @p2 $0x1082  }
0x22: {  	[simem:s7], [sflag:s8] =	dma.local @!p0 [hbm:s6], $0xF7A  }
0x23: {  	s9 =	sor.u32 $0xD0000000, s2;
	s6 =	simm.s32 $0x108;
	_ =	swait.ge @!p0 [sflag:s8], $0x0  }
0x24: {  	s3 =	sadd.s32 $0x88, s3;
	s6 =	simm.s32 @!p1 $0x1082;
	[sflag:s4] =	ssyncset.s32 $0xFFFFF086  }
0x25: {  	[simem:s6], [sflag:s4] =	dma.local [hbm:s3], $0xF7A  }
0x26: {  	[smem:$0x3F99] =	sst s1;
	(tag) =	ssettag s2;
	_ =	strace s9  }
0x27: {  	s1 =	sld [smem:$0x3FA9]  }
0x28: {  	s2 =	sld [smem:$0x3FAA]  }
0x29: {  	s4 =	sld [smem:$0x3FAC]  }
0x2a: {  	p0 =	seq.s32 s5, $0x0;
	s5 =	sld [smem:$0x3FAD]  }
0x2b: {  	s6 =	sld [smem:$0x3FAE]  }
0x2c: {  	s7 =	sld [smem:$0x3FAF]  }
0x2d: {  	s3 =	simm.s32 $0x108;
	s8 =	sld [smem:$0x3FB0]  }
0x2e: {  	s3 =	simm.s32 @!p0 $0x1082;
	s9 =	sld [smem:$0x3FB1]  }
0x2f: {  	lr =	sadd.s32 s0, s3;
	s0 =	sld [smem:$0x3FA8]  }
0x30: {  	s3 =	sld [smem:$0x3FAB]  }
0x31: {  	[smem:$0x3FB4] =	sst s10  }
0x32: {  	s10 =	sld [smem:$0x3FB2];
	_ =	sdelay $0x3  }
0x33: {  	p0 =	seq.s32 s10, $0x1;
	s10 =	sld [smem:$0x3FB4];
	_ =	sdelay $0x3  }
0x34: {  	[smem:$0x3FB4] =	sst s10  }
0x35: {  	s10 =	sld [smem:$0x3FB3];
	_ =	sdelay $0x3  }
0x36: {  	p1 =	seq.s32 s10, $0x1;
	s10 =	sld [smem:$0x3FB4];
	_ =	sdelay $0x3  }
0x37: {  	[smem:$0x3FB4] =	sst s10  }
0x38: {  	s10 =	sld [smem:$0x3FB5]  }
0x39: {  	_ = 	snop;
	(pc) =	sbr.ind lr, $3  }
0x3a: {  	_ = 	snop  }
0x3b: {  	_ = 	snop  }
0x3c: {  	p2 =	seq.s32 s10, $0x1;
	s10 =	sld [smem:$0x3FB4]  }
0x3d: {  	_ =	shalt  }
0x3e: {  	_ =	shalt  }
0x3f: {  	_ =	shalt  }
0x40: {  	_ =	shalt  }
0x41: {  	_ =	shalt  }
0x42: {  	_ =	shalt  }
0x43: {  	_ =	shalt  }
0x44: {  	_ =	shalt  }
0x45: {  	_ =	shalt  }
0x46: {  	_ =	shalt  }
0x47: {  	_ =	shalt  }
0x48: {  	_ =	shalt  }
0x49: {  	_ =	shalt  }
0x4a: {  	_ =	shalt  }
0x4b: {  	_ =	shalt  }
0x4c: {  	_ =	shalt  }
0x4d: {  	_ =	shalt  }
0x4e: {  	_ =	shalt  }
0x4f: {  	_ =	shalt  }
0x50: {  	_ =	shalt  }
0x51: {  	_ =	shalt  }
0x52: {  	_ =	shalt  }
0x53: {  	_ =	shalt  }
0x54: {  	_ =	shalt  }
0x55: {  	_ =	shalt  }
0x56: {  	_ =	shalt  }
0x57: {  	_ =	shalt  }
0x58: {  	_ =	shalt  }
0x59: {  	_ =	shalt  }
0x5a: {  	_ =	shalt  }
0x5b: {  	_ =	shalt  }
0x5c: {  	_ =	shalt  }
0x5d: {  	_ =	shalt  }
0x5e: {  	_ =	shalt  }
0x5f: {  	_ =	shalt  }
0x60: {  	_ =	shalt  }
0x61: {  	_ =	shalt  }
0x62: {  	_ =	shalt  }
0x63: {  	_ =	shalt  }
0x64: {  	_ =	shalt  }
0x65: {  	_ =	shalt  }
0x66: {  	_ =	shalt  }
0x67: {  	_ =	shalt  }
0x68: {  	_ =	shalt  }
0x69: {  	_ =	shalt  }
0x6a: {  	_ =	shalt  }
0x6b: {  	_ =	shalt  }
0x6c: {  	_ =	shalt  }
0x6d: {  	_ =	shalt  }
0x6e: {  	_ =	shalt  }
0x6f: {  	_ =	shalt  }
0x70: {  	_ =	shalt  }
0x71: {  	_ =	shalt  }
0x72: {  	_ =	shalt  }
0x73: {  	_ =	shalt  }
0x74: {  	_ =	shalt  }
0x75: {  	_ =	shalt  }
0x76: {  	_ =	shalt  }
0x77: {  	_ =	shalt  }
0x78: {  	_ =	shalt  }
0x79: {  	_ =	shalt  }
0x7a: {  	_ =	shalt  }
0x7b: {  	_ =	shalt  }
0x7c: {  	_ =	shalt  }
0x7d: {  	_ =	shalt  }
0x7e: {  	_ =	shalt  }
0x7f: {  	_ =	shalt  }
0x80: {  	_ =	shalt  }
0x81: {  	_ =	shalt  }
0x82: {  	_ =	shalt  }
0x83: {  	_ =	shalt  }
0x84: {  	_ =	shalt  }
0x85: {  	_ =	shalt  }
0x86: {  	_ =	shalt  }
0x87: {  	_ =	shalt  }
.Lfunc_end0:
.L_simem_size_0:
called_computation_lowered:
.L_overlay_start_0:
0x88: {  	s2 =	sld [smem:$0x3FD9]  }
0x89: {  	s3 =	sld [smem:$0x3FFE];
	_ =	sdelay $0x1  }
0x8a: {  	s1 =	srdreg.scid  }
0x8b: {  	s0 =	sand.u32 $0x1, s1  }
0x8c: {  	s17 =	sshll.u32 s0, $0xA;
	s2 =	sadd.s32 s3, s2  }
0x8d: {  	s2 =	sadd.s32 s2, s17  }
0x8e: {  	[smem:$0x3FC0] =	sst s2  }
0x8f: {  	_ = 	snop  }
0x90: {  	s2 =	sld [smem:$0x3FD0];
	(tm) =	ssettm $0x1  }
0x91: {  	s18 =	sld [smem:$0x3FFB];
	_ =	sdelay $0x3  }
0x92: {  	_ =	strace s18  }
0x93: {  	s3 =	sld [smem:$0x3FFC];
	_ =	sdelay $0x3  }
0x94: {  	_ =	strace s3  }
0x95: {  	s3 =	sld [smem:$0x3FFD];
	_ =	sdelay $0x3  }
0x96: {  	_ =	strace s3  }
0x97: {  	_ =	strace $0x8FFFFFFF  }
0x98: {  	s19 =	sld [smem:$0x3FDB];
	_ =	sdelay $0x1  }
0x99: {  	s4 =	simm.s32 $_scs_section_size  }
0x9a: {  	s5 =	simm.s32 $_size__tile_overlayer_lowered;
	s6 =	simm.s32 $_tile_overlayer_lowered  }
0x9b: {  	s22 =	simm.s32 $0x1BFF;
	s21 =	sshll.u32 s6, $0x1;
	s3 =	sadd.s32 s4, s19  }
0x9c: {  	s7 =	simm.s32 $0x0;
	s20 =	sshll.u32 s5, $0x1;
	s5 =	sadd.s32 s21, s3  }
0x9d: {  	[timem:s7], [sflag:s22] =	dma.local [hbm:s5], s20  }
0x9e: {  	_ =	swait.ge [sflag:s22], s20  }
0x9f: {  	s4 =	ssub.s32 $0x0, s20;
	[sflag:s22] =	ssyncset.done $0x0  }
0xa0: {  	[sflag:s22] =	ssyncadd.s32 s4;
	_ =	sdelay $0x1  }
0xa1: {  	s23 =	simm.s32 $0x1B8B  }
0xa2: {  	_ =	swait.ge [sflag:s23], $0x1  }
0xa3: {  	[sflag:s23] =	ssyncset.done $0x0  }
0xa4: {  	s25 =	simm.s32 $0x1B8E;
	s24 =	sld [smem:$0x3FFE];
	[sflag:s23] =	ssyncadd.s32 $0xFFFFFFFF  }
0xa5: {  	s26 =	simm.s32 $execute0_lowered;
	[smem:$0x3FD2] =	sst s25  }
0xa6: {  	s5 =	sshll.u32 s26, $0x1;
	_ =	strace $0x80000046;
	[dreg:$0x1] =	wrdreg $0xFFFFFFFF  }
0xa7: {  	s28 =	simm.s32 $_size_execute0_lowered;
	s3 =	sadd.s32 s3, s5;
	[dreg:$0x0] =	wrdreg $0x0  }
0xa8: {  	s5 =	sshll.u32 s28, $0x1;
	[dreg:$0x2] =	wrdreg s3  }
0xa9: {  	[dreg:$0x3] =	wrdreg s5  }
0xaa: {  	[dreg:$0x4] =	wrdreg $0xC0  }
0xab: {  	_ =	task [dreg:s7], $0x5FFFF  }
0xac: {  	[dreg:$0x1] =	wrdreg $0xFFFFFFFF  }
0xad: {  	[dreg:$0x0] =	wrdreg $0x60  }
0xae: {  	[dreg:$0x2] =	wrdreg s2  }
0xaf: {  	[dreg:$0x3] =	wrdreg s24  }
0xb0: {  	[dreg:$0x4] =	wrdreg $0x0  }
0xb1: {  	[dreg:$0x5] =	wrdreg $0x9  }
0xb2: {  	_ =	task.clear_ibuf [dreg:s7], $0x6FFFF;
	_ =	strace $0x90000046  }
0xb3: {  	s29 =	simm.s32 $0x9;
	_ =	strace $0x80000048  }
0xb4: {  	_ =	swait.ge [sflag:s29], $0x1  }
0xb5: {  	[sflag:s29] =	ssyncadd.s32 $0xFFFFFFFF  }
0xb6: {  	_ =	strace $0x90000048  }
0xb7: {  	_ =	sfence  }
0xb8: {  	s30 =	sld [smem:$0x0];
	_ =	sdelay $0x2  }
0xb9: {  	s31 =	sshll.u32 s1, $0xD;
	s1 =	sshrl.u32 s1, $0x2  }
0xba: {  	s3 =	sand.u32 $0x4000, s31;
	s1 =	sadd.s32 s1, s30  }
0xbb: {  	s0 =	sor.u32 s3, s0;
	s1 =	sshll.u32 s1, $0x11  }
0xbc: {  	s0 =	sor.u32 s1, s0  }
0xbd: {  	s0 =	sadd.s32 $0x8F2B, s0  }
0xbe: {  	[sflag:s0] =	ssyncadd.remote.s32 $0x1  }
0xbf: {  	_ =	sfence.sel $0xFFFF  }
0xc0: {  	[dreg:$0x0] =	wrdreg $0xFFFFFFFF;
	(pc) =	sbr.abs _section_cstart, $3  }
0xc1: {  	[dreg:$0x1] =	wrdreg $0xFFFFFFFF  }
0xc2: {  	_ =	task.clear_ibuf [dreg:s7], $0x2FFFF;
	_ =	strace $0x9FFFFFFF  }
0xc3: {  	(tm) =	ssettm $0x7FFFFFFF  }
tec
execute0_lowered:
.L_overlay_start_1:
0x0: {  	(tag) =	ssettag $0x1  }
0x1: {  	s0 =	rddreg [dreg:$0x0]  }
0x2: {  	s2 =	rddreg [dreg:$0x1]  }
0x3: {  	s1 =	rddreg [dreg:$0x2];
	s3 =	simm.s32 $0x0;
	s4 =	srdreg.scid  }
0x4: {  	s20 =	stileid.u32;
	s22 =	simm.s32 $0x80;
	s23 =	simm.s32 $0x1  }
0x5: {  	s24 =	simm.s32 $0x0;
	[smem:$0x7FF] =	sst s3;
	s7 =	smul.u32 $0x4F000, s20  }
0x6: {  	s9 =	sand.u32 $0x1, s4;
	s4 =	sadd.s32 $0x16A00, s2;
	s11 =	smul.u32 $0x13C00, s20  }
0x7: {  	s5 =	sadd.s32 $0x17200, s2;
	s10 =	sshll.u32 s20, $0x6;
	s20 =	smul.u32 $0xA00, s20  }
0x8: {  	s2 =	sadd.s32 $0x17A00, s2;
	s6 =	ssub.s32 $0x2, s9;
	s13 =	smul.u32 $0xA000, s9  }
0x9: {  	_ =	strace $0x80000047;
	s15 =	smul.u32 $0x13C000, s9;
	s8 =	sshrl.u32 s6, $0x1  }
0xa: {  	s7 =	sshrl.u32 s7, $0x2;
	s12 =	sadd.s32 $0x4000, s11;
	s14 =	sadd.s32 $0x8000, s11  }
0xb: {  	s16 =	sadd.s32 $0xC000, s11;
	s19 =	sadd.s32 $0x10000, s11;
	s17 =	ssub.s32 s6, s8  }
0xc: {  	s18 =	sadd.s32 s7, s1;
	s6 =	sor.u32 $0x1C02, s10;
	s7 =	sadd.s32 s12, s1  }
0xd: {  	s8 =	sadd.s32 s14, s1;
	s9 =	sadd.s32 s16, s1;
	s10 =	sadd.s32 s19, s1  }
0xe: {  	s11 =	sadd.s32 s11, s15;
	s13 =	sadd.s32 s20, s13;
	s21 =	sadd.s32 s15, s12  }
0xf: {  	s29 =	sadd.s32 s15, s14;
	s30 =	sadd.s32 s15, s16;
	s19 =	sadd.s32 s15, s19  }
0x10: {  	s20 =	simm.s32 $0x18C00;
	s26 =	sshrl.u32 s11, $0x3;
	s11 =	sadd.s32 s0, s13  }
0x11: {  	s28 =	sshrl.u32 s21, $0x3;
	s0 =	sshrl.u32 s29, $0x3;
	s16 =	sshrl.u32 s30, $0x3  }
0x12: {  	s31 =	sshrl.u32 s19, $0x3;
	s17 =	smax.u32 s17, $0x1;
	s18 =	sshrl.u32 s18, $0x3  }
0x13: {  	s19 =	simm.s32 $0x2;
	s12 =	sadd.s32 s2, s26;
	s13 =	sadd.s32 s2, s28  }
0x14: {  	s14 =	sadd.s32 s2, s0;
	s15 =	sadd.s32 s2, s16;
	s16 =	sadd.s32 s2, s31  }
.LBB2_1:
0x15: {  	[spmem:s18], [sflag:s6] =	dma.local [hbm:s5], $0x800  }
0x16: {  	_ =	swait.ge [sflag:s19], $0x800  }
0x17: {  	[sflag:s19] =	ssyncset.done $0x0  }
0x18: {  	s25 =	sshrl.u32 s7, $0x3;
	[sflag:s19] =	ssyncadd.s32 $0xFFFFF800  }
0x19: {  	[spmem:s25], [sflag:s6] =	dma.local [hbm:s5], $0x800  }
0x1a: {  	_ =	swait.ge [sflag:s19], $0x800  }
0x1b: {  	[sflag:s19] =	ssyncset.done $0x0  }
0x1c: {  	s26 =	sshrl.u32 s8, $0x3;
	[sflag:s19] =	ssyncadd.s32 $0xFFFFF800  }
0x1d: {  	[spmem:s26], [sflag:s6] =	dma.local [hbm:s5], $0x800  }
0x1e: {  	_ =	swait.ge [sflag:s19], $0x800  }
0x1f: {  	[sflag:s19] =	ssyncset.done $0x0  }
0x20: {  	s28 =	sshrl.u32 s9, $0x3;
	[sflag:s19] =	ssyncadd.s32 $0xFFFFF800  }
0x21: {  	[spmem:s28], [sflag:s6] =	dma.local [hbm:s5], $0x800  }
0x22: {  	_ =	swait.ge [sflag:s19], $0x800  }
0x23: {  	[sflag:s19] =	ssyncset.done $0x0  }
0x24: {  	s29 =	sshrl.u32 s10, $0x3;
	[sflag:s19] =	ssyncadd.s32 $0xFFFFF800  }
0x25: {  	[spmem:s29], [sflag:s6] =	dma.local [hbm:s5], $0x780  }
0x26: {  	_ =	swait.ge [sflag:s19], $0x780  }
0x27: {  	[sflag:s19] =	ssyncset.done $0x0  }
0x28: {  	[sflag:s19] =	ssyncadd.s32 $0xFFFFF880  }
0x29: {  	[tilespmem:s20], [sflag:$0x2] =	stream.linear.gather [hbm4b:s4+s3], $0x4000, $0x38;
	[tilespmem:$0x1CC00] =	vst v63  }
0x2a: {  	_ =	swait.ge [sflag:s19], $0x4000  }
0x2b: {  	[sflag:s19] =	ssyncset.done $0x0  }
0x2c: {  	s0 =	simm.s32 $0x13C00;
	[sflag:s19] =	ssyncadd.s32 $0xFFFFC000  }
0x2d: {  	[tilespmem:s0], [sflag:$0x2] =	stream.linear.gather [hbm4b:s11+s3], $0x5000, $0x38;
	[tilespmem:$0x1CC00] =	vst v63  }
0x2e: {  	_ =	swait.ge [sflag:s19], $0x5000  }
0x2f: {  	[sflag:s19] =	ssyncset.done $0x0  }
0x30: {  	[sflag:s19] =	ssyncadd.s32 $0xFFFFB000  }
0x31: {  	s21 =	simm.s32 $0x13C00;
	[bflag:$0x0] =	sbarrier.arrive $0xFFFF  }
0x32: {  	[spmem:s1] =	stream.indirect.scatter.add.f32 [tilespmem:s20], [sflag:$0x1], $0x80, s21, s22, $0xb8;
	[tilespmem:$0x1CC00] =	vst v63  }
0x33: {  	s31 =	simm.s32 $0x13C80  }
0x34: {  	[spmem:s1] =	stream.indirect.scatter.add.f32 [tilespmem:s20], [sflag:$0x1], $0x80, s31, s22, $0xb8;
	[tilespmem:$0x1CC00] =	vst v63  }
0x35: {  	s2 =	simm.s32 $0x13D00  }
0x36: {  	[spmem:s1] =	stream.indirect.scatter.add.f32 [tilespmem:s20], [sflag:$0x1], $0x80, s2, s22, $0xb8;
	[tilespmem:$0x1CC00] =	vst v63  }
0x37: {  	s21 =	simm.s32 $0x13D80  }
0x38: {  	[spmem:s1] =	stream.indirect.scatter.add.f32 [tilespmem:s20], [sflag:$0x1], $0x80, s21, s22, $0xb8;
	[tilespmem:$0x1CC00] =	vst v63  }
0x39: {  	s31 =	simm.s32 $0x13E00  }
0x3a: {  	[spmem:s1] =	stream.indirect.scatter.add.f32 [tilespmem:s20], [sflag:$0x1], $0x80, s31, s22, $0xb8;
	[tilespmem:$0x1CC00] =	vst v63  }
0x3b: {  	s2 =	simm.s32 $0x13E80  }
0x3c: {  	[spmem:s1] =	stream.indirect.scatter.add.f32 [tilespmem:s20], [sflag:$0x1], $0x80, s2, s22, $0xb8;
	[tilespmem:$0x1CC00] =	vst v63  }
0x3d: {  	s21 =	simm.s32 $0x13F00  }
0x3e: {  	[spmem:s1] =	stream.indirect.scatter.add.f32 [tilespmem:s20], [sflag:$0x1], $0x80, s21, s22, $0xb8;
	[tilespmem:$0x1CC00] =	vst v63  }
0x3f: {  	s31 =	simm.s32 $0x13F80  }
0x40: {  	[spmem:s1] =	stream.indirect.scatter.add.f32 [tilespmem:s20], [sflag:$0x1], $0x80, s31, s22, $0xb8;
	[tilespmem:$0x1CC00] =	vst v63  }
0x41: {  	s2 =	simm.s32 $0x14000  }
0x42: {  	[spmem:s1] =	stream.indirect.scatter.add.f32 [tilespmem:s20], [sflag:$0x1], $0x80, s2, s22, $0xb8;
	[tilespmem:$0x1CC00] =	vst v63  }
0x43: {  	s21 =	simm.s32 $0x14080  }
0x44: {  	[spmem:s1] =	stream.indirect.scatter.add.f32 [tilespmem:s20], [sflag:$0x1], $0x80, s21, s22, $0xb8;
	[tilespmem:$0x1CC00] =	vst v63  }
0x45: {  	s31 =	simm.s32 $0x14100  }
0x46: {  	[spmem:s1] =	stream.indirect.scatter.add.f32 [tilespmem:s20], [sflag:$0x1], $0x80, s31, s22, $0xb8;
	[tilespmem:$0x1CC00] =	vst v63  }
0x47: {  	s2 =	simm.s32 $0x14180  }
0x48: {  	[spmem:s1] =	stream.indirect.scatter.add.f32 [tilespmem:s20], [sflag:$0x1], $0x80, s2, s22, $0xb8;
	[tilespmem:$0x1CC00] =	vst v63  }
0x49: {  	s21 =	simm.s32 $0x14200  }
0x4a: {  	[spmem:s1] =	stream.indirect.scatter.add.f32 [tilespmem:s20], [sflag:$0x1], $0x80, s21, s22, $0xb8;
	[tilespmem:$0x1CC00] =	vst v63  }
0x4b: {  	s31 =	simm.s32 $0x14280  }
0x4c: {  	[spmem:s1] =	stream.indirect.scatter.add.f32 [tilespmem:s20], [sflag:$0x1], $0x80, s31, s22, $0xb8;
	[tilespmem:$0x1CC00] =	vst v63  }
0x4d: {  	s2 =	simm.s32 $0x14300  }
0x4e: {  	[spmem:s1] =	stream.indirect.scatter.add.f32 [tilespmem:s20], [sflag:$0x1], $0x80, s2, s22, $0xb8;
	[tilespmem:$0x1CC00] =	vst v63  }
0x4f: {  	s21 =	simm.s32 $0x14380  }
0x50: {  	[spmem:s1] =	stream.indirect.scatter.add.f32 [tilespmem:s20], [sflag:$0x1], $0x80, s21, s22, $0xb8;
	[tilespmem:$0x1CC00] =	vst v63  }
0x51: {  	s31 =	simm.s32 $0x14400  }
0x52: {  	[spmem:s1] =	stream.indirect.scatter.add.f32 [tilespmem:s20], [sflag:$0x1], $0x80, s31, s22, $0xb8;
	[tilespmem:$0x1CC00] =	vst v63  }
0x53: {  	s2 =	simm.s32 $0x14480  }
0x54: {  	[spmem:s1] =	stream.indirect.scatter.add.f32 [tilespmem:s20], [sflag:$0x1], $0x80, s2, s22, $0xb8;
	[tilespmem:$0x1CC00] =	vst v63  }
0x55: {  	s21 =	simm.s32 $0x14500  }
0x56: {  	[spmem:s1] =	stream.indirect.scatter.add.f32 [tilespmem:s20], [sflag:$0x1], $0x80, s21, s22, $0xb8;
	[tilespmem:$0x1CC00] =	vst v63  }
0x57: {  	s31 =	simm.s32 $0x14580  }
0x58: {  	[spmem:s1] =	stream.indirect.scatter.add.f32 [tilespmem:s20], [sflag:$0x1], $0x80, s31, s22, $0xb8;
	[tilespmem:$0x1CC00] =	vst v63  }
0x59: {  	s2 =	simm.s32 $0x14600  }
0x5a: {  	[spmem:s1] =	stream.indirect.scatter.add.f32 [tilespmem:s20], [sflag:$0x1], $0x80, s2, s22, $0xb8;
	[tilespmem:$0x1CC00] =	vst v63  }
0x5b: {  	s21 =	simm.s32 $0x14680  }
0x5c: {  	[spmem:s1] =	stream.indirect.scatter.add.f32 [tilespmem:s20], [sflag:$0x1], $0x80, s21, s22, $0xb8;
	[tilespmem:$0x1CC00] =	vst v63  }
0x5d: {  	s31 =	simm.s32 $0x14700  }
0x5e: {  	[spmem:s1] =	stream.indirect.scatter.add.f32 [tilespmem:s20], [sflag:$0x1], $0x80, s31, s22, $0xb8;
	[tilespmem:$0x1CC00] =	vst v63  }
0x5f: {  	s2 =	simm.s32 $0x14780  }
0x60: {  	[spmem:s1] =	stream.indirect.scatter.add.f32 [tilespmem:s20], [sflag:$0x1], $0x80, s2, s22, $0xb8;
	[tilespmem:$0x1CC00] =	vst v63  }
0x61: {  	s21 =	simm.s32 $0x14800  }
0x62: {  	[spmem:s1] =	stream.indirect.scatter.add.f32 [tilespmem:s20], [sflag:$0x1], $0x80, s21, s22, $0xb8;
	[tilespmem:$0x1CC00] =	vst v63  }
0x63: {  	s31 =	simm.s32 $0x14880  }
0x64: {  	[spmem:s1] =	stream.indirect.scatter.add.f32 [tilespmem:s20], [sflag:$0x1], $0x80, s31, s22, $0xb8;
	[tilespmem:$0x1CC00] =	vst v63  }
0x65: {  	s2 =	simm.s32 $0x14900  }
0x66: {  	[spmem:s1] =	stream.indirect.scatter.add.f32 [tilespmem:s20], [sflag:$0x1], $0x80, s2, s22, $0xb8;
	[tilespmem:$0x1CC00] =	vst v63  }
0x67: {  	s21 =	simm.s32 $0x14980  }
0x68: {  	[spmem:s1] =	stream.indirect.scatter.add.f32 [tilespmem:s20], [sflag:$0x1], $0x80, s21, s22, $0xb8;
	[tilespmem:$0x1CC00] =	vst v63  }
0x69: {  	s31 =	simm.s32 $0x14A00  }
0x6a: {  	[spmem:s1] =	stream.indirect.scatter.add.f32 [tilespmem:s20], [sflag:$0x1], $0x80, s31, s22, $0xb8;
	[tilespmem:$0x1CC00] =	vst v63  }
0x6b: {  	s2 =	simm.s32 $0x14A80  }
0x6c: {  	[spmem:s1] =	stream.indirect.scatter.add.f32 [tilespmem:s20], [sflag:$0x1], $0x80, s2, s22, $0xb8;
	[tilespmem:$0x1CC00] =	vst v63  }
0x6d: {  	s21 =	simm.s32 $0x14B00  }
0x6e: {  	[spmem:s1] =	stream.indirect.scatter.add.f32 [tilespmem:s20], [sflag:$0x1], $0x80, s21, s22, $0xb8;
	[tilespmem:$0x1CC00] =	vst v63  }
0x6f: {  	s31 =	simm.s32 $0x14B80  }
0x70: {  	[spmem:s1] =	stream.indirect.scatter.add.f32 [tilespmem:s20], [sflag:$0x1], $0x80, s31, s22, $0xb8;
	[tilespmem:$0x1CC00] =	vst v63  }
0x71: {  	_ =	swait.ge [sflag:s23], $0x4000  }
0x72: {  	[sflag:s23] =	ssyncset.done $0x0  }
0x73: {  	[sflag:s23] =	ssyncadd.s32 $0xFFFFC000  }
0x74: {  	_ =	swait.ge [sflag:s23], $0x4000  }
0x75: {  	[sflag:s23] =	ssyncset.done $0x0  }
0x76: {  	[sflag:s23] =	ssyncadd.s32 $0xFFFFC000  }
0x77: {  	_ =	swait.ge [sflag:s23], $0x4000  }
0x78: {  	[sflag:s23] =	ssyncset.done $0x0  }
0x79: {  	[sflag:s23] =	ssyncadd.s32 $0xFFFFC000  }
0x7a: {  	_ =	swait.ge [sflag:s23], $0x4000  }
0x7b: {  	[sflag:s23] =	ssyncset.done $0x0  }
0x7c: {  	[sflag:s23] =	ssyncadd.s32 $0xFFFFC000  }
0x7d: {  	_ =	swait.ge [sflag:s23], $0x4000  }
0x7e: {  	[sflag:s23] =	ssyncset.done $0x0  }
0x7f: {  	[sflag:s23] =	ssyncadd.s32 $0xFFFFC000  }
0x80: {  	_ =	swait.ge [sflag:s23], $0x4000  }
0x81: {  	[sflag:s23] =	ssyncset.done $0x0  }
0x82: {  	[sflag:s23] =	ssyncadd.s32 $0xFFFFC000  }
0x83: {  	_ =	swait.ge [sflag:s23], $0x4000  }
0x84: {  	[sflag:s23] =	ssyncset.done $0x0  }
0x85: {  	[sflag:s23] =	ssyncadd.s32 $0xFFFFC000  }
0x86: {  	_ =	swait.ge [sflag:s23], $0x4000  }
0x87: {  	[sflag:s23] =	ssyncset.done $0x0  }
0x88: {  	[sflag:s23] =	ssyncadd.s32 $0xFFFFC000  }
0x89: {  	_ =	swait.ge [sflag:s23], $0x4000  }
0x8a: {  	[sflag:s23] =	ssyncset.done $0x0  }
0x8b: {  	[sflag:s23] =	ssyncadd.s32 $0xFFFFC000  }
0x8c: {  	_ =	swait.ge [sflag:s23], $0x4000  }
0x8d: {  	[sflag:s23] =	ssyncset.done $0x0  }
0x8e: {  	[sflag:s23] =	ssyncadd.s32 $0xFFFFC000  }
0x8f: {  	_ =	swait.ge [sflag:s23], $0x4000  }
0x90: {  	[sflag:s23] =	ssyncset.done $0x0  }
0x91: {  	[sflag:s23] =	ssyncadd.s32 $0xFFFFC000  }
0x92: {  	_ =	swait.ge [sflag:s23], $0x4000  }
0x93: {  	[sflag:s23] =	ssyncset.done $0x0  }
0x94: {  	[sflag:s23] =	ssyncadd.s32 $0xFFFFC000  }
0x95: {  	_ =	swait.ge [sflag:s23], $0x4000  }
0x96: {  	[sflag:s23] =	ssyncset.done $0x0  }
0x97: {  	[sflag:s23] =	ssyncadd.s32 $0xFFFFC000  }
0x98: {  	_ =	swait.ge [sflag:s23], $0x4000  }
0x99: {  	[sflag:s23] =	ssyncset.done $0x0  }
0x9a: {  	[sflag:s23] =	ssyncadd.s32 $0xFFFFC000  }
0x9b: {  	_ =	swait.ge [sflag:s23], $0x4000  }
0x9c: {  	[sflag:s23] =	ssyncset.done $0x0  }
0x9d: {  	[sflag:s23] =	ssyncadd.s32 $0xFFFFC000  }
0x9e: {  	_ =	swait.ge [sflag:s23], $0x4000  }
0x9f: {  	[sflag:s23] =	ssyncset.done $0x0  }
0xa0: {  	[sflag:s23] =	ssyncadd.s32 $0xFFFFC000  }
0xa1: {  	_ =	swait.ge [sflag:s23], $0x4000  }
0xa2: {  	[sflag:s23] =	ssyncset.done $0x0  }
0xa3: {  	[sflag:s23] =	ssyncadd.s32 $0xFFFFC000  }
0xa4: {  	_ =	swait.ge [sflag:s23], $0x4000  }
0xa5: {  	[sflag:s23] =	ssyncset.done $0x0  }
0xa6: {  	[sflag:s23] =	ssyncadd.s32 $0xFFFFC000  }
0xa7: {  	_ =	swait.ge [sflag:s23], $0x4000  }
0xa8: {  	[sflag:s23] =	ssyncset.done $0x0  }
0xa9: {  	[sflag:s23] =	ssyncadd.s32 $0xFFFFC000  }
0xaa: {  	_ =	swait.ge [sflag:s23], $0x4000  }
0xab: {  	[sflag:s23] =	ssyncset.done $0x0  }
0xac: {  	[sflag:s23] =	ssyncadd.s32 $0xFFFFC000  }
0xad: {  	_ =	swait.ge [sflag:s23], $0x4000  }
0xae: {  	[sflag:s23] =	ssyncset.done $0x0  }
0xaf: {  	[sflag:s23] =	ssyncadd.s32 $0xFFFFC000  }
0xb0: {  	_ =	swait.ge [sflag:s23], $0x4000  }
0xb1: {  	[sflag:s23] =	ssyncset.done $0x0  }
0xb2: {  	[sflag:s23] =	ssyncadd.s32 $0xFFFFC000  }
0xb3: {  	_ =	swait.ge [sflag:s23], $0x4000  }
0xb4: {  	[sflag:s23] =	ssyncset.done $0x0  }
0xb5: {  	[sflag:s23] =	ssyncadd.s32 $0xFFFFC000  }
0xb6: {  	_ =	swait.ge [sflag:s23], $0x4000  }
0xb7: {  	[sflag:s23] =	ssyncset.done $0x0  }
0xb8: {  	[sflag:s23] =	ssyncadd.s32 $0xFFFFC000  }
0xb9: {  	_ =	swait.ge [sflag:s23], $0x4000  }
0xba: {  	[sflag:s23] =	ssyncset.done $0x0  }
0xbb: {  	[sflag:s23] =	ssyncadd.s32 $0xFFFFC000  }
0xbc: {  	_ =	swait.ge [sflag:s23], $0x4000  }
0xbd: {  	[sflag:s23] =	ssyncset.done $0x0  }
0xbe: {  	[sflag:s23] =	ssyncadd.s32 $0xFFFFC000  }
0xbf: {  	_ =	swait.ge [sflag:s23], $0x4000  }
0xc0: {  	[sflag:s23] =	ssyncset.done $0x0  }
0xc1: {  	[sflag:s23] =	ssyncadd.s32 $0xFFFFC000  }
0xc2: {  	_ =	swait.ge [sflag:s23], $0x4000  }
0xc3: {  	[sflag:s23] =	ssyncset.done $0x0  }
0xc4: {  	[sflag:s23] =	ssyncadd.s32 $0xFFFFC000  }
0xc5: {  	_ =	swait.ge [sflag:s23], $0x4000  }
0xc6: {  	[sflag:s23] =	ssyncset.done $0x0  }
0xc7: {  	[sflag:s23] =	ssyncadd.s32 $0xFFFFC000  }
0xc8: {  	_ =	swait.ge [sflag:s23], $0x4000  }
0xc9: {  	[sflag:s23] =	ssyncset.done $0x0  }
0xca: {  	[sflag:s23] =	ssyncadd.s32 $0xFFFFC000  }
0xcb: {  	_ =	swait.ge [sflag:s23], $0x4000  }
0xcc: {  	[sflag:s23] =	ssyncset.done $0x0  }
0xcd: {  	[sflag:s23] =	ssyncadd.s32 $0xFFFFC000  }
0xce: {  	_ =	swait.ge [sflag:s23], $0x4000  }
0xcf: {  	s30 =	simm.s32 $0x8000;
	s0 =	simm.s32 $0x1000;
	[sflag:s23] =	ssyncset.done $0x0  }
.LBB2_2:
0xd0: {  	s21 =	sadd.s32 $0x13C00, s0  }
0xd1: {  	[sflag:s23] =	ssyncadd.s32 $0xFFFFC000;
	s31 =	smov.u32 s30;
	s2 =	sadd.s32 $0x4000, s30  }
0xd2: {  	[spmem:s1] =	stream.indirect.scatter.add.f32 [tilespmem:s20], [sflag:$0x1], $0x80, s21, s22, $0xb8;
	[tilespmem:$0x1CC00] =	vst v63  }
0xd3: {  	p0 =	sne.s32 s30, $0x10000;
	s21 =	sadd.s32 $0x13C80, s0  }
0xd4: {  	[spmem:s1] =	stream.indirect.scatter.add.f32 [tilespmem:s20], [sflag:$0x1], $0x80, s21, s22, $0xb8;
	[tilespmem:$0x1CC00] =	vst v63  }
0xd5: {  	s21 =	sadd.s32 $0x13D00, s0  }
0xd6: {  	[spmem:s1] =	stream.indirect.scatter.add.f32 [tilespmem:s20], [sflag:$0x1], $0x80, s21, s22, $0xb8;
	[tilespmem:$0x1CC00] =	vst v63  }
0xd7: {  	s21 =	sadd.s32 $0x13D80, s0  }
0xd8: {  	[spmem:s1] =	stream.indirect.scatter.add.f32 [tilespmem:s20], [sflag:$0x1], $0x80, s21, s22, $0xb8;
	[tilespmem:$0x1CC00] =	vst v63  }
0xd9: {  	s21 =	sadd.s32 $0x13E00, s0  }
0xda: {  	[spmem:s1] =	stream.indirect.scatter.add.f32 [tilespmem:s20], [sflag:$0x1], $0x80, s21, s22, $0xb8;
	[tilespmem:$0x1CC00] =	vst v63  }
0xdb: {  	s21 =	sadd.s32 $0x13E80, s0  }
0xdc: {  	[spmem:s1] =	stream.indirect.scatter.add.f32 [tilespmem:s20], [sflag:$0x1], $0x80, s21, s22, $0xb8;
	[tilespmem:$0x1CC00] =	vst v63  }
0xdd: {  	s21 =	sadd.s32 $0x13F00, s0  }
0xde: {  	[spmem:s1] =	stream.indirect.scatter.add.f32 [tilespmem:s20], [sflag:$0x1], $0x80, s21, s22, $0xb8;
	[tilespmem:$0x1CC00] =	vst v63  }
0xdf: {  	s21 =	sadd.s32 $0x13F80, s0  }
0xe0: {  	[spmem:s1] =	stream.indirect.scatter.add.f32 [tilespmem:s20], [sflag:$0x1], $0x80, s21, s22, $0xb8;
	[tilespmem:$0x1CC00] =	vst v63  }
0xe1: {  	s21 =	sadd.s32 $0x14000, s0  }
0xe2: {  	[spmem:s1] =	stream.indirect.scatter.add.f32 [tilespmem:s20], [sflag:$0x1], $0x80, s21, s22, $0xb8;
	[tilespmem:$0x1CC00] =	vst v63  }
0xe3: {  	s21 =	sadd.s32 $0x14080, s0  }
0xe4: {  	[spmem:s1] =	stream.indirect.scatter.add.f32 [tilespmem:s20], [sflag:$0x1], $0x80, s21, s22, $0xb8;
	[tilespmem:$0x1CC00] =	vst v63  }
0xe5: {  	s21 =	sadd.s32 $0x14100, s0  }
0xe6: {  	[spmem:s1] =	stream.indirect.scatter.add.f32 [tilespmem:s20], [sflag:$0x1], $0x80, s21, s22, $0xb8;
	[tilespmem:$0x1CC00] =	vst v63  }
0xe7: {  	s21 =	sadd.s32 $0x14180, s0  }
0xe8: {  	[spmem:s1] =	stream.indirect.scatter.add.f32 [tilespmem:s20], [sflag:$0x1], $0x80, s21, s22, $0xb8;
	[tilespmem:$0x1CC00] =	vst v63  }
0xe9: {  	s21 =	sadd.s32 $0x14200, s0  }
0xea: {  	[spmem:s1] =	stream.indirect.scatter.add.f32 [tilespmem:s20], [sflag:$0x1], $0x80, s21, s22, $0xb8;
	[tilespmem:$0x1CC00] =	vst v63  }
0xeb: {  	s21 =	sadd.s32 $0x14280, s0  }
0xec: {  	[spmem:s1] =	stream.indirect.scatter.add.f32 [tilespmem:s20], [sflag:$0x1], $0x80, s21, s22, $0xb8;
	[tilespmem:$0x1CC00] =	vst v63  }
0xed: {  	s21 =	sadd.s32 $0x14300, s0  }
0xee: {  	[spmem:s1] =	stream.indirect.scatter.add.f32 [tilespmem:s20], [sflag:$0x1], $0x80, s21, s22, $0xb8;
	[tilespmem:$0x1CC00] =	vst v63  }
0xef: {  	s21 =	sadd.s32 $0x14380, s0  }
0xf0: {  	[spmem:s1] =	stream.indirect.scatter.add.f32 [tilespmem:s20], [sflag:$0x1], $0x80, s21, s22, $0xb8;
	[tilespmem:$0x1CC00] =	vst v63  }
0xf1: {  	s21 =	sadd.s32 $0x14400, s0  }
0xf2: {  	[spmem:s1] =	stream.indirect.scatter.add.f32 [tilespmem:s20], [sflag:$0x1], $0x80, s21, s22, $0xb8;
	[tilespmem:$0x1CC00] =	vst v63  }
0xf3: {  	s21 =	sadd.s32 $0x14480, s0  }
0xf4: {  	[spmem:s1] =	stream.indirect.scatter.add.f32 [tilespmem:s20], [sflag:$0x1], $0x80, s21, s22, $0xb8;
	[tilespmem:$0x1CC00] =	vst v63  }
0xf5: {  	s21 =	sadd.s32 $0x14500, s0  }
0xf6: {  	[spmem:s1] =	stream.indirect.scatter.add.f32 [tilespmem:s20], [sflag:$0x1], $0x80, s21, s22, $0xb8;
	[tilespmem:$0x1CC00] =	vst v63  }
0xf7: {  	s21 =	sadd.s32 $0x14580, s0  }
0xf8: {  	[spmem:s1] =	stream.indirect.scatter.add.f32 [tilespmem:s20], [sflag:$0x1], $0x80, s21, s22, $0xb8;
	[tilespmem:$0x1CC00] =	vst v63  }
0xf9: {  	s21 =	sadd.s32 $0x14600, s0  }
0xfa: {  	[spmem:s1] =	stream.indirect.scatter.add.f32 [tilespmem:s20], [sflag:$0x1], $0x80, s21, s22, $0xb8;
	[tilespmem:$0x1CC00] =	vst v63  }
0xfb: {  	s21 =	sadd.s32 $0x14680, s0  }
0xfc: {  	[spmem:s1] =	stream.indirect.scatter.add.f32 [tilespmem:s20], [sflag:$0x1], $0x80, s21, s22, $0xb8;
	[tilespmem:$0x1CC00] =	vst v63  }
0xfd: {  	s21 =	sadd.s32 $0x14700, s0  }
0xfe: {  	[spmem:s1] =	stream.indirect.scatter.add.f32 [tilespmem:s20], [sflag:$0x1], $0x80, s21, s22, $0xb8;
	[tilespmem:$0x1CC00] =	vst v63  }
0xff: {  	s21 =	sadd.s32 $0x14780, s0  }
0x100: {  	[spmem:s1] =	stream.indirect.scatter.add.f32 [tilespmem:s20], [sflag:$0x1], $0x80, s21, s22, $0xb8;
	[tilespmem:$0x1CC00] =	vst v63  }
0x101: {  	s21 =	sadd.s32 $0x14800, s0  }
0x102: {  	[spmem:s1] =	stream.indirect.scatter.add.f32 [tilespmem:s20], [sflag:$0x1], $0x80, s21, s22, $0xb8;
	[tilespmem:$0x1CC00] =	vst v63  }
0x103: {  	s21 =	sadd.s32 $0x14880, s0  }
0x104: {  	[spmem:s1] =	stream.indirect.scatter.add.f32 [tilespmem:s20], [sflag:$0x1], $0x80, s21, s22, $0xb8;
	[tilespmem:$0x1CC00] =	vst v63  }
0x105: {  	s21 =	sadd.s32 $0x14900, s0  }
0x106: {  	[spmem:s1] =	stream.indirect.scatter.add.f32 [tilespmem:s20], [sflag:$0x1], $0x80, s21, s22, $0xb8;
	[tilespmem:$0x1CC00] =	vst v63  }
0x107: {  	s21 =	sadd.s32 $0x14980, s0  }
0x108: {  	[spmem:s1] =	stream.indirect.scatter.add.f32 [tilespmem:s20], [sflag:$0x1], $0x80, s21, s22, $0xb8;
	[tilespmem:$0x1CC00] =	vst v63  }
0x109: {  	s21 =	sadd.s32 $0x14A00, s0  }
0x10a: {  	[spmem:s1] =	stream.indirect.scatter.add.f32 [tilespmem:s20], [sflag:$0x1], $0x80, s21, s22, $0xb8;
	[tilespmem:$0x1CC00] =	vst v63  }
0x10b: {  	s21 =	sadd.s32 $0x14A80, s0  }
0x10c: {  	[spmem:s1] =	stream.indirect.scatter.add.f32 [tilespmem:s20], [sflag:$0x1], $0x80, s21, s22, $0xb8;
	[tilespmem:$0x1CC00] =	vst v63  }
0x10d: {  	s21 =	sadd.s32 $0x14B00, s0  }
0x10e: {  	[spmem:s1] =	stream.indirect.scatter.add.f32 [tilespmem:s20], [sflag:$0x1], $0x80, s21, s22, $0xb8;
	[tilespmem:$0x1CC00] =	vst v63  }
0x10f: {  	s0 =	sadd.s32 $0x14B80, s0  }
0x110: {  	[spmem:s1] =	stream.indirect.scatter.add.f32 [tilespmem:s20], [sflag:$0x1], $0x80, s0, s22, $0xb8;
	[tilespmem:$0x1CC00] =	vst v63  }
0x111: {  	_ =	swait.ge [sflag:s23], $0x4000  }
0x112: {  	[sflag:s23] =	ssyncset.done $0x0  }
0x113: {  	[sflag:s23] =	ssyncadd.s32 $0xFFFFC000  }
0x114: {  	_ =	swait.ge [sflag:s23], $0x4000  }
0x115: {  	[sflag:s23] =	ssyncset.done $0x0  }
0x116: {  	[sflag:s23] =	ssyncadd.s32 $0xFFFFC000  }
0x117: {  	_ =	swait.ge [sflag:s23], $0x4000  }
0x118: {  	[sflag:s23] =	ssyncset.done $0x0  }
0x119: {  	[sflag:s23] =	ssyncadd.s32 $0xFFFFC000  }
0x11a: {  	_ =	swait.ge [sflag:s23], $0x4000  }
0x11b: {  	[sflag:s23] =	ssyncset.done $0x0  }
0x11c: {  	[sflag:s23] =	ssyncadd.s32 $0xFFFFC000  }
0x11d: {  	_ =	swait.ge [sflag:s23], $0x4000  }
0x11e: {  	[sflag:s23] =	ssyncset.done $0x0  }
0x11f: {  	[sflag:s23] =	ssyncadd.s32 $0xFFFFC000  }
0x120: {  	_ =	swait.ge [sflag:s23], $0x4000  }
0x121: {  	[sflag:s23] =	ssyncset.done $0x0  }
0x122: {  	[sflag:s23] =	ssyncadd.s32 $0xFFFFC000  }
0x123: {  	_ =	swait.ge [sflag:s23], $0x4000  }
0x124: {  	[sflag:s23] =	ssyncset.done $0x0  }
0x125: {  	[sflag:s23] =	ssyncadd.s32 $0xFFFFC000  }
0x126: {  	_ =	swait.ge [sflag:s23], $0x4000  }
0x127: {  	[sflag:s23] =	ssyncset.done $0x0  }
0x128: {  	[sflag:s23] =	ssyncadd.s32 $0xFFFFC000  }
0x129: {  	_ =	swait.ge [sflag:s23], $0x4000  }
0x12a: {  	[sflag:s23] =	ssyncset.done $0x0  }
0x12b: {  	[sflag:s23] =	ssyncadd.s32 $0xFFFFC000  }
0x12c: {  	_ =	swait.ge [sflag:s23], $0x4000  }
0x12d: {  	[sflag:s23] =	ssyncset.done $0x0  }
0x12e: {  	[sflag:s23] =	ssyncadd.s32 $0xFFFFC000  }
0x12f: {  	_ =	swait.ge [sflag:s23], $0x4000  }
0x130: {  	[sflag:s23] =	ssyncset.done $0x0  }
0x131: {  	[sflag:s23] =	ssyncadd.s32 $0xFFFFC000  }
0x132: {  	_ =	swait.ge [sflag:s23], $0x4000  }
0x133: {  	[sflag:s23] =	ssyncset.done $0x0  }
0x134: {  	[sflag:s23] =	ssyncadd.s32 $0xFFFFC000  }
0x135: {  	_ =	swait.ge [sflag:s23], $0x4000  }
0x136: {  	[sflag:s23] =	ssyncset.done $0x0  }
0x137: {  	[sflag:s23] =	ssyncadd.s32 $0xFFFFC000  }
0x138: {  	_ =	swait.ge [sflag:s23], $0x4000  }
0x139: {  	[sflag:s23] =	ssyncset.done $0x0  }
0x13a: {  	[sflag:s23] =	ssyncadd.s32 $0xFFFFC000  }
0x13b: {  	_ =	swait.ge [sflag:s23], $0x4000  }
0x13c: {  	[sflag:s23] =	ssyncset.done $0x0  }
0x13d: {  	[sflag:s23] =	ssyncadd.s32 $0xFFFFC000  }
0x13e: {  	_ =	swait.ge [sflag:s23], $0x4000  }
0x13f: {  	[sflag:s23] =	ssyncset.done $0x0  }
0x140: {  	[sflag:s23] =	ssyncadd.s32 $0xFFFFC000  }
0x141: {  	_ =	swait.ge [sflag:s23], $0x4000  }
0x142: {  	[sflag:s23] =	ssyncset.done $0x0  }
0x143: {  	[sflag:s23] =	ssyncadd.s32 $0xFFFFC000  }
0x144: {  	_ =	swait.ge [sflag:s23], $0x4000  }
0x145: {  	[sflag:s23] =	ssyncset.done $0x0  }
0x146: {  	[sflag:s23] =	ssyncadd.s32 $0xFFFFC000  }
0x147: {  	_ =	swait.ge [sflag:s23], $0x4000  }
0x148: {  	[sflag:s23] =	ssyncset.done $0x0  }
0x149: {  	[sflag:s23] =	ssyncadd.s32 $0xFFFFC000  }
0x14a: {  	_ =	swait.ge [sflag:s23], $0x4000  }
0x14b: {  	[sflag:s23] =	ssyncset.done $0x0  }
0x14c: {  	[sflag:s23] =	ssyncadd.s32 $0xFFFFC000  }
0x14d: {  	_ =	swait.ge [sflag:s23], $0x4000  }
0x14e: {  	[sflag:s23] =	ssyncset.done $0x0  }
0x14f: {  	[sflag:s23] =	ssyncadd.s32 $0xFFFFC000  }
0x150: {  	_ =	swait.ge [sflag:s23], $0x4000  }
0x151: {  	[sflag:s23] =	ssyncset.done $0x0  }
0x152: {  	[sflag:s23] =	ssyncadd.s32 $0xFFFFC000  }
0x153: {  	_ =	swait.ge [sflag:s23], $0x4000  }
0x154: {  	[sflag:s23] =	ssyncset.done $0x0  }
0x155: {  	[sflag:s23] =	ssyncadd.s32 $0xFFFFC000  }
0x156: {  	_ =	swait.ge [sflag:s23], $0x4000  }
0x157: {  	[sflag:s23] =	ssyncset.done $0x0  }
0x158: {  	[sflag:s23] =	ssyncadd.s32 $0xFFFFC000  }
0x159: {  	_ =	swait.ge [sflag:s23], $0x4000  }
0x15a: {  	[sflag:s23] =	ssyncset.done $0x0  }
0x15b: {  	[sflag:s23] =	ssyncadd.s32 $0xFFFFC000  }
0x15c: {  	_ =	swait.ge [sflag:s23], $0x4000  }
0x15d: {  	[sflag:s23] =	ssyncset.done $0x0  }
0x15e: {  	[sflag:s23] =	ssyncadd.s32 $0xFFFFC000  }
0x15f: {  	_ =	swait.ge [sflag:s23], $0x4000  }
0x160: {  	[sflag:s23] =	ssyncset.done $0x0  }
0x161: {  	[sflag:s23] =	ssyncadd.s32 $0xFFFFC000  }
0x162: {  	_ =	swait.ge [sflag:s23], $0x4000  }
0x163: {  	[sflag:s23] =	ssyncset.done $0x0  }
0x164: {  	[sflag:s23] =	ssyncadd.s32 $0xFFFFC000  }
0x165: {  	_ =	swait.ge [sflag:s23], $0x4000  }
0x166: {  	[sflag:s23] =	ssyncset.done $0x0  }
0x167: {  	[sflag:s23] =	ssyncadd.s32 $0xFFFFC000  }
0x168: {  	_ =	swait.ge [sflag:s23], $0x4000  }
0x169: {  	[sflag:s23] =	ssyncset.done $0x0  }
0x16a: {  	[sflag:s23] =	ssyncadd.s32 $0xFFFFC000  }
.Ltmp0:
0x16b: {  	_ =	swait.ge [sflag:s23], $0x4000;
	(pc) =	sbr.rel @p0 .LBB2_2-.Ltmp0, $4  }
0x16c: {  	[sflag:s23] =	ssyncset.done $0x0  }
0x16d: {  	[sflag:s23] =	ssyncadd.s32 $0xFFFFC000  }
0x16e: {  	_ =	swait.ge [sflag:s23], $0x4000  }
0x16f: {  	s30 =	smov.u32 s2;
	s0 =	sshra.s32 s31, $0x2;
	[sflag:s23] =	ssyncset.done $0x0  }
0x170: {  	s2 =	sadd.s32 $0x13C00, s0;
	[sflag:s23] =	ssyncadd.s32 $0xFFFFC000  }
0x171: {  	[spmem:s1] =	stream.indirect.scatter.add.f32 [tilespmem:s20], [sflag:$0x1], $0x80, s2, s22, $0xb8;
	[tilespmem:$0x1CC00] =	vst v63  }
0x172: {  	s31 =	sadd.s32 $0x13C80, s0  }
0x173: {  	[spmem:s1] =	stream.indirect.scatter.add.f32 [tilespmem:s20], [sflag:$0x1], $0x80, s31, s22, $0xb8;
	[tilespmem:$0x1CC00] =	vst v63  }
0x174: {  	s21 =	sadd.s32 $0x13D00, s0  }
0x175: {  	[spmem:s1] =	stream.indirect.scatter.add.f32 [tilespmem:s20], [sflag:$0x1], $0x80, s21, s22, $0xb8;
	[tilespmem:$0x1CC00] =	vst v63  }
0x176: {  	s30 =	sadd.s32 $0x13D80, s0  }
0x177: {  	[spmem:s1] =	stream.indirect.scatter.add.f32 [tilespmem:s20], [sflag:$0x1], $0x80, s30, s22, $0xb8;
	[tilespmem:$0x1CC00] =	vst v63  }
0x178: {  	s31 =	sadd.s32 $0x13E00, s0  }
0x179: {  	[spmem:s1] =	stream.indirect.scatter.add.f32 [tilespmem:s20], [sflag:$0x1], $0x80, s31, s22, $0xb8;
	[tilespmem:$0x1CC00] =	vst v63  }
0x17a: {  	s21 =	sadd.s32 $0x13E80, s0  }
0x17b: {  	[spmem:s1] =	stream.indirect.scatter.add.f32 [tilespmem:s20], [sflag:$0x1], $0x80, s21, s22, $0xb8;
	[tilespmem:$0x1CC00] =	vst v63  }
0x17c: {  	s30 =	sadd.s32 $0x13F00, s0  }
0x17d: {  	[spmem:s1] =	stream.indirect.scatter.add.f32 [tilespmem:s20], [sflag:$0x1], $0x80, s30, s22, $0xb8;
	[tilespmem:$0x1CC00] =	vst v63  }
0x17e: {  	s31 =	sadd.s32 $0x13F80, s0  }
0x17f: {  	[spmem:s1] =	stream.indirect.scatter.add.f32 [tilespmem:s20], [sflag:$0x1], $0x80, s31, s22, $0xb8;
	[tilespmem:$0x1CC00] =	vst v63  }
0x180: {  	s21 =	sadd.s32 $0x14000, s0  }
0x181: {  	[spmem:s1] =	stream.indirect.scatter.add.f32 [tilespmem:s20], [sflag:$0x1], $0x80, s21, s22, $0xb8;
	[tilespmem:$0x1CC00] =	vst v63  }
0x182: {  	s30 =	sadd.s32 $0x14080, s0  }
0x183: {  	[spmem:s1] =	stream.indirect.scatter.add.f32 [tilespmem:s20], [sflag:$0x1], $0x80, s30, s22, $0xb8;
	[tilespmem:$0x1CC00] =	vst v63  }
0x184: {  	s31 =	sadd.s32 $0x14100, s0  }
0x185: {  	[spmem:s1] =	stream.indirect.scatter.add.f32 [tilespmem:s20], [sflag:$0x1], $0x80, s31, s22, $0xb8;
	[tilespmem:$0x1CC00] =	vst v63  }
0x186: {  	s21 =	sadd.s32 $0x14180, s0  }
0x187: {  	[spmem:s1] =	stream.indirect.scatter.add.f32 [tilespmem:s20], [sflag:$0x1], $0x80, s21, s22, $0xb8;
	[tilespmem:$0x1CC00] =	vst v63  }
0x188: {  	s30 =	sadd.s32 $0x14200, s0  }
0x189: {  	[spmem:s1] =	stream.indirect.scatter.add.f32 [tilespmem:s20], [sflag:$0x1], $0x80, s30, s22, $0xb8;
	[tilespmem:$0x1CC00] =	vst v63  }
0x18a: {  	s31 =	sadd.s32 $0x14280, s0  }
0x18b: {  	[spmem:s1] =	stream.indirect.scatter.add.f32 [tilespmem:s20], [sflag:$0x1], $0x80, s31, s22, $0xb8;
	[tilespmem:$0x1CC00] =	vst v63  }
0x18c: {  	s21 =	sadd.s32 $0x14300, s0  }
0x18d: {  	[spmem:s1] =	stream.indirect.scatter.add.f32 [tilespmem:s20], [sflag:$0x1], $0x80, s21, s22, $0xb8;
	[tilespmem:$0x1CC00] =	vst v63  }
0x18e: {  	s30 =	sadd.s32 $0x14380, s0  }
0x18f: {  	[spmem:s1] =	stream.indirect.scatter.add.f32 [tilespmem:s20], [sflag:$0x1], $0x80, s30, s22, $0xb8;
	[tilespmem:$0x1CC00] =	vst v63  }
0x190: {  	s31 =	sadd.s32 $0x14400, s0  }
0x191: {  	[spmem:s1] =	stream.indirect.scatter.add.f32 [tilespmem:s20], [sflag:$0x1], $0x80, s31, s22, $0xb8;
	[tilespmem:$0x1CC00] =	vst v63  }
0x192: {  	s21 =	sadd.s32 $0x14480, s0  }
0x193: {  	[spmem:s1] =	stream.indirect.scatter.add.f32 [tilespmem:s20], [sflag:$0x1], $0x80, s21, s22, $0xb8;
	[tilespmem:$0x1CC00] =	vst v63  }
0x194: {  	s30 =	sadd.s32 $0x14500, s0  }
0x195: {  	[spmem:s1] =	stream.indirect.scatter.add.f32 [tilespmem:s20], [sflag:$0x1], $0x80, s30, s22, $0xb8;
	[tilespmem:$0x1CC00] =	vst v63  }
0x196: {  	s31 =	sadd.s32 $0x14580, s0  }
0x197: {  	[spmem:s1] =	stream.indirect.scatter.add.f32 [tilespmem:s20], [sflag:$0x1], $0x80, s31, s22, $0xb8;
	[tilespmem:$0x1CC00] =	vst v63  }
0x198: {  	s21 =	sadd.s32 $0x14600, s0  }
0x199: {  	[spmem:s1] =	stream.indirect.scatter.add.f32 [tilespmem:s20], [sflag:$0x1], $0x80, s21, s22, $0xb8;
	[tilespmem:$0x1CC00] =	vst v63  }
0x19a: {  	s30 =	sadd.s32 $0x14680, s0  }
0x19b: {  	[spmem:s1] =	stream.indirect.scatter.add.f32 [tilespmem:s20], [sflag:$0x1], $0x80, s30, s22, $0xb8;
	[tilespmem:$0x1CC00] =	vst v63  }
0x19c: {  	s31 =	sadd.s32 $0x14700, s0  }
0x19d: {  	[spmem:s1] =	stream.indirect.scatter.add.f32 [tilespmem:s20], [sflag:$0x1], $0x80, s31, s22, $0xb8;
	[tilespmem:$0x1CC00] =	vst v63  }
0x19e: {  	s21 =	sadd.s32 $0x14780, s0  }
0x19f: {  	[spmem:s1] =	stream.indirect.scatter.add.f32 [tilespmem:s20], [sflag:$0x1], $0x80, s21, s22, $0xb8;
	[tilespmem:$0x1CC00] =	vst v63  }
0x1a0: {  	s30 =	sadd.s32 $0x14800, s0  }
0x1a1: {  	[spmem:s1] =	stream.indirect.scatter.add.f32 [tilespmem:s20], [sflag:$0x1], $0x80, s30, s22, $0xb8;
	[tilespmem:$0x1CC00] =	vst v63  }
0x1a2: {  	s31 =	sadd.s32 $0x14880, s0  }
0x1a3: {  	[spmem:s1] =	stream.indirect.scatter.add.f32 [tilespmem:s20], [sflag:$0x1], $0x80, s31, s22, $0xb8;
	[tilespmem:$0x1CC00] =	vst v63  }
0x1a4: {  	s21 =	sadd.s32 $0x14900, s0  }
0x1a5: {  	[spmem:s1] =	stream.indirect.scatter.add.f32 [tilespmem:s20], [sflag:$0x1], $0x80, s21, s22, $0xb8;
	[tilespmem:$0x1CC00] =	vst v63  }
0x1a6: {  	s30 =	sadd.s32 $0x14980, s0  }
0x1a7: {  	[spmem:s1] =	stream.indirect.scatter.add.f32 [tilespmem:s20], [sflag:$0x1], $0x80, s30, s22, $0xb8;
	[tilespmem:$0x1CC00] =	vst v63  }
0x1a8: {  	s31 =	sadd.s32 $0x14A00, s0  }
0x1a9: {  	[spmem:s1] =	stream.indirect.scatter.add.f32 [tilespmem:s20], [sflag:$0x1], $0x80, s31, s22, $0xb8;
	[tilespmem:$0x1CC00] =	vst v63  }
0x1aa: {  	s21 =	sadd.s32 $0x14A80, s0  }
0x1ab: {  	[spmem:s1] =	stream.indirect.scatter.add.f32 [tilespmem:s20], [sflag:$0x1], $0x80, s21, s22, $0xb8;
	[tilespmem:$0x1CC00] =	vst v63  }
0x1ac: {  	s30 =	sadd.s32 $0x14B00, s0  }
0x1ad: {  	[spmem:s1] =	stream.indirect.scatter.add.f32 [tilespmem:s20], [sflag:$0x1], $0x80, s30, s22, $0xb8;
	[tilespmem:$0x1CC00] =	vst v63  }
0x1ae: {  	s31 =	sadd.s32 $0x14B80, s0  }
0x1af: {  	[spmem:s1] =	stream.indirect.scatter.add.f32 [tilespmem:s20], [sflag:$0x1], $0x80, s31, s22, $0xb8;
	[tilespmem:$0x1CC00] =	vst v63  }
0x1b0: {  	_ =	swait.ge [sflag:s23], $0x4000  }
0x1b1: {  	[sflag:s23] =	ssyncset.done $0x0  }
0x1b2: {  	[sflag:s23] =	ssyncadd.s32 $0xFFFFC000  }
0x1b3: {  	_ =	swait.ge [sflag:s23], $0x4000  }
0x1b4: {  	[sflag:s23] =	ssyncset.done $0x0  }
0x1b5: {  	[sflag:s23] =	ssyncadd.s32 $0xFFFFC000  }
0x1b6: {  	_ =	swait.ge [sflag:s23], $0x4000  }
0x1b7: {  	[sflag:s23] =	ssyncset.done $0x0  }
0x1b8: {  	[sflag:s23] =	ssyncadd.s32 $0xFFFFC000  }
0x1b9: {  	_ =	swait.ge [sflag:s23], $0x4000  }
0x1ba: {  	[sflag:s23] =	ssyncset.done $0x0  }
0x1bb: {  	[sflag:s23] =	ssyncadd.s32 $0xFFFFC000  }
0x1bc: {  	_ =	swait.ge [sflag:s23], $0x4000  }
0x1bd: {  	[sflag:s23] =	ssyncset.done $0x0  }
0x1be: {  	[sflag:s23] =	ssyncadd.s32 $0xFFFFC000  }
0x1bf: {  	_ =	swait.ge [sflag:s23], $0x4000  }
0x1c0: {  	[sflag:s23] =	ssyncset.done $0x0  }
0x1c1: {  	[sflag:s23] =	ssyncadd.s32 $0xFFFFC000  }
0x1c2: {  	_ =	swait.ge [sflag:s23], $0x4000  }
0x1c3: {  	[sflag:s23] =	ssyncset.done $0x0  }
0x1c4: {  	[sflag:s23] =	ssyncadd.s32 $0xFFFFC000  }
0x1c5: {  	_ =	swait.ge [sflag:s23], $0x4000  }
0x1c6: {  	[sflag:s23] =	ssyncset.done $0x0  }
0x1c7: {  	[sflag:s23] =	ssyncadd.s32 $0xFFFFC000  }
0x1c8: {  	_ =	swait.ge [sflag:s23], $0x4000  }
0x1c9: {  	[sflag:s23] =	ssyncset.done $0x0  }
0x1ca: {  	[sflag:s23] =	ssyncadd.s32 $0xFFFFC000  }
0x1cb: {  	_ =	swait.ge [sflag:s23], $0x4000  }
0x1cc: {  	[sflag:s23] =	ssyncset.done $0x0  }
0x1cd: {  	[sflag:s23] =	ssyncadd.s32 $0xFFFFC000  }
0x1ce: {  	_ =	swait.ge [sflag:s23], $0x4000  }
0x1cf: {  	[sflag:s23] =	ssyncset.done $0x0  }
0x1d0: {  	[sflag:s23] =	ssyncadd.s32 $0xFFFFC000  }
0x1d1: {  	_ =	swait.ge [sflag:s23], $0x4000  }
0x1d2: {  	[sflag:s23] =	ssyncset.done $0x0  }
0x1d3: {  	[sflag:s23] =	ssyncadd.s32 $0xFFFFC000  }
0x1d4: {  	_ =	swait.ge [sflag:s23], $0x4000  }
0x1d5: {  	[sflag:s23] =	ssyncset.done $0x0  }
0x1d6: {  	[sflag:s23] =	ssyncadd.s32 $0xFFFFC000  }
0x1d7: {  	_ =	swait.ge [sflag:s23], $0x4000  }
0x1d8: {  	[sflag:s23] =	ssyncset.done $0x0  }
0x1d9: {  	[sflag:s23] =	ssyncadd.s32 $0xFFFFC000  }
0x1da: {  	_ =	swait.ge [sflag:s23], $0x4000  }
0x1db: {  	[sflag:s23] =	ssyncset.done $0x0  }
0x1dc: {  	[sflag:s23] =	ssyncadd.s32 $0xFFFFC000  }
0x1dd: {  	_ =	swait.ge [sflag:s23], $0x4000  }
0x1de: {  	[sflag:s23] =	ssyncset.done $0x0  }
0x1df: {  	[sflag:s23] =	ssyncadd.s32 $0xFFFFC000  }
0x1e0: {  	_ =	swait.ge [sflag:s23], $0x4000  }
0x1e1: {  	[sflag:s23] =	ssyncset.done $0x0  }
0x1e2: {  	[sflag:s23] =	ssyncadd.s32 $0xFFFFC000  }
0x1e3: {  	_ =	swait.ge [sflag:s23], $0x4000  }
0x1e4: {  	[sflag:s23] =	ssyncset.done $0x0  }
0x1e5: {  	[sflag:s23] =	ssyncadd.s32 $0xFFFFC000  }
0x1e6: {  	_ =	swait.ge [sflag:s23], $0x4000  }
0x1e7: {  	[sflag:s23] =	ssyncset.done $0x0  }
0x1e8: {  	[sflag:s23] =	ssyncadd.s32 $0xFFFFC000  }
0x1e9: {  	_ =	swait.ge [sflag:s23], $0x4000  }
0x1ea: {  	[sflag:s23] =	ssyncset.done $0x0  }
0x1eb: {  	[sflag:s23] =	ssyncadd.s32 $0xFFFFC000  }
0x1ec: {  	_ =	swait.ge [sflag:s23], $0x4000  }
0x1ed: {  	[sflag:s23] =	ssyncset.done $0x0  }
0x1ee: {  	[sflag:s23] =	ssyncadd.s32 $0xFFFFC000  }
0x1ef: {  	_ =	swait.ge [sflag:s23], $0x4000  }
0x1f0: {  	[sflag:s23] =	ssyncset.done $0x0  }
0x1f1: {  	[sflag:s23] =	ssyncadd.s32 $0xFFFFC000  }
0x1f2: {  	_ =	swait.ge [sflag:s23], $0x4000  }
0x1f3: {  	[sflag:s23] =	ssyncset.done $0x0  }
0x1f4: {  	[sflag:s23] =	ssyncadd.s32 $0xFFFFC000  }
0x1f5: {  	_ =	swait.ge [sflag:s23], $0x4000  }
0x1f6: {  	[sflag:s23] =	ssyncset.done $0x0  }
0x1f7: {  	[sflag:s23] =	ssyncadd.s32 $0xFFFFC000  }
0x1f8: {  	_ =	swait.ge [sflag:s23], $0x4000  }
0x1f9: {  	[sflag:s23] =	ssyncset.done $0x0  }
0x1fa: {  	[sflag:s23] =	ssyncadd.s32 $0xFFFFC000  }
0x1fb: {  	_ =	swait.ge [sflag:s23], $0x4000  }
0x1fc: {  	[sflag:s23] =	ssyncset.done $0x0  }
0x1fd: {  	[sflag:s23] =	ssyncadd.s32 $0xFFFFC000  }
0x1fe: {  	_ =	swait.ge [sflag:s23], $0x4000  }
0x1ff: {  	[sflag:s23] =	ssyncset.done $0x0  }
0x200: {  	[sflag:s23] =	ssyncadd.s32 $0xFFFFC000  }
0x201: {  	_ =	swait.ge [sflag:s23], $0x4000  }
0x202: {  	[sflag:s23] =	ssyncset.done $0x0  }
0x203: {  	[sflag:s23] =	ssyncadd.s32 $0xFFFFC000  }
0x204: {  	_ =	swait.ge [sflag:s23], $0x4000  }
0x205: {  	[sflag:s23] =	ssyncset.done $0x0  }
0x206: {  	[sflag:s23] =	ssyncadd.s32 $0xFFFFC000  }
0x207: {  	_ =	swait.ge [sflag:s23], $0x4000  }
0x208: {  	[sflag:s23] =	ssyncset.done $0x0  }
0x209: {  	[sflag:s23] =	ssyncadd.s32 $0xFFFFC000  }
0x20a: {  	_ =	swait.ge [sflag:s23], $0x4000  }
0x20b: {  	[sflag:s23] =	ssyncset.done $0x0  }
0x20c: {  	[sflag:s23] =	ssyncadd.s32 $0xFFFFC000  }
0x20d: {  	_ =	swait.ge [sflag:s23], $0x4000  }
0x20e: {  	[sflag:s23] =	ssyncset.done $0x0  }
0x20f: {  	[sflag:s23] =	ssyncadd.s32 $0xFFFFC000  }
0x210: {  	[bflag:$0x0] =	sbarrier.arrive $0xFFFF  }
0x211: {  	[hbm:s12], [sflag:s6] =	dma.local [spmem:s18], $0x800  }
0x212: {  	_ =	swait.ge [sflag:s19], $0x800  }
0x213: {  	[sflag:s19] =	ssyncset.done $0x0  }
0x214: {  	[sflag:s19] =	ssyncadd.s32 $0xFFFFF800  }
0x215: {  	[hbm:s13], [sflag:s6] =	dma.local [spmem:s25], $0x800  }
0x216: {  	_ =	swait.ge [sflag:s19], $0x800  }
0x217: {  	[sflag:s19] =	ssyncset.done $0x0  }
0x218: {  	[sflag:s19] =	ssyncadd.s32 $0xFFFFF800  }
0x219: {  	[hbm:s14], [sflag:s6] =	dma.local [spmem:s26], $0x800  }
0x21a: {  	_ =	swait.ge [sflag:s19], $0x800  }
0x21b: {  	[sflag:s19] =	ssyncset.done $0x0  }
0x21c: {  	[sflag:s19] =	ssyncadd.s32 $0xFFFFF800  }
0x21d: {  	[hbm:s15], [sflag:s6] =	dma.local [spmem:s28], $0x800  }
0x21e: {  	s24 =	sadd.s32 $0x1, s24;
	_ =	swait.ge [sflag:s19], $0x800  }
0x21f: {  	p0 =	sne.s32 s24, s17;
	[sflag:s19] =	ssyncset.done $0x0  }
.Ltmp1:
0x220: {  	[sflag:s19] =	ssyncadd.s32 $0xFFFFF800;
	(pc) =	sbr.rel @p0 .LBB2_1-.Ltmp1, $4  }
0x221: {  	[hbm:s16], [sflag:s6] =	dma.local [spmem:s29], $0x780  }
0x222: {  	_ =	swait.ge [sflag:s19], $0x780  }
0x223: {  	[sflag:s19] =	ssyncset.done $0x0  }
0x224: {  	[sflag:s19] =	ssyncadd.s32 $0xFFFFF880  }
0x225: {  	_ =	sfence.sel $0x180000  }
0x226: {  	[bflag:$0x0] =	sbarrier.arrive $0xFFFF  }
0x227: {  	_ =	strace $0x90000047  }
0x228: {  	s0 =	stileid.u32;
	[bflag:$0x2] =	sbarrier.arrive $0xFFFF  }
0x229: {  	p0 =	sne.s32 s0, $0x0;
	s0 =	rddreg [dreg:$0x3]  }
0x22a: {  	s0 =	sadd.s32 @!p0 $0x100000, s0  }
0x22b: {  	[sflag:s0] =	ssyncadd.tile.s32 @!p0 $0x1;
	_ =	shalt  }
.Lfunc_end2:
_tile_overlayer_lowered:
.L_overlay_start_2:
0x22c: {  	(tag) =	ssettag $0x2  }
0x22d: {  	s0 =	rddreg [dreg:$0x0];
	s2 =	stileid.u32  }
0x22e: {  	s1 =	rddreg [dreg:$0x1];
	p0 =	sne.s32 s2, $0x0  }
0x22f: {  	s3 =	rddreg [dreg:$0x2];
	[bflag:$0x3] =	sbarrier.arrive $0xFFFF;
	s2 =	simm.s32 @!p0 $0x1C02  }
0x230: {  	[timem:s3], [sflag:s2] =	dma.local @!p0 [hbm:s0], s1  }
0x231: {  	s0 =	simm.s32 @!p0 $0x2  }
0x232: {  	_ =	swait.ge @!p0 [sflag:s0], s1  }
0x233: {  	s1 =	ssub.s32 @!p0 $0x0, s1;
	[sflag:s0] =	ssyncset.done @!p0 $0x0  }
0x234: {  	[sflag:s0] =	ssyncadd.s32 @!p0 s1  }
0x235: {  	[bflag:$0x3] =	sbarrier.arrive $0xFFFF  }
0x236: {  	_ =	shalt  }

// kernel: kernel.13.cloned.1.call-start
scs
__scs_entry_jumppad:
0x0: {  	(pc) =	sbr.rel $0x88, $3  }
0x1: {  	(tag) =	ssettag $0x0;
	lr =	simm.s32 $0x1  }
0x2: {  	[smem:$0x3F99] =	sst lr;
	_ =	strace $0xD0000000  }
0x3: {  	_ = 	snop  }
0x4: {  	_ = 	snop  }
0x5: {  	_ = 	snop  }
0x6: {  	_ = 	snop  }
0x7: {  	_ = 	snop  }
__scs_overlays_trampoline_lowered:
0x8: {  	[smem:$0x3FA8] =	sst s0  }
0x9: {  	[smem:$0x3FA9] =	sst s1  }
0xa: {  	[smem:$0x3FAA] =	sst s2  }
0xb: {  	[smem:$0x3FAB] =	sst s3  }
0xc: {  	[smem:$0x3FAC] =	sst s4  }
0xd: {  	[smem:$0x3FAD] =	sst s5  }
0xe: {  	[smem:$0x3FAE] =	sst s6  }
0xf: {  	[smem:$0x3FAF] =	sst s7  }
0x10: {  	[smem:$0x3FB0] =	sst s8  }
0x11: {  	[smem:$0x3FB1] =	sst s9;
	s0 =	simm.s32 @!p0 $0x0  }
0x12: {  	s1 =	sld [smem:$0x3F97];
	s0 =	simm.s32 @p0 $0x1  }
0x13: {  	[smem:$0x3FB2] =	sst s0;
	s0 =	simm.s32 @!p1 $0x0  }
0x14: {  	s2 =	sld [smem:$0x3F96];
	s0 =	simm.s32 @p1 $0x1  }
0x15: {  	[smem:$0x3FB3] =	sst s0;
	s0 =	simm.s32 @!p2 $0x0  }
0x16: {  	s3 =	sld [smem:$0x3FDB];
	s0 =	simm.s32 @p2 $0x1  }
0x17: {  	s4 =	simm.s32 $0x1BF5;
	[smem:$0x3FB5] =	sst s0  }
0x18: {  	s0 =	sld [smem:$0x3F98];
	_ =	swait.ge [sflag:s4], $0x0  }
0x19: {  	s7 =	sld [smem:$0x3F99]  }
0x1a: {  	s8 =	sadd.s32 $0xFFFFE003, lr  }
0x1b: {  	s9 =	sadd.s32 $0xFFFFFEF7, lr;
	s5 =	simm.s32 $0xFFFFFFFF;
	p2 =	slt.u32 s8, $0xFFFFF086  }
0x1c: {  	p1 =	slt.u32 s9, $0xF7A;
	s5 =	simm.s32 @!p2 $0x0  }
0x1d: {  	s5 =	simm.s32 @p1 $0x1;
	p0 =	seq.s32 s7, s2  }
0x1e: {  	s7 =	smul.u32 @!p0 $0xF7A, s2;
	p2 =	seq.s32 @!p0 s5, $0x0  }
0x1f: {  	s9 =	smul.u32 $0xF7A, s1;
	s8 =	simm.s32 @!p0 $0x1BF5;
	p2 =	por !p2, p0  }
0x20: {  	[sflag:s8] =	ssyncset.s32 @!p0 $0xFFFFF086;
	s6 =	sadd.s32 @!p0 s3, s7;
	s7 =	simm.s32 @!p0 $0x108  }
0x21: {  	s3 =	sadd.s32 s3, s9;
	s6 =	sadd.s32 @!p0 $0x88, s6;
	s7 =	simm.s32 @p2 $0x1082  }
0x22: {  	[simem:s7], [sflag:s8] =	dma.local @!p0 [hbm:s6], $0xF7A  }
0x23: {  	s9 =	sor.u32 $0xD0000000, s2;
	s6 =	simm.s32 $0x108;
	_ =	swait.ge @!p0 [sflag:s8], $0x0  }
0x24: {  	s3 =	sadd.s32 $0x88, s3;
	s6 =	simm.s32 @!p1 $0x1082;
	[sflag:s4] =	ssyncset.s32 $0xFFFFF086  }
0x25: {  	[simem:s6], [sflag:s4] =	dma.local [hbm:s3], $0xF7A  }
0x26: {  	[smem:$0x3F99] =	sst s1;
	(tag) =	ssettag s2;
	_ =	strace s9  }
0x27: {  	s1 =	sld [smem:$0x3FA9]  }
0x28: {  	s2 =	sld [smem:$0x3FAA]  }
0x29: {  	s4 =	sld [smem:$0x3FAC]  }
0x2a: {  	p0 =	seq.s32 s5, $0x0;
	s5 =	sld [smem:$0x3FAD]  }
0x2b: {  	s6 =	sld [smem:$0x3FAE]  }
0x2c: {  	s7 =	sld [smem:$0x3FAF]  }
0x2d: {  	s3 =	simm.s32 $0x108;
	s8 =	sld [smem:$0x3FB0]  }
0x2e: {  	s3 =	simm.s32 @!p0 $0x1082;
	s9 =	sld [smem:$0x3FB1]  }
0x2f: {  	lr =	sadd.s32 s0, s3;
	s0 =	sld [smem:$0x3FA8]  }
0x30: {  	s3 =	sld [smem:$0x3FAB]  }
0x31: {  	[smem:$0x3FB4] =	sst s10  }
0x32: {  	s10 =	sld [smem:$0x3FB2];
	_ =	sdelay $0x3  }
0x33: {  	p0 =	seq.s32 s10, $0x1;
	s10 =	sld [smem:$0x3FB4];
	_ =	sdelay $0x3  }
0x34: {  	[smem:$0x3FB4] =	sst s10  }
0x35: {  	s10 =	sld [smem:$0x3FB3];
	_ =	sdelay $0x3  }
0x36: {  	p1 =	seq.s32 s10, $0x1;
	s10 =	sld [smem:$0x3FB4];
	_ =	sdelay $0x3  }
0x37: {  	[smem:$0x3FB4] =	sst s10  }
0x38: {  	s10 =	sld [smem:$0x3FB5]  }
0x39: {  	_ = 	snop;
	(pc) =	sbr.ind lr, $3  }
0x3a: {  	_ = 	snop  }
0x3b: {  	_ = 	snop  }
0x3c: {  	p2 =	seq.s32 s10, $0x1;
	s10 =	sld [smem:$0x3FB4]  }
0x3d: {  	_ =	shalt  }
0x3e: {  	_ =	shalt  }
0x3f: {  	_ =	shalt  }
0x40: {  	_ =	shalt  }
0x41: {  	_ =	shalt  }
0x42: {  	_ =	shalt  }
0x43: {  	_ =	shalt  }
0x44: {  	_ =	shalt  }
0x45: {  	_ =	shalt  }
0x46: {  	_ =	shalt  }
0x47: {  	_ =	shalt  }
0x48: {  	_ =	shalt  }
0x49: {  	_ =	shalt  }
0x4a: {  	_ =	shalt  }
0x4b: {  	_ =	shalt  }
0x4c: {  	_ =	shalt  }
0x4d: {  	_ =	shalt  }
0x4e: {  	_ =	shalt  }
0x4f: {  	_ =	shalt  }
0x50: {  	_ =	shalt  }
0x51: {  	_ =	shalt  }
0x52: {  	_ =	shalt  }
0x53: {  	_ =	shalt  }
0x54: {  	_ =	shalt  }
0x55: {  	_ =	shalt  }
0x56: {  	_ =	shalt  }
0x57: {  	_ =	shalt  }
0x58: {  	_ =	shalt  }
0x59: {  	_ =	shalt  }
0x5a: {  	_ =	shalt  }
0x5b: {  	_ =	shalt  }
0x5c: {  	_ =	shalt  }
0x5d: {  	_ =	shalt  }
0x5e: {  	_ =	shalt  }
0x5f: {  	_ =	shalt  }
0x60: {  	_ =	shalt  }
0x61: {  	_ =	shalt  }
0x62: {  	_ =	shalt  }
0x63: {  	_ =	shalt  }
0x64: {  	_ =	shalt  }
0x65: {  	_ =	shalt  }
0x66: {  	_ =	shalt  }
0x67: {  	_ =	shalt  }
0x68: {  	_ =	shalt  }
0x69: {  	_ =	shalt  }
0x6a: {  	_ =	shalt  }
0x6b: {  	_ =	shalt  }
0x6c: {  	_ =	shalt  }
0x6d: {  	_ =	shalt  }
0x6e: {  	_ =	shalt  }
0x6f: {  	_ =	shalt  }
0x70: {  	_ =	shalt  }
0x71: {  	_ =	shalt  }
0x72: {  	_ =	shalt  }
0x73: {  	_ =	shalt  }
0x74: {  	_ =	shalt  }
0x75: {  	_ =	shalt  }
0x76: {  	_ =	shalt  }
0x77: {  	_ =	shalt  }
0x78: {  	_ =	shalt  }
0x79: {  	_ =	shalt  }
0x7a: {  	_ =	shalt  }
0x7b: {  	_ =	shalt  }
0x7c: {  	_ =	shalt  }
0x7d: {  	_ =	shalt  }
0x7e: {  	_ =	shalt  }
0x7f: {  	_ =	shalt  }
0x80: {  	_ =	shalt  }
0x81: {  	_ =	shalt  }
0x82: {  	_ =	shalt  }
0x83: {  	_ =	shalt  }
0x84: {  	_ =	shalt  }
0x85: {  	_ =	shalt  }
0x86: {  	_ =	shalt  }
0x87: {  	_ =	shalt  }
.Lfunc_end0:
.L_simem_size_0:
called_computation.1_lowered:
.L_overlay_start_0:
0x88: {  	s2 =	sld [smem:$0x3FD9]  }
0x89: {  	s3 =	sld [smem:$0x3FFE];
	_ =	sdelay $0x1  }
0x8a: {  	s1 =	srdreg.scid  }
0x8b: {  	s0 =	sand.u32 $0x1, s1  }
0x8c: {  	s17 =	sshll.u32 s0, $0xA;
	s2 =	sadd.s32 s3, s2  }
0x8d: {  	s2 =	sadd.s32 s2, s17  }
0x8e: {  	[smem:$0x3FC0] =	sst s2  }
0x8f: {  	_ = 	snop  }
0x90: {  	s2 =	sld [smem:$0x3FD0];
	(tm) =	ssettm $0x1  }
0x91: {  	s18 =	sld [smem:$0x3FFB];
	_ =	sdelay $0x3  }
0x92: {  	_ =	strace s18  }
0x93: {  	s3 =	sld [smem:$0x3FFC];
	_ =	sdelay $0x3  }
0x94: {  	_ =	strace s3  }
0x95: {  	s3 =	sld [smem:$0x3FFD];
	_ =	sdelay $0x3  }
0x96: {  	_ =	strace s3  }
0x97: {  	_ =	strace $0x8FFFFFFF  }
0x98: {  	s19 =	sld [smem:$0x3FDB];
	_ =	sdelay $0x1  }
0x99: {  	s4 =	simm.s32 $_scs_section_size  }
0x9a: {  	s5 =	simm.s32 $_size__tile_overlayer_lowered;
	s6 =	simm.s32 $_tile_overlayer_lowered  }
0x9b: {  	s22 =	simm.s32 $0x1BFF;
	s21 =	sshll.u32 s6, $0x1;
	s3 =	sadd.s32 s4, s19  }
0x9c: {  	s7 =	simm.s32 $0x0;
	s20 =	sshll.u32 s5, $0x1;
	s5 =	sadd.s32 s21, s3  }
0x9d: {  	[timem:s7], [sflag:s22] =	dma.local [hbm:s5], s20  }
0x9e: {  	_ =	swait.ge [sflag:s22], s20  }
0x9f: {  	s4 =	ssub.s32 $0x0, s20;
	[sflag:s22] =	ssyncset.done $0x0  }
0xa0: {  	[sflag:s22] =	ssyncadd.s32 s4;
	_ =	sdelay $0x1  }
0xa1: {  	s23 =	simm.s32 $0x1B8B  }
0xa2: {  	_ =	swait.ge [sflag:s23], $0x1  }
0xa3: {  	[sflag:s23] =	ssyncset.done $0x0  }
0xa4: {  	s25 =	simm.s32 $0x1B8E;
	s24 =	sld [smem:$0x3FFE];
	[sflag:s23] =	ssyncadd.s32 $0xFFFFFFFF  }
0xa5: {  	s26 =	simm.s32 $execute0_lowered;
	[smem:$0x3FD2] =	sst s25  }
0xa6: {  	s5 =	sshll.u32 s26, $0x1;
	_ =	strace $0x80000049;
	[dreg:$0x1] =	wrdreg $0xFFFFFFFF  }
0xa7: {  	s28 =	simm.s32 $_size_execute0_lowered;
	s3 =	sadd.s32 s3, s5;
	[dreg:$0x0] =	wrdreg $0x0  }
0xa8: {  	s5 =	sshll.u32 s28, $0x1;
	[dreg:$0x2] =	wrdreg s3  }
0xa9: {  	[dreg:$0x3] =	wrdreg s5  }
0xaa: {  	[dreg:$0x4] =	wrdreg $0xC0  }
0xab: {  	_ =	task [dreg:s7], $0x5FFFF  }
0xac: {  	[dreg:$0x1] =	wrdreg $0xFFFFFFFF  }
0xad: {  	[dreg:$0x0] =	wrdreg $0x60  }
0xae: {  	[dreg:$0x2] =	wrdreg s2  }
0xaf: {  	[dreg:$0x3] =	wrdreg s24  }
0xb0: {  	[dreg:$0x4] =	wrdreg $0x0  }
0xb1: {  	[dreg:$0x5] =	wrdreg $0x9  }
0xb2: {  	_ =	task.clear_ibuf [dreg:s7], $0x6FFFF;
	_ =	strace $0x90000049  }
0xb3: {  	s29 =	simm.s32 $0x9;
	_ =	strace $0x8000004B  }
0xb4: {  	_ =	swait.ge [sflag:s29], $0x1  }
0xb5: {  	[sflag:s29] =	ssyncadd.s32 $0xFFFFFFFF  }
0xb6: {  	_ =	strace $0x9000004B  }
0xb7: {  	_ =	sfence  }
0xb8: {  	s30 =	sld [smem:$0x0];
	_ =	sdelay $0x2  }
0xb9: {  	s31 =	sshll.u32 s1, $0xD;
	s1 =	sshrl.u32 s1, $0x2  }
0xba: {  	s3 =	sand.u32 $0x4000, s31;
	s1 =	sadd.s32 s1, s30  }
0xbb: {  	s0 =	sor.u32 s3, s0;
	s1 =	sshll.u32 s1, $0x11  }
0xbc: {  	s0 =	sor.u32 s1, s0  }
0xbd: {  	s0 =	sadd.s32 $0x8F2B, s0  }
0xbe: {  	[sflag:s0] =	ssyncadd.remote.s32 $0x1  }
0xbf: {  	_ =	sfence.sel $0xFFFF  }
0xc0: {  	[dreg:$0x0] =	wrdreg $0xFFFFFFFF;
	(pc) =	sbr.abs _section_cstart, $3  }
0xc1: {  	[dreg:$0x1] =	wrdreg $0xFFFFFFFF  }
0xc2: {  	_ =	task.clear_ibuf [dreg:s7], $0x2FFFF;
	_ =	strace $0x9FFFFFFF  }
0xc3: {  	(tm) =	ssettm $0x7FFFFFFF  }
tec
execute0_lowered:
.L_overlay_start_1:
0x0: {  	(tag) =	ssettag $0x1  }
0x1: {  	s1 =	rddreg [dreg:$0x0]  }
0x2: {  	s0 =	rddreg [dreg:$0x1]  }
0x3: {  	s2 =	rddreg [dreg:$0x2]  }
0x4: {  	s4 =	simm.s32 $0x0;
	s3 =	srdreg.scid;
	s17 =	stileid.u32  }
0x5: {  	s28 =	simm.s32 $0x1A400;
	s29 =	simm.s32 $0x1;
	s30 =	simm.s32 $0x2  }
0x6: {  	s31 =	simm.s32 $0x3;
	[smem:$0x7FF] =	sst s4;
	s5 =	sadd.s32 $0x2A00, s0  }
0x7: {  	s3 =	sand.u32 $0x1, s3;
	s8 =	smul.u32 $0x4F000, s17;
	s6 =	sadd.s32 $0xCA00, s0  }
0x8: {  	s7 =	sadd.s32 $0x17200, s0;
	s11 =	smul.u32 $0x13C00, s17;
	s0 =	sadd.s32 $0x3F200, s0  }
0x9: {  	s14 =	sshll.u32 s17, $0x6;
	s20 =	smul.u32 $0x28, s17;
	s9 =	ssub.s32 $0x2, s3  }
0xa: {  	_ =	strace $0x8000004A;
	p0 =	seq.s32 s3, $0x1;
	s10 =	sshrl.u32 s9, $0x1  }
0xb: {  	s8 =	sshrl.u32 s8, $0x2;
	s12 =	sadd.s32 $0x4000, s11;
	s13 =	sadd.s32 $0x8000, s11  }
0xc: {  	s18 =	sadd.s32 $0xC000, s11;
	s10 =	ssub.s32 s9, s10;
	s8 =	sadd.s32 s8, s2  }
0xd: {  	s9 =	sor.u32 $0x1C05, s14;
	s15 =	sadd.s32 s12, s2;
	[dreg:$0x4] =	wrdreg s8  }
0xe: {  	s16 =	sadd.s32 s13, s2;
	s14 =	sadd.s32 s18, s2;
	[dreg:$0x5] =	wrdreg s15  }
0xf: {  	[dreg:$0x6] =	wrdreg s16;
	s15 =	sadd.s32 $0x10000, s11;
	s16 =	smul.u32 $0x13C000, s3  }
0x10: {  	[dreg:$0x7] =	wrdreg s14;
	s3 =	smul.u32 $0x78, s17;
	s19 =	sadd.s32 s15, s2  }
0x11: {  	s14 =	sadd.s32 $0x780, s20;
	s20 =	smax.u32 s10, $0x1;
	[dreg:$0x8] =	wrdreg s19  }
0x12: {  	s11 =	sadd.s32 s11, s16;
	s12 =	sadd.s32 s16, s12;
	s14 =	smov.u32 @p0 s3  }
0x13: {  	s23 =	sadd.s32 s16, s13;
	s8 =	sadd.s32 s16, s18;
	s24 =	sadd.s32 s16, s15  }
0x14: {  	s11 =	sshrl.u32 s11, $0x3;
	s22 =	sshrl.u32 s12, $0x3;
	s8 =	sshrl.u32 s8, $0x3  }
0x15: {  	s26 =	sshrl.u32 s24, $0x3;
	s24 =	simm.s32 $0x80;
	s21 =	sadd.s32 s0, s11  }
0x16: {  	s3 =	sadd.s32 s0, s22;
	s25 =	sadd.s32 s0, s8;
	[dreg:$0x9] =	wrdreg s21  }
0x17: {  	s22 =	simm.s32 $0x13C00;
	s8 =	simm.s32 $0x16380;
	[dreg:$0xa] =	wrdreg s3  }
0x18: {  	s3 =	sshrl.u32 s23, $0x3;
	[dreg:$0xc] =	wrdreg s25;
	s21 =	simm.s32 $0x5  }
0x19: {  	s23 =	simm.s32 $0x15000;
	s25 =	simm.s32 $0x16400;
	s3 =	sadd.s32 s0, s3  }
0x1a: {  	s0 =	sadd.s32 s0, s26;
	s26 =	simm.s32 $0x13C80;
	[dreg:$0xb] =	wrdreg s3  }
0x1b: {  	[dreg:$0xd] =	wrdreg s0;
	s0 =	simm.s32 $0x4;
	s3 =	simm.s32 $0x16300  }
.LBB2_1:
0x1c: {  	s10 =	rddreg [dreg:$0x4]  }
0x1d: {  	s10 =	sshrl.u32 s10, $0x3  }
0x1e: {  	[spmem:s10], [sflag:s9] =	dma.local [hbm:s7], $0x800  }
0x1f: {  	_ =	swait.ge [sflag:s21], $0x800  }
0x20: {  	[sflag:s21] =	ssyncset.done $0x0;
	s11 =	rddreg [dreg:$0x5]  }
0x21: {  	[sflag:s21] =	ssyncadd.s32 $0xFFFFF800;
	s11 =	sshrl.u32 s11, $0x3  }
0x22: {  	[spmem:s11], [sflag:s9] =	dma.local [hbm:s7], $0x800  }
0x23: {  	_ =	swait.ge [sflag:s21], $0x800  }
0x24: {  	[sflag:s21] =	ssyncset.done $0x0;
	s12 =	rddreg [dreg:$0x6]  }
0x25: {  	[sflag:s21] =	ssyncadd.s32 $0xFFFFF800;
	s12 =	sshrl.u32 s12, $0x3  }
0x26: {  	[spmem:s12], [sflag:s9] =	dma.local [hbm:s7], $0x800  }
0x27: {  	_ =	swait.ge [sflag:s21], $0x800  }
0x28: {  	[sflag:s21] =	ssyncset.done $0x0;
	s13 =	rddreg [dreg:$0x7]  }
0x29: {  	[sflag:s21] =	ssyncadd.s32 $0xFFFFF800;
	s13 =	sshrl.u32 s13, $0x3  }
0x2a: {  	[spmem:s13], [sflag:s9] =	dma.local [hbm:s7], $0x800  }
0x2b: {  	_ =	swait.ge [sflag:s21], $0x800  }
0x2c: {  	[sflag:s21] =	ssyncset.done $0x0;
	s15 =	rddreg [dreg:$0x8]  }
0x2d: {  	[sflag:s21] =	ssyncadd.s32 $0xFFFFF800;
	s15 =	sshrl.u32 s15, $0x3  }
0x2e: {  	[spmem:s15], [sflag:s9] =	dma.local [hbm:s7], $0x780  }
0x2f: {  	_ =	swait.ge [sflag:s21], $0x780  }
0x30: {  	[sflag:s21] =	ssyncset.done $0x0  }
0x31: {  	[sflag:s21] =	ssyncadd.s32 $0xFFFFF880  }
0x32: {  	s16 =	simm.s32 $0x0;
	[bflag:$0x0] =	sbarrier.arrive $0xFFFF  }
.LBB2_2:
0x33: {  	s17 =	smul.u32 $0x28, s16;
	_ =	sdelay $0x1  }
0x34: {  	s17 =	sadd.s32 s14, s17  }
0x35: {  	s17 =	sshll.u32 s17, $0x4  }
0x36: {  	s19 =	simm.s32 $0x0;
	s18 =	sadd.s32 s5, s17  }
0x37: {  	[tilespmem:s22], [sflag:$0x5] =	stream.linear.gather [hbm4b:s18+s19], $0x1400, $0x38;
	[tilespmem:$0x1E400] =	vst v63  }
0x38: {  	_ =	swait.ge [sflag:s21], $0x1400  }
0x39: {  	[sflag:s21] =	ssyncset.done $0x0  }
0x3a: {  	s17 =	sadd.s32 s6, s17;
	[sflag:s21] =	ssyncadd.s32 $0xFFFFEC00  }
0x3b: {  	[tilespmem:s23], [sflag:$0x5] =	stream.linear.gather [hbm4b:s17+s19], $0x1400, $0x38;
	[tilespmem:$0x1E400] =	vst v63  }
0x3c: {  	_ =	swait.ge [sflag:s21], $0x1400  }
0x3d: {  	[sflag:s21] =	ssyncset.done $0x0  }
0x3e: {  	[sflag:s21] =	ssyncadd.s32 $0xFFFFEC00  }
0x3f: {  	[tilespmem:s25], [sflag:$0x1] =	stream.indirect.gather [hbm4b:s1+s24], $0x80, s22, s24, $0xb8;
	[tilespmem:$0x1E400] =	vst v63  }
0x40: {  	_ = 	snop  }
0x41: {  	[tilespmem:s28], [sflag:$0x2] =	stream.indirect.gather [hbm4b:s1+s24], $0x80, s26, s24, $0xb8;
	[tilespmem:$0x1E400] =	vst v63  }
0x42: {  	_ =	swait.ge [sflag:s29], $0x4000  }
0x43: {  	[sflag:s29] =	ssyncset.done $0x0  }
0x44: {  	s19 =	simm.s32 $0x15000;
	[sflag:s29] =	ssyncadd.s32 $0xFFFFC000  }
0x45: {  	[spmem:s2] =	stream.indirect.scatter.add.f32 [tilespmem:s25], [sflag:$0x3], $0x80, s19, s24, $0xb8;
	[tilespmem:$0x1E400] =	vst v63  }
0x46: {  	_ =	swait.ge [sflag:s30], $0x4000  }
0x47: {  	[sflag:s30] =	ssyncset.done $0x0  }
0x48: {  	s18 =	simm.s32 $0x15080;
	[sflag:s30] =	ssyncadd.s32 $0xFFFFC000  }
0x49: {  	[spmem:s2] =	stream.indirect.scatter.add.f32 [tilespmem:s28], [sflag:$0x4], $0x80, s18, s24, $0xb8;
	[tilespmem:$0x1E400] =	vst v63  }
0x4a: {  	_ =	swait.ge [sflag:s31], $0x4000  }
0x4b: {  	[sflag:s31] =	ssyncset.done $0x0  }
0x4c: {  	s19 =	simm.s32 $0x13D00;
	[sflag:s31] =	ssyncadd.s32 $0xFFFFC000  }
0x4d: {  	[tilespmem:s25], [sflag:$0x1] =	stream.indirect.gather [hbm4b:s1+s24], $0x80, s19, s24, $0xb8;
	[tilespmem:$0x1E400] =	vst v63  }
0x4e: {  	_ =	swait.ge [sflag:s0], $0x4000  }
0x4f: {  	[sflag:s0] =	ssyncset.done $0x0  }
0x50: {  	s17 =	simm.s32 $0x400;
	s18 =	simm.s32 $0x13D80;
	[sflag:s0] =	ssyncadd.s32 $0xFFFFC000  }
.LBB2_3:
0x51: {  	[tilespmem:s28], [sflag:$0x2] =	stream.indirect.gather [hbm4b:s1+s24], $0x80, s18, s24, $0xb8;
	[tilespmem:$0x1E400] =	vst v63  }
0x52: {  	s18 =	smov.u32 s17  }
0x53: {  	p1 =	sne.s32 s17, $0x4800;
	s17 =	sadd.s32 $0x400, s17;
	_ =	swait.ge [sflag:s29], $0x4000  }
0x54: {  	s18 =	sshra.s32 s18, $0x2;
	[sflag:s29] =	ssyncset.done $0x0  }
0x55: {  	s19 =	sadd.s32 $0x15000, s18;
	[sflag:s29] =	ssyncadd.s32 $0xFFFFC000  }
0x56: {  	[spmem:s2] =	stream.indirect.scatter.add.f32 [tilespmem:s25], [sflag:$0x3], $0x80, s19, s24, $0xb8;
	[tilespmem:$0x1E400] =	vst v63  }
0x57: {  	_ =	swait.ge [sflag:s30], $0x4000  }
0x58: {  	[sflag:s30] =	ssyncset.done $0x0  }
0x59: {  	s19 =	sadd.s32 $0x15080, s18;
	[sflag:s30] =	ssyncadd.s32 $0xFFFFC000  }
0x5a: {  	[spmem:s2] =	stream.indirect.scatter.add.f32 [tilespmem:s28], [sflag:$0x4], $0x80, s19, s24, $0xb8;
	[tilespmem:$0x1E400] =	vst v63  }
0x5b: {  	_ =	swait.ge [sflag:s31], $0x4000  }
0x5c: {  	[sflag:s31] =	ssyncset.done $0x0  }
.Ltmp0:
0x5d: {  	s19 =	sadd.s32 $0x13D00, s18;
	[sflag:s31] =	ssyncadd.s32 $0xFFFFC000;
	(pc) =	sbr.rel @p1 .LBB2_3-.Ltmp0, $4  }
0x5e: {  	[tilespmem:s25], [sflag:$0x1] =	stream.indirect.gather [hbm4b:s1+s24], $0x80, s19, s24, $0xb8;
	[tilespmem:$0x1E400] =	vst v63  }
0x5f: {  	_ =	swait.ge [sflag:s0], $0x4000  }
0x60: {  	[sflag:s0] =	ssyncset.done $0x0  }
0x61: {  	s18 =	sadd.s32 $0x13D80, s18;
	[sflag:s0] =	ssyncadd.s32 $0xFFFFC000  }
0x62: {  	[tilespmem:s28], [sflag:$0x2] =	stream.indirect.gather [hbm4b:s1+s24], $0x80, s18, s24, $0xb8;
	[tilespmem:$0x1E400] =	vst v63  }
0x63: {  	_ =	swait.ge [sflag:s29], $0x4000  }
0x64: {  	[sflag:s29] =	ssyncset.done $0x0  }
0x65: {  	[sflag:s29] =	ssyncadd.s32 $0xFFFFC000  }
0x66: {  	[spmem:s2] =	stream.indirect.scatter.add.f32 [tilespmem:s25], [sflag:$0x3], $0x80, s3, s24, $0xb8;
	[tilespmem:$0x1E400] =	vst v63  }
0x67: {  	_ =	swait.ge [sflag:s30], $0x4000  }
0x68: {  	p1 =	slt.u32 s16, $0x2;
	[sflag:s30] =	ssyncset.done $0x0  }
0x69: {  	p1 =	por !p0, !p1;
	[sflag:s30] =	ssyncadd.s32 $0xFFFFC000  }
0x6a: {  	[spmem:s2] =	stream.indirect.scatter.add.f32 [tilespmem:s28], [sflag:$0x4], $0x80, s8, s24, $0xb8;
	[tilespmem:$0x1E400] =	vst v63  }
0x6b: {  	p1 =	por !p1, !p1;
	_ =	swait.ge [sflag:s31], $0x4000  }
.Ltmp1:
0x6c: {  	[sflag:s31] =	ssyncset.done $0x0;
	(pc) =	sbr.rel @p1 .LBB2_2-.Ltmp1, $4  }
0x6d: {  	[sflag:s31] =	ssyncadd.s32 $0xFFFFC000  }
0x6e: {  	_ =	swait.ge [sflag:s0], $0x4000  }
0x6f: {  	[sflag:s0] =	ssyncset.done $0x0  }
0x70: {  	s16 =	sadd.s32 $0x1, s16;
	[sflag:s0] =	ssyncadd.s32 $0xFFFFC000  }
0x71: {  	[bflag:$0x0] =	sbarrier.arrive $0xFFFF  }
0x72: {  	s16 =	rddreg [dreg:$0x9]  }
0x73: {  	[hbm:s16], [sflag:s9] =	dma.local [spmem:s10], $0x800  }
0x74: {  	_ =	swait.ge [sflag:s21], $0x800  }
0x75: {  	[sflag:s21] =	ssyncset.done $0x0  }
0x76: {  	s16 =	rddreg [dreg:$0xa];
	[sflag:s21] =	ssyncadd.s32 $0xFFFFF800  }
0x77: {  	[hbm:s16], [sflag:s9] =	dma.local [spmem:s11], $0x800  }
0x78: {  	_ =	swait.ge [sflag:s21], $0x800  }
0x79: {  	[sflag:s21] =	ssyncset.done $0x0  }
0x7a: {  	s17 =	rddreg [dreg:$0xb];
	[sflag:s21] =	ssyncadd.s32 $0xFFFFF800  }
0x7b: {  	[hbm:s17], [sflag:s9] =	dma.local [spmem:s12], $0x800  }
0x7c: {  	_ =	swait.ge [sflag:s21], $0x800  }
0x7d: {  	[sflag:s21] =	ssyncset.done $0x0  }
0x7e: {  	s18 =	rddreg [dreg:$0xc];
	[sflag:s21] =	ssyncadd.s32 $0xFFFFF800  }
0x7f: {  	[hbm:s18], [sflag:s9] =	dma.local [spmem:s13], $0x800  }
0x80: {  	s4 =	sadd.s32 $0x1, s4;
	_ =	swait.ge [sflag:s21], $0x800  }
0x81: {  	p1 =	sne.s32 s4, s20;
	[sflag:s21] =	ssyncset.done $0x0  }
.Ltmp2:
0x82: {  	s19 =	rddreg [dreg:$0xd];
	[sflag:s21] =	ssyncadd.s32 $0xFFFFF800;
	(pc) =	sbr.rel @p1 .LBB2_1-.Ltmp2, $4  }
0x83: {  	[hbm:s19], [sflag:s9] =	dma.local [spmem:s15], $0x780  }
0x84: {  	_ =	swait.ge [sflag:s21], $0x780  }
0x85: {  	[sflag:s21] =	ssyncset.done $0x0  }
0x86: {  	[sflag:s21] =	ssyncadd.s32 $0xFFFFF880  }
0x87: {  	_ =	sfence.sel $0x180000  }
0x88: {  	[bflag:$0x0] =	sbarrier.arrive $0xFFFF  }
0x89: {  	_ =	strace $0x9000004A  }
0x8a: {  	s0 =	stileid.u32;
	[bflag:$0x2] =	sbarrier.arrive $0xFFFF  }
0x8b: {  	p0 =	sne.s32 s0, $0x0;
	s0 =	rddreg [dreg:$0x3]  }
0x8c: {  	s0 =	sadd.s32 @!p0 $0x100000, s0  }
0x8d: {  	[sflag:s0] =	ssyncadd.tile.s32 @!p0 $0x1;
	_ =	shalt  }
.Lfunc_end2:
_tile_overlayer_lowered:
.L_overlay_start_2:
0x8e: {  	(tag) =	ssettag $0x2  }
0x8f: {  	s0 =	rddreg [dreg:$0x0];
	s2 =	stileid.u32  }
0x90: {  	s1 =	rddreg [dreg:$0x1];
	p0 =	sne.s32 s2, $0x0  }
0x91: {  	s3 =	rddreg [dreg:$0x2];
	[bflag:$0x3] =	sbarrier.arrive $0xFFFF;
	s2 =	simm.s32 @!p0 $0x1C05  }
0x92: {  	[timem:s3], [sflag:s2] =	dma.local @!p0 [hbm:s0], s1  }
0x93: {  	s0 =	simm.s32 @!p0 $0x5  }
0x94: {  	_ =	swait.ge @!p0 [sflag:s0], s1  }
0x95: {  	s1 =	ssub.s32 @!p0 $0x0, s1;
	[sflag:s0] =	ssyncset.done @!p0 $0x0  }
0x96: {  	[sflag:s0] =	ssyncadd.s32 @!p0 s1  }
0x97: {  	[bflag:$0x3] =	sbarrier.arrive $0xFFFF  }
0x98: {  	_ =	shalt  }

// kernel: kernel.16.cloned.1.call-start
scs
__scs_entry_jumppad:
0x0: {  	(pc) =	sbr.rel $0x88, $3  }
0x1: {  	(tag) =	ssettag $0x0;
	lr =	simm.s32 $0x1  }
0x2: {  	[smem:$0x3F99] =	sst lr;
	_ =	strace $0xD0000000  }
0x3: {  	_ = 	snop  }
0x4: {  	_ = 	snop  }
0x5: {  	_ = 	snop  }
0x6: {  	_ = 	snop  }
0x7: {  	_ = 	snop  }
__scs_overlays_trampoline_lowered:
0x8: {  	[smem:$0x3FA8] =	sst s0  }
0x9: {  	[smem:$0x3FA9] =	sst s1  }
0xa: {  	[smem:$0x3FAA] =	sst s2  }
0xb: {  	[smem:$0x3FAB] =	sst s3  }
0xc: {  	[smem:$0x3FAC] =	sst s4  }
0xd: {  	[smem:$0x3FAD] =	sst s5  }
0xe: {  	[smem:$0x3FAE] =	sst s6  }
0xf: {  	[smem:$0x3FAF] =	sst s7  }
0x10: {  	[smem:$0x3FB0] =	sst s8  }
0x11: {  	[smem:$0x3FB1] =	sst s9;
	s0 =	simm.s32 @!p0 $0x0  }
0x12: {  	s1 =	sld [smem:$0x3F97];
	s0 =	simm.s32 @p0 $0x1  }
0x13: {  	[smem:$0x3FB2] =	sst s0;
	s0 =	simm.s32 @!p1 $0x0  }
0x14: {  	s2 =	sld [smem:$0x3F96];
	s0 =	simm.s32 @p1 $0x1  }
0x15: {  	[smem:$0x3FB3] =	sst s0;
	s0 =	simm.s32 @!p2 $0x0  }
0x16: {  	s3 =	sld [smem:$0x3FDB];
	s0 =	simm.s32 @p2 $0x1  }
0x17: {  	s4 =	simm.s32 $0x1BF5;
	[smem:$0x3FB5] =	sst s0  }
0x18: {  	s0 =	sld [smem:$0x3F98];
	_ =	swait.ge [sflag:s4], $0x0  }
0x19: {  	s7 =	sld [smem:$0x3F99]  }
0x1a: {  	s8 =	sadd.s32 $0xFFFFE003, lr  }
0x1b: {  	s9 =	sadd.s32 $0xFFFFFEF7, lr;
	s5 =	simm.s32 $0xFFFFFFFF;
	p2 =	slt.u32 s8, $0xFFFFF086  }
0x1c: {  	p1 =	slt.u32 s9, $0xF7A;
	s5 =	simm.s32 @!p2 $0x0  }
0x1d: {  	s5 =	simm.s32 @p1 $0x1;
	p0 =	seq.s32 s7, s2  }
0x1e: {  	s7 =	smul.u32 @!p0 $0xF7A, s2;
	p2 =	seq.s32 @!p0 s5, $0x0  }
0x1f: {  	s9 =	smul.u32 $0xF7A, s1;
	s8 =	simm.s32 @!p0 $0x1BF5;
	p2 =	por !p2, p0  }
0x20: {  	[sflag:s8] =	ssyncset.s32 @!p0 $0xFFFFF086;
	s6 =	sadd.s32 @!p0 s3, s7;
	s7 =	simm.s32 @!p0 $0x108  }
0x21: {  	s3 =	sadd.s32 s3, s9;
	s6 =	sadd.s32 @!p0 $0x88, s6;
	s7 =	simm.s32 @p2 $0x1082  }
0x22: {  	[simem:s7], [sflag:s8] =	dma.local @!p0 [hbm:s6], $0xF7A  }
0x23: {  	s9 =	sor.u32 $0xD0000000, s2;
	s6 =	simm.s32 $0x108;
	_ =	swait.ge @!p0 [sflag:s8], $0x0  }
0x24: {  	s3 =	sadd.s32 $0x88, s3;
	s6 =	simm.s32 @!p1 $0x1082;
	[sflag:s4] =	ssyncset.s32 $0xFFFFF086  }
0x25: {  	[simem:s6], [sflag:s4] =	dma.local [hbm:s3], $0xF7A  }
0x26: {  	[smem:$0x3F99] =	sst s1;
	(tag) =	ssettag s2;
	_ =	strace s9  }
0x27: {  	s1 =	sld [smem:$0x3FA9]  }
0x28: {  	s2 =	sld [smem:$0x3FAA]  }
0x29: {  	s4 =	sld [smem:$0x3FAC]  }
0x2a: {  	p0 =	seq.s32 s5, $0x0;
	s5 =	sld [smem:$0x3FAD]  }
0x2b: {  	s6 =	sld [smem:$0x3FAE]  }
0x2c: {  	s7 =	sld [smem:$0x3FAF]  }
0x2d: {  	s3 =	simm.s32 $0x108;
	s8 =	sld [smem:$0x3FB0]  }
0x2e: {  	s3 =	simm.s32 @!p0 $0x1082;
	s9 =	sld [smem:$0x3FB1]  }
0x2f: {  	lr =	sadd.s32 s0, s3;
	s0 =	sld [smem:$0x3FA8]  }
0x30: {  	s3 =	sld [smem:$0x3FAB]  }
0x31: {  	[smem:$0x3FB4] =	sst s10  }
0x32: {  	s10 =	sld [smem:$0x3FB2];
	_ =	sdelay $0x3  }
0x33: {  	p0 =	seq.s32 s10, $0x1;
	s10 =	sld [smem:$0x3FB4];
	_ =	sdelay $0x3  }
0x34: {  	[smem:$0x3FB4] =	sst s10  }
0x35: {  	s10 =	sld [smem:$0x3FB3];
	_ =	sdelay $0x3  }
0x36: {  	p1 =	seq.s32 s10, $0x1;
	s10 =	sld [smem:$0x3FB4];
	_ =	sdelay $0x3  }
0x37: {  	[smem:$0x3FB4] =	sst s10  }
0x38: {  	s10 =	sld [smem:$0x3FB5]  }
0x39: {  	_ = 	snop;
	(pc) =	sbr.ind lr, $3  }
0x3a: {  	_ = 	snop  }
0x3b: {  	_ = 	snop  }
0x3c: {  	p2 =	seq.s32 s10, $0x1;
	s10 =	sld [smem:$0x3FB4]  }
0x3d: {  	_ =	shalt  }
0x3e: {  	_ =	shalt  }
0x3f: {  	_ =	shalt  }
0x40: {  	_ =	shalt  }
0x41: {  	_ =	shalt  }
0x42: {  	_ =	shalt  }
0x43: {  	_ =	shalt  }
0x44: {  	_ =	shalt  }
0x45: {  	_ =	shalt  }
0x46: {  	_ =	shalt  }
0x47: {  	_ =	shalt  }
0x48: {  	_ =	shalt  }
0x49: {  	_ =	shalt  }
0x4a: {  	_ =	shalt  }
0x4b: {  	_ =	shalt  }
0x4c: {  	_ =	shalt  }
0x4d: {  	_ =	shalt  }
0x4e: {  	_ =	shalt  }
0x4f: {  	_ =	shalt  }
0x50: {  	_ =	shalt  }
0x51: {  	_ =	shalt  }
0x52: {  	_ =	shalt  }
0x53: {  	_ =	shalt  }
0x54: {  	_ =	shalt  }
0x55: {  	_ =	shalt  }
0x56: {  	_ =	shalt  }
0x57: {  	_ =	shalt  }
0x58: {  	_ =	shalt  }
0x59: {  	_ =	shalt  }
0x5a: {  	_ =	shalt  }
0x5b: {  	_ =	shalt  }
0x5c: {  	_ =	shalt  }
0x5d: {  	_ =	shalt  }
0x5e: {  	_ =	shalt  }
0x5f: {  	_ =	shalt  }
0x60: {  	_ =	shalt  }
0x61: {  	_ =	shalt  }
0x62: {  	_ =	shalt  }
0x63: {  	_ =	shalt  }
0x64: {  	_ =	shalt  }
0x65: {  	_ =	shalt  }
0x66: {  	_ =	shalt  }
0x67: {  	_ =	shalt  }
0x68: {  	_ =	shalt  }
0x69: {  	_ =	shalt  }
0x6a: {  	_ =	shalt  }
0x6b: {  	_ =	shalt  }
0x6c: {  	_ =	shalt  }
0x6d: {  	_ =	shalt  }
0x6e: {  	_ =	shalt  }
0x6f: {  	_ =	shalt  }
0x70: {  	_ =	shalt  }
0x71: {  	_ =	shalt  }
0x72: {  	_ =	shalt  }
0x73: {  	_ =	shalt  }
0x74: {  	_ =	shalt  }
0x75: {  	_ =	shalt  }
0x76: {  	_ =	shalt  }
0x77: {  	_ =	shalt  }
0x78: {  	_ =	shalt  }
0x79: {  	_ =	shalt  }
0x7a: {  	_ =	shalt  }
0x7b: {  	_ =	shalt  }
0x7c: {  	_ =	shalt  }
0x7d: {  	_ =	shalt  }
0x7e: {  	_ =	shalt  }
0x7f: {  	_ =	shalt  }
0x80: {  	_ =	shalt  }
0x81: {  	_ =	shalt  }
0x82: {  	_ =	shalt  }
0x83: {  	_ =	shalt  }
0x84: {  	_ =	shalt  }
0x85: {  	_ =	shalt  }
0x86: {  	_ =	shalt  }
0x87: {  	_ =	shalt  }
.Lfunc_end0:
.L_simem_size_0:
called_computation.2_lowered:
.L_overlay_start_0:
0x88: {  	s2 =	sld [smem:$0x3FD9]  }
0x89: {  	s3 =	sld [smem:$0x3FFE];
	_ =	sdelay $0x1  }
0x8a: {  	s1 =	srdreg.scid  }
0x8b: {  	s0 =	sand.u32 $0x1, s1  }
0x8c: {  	s17 =	sshll.u32 s0, $0xA;
	s2 =	sadd.s32 s3, s2  }
0x8d: {  	s2 =	sadd.s32 s2, s17  }
0x8e: {  	[smem:$0x3FC0] =	sst s2  }
0x8f: {  	_ = 	snop  }
0x90: {  	s2 =	sld [smem:$0x3FD0];
	(tm) =	ssettm $0x1  }
0x91: {  	s18 =	sld [smem:$0x3FFB];
	_ =	sdelay $0x3  }
0x92: {  	_ =	strace s18  }
0x93: {  	s3 =	sld [smem:$0x3FFC];
	_ =	sdelay $0x3  }
0x94: {  	_ =	strace s3  }
0x95: {  	s3 =	sld [smem:$0x3FFD];
	_ =	sdelay $0x3  }
0x96: {  	_ =	strace s3  }
0x97: {  	_ =	strace $0x8FFFFFFF  }
0x98: {  	s19 =	sld [smem:$0x3FDB];
	_ =	sdelay $0x1  }
0x99: {  	s4 =	simm.s32 $_scs_section_size  }
0x9a: {  	s5 =	simm.s32 $_size__tile_overlayer_lowered;
	s6 =	simm.s32 $_tile_overlayer_lowered  }
0x9b: {  	s22 =	simm.s32 $0x1BFF;
	s21 =	sshll.u32 s6, $0x1;
	s3 =	sadd.s32 s4, s19  }
0x9c: {  	s7 =	simm.s32 $0x0;
	s20 =	sshll.u32 s5, $0x1;
	s5 =	sadd.s32 s21, s3  }
0x9d: {  	[timem:s7], [sflag:s22] =	dma.local [hbm:s5], s20  }
0x9e: {  	_ =	swait.ge [sflag:s22], s20  }
0x9f: {  	s4 =	ssub.s32 $0x0, s20;
	[sflag:s22] =	ssyncset.done $0x0  }
0xa0: {  	[sflag:s22] =	ssyncadd.s32 s4;
	_ =	sdelay $0x1  }
0xa1: {  	s23 =	simm.s32 $0x1B8B  }
0xa2: {  	_ =	swait.ge [sflag:s23], $0x1  }
0xa3: {  	[sflag:s23] =	ssyncset.done $0x0  }
0xa4: {  	s25 =	simm.s32 $0x1B8E;
	s24 =	sld [smem:$0x3FFE];
	[sflag:s23] =	ssyncadd.s32 $0xFFFFFFFF  }
0xa5: {  	s26 =	simm.s32 $execute0_lowered;
	[smem:$0x3FD2] =	sst s25  }
0xa6: {  	s5 =	sshll.u32 s26, $0x1;
	_ =	strace $0x8000004C;
	[dreg:$0x1] =	wrdreg $0xFFFFFFFF  }
0xa7: {  	s28 =	simm.s32 $_size_execute0_lowered;
	s3 =	sadd.s32 s3, s5;
	[dreg:$0x0] =	wrdreg $0x0  }
0xa8: {  	s5 =	sshll.u32 s28, $0x1;
	[dreg:$0x2] =	wrdreg s3  }
0xa9: {  	[dreg:$0x3] =	wrdreg s5  }
0xaa: {  	[dreg:$0x4] =	wrdreg $0xC0  }
0xab: {  	_ =	task [dreg:s7], $0x5FFFF  }
0xac: {  	[dreg:$0x1] =	wrdreg $0xFFFFFFFF  }
0xad: {  	[dreg:$0x0] =	wrdreg $0x60  }
0xae: {  	[dreg:$0x2] =	wrdreg s2  }
0xaf: {  	[dreg:$0x3] =	wrdreg s24  }
0xb0: {  	[dreg:$0x4] =	wrdreg $0x0  }
0xb1: {  	[dreg:$0x5] =	wrdreg $0x9  }
0xb2: {  	_ =	task.clear_ibuf [dreg:s7], $0x6FFFF;
	_ =	strace $0x9000004C  }
0xb3: {  	s29 =	simm.s32 $0x9;
	_ =	strace $0x8000004E  }
0xb4: {  	_ =	swait.ge [sflag:s29], $0x1  }
0xb5: {  	[sflag:s29] =	ssyncadd.s32 $0xFFFFFFFF  }
0xb6: {  	_ =	strace $0x9000004E  }
0xb7: {  	_ =	sfence  }
0xb8: {  	s30 =	sld [smem:$0x0];
	_ =	sdelay $0x2  }
0xb9: {  	s31 =	sshll.u32 s1, $0xD;
	s1 =	sshrl.u32 s1, $0x2  }
0xba: {  	s3 =	sand.u32 $0x4000, s31;
	s1 =	sadd.s32 s1, s30  }
0xbb: {  	s0 =	sor.u32 s3, s0;
	s1 =	sshll.u32 s1, $0x11  }
0xbc: {  	s0 =	sor.u32 s1, s0  }
0xbd: {  	s0 =	sadd.s32 $0x8F2B, s0  }
0xbe: {  	[sflag:s0] =	ssyncadd.remote.s32 $0x1  }
0xbf: {  	_ =	sfence.sel $0xFFFF  }
0xc0: {  	[dreg:$0x0] =	wrdreg $0xFFFFFFFF;
	(pc) =	sbr.abs _section_cstart, $3  }
0xc1: {  	[dreg:$0x1] =	wrdreg $0xFFFFFFFF  }
0xc2: {  	_ =	task.clear_ibuf [dreg:s7], $0x2FFFF;
	_ =	strace $0x9FFFFFFF  }
0xc3: {  	(tm) =	ssettm $0x7FFFFFFF  }
tec
execute0_lowered:
.L_overlay_start_1:
0x0: {  	(tag) =	ssettag $0x1  }
0x1: {  	s1 =	rddreg [dreg:$0x0]  }
0x2: {  	s0 =	rddreg [dreg:$0x1]  }
0x3: {  	s2 =	rddreg [dreg:$0x2]  }
0x4: {  	s4 =	simm.s32 $0x0;
	s3 =	srdreg.scid;
	s17 =	stileid.u32  }
0x5: {  	s28 =	simm.s32 $0x1A400;
	s29 =	simm.s32 $0x1;
	s30 =	simm.s32 $0x2  }
0x6: {  	s31 =	simm.s32 $0x3;
	[smem:$0x7FF] =	sst s4;
	s5 =	sadd.s32 $0x2A00, s0  }
0x7: {  	s3 =	sand.u32 $0x1, s3;
	s8 =	smul.u32 $0x4F000, s17;
	s6 =	sadd.s32 $0xCA00, s0  }
0x8: {  	s7 =	sadd.s32 $0x17200, s0;
	s11 =	smul.u32 $0x13C00, s17;
	s0 =	sadd.s32 $0x3F200, s0  }
0x9: {  	s14 =	sshll.u32 s17, $0x6;
	s20 =	smul.u32 $0x28, s17;
	s9 =	ssub.s32 $0x2, s3  }
0xa: {  	_ =	strace $0x8000004D;
	p0 =	seq.s32 s3, $0x1;
	s10 =	sshrl.u32 s9, $0x1  }
0xb: {  	s8 =	sshrl.u32 s8, $0x2;
	s12 =	sadd.s32 $0x4000, s11;
	s13 =	sadd.s32 $0x8000, s11  }
0xc: {  	s18 =	sadd.s32 $0xC000, s11;
	s10 =	ssub.s32 s9, s10;
	s8 =	sadd.s32 s8, s2  }
0xd: {  	s9 =	sor.u32 $0x1C05, s14;
	s15 =	sadd.s32 s12, s2;
	[dreg:$0x4] =	wrdreg s8  }
0xe: {  	s16 =	sadd.s32 s13, s2;
	s14 =	sadd.s32 s18, s2;
	[dreg:$0x5] =	wrdreg s15  }
0xf: {  	[dreg:$0x6] =	wrdreg s16;
	s15 =	sadd.s32 $0x10000, s11;
	s16 =	smul.u32 $0x13C000, s3  }
0x10: {  	[dreg:$0x7] =	wrdreg s14;
	s3 =	smul.u32 $0x78, s17;
	s19 =	sadd.s32 s15, s2  }
0x11: {  	s14 =	sadd.s32 $0x780, s20;
	s20 =	smax.u32 s10, $0x1;
	[dreg:$0x8] =	wrdreg s19  }
0x12: {  	s11 =	sadd.s32 s11, s16;
	s12 =	sadd.s32 s16, s12;
	s14 =	smov.u32 @p0 s3  }
0x13: {  	s23 =	sadd.s32 s16, s13;
	s8 =	sadd.s32 s16, s18;
	s24 =	sadd.s32 s16, s15  }
0x14: {  	s11 =	sshrl.u32 s11, $0x3;
	s22 =	sshrl.u32 s12, $0x3;
	s8 =	sshrl.u32 s8, $0x3  }
0x15: {  	s26 =	sshrl.u32 s24, $0x3;
	s24 =	simm.s32 $0x80;
	s21 =	sadd.s32 s0, s11  }
0x16: {  	s3 =	sadd.s32 s0, s22;
	s25 =	sadd.s32 s0, s8;
	[dreg:$0x9] =	wrdreg s21  }
0x17: {  	s22 =	simm.s32 $0x13C00;
	s8 =	simm.s32 $0x16380;
	[dreg:$0xa] =	wrdreg s3  }
0x18: {  	s3 =	sshrl.u32 s23, $0x3;
	[dreg:$0xc] =	wrdreg s25;
	s21 =	simm.s32 $0x5  }
0x19: {  	s23 =	simm.s32 $0x15000;
	s25 =	simm.s32 $0x16400;
	s3 =	sadd.s32 s0, s3  }
0x1a: {  	s0 =	sadd.s32 s0, s26;
	s26 =	simm.s32 $0x13C80;
	[dreg:$0xb] =	wrdreg s3  }
0x1b: {  	[dreg:$0xd] =	wrdreg s0;
	s0 =	simm.s32 $0x4;
	s3 =	simm.s32 $0x16300  }
.LBB2_1:
0x1c: {  	s10 =	rddreg [dreg:$0x4]  }
0x1d: {  	s10 =	sshrl.u32 s10, $0x3  }
0x1e: {  	[spmem:s10], [sflag:s9] =	dma.local [hbm:s7], $0x800  }
0x1f: {  	_ =	swait.ge [sflag:s21], $0x800  }
0x20: {  	[sflag:s21] =	ssyncset.done $0x0;
	s11 =	rddreg [dreg:$0x5]  }
0x21: {  	[sflag:s21] =	ssyncadd.s32 $0xFFFFF800;
	s11 =	sshrl.u32 s11, $0x3  }
0x22: {  	[spmem:s11], [sflag:s9] =	dma.local [hbm:s7], $0x800  }
0x23: {  	_ =	swait.ge [sflag:s21], $0x800  }
0x24: {  	[sflag:s21] =	ssyncset.done $0x0;
	s12 =	rddreg [dreg:$0x6]  }
0x25: {  	[sflag:s21] =	ssyncadd.s32 $0xFFFFF800;
	s12 =	sshrl.u32 s12, $0x3  }
0x26: {  	[spmem:s12], [sflag:s9] =	dma.local [hbm:s7], $0x800  }
0x27: {  	_ =	swait.ge [sflag:s21], $0x800  }
0x28: {  	[sflag:s21] =	ssyncset.done $0x0;
	s13 =	rddreg [dreg:$0x7]  }
0x29: {  	[sflag:s21] =	ssyncadd.s32 $0xFFFFF800;
	s13 =	sshrl.u32 s13, $0x3  }
0x2a: {  	[spmem:s13], [sflag:s9] =	dma.local [hbm:s7], $0x800  }
0x2b: {  	_ =	swait.ge [sflag:s21], $0x800  }
0x2c: {  	[sflag:s21] =	ssyncset.done $0x0;
	s15 =	rddreg [dreg:$0x8]  }
0x2d: {  	[sflag:s21] =	ssyncadd.s32 $0xFFFFF800;
	s15 =	sshrl.u32 s15, $0x3  }
0x2e: {  	[spmem:s15], [sflag:s9] =	dma.local [hbm:s7], $0x780  }
0x2f: {  	_ =	swait.ge [sflag:s21], $0x780  }
0x30: {  	[sflag:s21] =	ssyncset.done $0x0  }
0x31: {  	[sflag:s21] =	ssyncadd.s32 $0xFFFFF880  }
0x32: {  	s16 =	simm.s32 $0x0;
	[bflag:$0x0] =	sbarrier.arrive $0xFFFF  }
.LBB2_2:
0x33: {  	s17 =	smul.u32 $0x28, s16;
	_ =	sdelay $0x1  }
0x34: {  	s17 =	sadd.s32 s14, s17  }
0x35: {  	s17 =	sshll.u32 s17, $0x4  }
0x36: {  	s19 =	simm.s32 $0x0;
	s18 =	sadd.s32 s5, s17  }
0x37: {  	[tilespmem:s22], [sflag:$0x5] =	stream.linear.gather [hbm4b:s18+s19], $0x1400, $0x38;
	[tilespmem:$0x1E400] =	vst v63  }
0x38: {  	_ =	swait.ge [sflag:s21], $0x1400  }
0x39: {  	[sflag:s21] =	ssyncset.done $0x0  }
0x3a: {  	s17 =	sadd.s32 s6, s17;
	[sflag:s21] =	ssyncadd.s32 $0xFFFFEC00  }
0x3b: {  	[tilespmem:s23], [sflag:$0x5] =	stream.linear.gather [hbm4b:s17+s19], $0x1400, $0x38;
	[tilespmem:$0x1E400] =	vst v63  }
0x3c: {  	_ =	swait.ge [sflag:s21], $0x1400  }
0x3d: {  	[sflag:s21] =	ssyncset.done $0x0  }
0x3e: {  	[sflag:s21] =	ssyncadd.s32 $0xFFFFEC00  }
0x3f: {  	[tilespmem:s25], [sflag:$0x1] =	stream.indirect.gather [hbm4b:s1+s24], $0x80, s22, s24, $0xb8;
	[tilespmem:$0x1E400] =	vst v63  }
0x40: {  	_ = 	snop  }
0x41: {  	[tilespmem:s28], [sflag:$0x2] =	stream.indirect.gather [hbm4b:s1+s24], $0x80, s26, s24, $0xb8;
	[tilespmem:$0x1E400] =	vst v63  }
0x42: {  	_ =	swait.ge [sflag:s29], $0x4000  }
0x43: {  	[sflag:s29] =	ssyncset.done $0x0  }
0x44: {  	s19 =	simm.s32 $0x15000;
	[sflag:s29] =	ssyncadd.s32 $0xFFFFC000  }
0x45: {  	[spmem:s2] =	stream.indirect.scatter.add.f32 [tilespmem:s25], [sflag:$0x3], $0x80, s19, s24, $0xb8;
	[tilespmem:$0x1E400] =	vst v63  }
0x46: {  	_ =	swait.ge [sflag:s30], $0x4000  }
0x47: {  	[sflag:s30] =	ssyncset.done $0x0  }
0x48: {  	s18 =	simm.s32 $0x15080;
	[sflag:s30] =	ssyncadd.s32 $0xFFFFC000  }
0x49: {  	[spmem:s2] =	stream.indirect.scatter.add.f32 [tilespmem:s28], [sflag:$0x4], $0x80, s18, s24, $0xb8;
	[tilespmem:$0x1E400] =	vst v63  }
0x4a: {  	_ =	swait.ge [sflag:s31], $0x4000  }
0x4b: {  	[sflag:s31] =	ssyncset.done $0x0  }
0x4c: {  	s19 =	simm.s32 $0x13D00;
	[sflag:s31] =	ssyncadd.s32 $0xFFFFC000  }
0x4d: {  	[tilespmem:s25], [sflag:$0x1] =	stream.indirect.gather [hbm4b:s1+s24], $0x80, s19, s24, $0xb8;
	[tilespmem:$0x1E400] =	vst v63  }
0x4e: {  	_ =	swait.ge [sflag:s0], $0x4000  }
0x4f: {  	[sflag:s0] =	ssyncset.done $0x0  }
0x50: {  	s17 =	simm.s32 $0x400;
	s18 =	simm.s32 $0x13D80;
	[sflag:s0] =	ssyncadd.s32 $0xFFFFC000  }
.LBB2_3:
0x51: {  	[tilespmem:s28], [sflag:$0x2] =	stream.indirect.gather [hbm4b:s1+s24], $0x80, s18, s24, $0xb8;
	[tilespmem:$0x1E400] =	vst v63  }
0x52: {  	s18 =	smov.u32 s17  }
0x53: {  	p1 =	sne.s32 s17, $0x4800;
	s17 =	sadd.s32 $0x400, s17;
	_ =	swait.ge [sflag:s29], $0x4000  }
0x54: {  	s18 =	sshra.s32 s18, $0x2;
	[sflag:s29] =	ssyncset.done $0x0  }
0x55: {  	s19 =	sadd.s32 $0x15000, s18;
	[sflag:s29] =	ssyncadd.s32 $0xFFFFC000  }
0x56: {  	[spmem:s2] =	stream.indirect.scatter.add.f32 [tilespmem:s25], [sflag:$0x3], $0x80, s19, s24, $0xb8;
	[tilespmem:$0x1E400] =	vst v63  }
0x57: {  	_ =	swait.ge [sflag:s30], $0x4000  }
0x58: {  	[sflag:s30] =	ssyncset.done $0x0  }
0x59: {  	s19 =	sadd.s32 $0x15080, s18;
	[sflag:s30] =	ssyncadd.s32 $0xFFFFC000  }
0x5a: {  	[spmem:s2] =	stream.indirect.scatter.add.f32 [tilespmem:s28], [sflag:$0x4], $0x80, s19, s24, $0xb8;
	[tilespmem:$0x1E400] =	vst v63  }
0x5b: {  	_ =	swait.ge [sflag:s31], $0x4000  }
0x5c: {  	[sflag:s31] =	ssyncset.done $0x0  }
.Ltmp0:
0x5d: {  	s19 =	sadd.s32 $0x13D00, s18;
	[sflag:s31] =	ssyncadd.s32 $0xFFFFC000;
	(pc) =	sbr.rel @p1 .LBB2_3-.Ltmp0, $4  }
0x5e: {  	[tilespmem:s25], [sflag:$0x1] =	stream.indirect.gather [hbm4b:s1+s24], $0x80, s19, s24, $0xb8;
	[tilespmem:$0x1E400] =	vst v63  }
0x5f: {  	_ =	swait.ge [sflag:s0], $0x4000  }
0x60: {  	[sflag:s0] =	ssyncset.done $0x0  }
0x61: {  	s18 =	sadd.s32 $0x13D80, s18;
	[sflag:s0] =	ssyncadd.s32 $0xFFFFC000  }
0x62: {  	[tilespmem:s28], [sflag:$0x2] =	stream.indirect.gather [hbm4b:s1+s24], $0x80, s18, s24, $0xb8;
	[tilespmem:$0x1E400] =	vst v63  }
0x63: {  	_ =	swait.ge [sflag:s29], $0x4000  }
0x64: {  	[sflag:s29] =	ssyncset.done $0x0  }
0x65: {  	[sflag:s29] =	ssyncadd.s32 $0xFFFFC000  }
0x66: {  	[spmem:s2] =	stream.indirect.scatter.add.f32 [tilespmem:s25], [sflag:$0x3], $0x80, s3, s24, $0xb8;
	[tilespmem:$0x1E400] =	vst v63  }
0x67: {  	_ =	swait.ge [sflag:s30], $0x4000  }
0x68: {  	p1 =	slt.u32 s16, $0x2;
	[sflag:s30] =	ssyncset.done $0x0  }
0x69: {  	p1 =	por !p0, !p1;
	[sflag:s30] =	ssyncadd.s32 $0xFFFFC000  }
0x6a: {  	[spmem:s2] =	stream.indirect.scatter.add.f32 [tilespmem:s28], [sflag:$0x4], $0x80, s8, s24, $0xb8;
	[tilespmem:$0x1E400] =	vst v63  }
0x6b: {  	p1 =	por !p1, !p1;
	_ =	swait.ge [sflag:s31], $0x4000  }
.Ltmp1:
0x6c: {  	[sflag:s31] =	ssyncset.done $0x0;
	(pc) =	sbr.rel @p1 .LBB2_2-.Ltmp1, $4  }
0x6d: {  	[sflag:s31] =	ssyncadd.s32 $0xFFFFC000  }
0x6e: {  	_ =	swait.ge [sflag:s0], $0x4000  }
0x6f: {  	[sflag:s0] =	ssyncset.done $0x0  }
0x70: {  	s16 =	sadd.s32 $0x1, s16;
	[sflag:s0] =	ssyncadd.s32 $0xFFFFC000  }
0x71: {  	[bflag:$0x0] =	sbarrier.arrive $0xFFFF  }
0x72: {  	s16 =	rddreg [dreg:$0x9]  }
0x73: {  	[hbm:s16], [sflag:s9] =	dma.local [spmem:s10], $0x800  }
0x74: {  	_ =	swait.ge [sflag:s21], $0x800  }
0x75: {  	[sflag:s21] =	ssyncset.done $0x0  }
0x76: {  	s16 =	rddreg [dreg:$0xa];
	[sflag:s21] =	ssyncadd.s32 $0xFFFFF800  }
0x77: {  	[hbm:s16], [sflag:s9] =	dma.local [spmem:s11], $0x800  }
0x78: {  	_ =	swait.ge [sflag:s21], $0x800  }
0x79: {  	[sflag:s21] =	ssyncset.done $0x0  }
0x7a: {  	s17 =	rddreg [dreg:$0xb];
	[sflag:s21] =	ssyncadd.s32 $0xFFFFF800  }
0x7b: {  	[hbm:s17], [sflag:s9] =	dma.local [spmem:s12], $0x800  }
0x7c: {  	_ =	swait.ge [sflag:s21], $0x800  }
0x7d: {  	[sflag:s21] =	ssyncset.done $0x0  }
0x7e: {  	s18 =	rddreg [dreg:$0xc];
	[sflag:s21] =	ssyncadd.s32 $0xFFFFF800  }
0x7f: {  	[hbm:s18], [sflag:s9] =	dma.local [spmem:s13], $0x800  }
0x80: {  	s4 =	sadd.s32 $0x1, s4;
	_ =	swait.ge [sflag:s21], $0x800  }
0x81: {  	p1 =	sne.s32 s4, s20;
	[sflag:s21] =	ssyncset.done $0x0  }
.Ltmp2:
0x82: {  	s19 =	rddreg [dreg:$0xd];
	[sflag:s21] =	ssyncadd.s32 $0xFFFFF800;
	(pc) =	sbr.rel @p1 .LBB2_1-.Ltmp2, $4  }
0x83: {  	[hbm:s19], [sflag:s9] =	dma.local [spmem:s15], $0x780  }
0x84: {  	_ =	swait.ge [sflag:s21], $0x780  }
0x85: {  	[sflag:s21] =	ssyncset.done $0x0  }
0x86: {  	[sflag:s21] =	ssyncadd.s32 $0xFFFFF880  }
0x87: {  	_ =	sfence.sel $0x180000  }
0x88: {  	[bflag:$0x0] =	sbarrier.arrive $0xFFFF  }
0x89: {  	_ =	strace $0x9000004D  }
0x8a: {  	s0 =	stileid.u32;
	[bflag:$0x2] =	sbarrier.arrive $0xFFFF  }
0x8b: {  	p0 =	sne.s32 s0, $0x0;
	s0 =	rddreg [dreg:$0x3]  }
0x8c: {  	s0 =	sadd.s32 @!p0 $0x100000, s0  }
0x8d: {  	[sflag:s0] =	ssyncadd.tile.s32 @!p0 $0x1;
	_ =	shalt  }
.Lfunc_end2:
_tile_overlayer_lowered:
.L_overlay_start_2:
0x8e: {  	(tag) =	ssettag $0x2  }
0x8f: {  	s0 =	rddreg [dreg:$0x0];
	s2 =	stileid.u32  }
0x90: {  	s1 =	rddreg [dreg:$0x1];
	p0 =	sne.s32 s2, $0x0  }
0x91: {  	s3 =	rddreg [dreg:$0x2];
	[bflag:$0x3] =	sbarrier.arrive $0xFFFF;
	s2 =	simm.s32 @!p0 $0x1C05  }
0x92: {  	[timem:s3], [sflag:s2] =	dma.local @!p0 [hbm:s0], s1  }
0x93: {  	s0 =	simm.s32 @!p0 $0x5  }
0x94: {  	_ =	swait.ge @!p0 [sflag:s0], s1  }
0x95: {  	s1 =	ssub.s32 @!p0 $0x0, s1;
	[sflag:s0] =	ssyncset.done @!p0 $0x0  }
0x96: {  	[sflag:s0] =	ssyncadd.s32 @!p0 s1  }
0x97: {  	[bflag:$0x3] =	sbarrier.arrive $0xFFFF  }
0x98: {  	_ =	shalt  }

// kernel: kernel.19.cloned.1.call-start
scs
__scs_entry_jumppad:
0x0: {  	(pc) =	sbr.rel $0x88, $3  }
0x1: {  	(tag) =	ssettag $0x0;
	lr =	simm.s32 $0x1  }
0x2: {  	[smem:$0x3F99] =	sst lr;
	_ =	strace $0xD0000000  }
0x3: {  	_ = 	snop  }
0x4: {  	_ = 	snop  }
0x5: {  	_ = 	snop  }
0x6: {  	_ = 	snop  }
0x7: {  	_ = 	snop  }
__scs_overlays_trampoline_lowered:
0x8: {  	[smem:$0x3FA8] =	sst s0  }
0x9: {  	[smem:$0x3FA9] =	sst s1  }
0xa: {  	[smem:$0x3FAA] =	sst s2  }
0xb: {  	[smem:$0x3FAB] =	sst s3  }
0xc: {  	[smem:$0x3FAC] =	sst s4  }
0xd: {  	[smem:$0x3FAD] =	sst s5  }
0xe: {  	[smem:$0x3FAE] =	sst s6  }
0xf: {  	[smem:$0x3FAF] =	sst s7  }
0x10: {  	[smem:$0x3FB0] =	sst s8  }
0x11: {  	[smem:$0x3FB1] =	sst s9;
	s0 =	simm.s32 @!p0 $0x0  }
0x12: {  	s1 =	sld [smem:$0x3F97];
	s0 =	simm.s32 @p0 $0x1  }
0x13: {  	[smem:$0x3FB2] =	sst s0;
	s0 =	simm.s32 @!p1 $0x0  }
0x14: {  	s2 =	sld [smem:$0x3F96];
	s0 =	simm.s32 @p1 $0x1  }
0x15: {  	[smem:$0x3FB3] =	sst s0;
	s0 =	simm.s32 @!p2 $0x0  }
0x16: {  	s3 =	sld [smem:$0x3FDB];
	s0 =	simm.s32 @p2 $0x1  }
0x17: {  	s4 =	simm.s32 $0x1BF5;
	[smem:$0x3FB5] =	sst s0  }
0x18: {  	s0 =	sld [smem:$0x3F98];
	_ =	swait.ge [sflag:s4], $0x0  }
0x19: {  	s7 =	sld [smem:$0x3F99]  }
0x1a: {  	s8 =	sadd.s32 $0xFFFFE003, lr  }
0x1b: {  	s9 =	sadd.s32 $0xFFFFFEF7, lr;
	s5 =	simm.s32 $0xFFFFFFFF;
	p2 =	slt.u32 s8, $0xFFFFF086  }
0x1c: {  	p1 =	slt.u32 s9, $0xF7A;
	s5 =	simm.s32 @!p2 $0x0  }
0x1d: {  	s5 =	simm.s32 @p1 $0x1;
	p0 =	seq.s32 s7, s2  }
0x1e: {  	s7 =	smul.u32 @!p0 $0xF7A, s2;
	p2 =	seq.s32 @!p0 s5, $0x0  }
0x1f: {  	s9 =	smul.u32 $0xF7A, s1;
	s8 =	simm.s32 @!p0 $0x1BF5;
	p2 =	por !p2, p0  }
0x20: {  	[sflag:s8] =	ssyncset.s32 @!p0 $0xFFFFF086;
	s6 =	sadd.s32 @!p0 s3, s7;
	s7 =	simm.s32 @!p0 $0x108  }
0x21: {  	s3 =	sadd.s32 s3, s9;
	s6 =	sadd.s32 @!p0 $0x88, s6;
	s7 =	simm.s32 @p2 $0x1082  }
0x22: {  	[simem:s7], [sflag:s8] =	dma.local @!p0 [hbm:s6], $0xF7A  }
0x23: {  	s9 =	sor.u32 $0xD0000000, s2;
	s6 =	simm.s32 $0x108;
	_ =	swait.ge @!p0 [sflag:s8], $0x0  }
0x24: {  	s3 =	sadd.s32 $0x88, s3;
	s6 =	simm.s32 @!p1 $0x1082;
	[sflag:s4] =	ssyncset.s32 $0xFFFFF086  }
0x25: {  	[simem:s6], [sflag:s4] =	dma.local [hbm:s3], $0xF7A  }
0x26: {  	[smem:$0x3F99] =	sst s1;
	(tag) =	ssettag s2;
	_ =	strace s9  }
0x27: {  	s1 =	sld [smem:$0x3FA9]  }
0x28: {  	s2 =	sld [smem:$0x3FAA]  }
0x29: {  	s4 =	sld [smem:$0x3FAC]  }
0x2a: {  	p0 =	seq.s32 s5, $0x0;
	s5 =	sld [smem:$0x3FAD]  }
0x2b: {  	s6 =	sld [smem:$0x3FAE]  }
0x2c: {  	s7 =	sld [smem:$0x3FAF]  }
0x2d: {  	s3 =	simm.s32 $0x108;
	s8 =	sld [smem:$0x3FB0]  }
0x2e: {  	s3 =	simm.s32 @!p0 $0x1082;
	s9 =	sld [smem:$0x3FB1]  }
0x2f: {  	lr =	sadd.s32 s0, s3;
	s0 =	sld [smem:$0x3FA8]  }
0x30: {  	s3 =	sld [smem:$0x3FAB]  }
0x31: {  	[smem:$0x3FB4] =	sst s10  }
0x32: {  	s10 =	sld [smem:$0x3FB2];
	_ =	sdelay $0x3  }
0x33: {  	p0 =	seq.s32 s10, $0x1;
	s10 =	sld [smem:$0x3FB4];
	_ =	sdelay $0x3  }
0x34: {  	[smem:$0x3FB4] =	sst s10  }
0x35: {  	s10 =	sld [smem:$0x3FB3];
	_ =	sdelay $0x3  }
0x36: {  	p1 =	seq.s32 s10, $0x1;
	s10 =	sld [smem:$0x3FB4];
	_ =	sdelay $0x3  }
0x37: {  	[smem:$0x3FB4] =	sst s10  }
0x38: {  	s10 =	sld [smem:$0x3FB5]  }
0x39: {  	_ = 	snop;
	(pc) =	sbr.ind lr, $3  }
0x3a: {  	_ = 	snop  }
0x3b: {  	_ = 	snop  }
0x3c: {  	p2 =	seq.s32 s10, $0x1;
	s10 =	sld [smem:$0x3FB4]  }
0x3d: {  	_ =	shalt  }
0x3e: {  	_ =	shalt  }
0x3f: {  	_ =	shalt  }
0x40: {  	_ =	shalt  }
0x41: {  	_ =	shalt  }
0x42: {  	_ =	shalt  }
0x43: {  	_ =	shalt  }
0x44: {  	_ =	shalt  }
0x45: {  	_ =	shalt  }
0x46: {  	_ =	shalt  }
0x47: {  	_ =	shalt  }
0x48: {  	_ =	shalt  }
0x49: {  	_ =	shalt  }
0x4a: {  	_ =	shalt  }
0x4b: {  	_ =	shalt  }
0x4c: {  	_ =	shalt  }
0x4d: {  	_ =	shalt  }
0x4e: {  	_ =	shalt  }
0x4f: {  	_ =	shalt  }
0x50: {  	_ =	shalt  }
0x51: {  	_ =	shalt  }
0x52: {  	_ =	shalt  }
0x53: {  	_ =	shalt  }
0x54: {  	_ =	shalt  }
0x55: {  	_ =	shalt  }
0x56: {  	_ =	shalt  }
0x57: {  	_ =	shalt  }
0x58: {  	_ =	shalt  }
0x59: {  	_ =	shalt  }
0x5a: {  	_ =	shalt  }
0x5b: {  	_ =	shalt  }
0x5c: {  	_ =	shalt  }
0x5d: {  	_ =	shalt  }
0x5e: {  	_ =	shalt  }
0x5f: {  	_ =	shalt  }
0x60: {  	_ =	shalt  }
0x61: {  	_ =	shalt  }
0x62: {  	_ =	shalt  }
0x63: {  	_ =	shalt  }
0x64: {  	_ =	shalt  }
0x65: {  	_ =	shalt  }
0x66: {  	_ =	shalt  }
0x67: {  	_ =	shalt  }
0x68: {  	_ =	shalt  }
0x69: {  	_ =	shalt  }
0x6a: {  	_ =	shalt  }
0x6b: {  	_ =	shalt  }
0x6c: {  	_ =	shalt  }
0x6d: {  	_ =	shalt  }
0x6e: {  	_ =	shalt  }
0x6f: {  	_ =	shalt  }
0x70: {  	_ =	shalt  }
0x71: {  	_ =	shalt  }
0x72: {  	_ =	shalt  }
0x73: {  	_ =	shalt  }
0x74: {  	_ =	shalt  }
0x75: {  	_ =	shalt  }
0x76: {  	_ =	shalt  }
0x77: {  	_ =	shalt  }
0x78: {  	_ =	shalt  }
0x79: {  	_ =	shalt  }
0x7a: {  	_ =	shalt  }
0x7b: {  	_ =	shalt  }
0x7c: {  	_ =	shalt  }
0x7d: {  	_ =	shalt  }
0x7e: {  	_ =	shalt  }
0x7f: {  	_ =	shalt  }
0x80: {  	_ =	shalt  }
0x81: {  	_ =	shalt  }
0x82: {  	_ =	shalt  }
0x83: {  	_ =	shalt  }
0x84: {  	_ =	shalt  }
0x85: {  	_ =	shalt  }
0x86: {  	_ =	shalt  }
0x87: {  	_ =	shalt  }
.Lfunc_end0:
.L_simem_size_0:
called_computation.3_lowered:
.L_overlay_start_0:
0x88: {  	s2 =	sld [smem:$0x3FD9]  }
0x89: {  	s3 =	sld [smem:$0x3FFE];
	_ =	sdelay $0x1  }
0x8a: {  	s1 =	srdreg.scid  }
0x8b: {  	s0 =	sand.u32 $0x1, s1  }
0x8c: {  	s17 =	sshll.u32 s0, $0xA;
	s2 =	sadd.s32 s3, s2  }
0x8d: {  	s2 =	sadd.s32 s2, s17  }
0x8e: {  	[smem:$0x3FC0] =	sst s2  }
0x8f: {  	_ = 	snop  }
0x90: {  	s2 =	sld [smem:$0x3FD0];
	(tm) =	ssettm $0x1  }
0x91: {  	s18 =	sld [smem:$0x3FFB];
	_ =	sdelay $0x3  }
0x92: {  	_ =	strace s18  }
0x93: {  	s3 =	sld [smem:$0x3FFC];
	_ =	sdelay $0x3  }
0x94: {  	_ =	strace s3  }
0x95: {  	s3 =	sld [smem:$0x3FFD];
	_ =	sdelay $0x3  }
0x96: {  	_ =	strace s3  }
0x97: {  	_ =	strace $0x8FFFFFFF  }
0x98: {  	s19 =	sld [smem:$0x3FDB];
	_ =	sdelay $0x1  }
0x99: {  	s4 =	simm.s32 $_scs_section_size  }
0x9a: {  	s5 =	simm.s32 $_size__tile_overlayer_lowered;
	s6 =	simm.s32 $_tile_overlayer_lowered  }
0x9b: {  	s22 =	simm.s32 $0x1BFF;
	s21 =	sshll.u32 s6, $0x1;
	s3 =	sadd.s32 s4, s19  }
0x9c: {  	s7 =	simm.s32 $0x0;
	s20 =	sshll.u32 s5, $0x1;
	s5 =	sadd.s32 s21, s3  }
0x9d: {  	[timem:s7], [sflag:s22] =	dma.local [hbm:s5], s20  }
0x9e: {  	_ =	swait.ge [sflag:s22], s20  }
0x9f: {  	s4 =	ssub.s32 $0x0, s20;
	[sflag:s22] =	ssyncset.done $0x0  }
0xa0: {  	[sflag:s22] =	ssyncadd.s32 s4;
	_ =	sdelay $0x1  }
0xa1: {  	s23 =	simm.s32 $0x1B8B  }
0xa2: {  	_ =	swait.ge [sflag:s23], $0x1  }
0xa3: {  	[sflag:s23] =	ssyncset.done $0x0  }
0xa4: {  	s25 =	simm.s32 $0x1B8E;
	s24 =	sld [smem:$0x3FFE];
	[sflag:s23] =	ssyncadd.s32 $0xFFFFFFFF  }
0xa5: {  	s26 =	simm.s32 $execute0_lowered;
	[smem:$0x3FD2] =	sst s25  }
0xa6: {  	s5 =	sshll.u32 s26, $0x1;
	_ =	strace $0x8000004F;
	[dreg:$0x1] =	wrdreg $0xFFFFFFFF  }
0xa7: {  	s28 =	simm.s32 $_size_execute0_lowered;
	s3 =	sadd.s32 s3, s5;
	[dreg:$0x0] =	wrdreg $0x0  }
0xa8: {  	s5 =	sshll.u32 s28, $0x1;
	[dreg:$0x2] =	wrdreg s3  }
0xa9: {  	[dreg:$0x3] =	wrdreg s5  }
0xaa: {  	[dreg:$0x4] =	wrdreg $0xC0  }
0xab: {  	_ =	task [dreg:s7], $0x5FFFF  }
0xac: {  	[dreg:$0x1] =	wrdreg $0xFFFFFFFF  }
0xad: {  	[dreg:$0x0] =	wrdreg $0x60  }
0xae: {  	[dreg:$0x2] =	wrdreg s2  }
0xaf: {  	[dreg:$0x3] =	wrdreg s24  }
0xb0: {  	[dreg:$0x4] =	wrdreg $0x0  }
0xb1: {  	[dreg:$0x5] =	wrdreg $0x9  }
0xb2: {  	_ =	task.clear_ibuf [dreg:s7], $0x6FFFF;
	_ =	strace $0x9000004F  }
0xb3: {  	s29 =	simm.s32 $0x9;
	_ =	strace $0x80000051  }
0xb4: {  	_ =	swait.ge [sflag:s29], $0x1  }
0xb5: {  	[sflag:s29] =	ssyncadd.s32 $0xFFFFFFFF  }
0xb6: {  	_ =	strace $0x90000051  }
0xb7: {  	_ =	sfence  }
0xb8: {  	s30 =	sld [smem:$0x0];
	_ =	sdelay $0x2  }
0xb9: {  	s31 =	sshll.u32 s1, $0xD;
	s1 =	sshrl.u32 s1, $0x2  }
0xba: {  	s3 =	sand.u32 $0x4000, s31;
	s1 =	sadd.s32 s1, s30  }
0xbb: {  	s0 =	sor.u32 s3, s0;
	s1 =	sshll.u32 s1, $0x11  }
0xbc: {  	s0 =	sor.u32 s1, s0  }
0xbd: {  	s0 =	sadd.s32 $0x8F2B, s0  }
0xbe: {  	[sflag:s0] =	ssyncadd.remote.s32 $0x1  }
0xbf: {  	_ =	sfence.sel $0xFFFF  }
0xc0: {  	[dreg:$0x0] =	wrdreg $0xFFFFFFFF;
	(pc) =	sbr.abs _section_cstart, $3  }
0xc1: {  	[dreg:$0x1] =	wrdreg $0xFFFFFFFF  }
0xc2: {  	_ =	task.clear_ibuf [dreg:s7], $0x2FFFF;
	_ =	strace $0x9FFFFFFF  }
0xc3: {  	(tm) =	ssettm $0x7FFFFFFF  }
tec
execute0_lowered:
.L_overlay_start_1:
0x0: {  	(tag) =	ssettag $0x1  }
0x1: {  	s1 =	rddreg [dreg:$0x0]  }
0x2: {  	s0 =	rddreg [dreg:$0x1]  }
0x3: {  	s2 =	rddreg [dreg:$0x2]  }
0x4: {  	s4 =	simm.s32 $0x0;
	s3 =	srdreg.scid;
	s17 =	stileid.u32  }
0x5: {  	s28 =	simm.s32 $0x1A400;
	s29 =	simm.s32 $0x1;
	s30 =	simm.s32 $0x2  }
0x6: {  	s31 =	simm.s32 $0x3;
	[smem:$0x7FF] =	sst s4;
	s5 =	sadd.s32 $0x2A00, s0  }
0x7: {  	s3 =	sand.u32 $0x1, s3;
	s8 =	smul.u32 $0x4F000, s17;
	s6 =	sadd.s32 $0xCA00, s0  }
0x8: {  	s7 =	sadd.s32 $0x17200, s0;
	s11 =	smul.u32 $0x13C00, s17;
	s0 =	sadd.s32 $0x17A00, s0  }
0x9: {  	s14 =	sshll.u32 s17, $0x6;
	s20 =	smul.u32 $0x28, s17;
	s9 =	ssub.s32 $0x2, s3  }
0xa: {  	_ =	strace $0x80000050;
	p0 =	seq.s32 s3, $0x1;
	s10 =	sshrl.u32 s9, $0x1  }
0xb: {  	s8 =	sshrl.u32 s8, $0x2;
	s12 =	sadd.s32 $0x4000, s11;
	s13 =	sadd.s32 $0x8000, s11  }
0xc: {  	s18 =	sadd.s32 $0xC000, s11;
	s10 =	ssub.s32 s9, s10;
	s8 =	sadd.s32 s8, s2  }
0xd: {  	s9 =	sor.u32 $0x1C05, s14;
	s15 =	sadd.s32 s12, s2;
	[dreg:$0x4] =	wrdreg s8  }
0xe: {  	s16 =	sadd.s32 s13, s2;
	s14 =	sadd.s32 s18, s2;
	[dreg:$0x5] =	wrdreg s15  }
0xf: {  	[dreg:$0x6] =	wrdreg s16;
	s15 =	sadd.s32 $0x10000, s11;
	s16 =	smul.u32 $0x13C000, s3  }
0x10: {  	[dreg:$0x7] =	wrdreg s14;
	s3 =	smul.u32 $0x78, s17;
	s19 =	sadd.s32 s15, s2  }
0x11: {  	s14 =	sadd.s32 $0x780, s20;
	s20 =	smax.u32 s10, $0x1;
	[dreg:$0x8] =	wrdreg s19  }
0x12: {  	s11 =	sadd.s32 s11, s16;
	s12 =	sadd.s32 s16, s12;
	s14 =	smov.u32 @p0 s3  }
0x13: {  	s23 =	sadd.s32 s16, s13;
	s8 =	sadd.s32 s16, s18;
	s24 =	sadd.s32 s16, s15  }
0x14: {  	s11 =	sshrl.u32 s11, $0x3;
	s22 =	sshrl.u32 s12, $0x3;
	s8 =	sshrl.u32 s8, $0x3  }
0x15: {  	s26 =	sshrl.u32 s24, $0x3;
	s24 =	simm.s32 $0x80;
	s21 =	sadd.s32 s0, s11  }
0x16: {  	s3 =	sadd.s32 s0, s22;
	s25 =	sadd.s32 s0, s8;
	[dreg:$0x9] =	wrdreg s21  }
0x17: {  	s22 =	simm.s32 $0x13C00;
	s8 =	simm.s32 $0x16380;
	[dreg:$0xa] =	wrdreg s3  }
0x18: {  	s3 =	sshrl.u32 s23, $0x3;
	[dreg:$0xc] =	wrdreg s25;
	s21 =	simm.s32 $0x5  }
0x19: {  	s23 =	simm.s32 $0x15000;
	s25 =	simm.s32 $0x16400;
	s3 =	sadd.s32 s0, s3  }
0x1a: {  	s0 =	sadd.s32 s0, s26;
	s26 =	simm.s32 $0x13C80;
	[dreg:$0xb] =	wrdreg s3  }
0x1b: {  	[dreg:$0xd] =	wrdreg s0;
	s0 =	simm.s32 $0x4;
	s3 =	simm.s32 $0x16300  }
.LBB2_1:
0x1c: {  	s10 =	rddreg [dreg:$0x4]  }
0x1d: {  	s10 =	sshrl.u32 s10, $0x3  }
0x1e: {  	[spmem:s10], [sflag:s9] =	dma.local [hbm:s7], $0x800  }
0x1f: {  	_ =	swait.ge [sflag:s21], $0x800  }
0x20: {  	[sflag:s21] =	ssyncset.done $0x0;
	s11 =	rddreg [dreg:$0x5]  }
0x21: {  	[sflag:s21] =	ssyncadd.s32 $0xFFFFF800;
	s11 =	sshrl.u32 s11, $0x3  }
0x22: {  	[spmem:s11], [sflag:s9] =	dma.local [hbm:s7], $0x800  }
0x23: {  	_ =	swait.ge [sflag:s21], $0x800  }
0x24: {  	[sflag:s21] =	ssyncset.done $0x0;
	s12 =	rddreg [dreg:$0x6]  }
0x25: {  	[sflag:s21] =	ssyncadd.s32 $0xFFFFF800;
	s12 =	sshrl.u32 s12, $0x3  }
0x26: {  	[spmem:s12], [sflag:s9] =	dma.local [hbm:s7], $0x800  }
0x27: {  	_ =	swait.ge [sflag:s21], $0x800  }
0x28: {  	[sflag:s21] =	ssyncset.done $0x0;
	s13 =	rddreg [dreg:$0x7]  }
0x29: {  	[sflag:s21] =	ssyncadd.s32 $0xFFFFF800;
	s13 =	sshrl.u32 s13, $0x3  }
0x2a: {  	[spmem:s13], [sflag:s9] =	dma.local [hbm:s7], $0x800  }
0x2b: {  	_ =	swait.ge [sflag:s21], $0x800  }
0x2c: {  	[sflag:s21] =	ssyncset.done $0x0;
	s15 =	rddreg [dreg:$0x8]  }
0x2d: {  	[sflag:s21] =	ssyncadd.s32 $0xFFFFF800;
	s15 =	sshrl.u32 s15, $0x3  }
0x2e: {  	[spmem:s15], [sflag:s9] =	dma.local [hbm:s7], $0x780  }
0x2f: {  	_ =	swait.ge [sflag:s21], $0x780  }
0x30: {  	[sflag:s21] =	ssyncset.done $0x0  }
0x31: {  	[sflag:s21] =	ssyncadd.s32 $0xFFFFF880  }
0x32: {  	s16 =	simm.s32 $0x0;
	[bflag:$0x0] =	sbarrier.arrive $0xFFFF  }
.LBB2_2:
0x33: {  	s17 =	smul.u32 $0x28, s16;
	_ =	sdelay $0x1  }
0x34: {  	s17 =	sadd.s32 s14, s17  }
0x35: {  	s17 =	sshll.u32 s17, $0x4  }
0x36: {  	s19 =	simm.s32 $0x0;
	s18 =	sadd.s32 s5, s17  }
0x37: {  	[tilespmem:s22], [sflag:$0x5] =	stream.linear.gather [hbm4b:s18+s19], $0x1400, $0x38;
	[tilespmem:$0x1E400] =	vst v63  }
0x38: {  	_ =	swait.ge [sflag:s21], $0x1400  }
0x39: {  	[sflag:s21] =	ssyncset.done $0x0  }
0x3a: {  	s17 =	sadd.s32 s6, s17;
	[sflag:s21] =	ssyncadd.s32 $0xFFFFEC00  }
0x3b: {  	[tilespmem:s23], [sflag:$0x5] =	stream.linear.gather [hbm4b:s17+s19], $0x1400, $0x38;
	[tilespmem:$0x1E400] =	vst v63  }
0x3c: {  	_ =	swait.ge [sflag:s21], $0x1400  }
0x3d: {  	[sflag:s21] =	ssyncset.done $0x0  }
0x3e: {  	[sflag:s21] =	ssyncadd.s32 $0xFFFFEC00  }
0x3f: {  	[tilespmem:s25], [sflag:$0x1] =	stream.indirect.gather [hbm4b:s1+s24], $0x80, s22, s24, $0xb8;
	[tilespmem:$0x1E400] =	vst v63  }
0x40: {  	_ = 	snop  }
0x41: {  	[tilespmem:s28], [sflag:$0x2] =	stream.indirect.gather [hbm4b:s1+s24], $0x80, s26, s24, $0xb8;
	[tilespmem:$0x1E400] =	vst v63  }
0x42: {  	_ =	swait.ge [sflag:s29], $0x4000  }
0x43: {  	[sflag:s29] =	ssyncset.done $0x0  }
0x44: {  	s19 =	simm.s32 $0x15000;
	[sflag:s29] =	ssyncadd.s32 $0xFFFFC000  }
0x45: {  	[spmem:s2] =	stream.indirect.scatter.add.f32 [tilespmem:s25], [sflag:$0x3], $0x80, s19, s24, $0xb8;
	[tilespmem:$0x1E400] =	vst v63  }
0x46: {  	_ =	swait.ge [sflag:s30], $0x4000  }
0x47: {  	[sflag:s30] =	ssyncset.done $0x0  }
0x48: {  	s18 =	simm.s32 $0x15080;
	[sflag:s30] =	ssyncadd.s32 $0xFFFFC000  }
0x49: {  	[spmem:s2] =	stream.indirect.scatter.add.f32 [tilespmem:s28], [sflag:$0x4], $0x80, s18, s24, $0xb8;
	[tilespmem:$0x1E400] =	vst v63  }
0x4a: {  	_ =	swait.ge [sflag:s31], $0x4000  }
0x4b: {  	[sflag:s31] =	ssyncset.done $0x0  }
0x4c: {  	s19 =	simm.s32 $0x13D00;
	[sflag:s31] =	ssyncadd.s32 $0xFFFFC000  }
0x4d: {  	[tilespmem:s25], [sflag:$0x1] =	stream.indirect.gather [hbm4b:s1+s24], $0x80, s19, s24, $0xb8;
	[tilespmem:$0x1E400] =	vst v63  }
0x4e: {  	_ =	swait.ge [sflag:s0], $0x4000  }
0x4f: {  	[sflag:s0] =	ssyncset.done $0x0  }
0x50: {  	s17 =	simm.s32 $0x400;
	s18 =	simm.s32 $0x13D80;
	[sflag:s0] =	ssyncadd.s32 $0xFFFFC000  }
.LBB2_3:
0x51: {  	[tilespmem:s28], [sflag:$0x2] =	stream.indirect.gather [hbm4b:s1+s24], $0x80, s18, s24, $0xb8;
	[tilespmem:$0x1E400] =	vst v63  }
0x52: {  	s18 =	smov.u32 s17  }
0x53: {  	p1 =	sne.s32 s17, $0x4800;
	s17 =	sadd.s32 $0x400, s17;
	_ =	swait.ge [sflag:s29], $0x4000  }
0x54: {  	s18 =	sshra.s32 s18, $0x2;
	[sflag:s29] =	ssyncset.done $0x0  }
0x55: {  	s19 =	sadd.s32 $0x15000, s18;
	[sflag:s29] =	ssyncadd.s32 $0xFFFFC000  }
0x56: {  	[spmem:s2] =	stream.indirect.scatter.add.f32 [tilespmem:s25], [sflag:$0x3], $0x80, s19, s24, $0xb8;
	[tilespmem:$0x1E400] =	vst v63  }
0x57: {  	_ =	swait.ge [sflag:s30], $0x4000  }
0x58: {  	[sflag:s30] =	ssyncset.done $0x0  }
0x59: {  	s19 =	sadd.s32 $0x15080, s18;
	[sflag:s30] =	ssyncadd.s32 $0xFFFFC000  }
0x5a: {  	[spmem:s2] =	stream.indirect.scatter.add.f32 [tilespmem:s28], [sflag:$0x4], $0x80, s19, s24, $0xb8;
	[tilespmem:$0x1E400] =	vst v63  }
0x5b: {  	_ =	swait.ge [sflag:s31], $0x4000  }
0x5c: {  	[sflag:s31] =	ssyncset.done $0x0  }
.Ltmp0:
0x5d: {  	s19 =	sadd.s32 $0x13D00, s18;
	[sflag:s31] =	ssyncadd.s32 $0xFFFFC000;
	(pc) =	sbr.rel @p1 .LBB2_3-.Ltmp0, $4  }
0x5e: {  	[tilespmem:s25], [sflag:$0x1] =	stream.indirect.gather [hbm4b:s1+s24], $0x80, s19, s24, $0xb8;
	[tilespmem:$0x1E400] =	vst v63  }
0x5f: {  	_ =	swait.ge [sflag:s0], $0x4000  }
0x60: {  	[sflag:s0] =	ssyncset.done $0x0  }
0x61: {  	s18 =	sadd.s32 $0x13D80, s18;
	[sflag:s0] =	ssyncadd.s32 $0xFFFFC000  }
0x62: {  	[tilespmem:s28], [sflag:$0x2] =	stream.indirect.gather [hbm4b:s1+s24], $0x80, s18, s24, $0xb8;
	[tilespmem:$0x1E400] =	vst v63  }
0x63: {  	_ =	swait.ge [sflag:s29], $0x4000  }
0x64: {  	[sflag:s29] =	ssyncset.done $0x0  }
0x65: {  	[sflag:s29] =	ssyncadd.s32 $0xFFFFC000  }
0x66: {  	[spmem:s2] =	stream.indirect.scatter.add.f32 [tilespmem:s25], [sflag:$0x3], $0x80, s3, s24, $0xb8;
	[tilespmem:$0x1E400] =	vst v63  }
0x67: {  	_ =	swait.ge [sflag:s30], $0x4000  }
0x68: {  	p1 =	slt.u32 s16, $0x2;
	[sflag:s30] =	ssyncset.done $0x0  }
0x69: {  	p1 =	por !p0, !p1;
	[sflag:s30] =	ssyncadd.s32 $0xFFFFC000  }
0x6a: {  	[spmem:s2] =	stream.indirect.scatter.add.f32 [tilespmem:s28], [sflag:$0x4], $0x80, s8, s24, $0xb8;
	[tilespmem:$0x1E400] =	vst v63  }
0x6b: {  	p1 =	por !p1, !p1;
	_ =	swait.ge [sflag:s31], $0x4000  }
.Ltmp1:
0x6c: {  	[sflag:s31] =	ssyncset.done $0x0;
	(pc) =	sbr.rel @p1 .LBB2_2-.Ltmp1, $4  }
0x6d: {  	[sflag:s31] =	ssyncadd.s32 $0xFFFFC000  }
0x6e: {  	_ =	swait.ge [sflag:s0], $0x4000  }
0x6f: {  	[sflag:s0] =	ssyncset.done $0x0  }
0x70: {  	s16 =	sadd.s32 $0x1, s16;
	[sflag:s0] =	ssyncadd.s32 $0xFFFFC000  }
0x71: {  	[bflag:$0x0] =	sbarrier.arrive $0xFFFF  }
0x72: {  	s16 =	rddreg [dreg:$0x9]  }
0x73: {  	[hbm:s16], [sflag:s9] =	dma.local [spmem:s10], $0x800  }
0x74: {  	_ =	swait.ge [sflag:s21], $0x800  }
0x75: {  	[sflag:s21] =	ssyncset.done $0x0  }
0x76: {  	s16 =	rddreg [dreg:$0xa];
	[sflag:s21] =	ssyncadd.s32 $0xFFFFF800  }
0x77: {  	[hbm:s16], [sflag:s9] =	dma.local [spmem:s11], $0x800  }
0x78: {  	_ =	swait.ge [sflag:s21], $0x800  }
0x79: {  	[sflag:s21] =	ssyncset.done $0x0  }
0x7a: {  	s17 =	rddreg [dreg:$0xb];
	[sflag:s21] =	ssyncadd.s32 $0xFFFFF800  }
0x7b: {  	[hbm:s17], [sflag:s9] =	dma.local [spmem:s12], $0x800  }
0x7c: {  	_ =	swait.ge [sflag:s21], $0x800  }
0x7d: {  	[sflag:s21] =	ssyncset.done $0x0  }
0x7e: {  	s18 =	rddreg [dreg:$0xc];
	[sflag:s21] =	ssyncadd.s32 $0xFFFFF800  }
0x7f: {  	[hbm:s18], [sflag:s9] =	dma.local [spmem:s13], $0x800  }
0x80: {  	s4 =	sadd.s32 $0x1, s4;
	_ =	swait.ge [sflag:s21], $0x800  }
0x81: {  	p1 =	sne.s32 s4, s20;
	[sflag:s21] =	ssyncset.done $0x0  }
.Ltmp2:
0x82: {  	s19 =	rddreg [dreg:$0xd];
	[sflag:s21] =	ssyncadd.s32 $0xFFFFF800;
	(pc) =	sbr.rel @p1 .LBB2_1-.Ltmp2, $4  }
0x83: {  	[hbm:s19], [sflag:s9] =	dma.local [spmem:s15], $0x780  }
0x84: {  	_ =	swait.ge [sflag:s21], $0x780  }
0x85: {  	[sflag:s21] =	ssyncset.done $0x0  }
0x86: {  	[sflag:s21] =	ssyncadd.s32 $0xFFFFF880  }
0x87: {  	_ =	sfence.sel $0x180000  }
0x88: {  	[bflag:$0x0] =	sbarrier.arrive $0xFFFF  }
0x89: {  	_ =	strace $0x90000050  }
0x8a: {  	s0 =	stileid.u32;
	[bflag:$0x2] =	sbarrier.arrive $0xFFFF  }
0x8b: {  	p0 =	sne.s32 s0, $0x0;
	s0 =	rddreg [dreg:$0x3]  }
0x8c: {  	s0 =	sadd.s32 @!p0 $0x100000, s0  }
0x8d: {  	[sflag:s0] =	ssyncadd.tile.s32 @!p0 $0x1;
	_ =	shalt  }
.Lfunc_end2:
_tile_overlayer_lowered:
.L_overlay_start_2:
0x8e: {  	(tag) =	ssettag $0x2  }
0x8f: {  	s0 =	rddreg [dreg:$0x0];
	s2 =	stileid.u32  }
0x90: {  	s1 =	rddreg [dreg:$0x1];
	p0 =	sne.s32 s2, $0x0  }
0x91: {  	s3 =	rddreg [dreg:$0x2];
	[bflag:$0x3] =	sbarrier.arrive $0xFFFF;
	s2 =	simm.s32 @!p0 $0x1C05  }
0x92: {  	[timem:s3], [sflag:s2] =	dma.local @!p0 [hbm:s0], s1  }
0x93: {  	s0 =	simm.s32 @!p0 $0x5  }
0x94: {  	_ =	swait.ge @!p0 [sflag:s0], s1  }
0x95: {  	s1 =	ssub.s32 @!p0 $0x0, s1;
	[sflag:s0] =	ssyncset.done @!p0 $0x0  }
0x96: {  	[sflag:s0] =	ssyncadd.s32 @!p0 s1  }
0x97: {  	[bflag:$0x3] =	sbarrier.arrive $0xFFFF  }
0x98: {  	_ =	shalt  }

</sc_bundles>
